<compile_context>
chip_gen: v7x
topology: tpu7x:2x2x1
jax: 0.10.2.dev20260603
libtpu: 0.0.44.dev20260713+nightly
codegen_flags: <defaults>
</compile_context>

<pallas_src>
import functools

import jax
import jax.numpy as jnp
from jax import lax
from jax.experimental import pallas as pl
from jax.experimental.pallas import tpu as pltpu
from jax.experimental.pallas import tpu_sc as plsc

N0 = 65536
N1 = 512
N2 = 32
B = 16
C1 = 32
C2 = 128
E0_PER_SEG = N0 // N1
E1_PER_SEG = N1 // N2
P = C2 * N2
M = 6 * 128


def _make_sc_seg_sum():
    info = plsc.get_sparse_core_info()
    nc, ns = info.num_cores, info.num_subcores
    nw = nc * ns
    halves = nw // B
    segs_per_tile = N1 // halves
    edges_per_tile = segs_per_tile * E0_PER_SEG
    mesh = plsc.VectorSubcoreMesh(core_axis_name="c", subcore_axis_name="s")

    @functools.partial(
        pl.kernel,
        mesh=mesh,
        out_type=jax.ShapeDtypeStruct((B, N1), jnp.float32),
        compiler_params=pltpu.CompilerParams(
            needs_layout_passes=False,
            skip_device_barrier=True,
        ),
        cost_estimate=pl.CostEstimate(
            flops=2_000_000, bytes_accessed=9_000_000, transcendentals=0
        ),
        scratch_types=[
            pltpu.VMEM((N0,), jnp.float32),
            pltpu.VMEM((edges_per_tile,), jnp.int32),
            pltpu.VMEM((segs_per_tile,), jnp.float32),
            pltpu.SemaphoreType.DMA,
            pltpu.SemaphoreType.DMA,
        ],
    )
    def sc_seg_sum(x_hbm, src_hbm, out_hbm, row_v, src_v, out_v,
                   sem_row, sem_src):
        wid = lax.axis_index("s") * nc + lax.axis_index("c")
        b = wid % B
        h = wid // B
        c_row = pltpu.async_copy(x_hbm.at[b], row_v, sem_row)
        c_src = pltpu.async_copy(src_hbm.at[h], src_v, sem_src)
        c_src.wait()
        c_row.wait()

        n_blocks = segs_per_tile // 16

        @plsc.parallel_loop(0, n_blocks, unroll=2)
        def block_body(t):
            accs = [jnp.zeros((16,), jnp.float32) for _ in range(2)]
            for j in range(E0_PER_SEG):
                idx = src_v[pl.ds(j * segs_per_tile + t * 16, 16)]
                accs[j % 2] = accs[j % 2] + plsc.load_gather(row_v, [idx])
            out_v[pl.ds(t * 16, 16)] = accs[0] + accs[1]
        pltpu.sync_copy(
            out_v, out_hbm.at[b, pl.ds(h * segs_per_tile, segs_per_tile)]
        )

    return sc_seg_sum


PB = 512
NPB = P // PB


def _tc_head(src1_ref, V0_ref, g0_ref, b0_ref, V1_ref, g1_ref,
             b1_ref, Wlin_ref, blin_ref, S_ref, A_ref, c_ref,
             wc_ref, kf_ref):
    f32 = jnp.float32
    hi = jax.lax.Precision.HIGHEST
    k = pl.program_id(0)

    @pl.when(k == 0)
    def _prep():
        src1 = src1_ref[...]
        GT = (lax.broadcasted_iota(jnp.int32, (N1, N1), 0) == src1).astype(f32)
        H = (lax.broadcasted_iota(jnp.int32, (N1, N2), 0) // E1_PER_SEG
             == lax.broadcasted_iota(jnp.int32, (N1, N2), 1)).astype(f32)
        S = jnp.dot(GT, H, preferred_element_type=f32)
        S_ref[...] = S
        bsum = jnp.dot(b0_ref[...], S, preferred_element_type=f32,
                       precision=hi)

        V0 = V0_ref[...]
        W0 = g0_ref[...] * V0 / (
            jnp.sqrt(jnp.sum(V0 * V0, axis=0, keepdims=True)) + 1e-12)
        V1 = V1_ref[...]
        W1 = g1_ref[...] * V1 / (
            jnp.sqrt(jnp.sum(V1 * V1, axis=0, keepdims=True)) + 1e-12)
        w = jnp.dot(W0, W1, preferred_element_type=f32, precision=hi)
        K = lax.dot_general(W1, bsum, (((0,), (0,)), ((), ())),
                            preferred_element_type=f32, precision=hi)
        K = K + b1_ref[...]

        R = (lax.broadcasted_iota(jnp.int32, (C2, P), 0)
             == lax.broadcasted_iota(jnp.int32, (C2, P), 1) // N2).astype(f32)
        C = (lax.broadcasted_iota(jnp.int32, (N2, P), 0)
             == lax.broadcasted_iota(jnp.int32, (N2, P), 1) % N2).astype(f32)
        wrep = jnp.dot(w, R, preferred_element_type=f32, precision=hi)
        KR = lax.dot_general(K, R, (((0,), (0,)), ((), ())),
                             preferred_element_type=f32, precision=hi)
        wc_ref[...] = C * wrep
        kf_ref[...] = jnp.sum(KR * C, axis=0, keepdims=True)
        A_ref[...] = jnp.zeros_like(A_ref)
        c_ref[...] = blin_ref[...]

    wlin_blk = Wlin_ref[...]
    A_ref[...] += jnp.dot(wc_ref[:, pl.ds(k * PB, PB)], wlin_blk,
                          preferred_element_type=f32)
    c_ref[...] += jnp.dot(kf_ref[:, pl.ds(k * PB, PB)], wlin_blk,
                          preferred_element_type=f32)


def _tc_tail(s0_ref, S_ref, A_ref, c_ref, out_ref):
    f32 = jnp.float32
    hi = jax.lax.Precision.HIGHEST
    s1 = jnp.dot(s0_ref[...], S_ref[...], preferred_element_type=f32,
                 precision=hi)
    out_ref[...] = (jnp.dot(s1, A_ref[...], preferred_element_type=f32,
                            precision=hi) + c_ref[...])


_sc_seg_sum = None


def kernel(x, src0, dst0, V0, g0, b0, src1, dst1, V1, g1, b1, Wlin, blin):
    global _sc_seg_sum
    if _sc_seg_sum is None:
        _sc_seg_sum = _make_sc_seg_sum()
    del dst0, dst1

    src_t = (src0.reshape(2, N1 // 2, E0_PER_SEG)
             .transpose(0, 2, 1).reshape(2, -1))
    s0 = _sc_seg_sum(x, src_t)

    full = lambda shape: pl.BlockSpec(shape, lambda k: (0, 0))
    S, A, c = pl.pallas_call(
        _tc_head,
        grid=(NPB,),
        in_specs=[
            full((1, N1)),
            full((1, C1)),
            full((1, C1)),
            full((C1, N1)),
            full((C1, C2)),
            full((1, C2)),
            full((C2, N2)),
            pl.BlockSpec((PB, M), lambda k: (k, 0)),
            full((1, M)),
        ],
        out_specs=(
            full((N1, N2)),
            full((N2, M)),
            full((1, M)),
        ),
        scratch_shapes=[
            pltpu.VMEM((N2, P), jnp.float32),
            pltpu.VMEM((1, P), jnp.float32),
        ],
        out_shape=(
            jax.ShapeDtypeStruct((N1, N2), jnp.float32),
            jax.ShapeDtypeStruct((N2, M), jnp.float32),
            jax.ShapeDtypeStruct((1, M), jnp.float32),
        ),
    )(
        src1.reshape(1, N1),
        V0,
        g0.reshape(1, C1),
        b0,
        V1,
        g1.reshape(1, C2),
        b1,
        Wlin,
        blin.reshape(1, M),
    )

    out = pl.pallas_call(
        _tc_tail,
        out_shape=jax.ShapeDtypeStruct((B, M), jnp.float32),
    )(s0, S, A, c)
    return out

# --- scband reference (transcript-rebuilt; emitter-appended) ---
"""Pipeline reference for scband-fglencoder0-22411139350997 (READ-ONLY COPY).

The authoritative reference and input builder live on the scoring server;
editing this copy changes nothing except your own understanding.
"""

import jax, jax.numpy as jnp
import numpy as np

NODE_SIZES = [65536, 512, 32]
CHANNEL_SIZES = [1, 32, 128]
B = 16


def _tree_adj(key, n_in, n_out):
    # Tree pooling adjacency: every input node feeds exactly one parent node.
    src = jax.random.permutation(key, n_in).astype(jnp.int32)
    dst = (jnp.arange(n_in, dtype=jnp.int32) * n_out) // n_in
    return src, dst


def setup_inputs(seed: int = 0):
    key = jax.random.key(seed)
    ks = jax.random.split(key, 8)
    x = jax.random.normal(ks[0], (B, NODE_SIZES[0]), dtype=jnp.float32)
    src0, dst0 = _tree_adj(ks[1], NODE_SIZES[0], NODE_SIZES[1])
    src1, dst1 = _tree_adj(ks[2], NODE_SIZES[1], NODE_SIZES[2])
    V0 = jax.random.normal(ks[3], (CHANNEL_SIZES[0], CHANNEL_SIZES[1]), dtype=jnp.float32) / np.sqrt(CHANNEL_SIZES[0])
    g0 = jnp.ones((CHANNEL_SIZES[1],), dtype=jnp.float32)
    b0 = jnp.zeros((CHANNEL_SIZES[1], NODE_SIZES[1]), dtype=jnp.float32)
    V1 = jax.random.normal(ks[4], (CHANNEL_SIZES[1], CHANNEL_SIZES[2]), dtype=jnp.float32) / np.sqrt(CHANNEL_SIZES[1])
    g1 = jnp.ones((CHANNEL_SIZES[2],), dtype=jnp.float32)
    b1 = jnp.zeros((CHANNEL_SIZES[2], NODE_SIZES[2]), dtype=jnp.float32)
    Wlin = jax.random.normal(ks[5], (CHANNEL_SIZES[2] * NODE_SIZES[2], 6 * 128), dtype=jnp.float32) * 0.02
    blin = jnp.zeros((6 * 128,), dtype=jnp.float32)
    return {"x": x, "src0": src0, "dst0": dst0, "V0": V0, "g0": g0, "b0": b0,
            "src1": src1, "dst1": dst1, "V1": V1, "g1": g1, "b1": b1,
            "Wlin": Wlin, "blin": blin}


def _fgl(x, src, dst, V, g, b, n_out):
    # weight-normed channel transform (op 1), then spatial gather + sum-scatter (ops 3,2)
    W = g[None, :] * V / (jnp.linalg.norm(V, axis=0, keepdims=True) + 1e-12)
    h = jnp.einsum('bci,co->boi', x, W)              # [B, C_out, n_in]
    gathered = jnp.take(h, src, axis=2)              # [B, C_out, E]
    agg = jax.ops.segment_sum(jnp.moveaxis(gathered, 2, 0), dst, num_segments=n_out)  # [n_out, B, C_out]
    return jnp.moveaxis(agg, 0, 2) + b[None, :, :]   # [B, C_out, n_out]


def reference(x, src0, dst0, V0, g0, b0, src1, dst1, V1, g1, b1, Wlin, blin):
    cur = x[:, None, :]                              # unsqueeze(1): [B, 1, n_in]
    cur = _fgl(cur, src0, dst0, V0, g0, b0, NODE_SIZES[1])
    cur = _fgl(cur, src1, dst1, V1, g1, b1, NODE_SIZES[2])
    flat = cur.reshape(cur.shape[0], -1)             # [B, 128*32]
    return flat @ Wlin + blin                        # [B, 768]

if __name__ == "__main__":
    import jax
    _d = setup_inputs()
    print(jax.jit(kernel)(*tuple(_d.values())))

</pallas_src>

<mosaic_0001>
#map = affine_map<(d0, d1) -> (0, 0)>
module attributes {stable_mosaic.version = 14 : i64} {
  func.func @sc_seg_sum(%arg0: i32, %arg1: i32, %arg2: memref<16x65536xf32, #tpu.memory_space<hbm>>, %arg3: memref<2x32768xi32, #tpu.memory_space<hbm>>, %arg4: memref<16x512xf32, #tpu.memory_space<hbm>>, %arg5: memref<65536xf32, #tpu.memory_space<vmem>>, %arg6: memref<32768xi32, #tpu.memory_space<vmem>>, %arg7: memref<256xf32, #tpu.memory_space<vmem>>, %arg8: memref<!tpu.dma_semaphore, #tpu.memory_space<semaphore_mem>>, %arg9: memref<!tpu.dma_semaphore, #tpu.memory_space<semaphore_mem>>) attributes {dimension_semantics = [#tpu.dimension_semantics<core_parallel>, #tpu.dimension_semantics<subcore_parallel>], iteration_bounds = array<i64: 2, 16>, scalar_prefetch = 0 : i64, scratch_operands = 5 : i64, tpu.core_type = #tpu.core_type<sc_vector_subcore>, window_params = [{transform_indices = #map}, {transform_indices = #map}, {transform_indices = #map}]} {
    %mul3A = arith.constant 2 : i32
    %mul3A_0 = arith.muli %arg1, %mul3A : i32
    %add3A = arith.addi %mul3A_0, %arg0 : i32
    %jit3A = arith.constant 16 : i32
    %eq3A = arith.constant 0 : i32
    %eq3A_1 = arith.cmpi eq, %jit3A, %eq3A : i32
    %jit3A_2 = arith.constant 1 : i32
    %select_n3A = arith.select %eq3A_1, %jit3A_2, %jit3A : i32
    %rem3A = arith.remsi %add3A, %select_n3A : i32
    %ne3A = arith.constant 0 : i32
    %ne3A_3 = arith.cmpi ne, %rem3A, %ne3A : i32
    %lt3A = arith.constant 0 : i32
    %lt3A_4 = arith.cmpi slt, %rem3A, %lt3A : i32
    %lt3A_5 = arith.constant 0 : i32
    %lt3A_6 = arith.cmpi slt, %select_n3A, %lt3A_5 : i32
    %ne3A_7 = arith.xori %lt3A_4, %lt3A_6 : i1
    %and3A = arith.andi %ne3A_7, %ne3A_3 : i1
    %add3A_8 = arith.addi %rem3A, %select_n3A : i32
    %select_n3A_9 = arith.select %and3A, %add3A_8, %rem3A : i32
    %jit3A_10 = arith.constant 16 : i32
    %div3A = arith.divsi %add3A, %jit3A_10 : i32
    %sign3A = arith.constant 0 : i32
    %sign3A_11 = arith.cmpi sgt, %add3A, %sign3A : i32
    %sign3A_12 = arith.extui %sign3A_11 : i1 to i32
    %sign3A_13 = arith.constant 0 : i32
    %sign3A_14 = arith.cmpi slt, %add3A, %sign3A_13 : i32
    %sign3A_15 = arith.extui %sign3A_14 : i1 to i32
    %sign3A_16 = arith.subi %sign3A_12, %sign3A_15 : i32
    %sign3A_17 = arith.constant 0 : i32
    %sign3A_18 = arith.cmpi sgt, %jit3A_10, %sign3A_17 : i32
    %sign3A_19 = arith.extui %sign3A_18 : i1 to i32
    %sign3A_20 = arith.constant 0 : i32
    %sign3A_21 = arith.cmpi slt, %jit3A_10, %sign3A_20 : i32
    %sign3A_22 = arith.extui %sign3A_21 : i1 to i32
    %sign3A_23 = arith.subi %sign3A_19, %sign3A_22 : i32
    %ne3A_24 = arith.cmpi ne, %sign3A_16, %sign3A_23 : i32
    %rem3A_25 = arith.remsi %add3A, %jit3A_10 : i32
    %ne3A_26 = arith.constant 0 : i32
    %ne3A_27 = arith.cmpi ne, %rem3A_25, %ne3A_26 : i32
    %and3A_28 = arith.andi %ne3A_24, %ne3A_27 : i1
    %sub3A = arith.constant 1 : i32
    %sub3A_29 = arith.subi %div3A, %sub3A : i32
    %select_n3A_30 = arith.select %and3A_28, %sub3A_29, %div3A : i32
    %dma_start3A = arith.constant 0 : i32
    %dma_start3A_31 = tpu.memref_slice %arg2[%select_n3A_9, %dma_start3A] : memref<16x65536xf32, #tpu.memory_space<hbm>> -> memref<1x65536xf32, #tpu.memory_space<hbm>>
    %dma_start3A_32 = tpu.memref_squeeze %dma_start3A_31 : memref<1x65536xf32, #tpu.memory_space<hbm>> -> memref<65536xf32, #tpu.memory_space<hbm>>
    %dma_start3A_33 = arith.constant 0 : i32
    %dma_start3A_34 = tpu.memref_slice %arg2[%select_n3A_9, %dma_start3A_33] : memref<16x65536xf32, #tpu.memory_space<hbm>> -> memref<1x65536xf32, #tpu.memory_space<hbm>>
    %dma_start3A_35 = tpu.memref_squeeze %dma_start3A_34 : memref<1x65536xf32, #tpu.memory_space<hbm>> -> memref<65536xf32, #tpu.memory_space<hbm>>
    tpu.enqueue_dma source(%dma_start3A_35 : memref<65536xf32, #tpu.memory_space<hbm>>) target(%arg5 : memref<65536xf32, #tpu.memory_space<vmem>>) target_semaphore(%arg8 : memref<!tpu.dma_semaphore, #tpu.memory_space<semaphore_mem>>)
    %dma_start3A_36 = arith.constant 0 : i32
    %dma_start3A_37 = tpu.memref_slice %arg3[%select_n3A_30, %dma_start3A_36] : memref<2x32768xi32, #tpu.memory_space<hbm>> -> memref<1x32768xi32, #tpu.memory_space<hbm>>
    %dma_start3A_38 = tpu.memref_squeeze %dma_start3A_37 : memref<1x32768xi32, #tpu.memory_space<hbm>> -> memref<32768xi32, #tpu.memory_space<hbm>>
    %dma_start3A_39 = arith.constant 0 : i32
    %dma_start3A_40 = tpu.memref_slice %arg3[%select_n3A_30, %dma_start3A_39] : memref<2x32768xi32, #tpu.memory_space<hbm>> -> memref<1x32768xi32, #tpu.memory_space<hbm>>
    %dma_start3A_41 = tpu.memref_squeeze %dma_start3A_40 : memref<1x32768xi32, #tpu.memory_space<hbm>> -> memref<32768xi32, #tpu.memory_space<hbm>>
    tpu.enqueue_dma source(%dma_start3A_41 : memref<32768xi32, #tpu.memory_space<hbm>>) target(%arg6 : memref<32768xi32, #tpu.memory_space<vmem>>) target_semaphore(%arg9 : memref<!tpu.dma_semaphore, #tpu.memory_space<semaphore_mem>>)
    %dma_wait3A = arith.constant 0 : i32
    %dma_wait3A_42 = tpu.memref_slice %arg3[%select_n3A_30, %dma_wait3A] : memref<2x32768xi32, #tpu.memory_space<hbm>> -> memref<1x32768xi32, #tpu.memory_space<hbm>>
    %dma_wait3A_43 = tpu.memref_squeeze %dma_wait3A_42 : memref<1x32768xi32, #tpu.memory_space<hbm>> -> memref<32768xi32, #tpu.memory_space<hbm>>
    %dma_wait3A_44 = arith.constant 0 : i32
    %dma_wait3A_45 = tpu.memref_slice %arg3[%select_n3A_30, %dma_wait3A_44] : memref<2x32768xi32, #tpu.memory_space<hbm>> -> memref<1x32768xi32, #tpu.memory_space<hbm>>
    %dma_wait3A_46 = tpu.memref_squeeze %dma_wait3A_45 : memref<1x32768xi32, #tpu.memory_space<hbm>> -> memref<32768xi32, #tpu.memory_space<hbm>>
    tpu.wait_dma2 semaphore(%arg9 : memref<!tpu.dma_semaphore, #tpu.memory_space<semaphore_mem>>) src(%dma_wait3A_46 : memref<32768xi32, #tpu.memory_space<hbm>>) dst(%arg6 : memref<32768xi32, #tpu.memory_space<vmem>>)
    %dma_wait3A_47 = arith.constant 0 : i32
    %dma_wait3A_48 = tpu.memref_slice %arg2[%select_n3A_9, %dma_wait3A_47] : memref<16x65536xf32, #tpu.memory_space<hbm>> -> memref<1x65536xf32, #tpu.memory_space<hbm>>
    %dma_wait3A_49 = tpu.memref_squeeze %dma_wait3A_48 : memref<1x65536xf32, #tpu.memory_space<hbm>> -> memref<65536xf32, #tpu.memory_space<hbm>>
    %dma_wait3A_50 = arith.constant 0 : i32
    %dma_wait3A_51 = tpu.memref_slice %arg2[%select_n3A_9, %dma_wait3A_50] : memref<16x65536xf32, #tpu.memory_space<hbm>> -> memref<1x65536xf32, #tpu.memory_space<hbm>>
    %dma_wait3A_52 = tpu.memref_squeeze %dma_wait3A_51 : memref<1x65536xf32, #tpu.memory_space<hbm>> -> memref<65536xf32, #tpu.memory_space<hbm>>
    tpu.wait_dma2 semaphore(%arg8 : memref<!tpu.dma_semaphore, #tpu.memory_space<semaphore_mem>>) src(%dma_wait3A_52 : memref<65536xf32, #tpu.memory_space<hbm>>) dst(%arg5 : memref<65536xf32, #tpu.memory_space<vmem>>)
    %parallel_loop3A = arith.constant 0 : i32
    %parallel_loop3A_53 = arith.constant 16 : i32
    %parallel_loop3A_54 = arith.constant 1 : i32
    scf.for %parallel_loop3A_57 = %parallel_loop3A to %parallel_loop3A_53 step %parallel_loop3A_54  : i32 {
      %parallel_loop3A_58 = arith.constant 0.000000e+00 : f32
      %parallel_loop3A_59 = vector.broadcast %parallel_loop3A_58 : f32 to vector<16xf32>
      %parallel_loop3A_60 = arith.constant 0.000000e+00 : f32
      %parallel_loop3A_61 = vector.broadcast %parallel_loop3A_60 : f32 to vector<16xf32>
      %parallel_loop3A_62 = arith.constant 16 : i32
      %parallel_loop3A_63 = arith.muli %parallel_loop3A_57, %parallel_loop3A_62 : i32
      %parallel_loop3A_64 = arith.constant 0 : i32
      %parallel_loop3A_65 = arith.addi %parallel_loop3A_64, %parallel_loop3A_63 : i32
      %parallel_loop3A_66 = arith.index_cast %parallel_loop3A_65 : i32 to index
      %parallel_loop3A_67 = tpu.vector_load %arg6[%parallel_loop3A_66] {strides = array<i32>} : memref<32768xi32, #tpu.memory_space<vmem>>, vector<16xi32>,
      %parallel_loop3A_68 = tpu.vector_load_idx %arg5[%parallel_loop3A_67] : memref<65536xf32, #tpu.memory_space<vmem>>[vector<16xi32>], vector<16xf32>,
      %parallel_loop3A_69 = arith.addf %parallel_loop3A_59, %parallel_loop3A_68 : vector<16xf32>
      %parallel_loop3A_70 = arith.constant 16 : i32
      %parallel_loop3A_71 = arith.muli %parallel_loop3A_57, %parallel_loop3A_70 : i32
      %parallel_loop3A_72 = arith.constant 256 : i32
      %parallel_loop3A_73 = arith.addi %parallel_loop3A_72, %parallel_loop3A_71 : i32
      %parallel_loop3A_74 = arith.index_cast %parallel_loop3A_73 : i32 to index
      %parallel_loop3A_75 = tpu.vector_load %arg6[%parallel_loop3A_74] {strides = array<i32>} : memref<32768xi32, #tpu.memory_space<vmem>>, vector<16xi32>,
      %parallel_loop3A_76 = tpu.vector_load_idx %arg5[%parallel_loop3A_75] : memref<65536xf32, #tpu.memory_space<vmem>>[vector<16xi32>], vector<16xf32>,
      %parallel_loop3A_77 = arith.addf %parallel_loop3A_61, %parallel_loop3A_76 : vector<16xf32>
      %parallel_loop3A_78 = arith.constant 16 : i32
      %parallel_loop3A_79 = arith.muli %parallel_loop3A_57, %parallel_loop3A_78 : i32
      %parallel_loop3A_80 = arith.constant 512 : i32
      %parallel_loop3A_81 = arith.addi %parallel_loop3A_80, %parallel_loop3A_79 : i32
      %parallel_loop3A_82 = arith.index_cast %parallel_loop3A_81 : i32 to index
      %parallel_loop3A_83 = tpu.vector_load %arg6[%parallel_loop3A_82] {strides = array<i32>} : memref<32768xi32, #tpu.memory_space<vmem>>, vector<16xi32>,
      %parallel_loop3A_84 = tpu.vector_load_idx %arg5[%parallel_loop3A_83] : memref<65536xf32, #tpu.memory_space<vmem>>[vector<16xi32>], vector<16xf32>,
      %parallel_loop3A_85 = arith.addf %parallel_loop3A_69, %parallel_loop3A_84 : vector<16xf32>
      %parallel_loop3A_86 = arith.constant 16 : i32
      %parallel_loop3A_87 = arith.muli %parallel_loop3A_57, %parallel_loop3A_86 : i32
      %parallel_loop3A_88 = arith.constant 768 : i32
      %parallel_loop3A_89 = arith.addi %parallel_loop3A_88, %parallel_loop3A_87 : i32
      %parallel_loop3A_90 = arith.index_cast %parallel_loop3A_89 : i32 to index
      %parallel_loop3A_91 = tpu.vector_load %arg6[%parallel_loop3A_90] {strides = array<i32>} : memref<32768xi32, #tpu.memory_space<vmem>>, vector<16xi32>,
      %parallel_loop3A_92 = tpu.vector_load_idx %arg5[%parallel_loop3A_91] : memref<65536xf32, #tpu.memory_space<vmem>>[vector<16xi32>], vector<16xf32>,
      %parallel_loop3A_93 = arith.addf %parallel_loop3A_77, %parallel_loop3A_92 : vector<16xf32>
      %parallel_loop3A_94 = arith.constant 16 : i32
      %parallel_loop3A_95 = arith.muli %parallel_loop3A_57, %parallel_loop3A_94 : i32
      %parallel_loop3A_96 = arith.constant 1024 : i32
      %parallel_loop3A_97 = arith.addi %parallel_loop3A_96, %parallel_loop3A_95 : i32
      %parallel_loop3A_98 = arith.index_cast %parallel_loop3A_97 : i32 to index
      %parallel_loop3A_99 = tpu.vector_load %arg6[%parallel_loop3A_98] {strides = array<i32>} : memref<32768xi32, #tpu.memory_space<vmem>>, vector<16xi32>,
      %parallel_loop3A_100 = tpu.vector_load_idx %arg5[%parallel_loop3A_99] : memref<65536xf32, #tpu.memory_space<vmem>>[vector<16xi32>], vector<16xf32>,
      %parallel_loop3A_101 = arith.addf %parallel_loop3A_85, %parallel_loop3A_100 : vector<16xf32>
      %parallel_loop3A_102 = arith.constant 16 : i32
      %parallel_loop3A_103 = arith.muli %parallel_loop3A_57, %parallel_loop3A_102 : i32
      %parallel_loop3A_104 = arith.constant 1280 : i32
      %parallel_loop3A_105 = arith.addi %parallel_loop3A_104, %parallel_loop3A_103 : i32
      %parallel_loop3A_106 = arith.index_cast %parallel_loop3A_105 : i32 to index
      %parallel_loop3A_107 = tpu.vector_load %arg6[%parallel_loop3A_106] {strides = array<i32>} : memref<32768xi32, #tpu.memory_space<vmem>>, vector<16xi32>,
      %parallel_loop3A_108 = tpu.vector_load_idx %arg5[%parallel_loop3A_107] : memref<65536xf32, #tpu.memory_space<vmem>>[vector<16xi32>], vector<16xf32>,
      %parallel_loop3A_109 = arith.addf %parallel_loop3A_93, %parallel_loop3A_108 : vector<16xf32>
      %parallel_loop3A_110 = arith.constant 16 : i32
      %parallel_loop3A_111 = arith.muli %parallel_loop3A_57, %parallel_loop3A_110 : i32
      %parallel_loop3A_112 = arith.constant 1536 : i32
      %parallel_loop3A_113 = arith.addi %parallel_loop3A_112, %parallel_loop3A_111 : i32
      %parallel_loop3A_114 = arith.index_cast %parallel_loop3A_113 : i32 to index
      %parallel_loop3A_115 = tpu.vector_load %arg6[%parallel_loop3A_114] {strides = array<i32>} : memref<32768xi32, #tpu.memory_space<vmem>>, vector<16xi32>,
      %parallel_loop3A_116 = tpu.vector_load_idx %arg5[%parallel_loop3A_115] : memref<65536xf32, #tpu.memory_space<vmem>>[vector<16xi32>], vector<16xf32>,
      %parallel_loop3A_117 = arith.addf %parallel_loop3A_101, %parallel_loop3A_116 : vector<16xf32>
      %parallel_loop3A_118 = arith.constant 16 : i32
      %parallel_loop3A_119 = arith.muli %parallel_loop3A_57, %parallel_loop3A_118 : i32
      %parallel_loop3A_120 = arith.constant 1792 : i32
      %parallel_loop3A_121 = arith.addi %parallel_loop3A_120, %parallel_loop3A_119 : i32
      %parallel_loop3A_122 = arith.index_cast %parallel_loop3A_121 : i32 to index
      %parallel_loop3A_123 = tpu.vector_load %arg6[%parallel_loop3A_122] {strides = array<i32>} : memref<32768xi32, #tpu.memory_space<vmem>>, vector<16xi32>,
      %parallel_loop3A_124 = tpu.vector_load_idx %arg5[%parallel_loop3A_123] : memref<65536xf32, #tpu.memory_space<vmem>>[vector<16xi32>], vector<16xf32>,
      %parallel_loop3A_125 = arith.addf %parallel_loop3A_109, %parallel_loop3A_124 : vector<16xf32>
      %parallel_loop3A_126 = arith.constant 16 : i32
      %parallel_loop3A_127 = arith.muli %parallel_loop3A_57, %parallel_loop3A_126 : i32
      %parallel_loop3A_128 = arith.constant 2048 : i32
      %parallel_loop3A_129 = arith.addi %parallel_loop3A_128, %parallel_loop3A_127 : i32
      %parallel_loop3A_130 = arith.index_cast %parallel_loop3A_129 : i32 to index
      %parallel_loop3A_131 = tpu.vector_load %arg6[%parallel_loop3A_130] {strides = array<i32>} : memref<32768xi32, #tpu.memory_space<vmem>>, vector<16xi32>,
      %parallel_loop3A_132 = tpu.vector_load_idx %arg5[%parallel_loop3A_131] : memref<65536xf32, #tpu.memory_space<vmem>>[vector<16xi32>], vector<16xf32>,
      %parallel_loop3A_133 = arith.addf %parallel_loop3A_117, %parallel_loop3A_132 : vector<16xf32>
      %parallel_loop3A_134 = arith.constant 16 : i32
      %parallel_loop3A_135 = arith.muli %parallel_loop3A_57, %parallel_loop3A_134 : i32
      %parallel_loop3A_136 = arith.constant 2304 : i32
      %parallel_loop3A_137 = arith.addi %parallel_loop3A_136, %parallel_loop3A_135 : i32
      %parallel_loop3A_138 = arith.index_cast %parallel_loop3A_137 : i32 to index
      %parallel_loop3A_139 = tpu.vector_load %arg6[%parallel_loop3A_138] {strides = array<i32>} : memref<32768xi32, #tpu.memory_space<vmem>>, vector<16xi32>,
      %parallel_loop3A_140 = tpu.vector_load_idx %arg5[%parallel_loop3A_139] : memref<65536xf32, #tpu.memory_space<vmem>>[vector<16xi32>], vector<16xf32>,
      %parallel_loop3A_141 = arith.addf %parallel_loop3A_125, %parallel_loop3A_140 : vector<16xf32>
      %parallel_loop3A_142 = arith.constant 16 : i32
      %parallel_loop3A_143 = arith.muli %parallel_loop3A_57, %parallel_loop3A_142 : i32
      %parallel_loop3A_144 = arith.constant 2560 : i32
      %parallel_loop3A_145 = arith.addi %parallel_loop3A_144, %parallel_loop3A_143 : i32
      %parallel_loop3A_146 = arith.index_cast %parallel_loop3A_145 : i32 to index
      %parallel_loop3A_147 = tpu.vector_load %arg6[%parallel_loop3A_146] {strides = array<i32>} : memref<32768xi32, #tpu.memory_space<vmem>>, vector<16xi32>,
      %parallel_loop3A_148 = tpu.vector_load_idx %arg5[%parallel_loop3A_147] : memref<65536xf32, #tpu.memory_space<vmem>>[vector<16xi32>], vector<16xf32>,
      %parallel_loop3A_149 = arith.addf %parallel_loop3A_133, %parallel_loop3A_148 : vector<16xf32>
      %parallel_loop3A_150 = arith.constant 16 : i32
      %parallel_loop3A_151 = arith.muli %parallel_loop3A_57, %parallel_loop3A_150 : i32
      %parallel_loop3A_152 = arith.constant 2816 : i32
      %parallel_loop3A_153 = arith.addi %parallel_loop3A_152, %parallel_loop3A_151 : i32
      %parallel_loop3A_154 = arith.index_cast %parallel_loop3A_153 : i32 to index
      %parallel_loop3A_155 = tpu.vector_load %arg6[%parallel_loop3A_154] {strides = array<i32>} : memref<32768xi32, #tpu.memory_space<vmem>>, vector<16xi32>,
      %parallel_loop3A_156 = tpu.vector_load_idx %arg5[%parallel_loop3A_155] : memref<65536xf32, #tpu.memory_space<vmem>>[vector<16xi32>], vector<16xf32>,
      %parallel_loop3A_157 = arith.addf %parallel_loop3A_141, %parallel_loop3A_156 : vector<16xf32>
      %parallel_loop3A_158 = arith.constant 16 : i32
      %parallel_loop3A_159 = arith.muli %parallel_loop3A_57, %parallel_loop3A_158 : i32
      %parallel_loop3A_160 = arith.constant 3072 : i32
      %parallel_loop3A_161 = arith.addi %parallel_loop3A_160, %parallel_loop3A_159 : i32
      %parallel_loop3A_162 = arith.index_cast %parallel_loop3A_161 : i32 to index
      %parallel_loop3A_163 = tpu.vector_load %arg6[%parallel_loop3A_162] {strides = array<i32>} : memref<32768xi32, #tpu.memory_space<vmem>>, vector<16xi32>,
      %parallel_loop3A_164 = tpu.vector_load_idx %arg5[%parallel_loop3A_163] : memref<65536xf32, #tpu.memory_space<vmem>>[vector<16xi32>], vector<16xf32>,
      %parallel_loop3A_165 = arith.addf %parallel_loop3A_149, %parallel_loop3A_164 : vector<16xf32>
      %parallel_loop3A_166 = arith.constant 16 : i32
      %parallel_loop3A_167 = arith.muli %parallel_loop3A_57, %parallel_loop3A_166 : i32
      %parallel_loop3A_168 = arith.constant 3328 : i32
      %parallel_loop3A_169 = arith.addi %parallel_loop3A_168, %parallel_loop3A_167 : i32
      %parallel_loop3A_170 = arith.index_cast %parallel_loop3A_169 : i32 to index
      %parallel_loop3A_171 = tpu.vector_load %arg6[%parallel_loop3A_170] {strides = array<i32>} : memref<32768xi32, #tpu.memory_space<vmem>>, vector<16xi32>,
      %parallel_loop3A_172 = tpu.vector_load_idx %arg5[%parallel_loop3A_171] : memref<65536xf32, #tpu.memory_space<vmem>>[vector<16xi32>], vector<16xf32>,
      %parallel_loop3A_173 = arith.addf %parallel_loop3A_157, %parallel_loop3A_172 : vector<16xf32>
      %parallel_loop3A_174 = arith.constant 16 : i32
      %parallel_loop3A_175 = arith.muli %parallel_loop3A_57, %parallel_loop3A_174 : i32
      %parallel_loop3A_176 = arith.constant 3584 : i32
      %parallel_loop3A_177 = arith.addi %parallel_loop3A_176, %parallel_loop3A_175 : i32
      %parallel_loop3A_178 = arith.index_cast %parallel_loop3A_177 : i32 to index
      %parallel_loop3A_179 = tpu.vector_load %arg6[%parallel_loop3A_178] {strides = array<i32>} : memref<32768xi32, #tpu.memory_space<vmem>>, vector<16xi32>,
      %parallel_loop3A_180 = tpu.vector_load_idx %arg5[%parallel_loop3A_179] : memref<65536xf32, #tpu.memory_space<vmem>>[vector<16xi32>], vector<16xf32>,
      %parallel_loop3A_181 = arith.addf %parallel_loop3A_165, %parallel_loop3A_180 : vector<16xf32>
      %parallel_loop3A_182 = arith.constant 16 : i32
      %parallel_loop3A_183 = arith.muli %parallel_loop3A_57, %parallel_loop3A_182 : i32
      %parallel_loop3A_184 = arith.constant 3840 : i32
      %parallel_loop3A_185 = arith.addi %parallel_loop3A_184, %parallel_loop3A_183 : i32
      %parallel_loop3A_186 = arith.index_cast %parallel_loop3A_185 : i32 to index
      %parallel_loop3A_187 = tpu.vector_load %arg6[%parallel_loop3A_186] {strides = array<i32>} : memref<32768xi32, #tpu.memory_space<vmem>>, vector<16xi32>,
      %parallel_loop3A_188 = tpu.vector_load_idx %arg5[%parallel_loop3A_187] : memref<65536xf32, #tpu.memory_space<vmem>>[vector<16xi32>], vector<16xf32>,
      %parallel_loop3A_189 = arith.addf %parallel_loop3A_173, %parallel_loop3A_188 : vector<16xf32>
      %parallel_loop3A_190 = arith.constant 16 : i32
      %parallel_loop3A_191 = arith.muli %parallel_loop3A_57, %parallel_loop3A_190 : i32
      %parallel_loop3A_192 = arith.constant 4096 : i32
      %parallel_loop3A_193 = arith.addi %parallel_loop3A_192, %parallel_loop3A_191 : i32
      %parallel_loop3A_194 = arith.index_cast %parallel_loop3A_193 : i32 to index
      %parallel_loop3A_195 = tpu.vector_load %arg6[%parallel_loop3A_194] {strides = array<i32>} : memref<32768xi32, #tpu.memory_space<vmem>>, vector<16xi32>,
      %parallel_loop3A_196 = tpu.vector_load_idx %arg5[%parallel_loop3A_195] : memref<65536xf32, #tpu.memory_space<vmem>>[vector<16xi32>], vector<16xf32>,
      %parallel_loop3A_197 = arith.addf %parallel_loop3A_181, %parallel_loop3A_196 : vector<16xf32>
      %parallel_loop3A_198 = arith.constant 16 : i32
      %parallel_loop3A_199 = arith.muli %parallel_loop3A_57, %parallel_loop3A_198 : i32
      %parallel_loop3A_200 = arith.constant 4352 : i32
      %parallel_loop3A_201 = arith.addi %parallel_loop3A_200, %parallel_loop3A_199 : i32
      %parallel_loop3A_202 = arith.index_cast %parallel_loop3A_201 : i32 to index
      %parallel_loop3A_203 = tpu.vector_load %arg6[%parallel_loop3A_202] {strides = array<i32>} : memref<32768xi32, #tpu.memory_space<vmem>>, vector<16xi32>,
      %parallel_loop3A_204 = tpu.vector_load_idx %arg5[%parallel_loop3A_203] : memref<65536xf32, #tpu.memory_space<vmem>>[vector<16xi32>], vector<16xf32>,
      %parallel_loop3A_205 = arith.addf %parallel_loop3A_189, %parallel_loop3A_204 : vector<16xf32>
      %parallel_loop3A_206 = arith.constant 16 : i32
      %parallel_loop3A_207 = arith.muli %parallel_loop3A_57, %parallel_loop3A_206 : i32
      %parallel_loop3A_208 = arith.constant 4608 : i32
      %parallel_loop3A_209 = arith.addi %parallel_loop3A_208, %parallel_loop3A_207 : i32
      %parallel_loop3A_210 = arith.index_cast %parallel_loop3A_209 : i32 to index
      %parallel_loop3A_211 = tpu.vector_load %arg6[%parallel_loop3A_210] {strides = array<i32>} : memref<32768xi32, #tpu.memory_space<vmem>>, vector<16xi32>,
      %parallel_loop3A_212 = tpu.vector_load_idx %arg5[%parallel_loop3A_211] : memref<65536xf32, #tpu.memory_space<vmem>>[vector<16xi32>], vector<16xf32>,
      %parallel_loop3A_213 = arith.addf %parallel_loop3A_197, %parallel_loop3A_212 : vector<16xf32>
      %parallel_loop3A_214 = arith.constant 16 : i32
      %parallel_loop3A_215 = arith.muli %parallel_loop3A_57, %parallel_loop3A_214 : i32
      %parallel_loop3A_216 = arith.constant 4864 : i32
      %parallel_loop3A_217 = arith.addi %parallel_loop3A_216, %parallel_loop3A_215 : i32
      %parallel_loop3A_218 = arith.index_cast %parallel_loop3A_217 : i32 to index
      %parallel_loop3A_219 = tpu.vector_load %arg6[%parallel_loop3A_218] {strides = array<i32>} : memref<32768xi32, #tpu.memory_space<vmem>>, vector<16xi32>,
      %parallel_loop3A_220 = tpu.vector_load_idx %arg5[%parallel_loop3A_219] : memref<65536xf32, #tpu.memory_space<vmem>>[vector<16xi32>], vector<16xf32>,
      %parallel_loop3A_221 = arith.addf %parallel_loop3A_205, %parallel_loop3A_220 : vector<16xf32>
      %parallel_loop3A_222 = arith.constant 16 : i32
      %parallel_loop3A_223 = arith.muli %parallel_loop3A_57, %parallel_loop3A_222 : i32
      %parallel_loop3A_224 = arith.constant 5120 : i32
      %parallel_loop3A_225 = arith.addi %parallel_loop3A_224, %parallel_loop3A_223 : i32
      %parallel_loop3A_226 = arith.index_cast %parallel_loop3A_225 : i32 to index
      %parallel_loop3A_227 = tpu.vector_load %arg6[%parallel_loop3A_226] {strides = array<i32>} : memref<32768xi32, #tpu.memory_space<vmem>>, vector<16xi32>,
      %parallel_loop3A_228 = tpu.vector_load_idx %arg5[%parallel_loop3A_227] : memref<65536xf32, #tpu.memory_space<vmem>>[vector<16xi32>], vector<16xf32>,
      %parallel_loop3A_229 = arith.addf %parallel_loop3A_213, %parallel_loop3A_228 : vector<16xf32>
      %parallel_loop3A_230 = arith.constant 16 : i32
      %parallel_loop3A_231 = arith.muli %parallel_loop3A_57, %parallel_loop3A_230 : i32
      %parallel_loop3A_232 = arith.constant 5376 : i32
      %parallel_loop3A_233 = arith.addi %parallel_loop3A_232, %parallel_loop3A_231 : i32
      %parallel_loop3A_234 = arith.index_cast %parallel_loop3A_233 : i32 to index
      %parallel_loop3A_235 = tpu.vector_load %arg6[%parallel_loop3A_234] {strides = array<i32>} : memref<32768xi32, #tpu.memory_space<vmem>>, vector<16xi32>,
      %parallel_loop3A_236 = tpu.vector_load_idx %arg5[%parallel_loop3A_235] : memref<65536xf32, #tpu.memory_space<vmem>>[vector<16xi32>], vector<16xf32>,
      %parallel_loop3A_237 = arith.addf %parallel_loop3A_221, %parallel_loop3A_236 : vector<16xf32>
      %parallel_loop3A_238 = arith.constant 16 : i32
      %parallel_loop3A_239 = arith.muli %parallel_loop3A_57, %parallel_loop3A_238 : i32
      %parallel_loop3A_240 = arith.constant 5632 : i32
      %parallel_loop3A_241 = arith.addi %parallel_loop3A_240, %parallel_loop3A_239 : i32
      %parallel_loop3A_242 = arith.index_cast %parallel_loop3A_241 : i32 to index
      %parallel_loop3A_243 = tpu.vector_load %arg6[%parallel_loop3A_242] {strides = array<i32>} : memref<32768xi32, #tpu.memory_space<vmem>>, vector<16xi32>,
      %parallel_loop3A_244 = tpu.vector_load_idx %arg5[%parallel_loop3A_243] : memref<65536xf32, #tpu.memory_space<vmem>>[vector<16xi32>], vector<16xf32>,
      %parallel_loop3A_245 = arith.addf %parallel_loop3A_229, %parallel_loop3A_244 : vector<16xf32>
      %parallel_loop3A_246 = arith.constant 16 : i32
      %parallel_loop3A_247 = arith.muli %parallel_loop3A_57, %parallel_loop3A_246 : i32
      %parallel_loop3A_248 = arith.constant 5888 : i32
      %parallel_loop3A_249 = arith.addi %parallel_loop3A_248, %parallel_loop3A_247 : i32
      %parallel_loop3A_250 = arith.index_cast %parallel_loop3A_249 : i32 to index
      %parallel_loop3A_251 = tpu.vector_load %arg6[%parallel_loop3A_250] {strides = array<i32>} : memref<32768xi32, #tpu.memory_space<vmem>>, vector<16xi32>,
      %parallel_loop3A_252 = tpu.vector_load_idx %arg5[%parallel_loop3A_251] : memref<65536xf32, #tpu.memory_space<vmem>>[vector<16xi32>], vector<16xf32>,
      %parallel_loop3A_253 = arith.addf %parallel_loop3A_237, %parallel_loop3A_252 : vector<16xf32>
      %parallel_loop3A_254 = arith.constant 16 : i32
      %parallel_loop3A_255 = arith.muli %parallel_loop3A_57, %parallel_loop3A_254 : i32
      %parallel_loop3A_256 = arith.constant 6144 : i32
      %parallel_loop3A_257 = arith.addi %parallel_loop3A_256, %parallel_loop3A_255 : i32
      %parallel_loop3A_258 = arith.index_cast %parallel_loop3A_257 : i32 to index
      %parallel_loop3A_259 = tpu.vector_load %arg6[%parallel_loop3A_258] {strides = array<i32>} : memref<32768xi32, #tpu.memory_space<vmem>>, vector<16xi32>,
      %parallel_loop3A_260 = tpu.vector_load_idx %arg5[%parallel_loop3A_259] : memref<65536xf32, #tpu.memory_space<vmem>>[vector<16xi32>], vector<16xf32>,
      %parallel_loop3A_261 = arith.addf %parallel_loop3A_245, %parallel_loop3A_260 : vector<16xf32>
      %parallel_loop3A_262 = arith.constant 16 : i32
      %parallel_loop3A_263 = arith.muli %parallel_loop3A_57, %parallel_loop3A_262 : i32
      %parallel_loop3A_264 = arith.constant 6400 : i32
      %parallel_loop3A_265 = arith.addi %parallel_loop3A_264, %parallel_loop3A_263 : i32
      %parallel_loop3A_266 = arith.index_cast %parallel_loop3A_265 : i32 to index
      %parallel_loop3A_267 = tpu.vector_load %arg6[%parallel_loop3A_266] {strides = array<i32>} : memref<32768xi32, #tpu.memory_space<vmem>>, vector<16xi32>,
      %parallel_loop3A_268 = tpu.vector_load_idx %arg5[%parallel_loop3A_267] : memref<65536xf32, #tpu.memory_space<vmem>>[vector<16xi32>], vector<16xf32>,
      %parallel_loop3A_269 = arith.addf %parallel_loop3A_253, %parallel_loop3A_268 : vector<16xf32>
      %parallel_loop3A_270 = arith.constant 16 : i32
      %parallel_loop3A_271 = arith.muli %parallel_loop3A_57, %parallel_loop3A_270 : i32
      %parallel_loop3A_272 = arith.constant 6656 : i32
      %parallel_loop3A_273 = arith.addi %parallel_loop3A_272, %parallel_loop3A_271 : i32
      %parallel_loop3A_274 = arith.index_cast %parallel_loop3A_273 : i32 to index
      %parallel_loop3A_275 = tpu.vector_load %arg6[%parallel_loop3A_274] {strides = array<i32>} : memref<32768xi32, #tpu.memory_space<vmem>>, vector<16xi32>,
      %parallel_loop3A_276 = tpu.vector_load_idx %arg5[%parallel_loop3A_275] : memref<65536xf32, #tpu.memory_space<vmem>>[vector<16xi32>], vector<16xf32>,
      %parallel_loop3A_277 = arith.addf %parallel_loop3A_261, %parallel_loop3A_276 : vector<16xf32>
      %parallel_loop3A_278 = arith.constant 16 : i32
      %parallel_loop3A_279 = arith.muli %parallel_loop3A_57, %parallel_loop3A_278 : i32
      %parallel_loop3A_280 = arith.constant 6912 : i32
      %parallel_loop3A_281 = arith.addi %parallel_loop3A_280, %parallel_loop3A_279 : i32
      %parallel_loop3A_282 = arith.index_cast %parallel_loop3A_281 : i32 to index
      %parallel_loop3A_283 = tpu.vector_load %arg6[%parallel_loop3A_282] {strides = array<i32>} : memref<32768xi32, #tpu.memory_space<vmem>>, vector<16xi32>,
      %parallel_loop3A_284 = tpu.vector_load_idx %arg5[%parallel_loop3A_283] : memref<65536xf32, #tpu.memory_space<vmem>>[vector<16xi32>], vector<16xf32>,
      %parallel_loop3A_285 = arith.addf %parallel_loop3A_269, %parallel_loop3A_284 : vector<16xf32>
      %parallel_loop3A_286 = arith.constant 16 : i32
      %parallel_loop3A_287 = arith.muli %parallel_loop3A_57, %parallel_loop3A_286 : i32
      %parallel_loop3A_288 = arith.constant 7168 : i32
      %parallel_loop3A_289 = arith.addi %parallel_loop3A_288, %parallel_loop3A_287 : i32
      %parallel_loop3A_290 = arith.index_cast %parallel_loop3A_289 : i32 to index
      %parallel_loop3A_291 = tpu.vector_load %arg6[%parallel_loop3A_290] {strides = array<i32>} : memref<32768xi32, #tpu.memory_space<vmem>>, vector<16xi32>,
      %parallel_loop3A_292 = tpu.vector_load_idx %arg5[%parallel_loop3A_291] : memref<65536xf32, #tpu.memory_space<vmem>>[vector<16xi32>], vector<16xf32>,
      %parallel_loop3A_293 = arith.addf %parallel_loop3A_277, %parallel_loop3A_292 : vector<16xf32>
      %parallel_loop3A_294 = arith.constant 16 : i32
      %parallel_loop3A_295 = arith.muli %parallel_loop3A_57, %parallel_loop3A_294 : i32
      %parallel_loop3A_296 = arith.constant 7424 : i32
      %parallel_loop3A_297 = arith.addi %parallel_loop3A_296, %parallel_loop3A_295 : i32
      %parallel_loop3A_298 = arith.index_cast %parallel_loop3A_297 : i32 to index
      %parallel_loop3A_299 = tpu.vector_load %arg6[%parallel_loop3A_298] {strides = array<i32>} : memref<32768xi32, #tpu.memory_space<vmem>>, vector<16xi32>,
      %parallel_loop3A_300 = tpu.vector_load_idx %arg5[%parallel_loop3A_299] : memref<65536xf32, #tpu.memory_space<vmem>>[vector<16xi32>], vector<16xf32>,
      %parallel_loop3A_301 = arith.addf %parallel_loop3A_285, %parallel_loop3A_300 : vector<16xf32>
      %parallel_loop3A_302 = arith.constant 16 : i32
      %parallel_loop3A_303 = arith.muli %parallel_loop3A_57, %parallel_loop3A_302 : i32
      %parallel_loop3A_304 = arith.constant 7680 : i32
      %parallel_loop3A_305 = arith.addi %parallel_loop3A_304, %parallel_loop3A_303 : i32
      %parallel_loop3A_306 = arith.index_cast %parallel_loop3A_305 : i32 to index
      %parallel_loop3A_307 = tpu.vector_load %arg6[%parallel_loop3A_306] {strides = array<i32>} : memref<32768xi32, #tpu.memory_space<vmem>>, vector<16xi32>,
      %parallel_loop3A_308 = tpu.vector_load_idx %arg5[%parallel_loop3A_307] : memref<65536xf32, #tpu.memory_space<vmem>>[vector<16xi32>], vector<16xf32>,
      %parallel_loop3A_309 = arith.addf %parallel_loop3A_293, %parallel_loop3A_308 : vector<16xf32>
      %parallel_loop3A_310 = arith.constant 16 : i32
      %parallel_loop3A_311 = arith.muli %parallel_loop3A_57, %parallel_loop3A_310 : i32
      %parallel_loop3A_312 = arith.constant 7936 : i32
      %parallel_loop3A_313 = arith.addi %parallel_loop3A_312, %parallel_loop3A_311 : i32
      %parallel_loop3A_314 = arith.index_cast %parallel_loop3A_313 : i32 to index
      %parallel_loop3A_315 = tpu.vector_load %arg6[%parallel_loop3A_314] {strides = array<i32>} : memref<32768xi32, #tpu.memory_space<vmem>>, vector<16xi32>,
      %parallel_loop3A_316 = tpu.vector_load_idx %arg5[%parallel_loop3A_315] : memref<65536xf32, #tpu.memory_space<vmem>>[vector<16xi32>], vector<16xf32>,
      %parallel_loop3A_317 = arith.addf %parallel_loop3A_301, %parallel_loop3A_316 : vector<16xf32>
      %parallel_loop3A_318 = arith.constant 16 : i32
      %parallel_loop3A_319 = arith.muli %parallel_loop3A_57, %parallel_loop3A_318 : i32
      %parallel_loop3A_320 = arith.constant 8192 : i32
      %parallel_loop3A_321 = arith.addi %parallel_loop3A_320, %parallel_loop3A_319 : i32
      %parallel_loop3A_322 = arith.index_cast %parallel_loop3A_321 : i32 to index
      %parallel_loop3A_323 = tpu.vector_load %arg6[%parallel_loop3A_322] {strides = array<i32>} : memref<32768xi32, #tpu.memory_space<vmem>>, vector<16xi32>,
      %parallel_loop3A_324 = tpu.vector_load_idx %arg5[%parallel_loop3A_323] : memref<65536xf32, #tpu.memory_space<vmem>>[vector<16xi32>], vector<16xf32>,
      %parallel_loop3A_325 = arith.addf %parallel_loop3A_309, %parallel_loop3A_324 : vector<16xf32>
      %parallel_loop3A_326 = arith.constant 16 : i32
      %parallel_loop3A_327 = arith.muli %parallel_loop3A_57, %parallel_loop3A_326 : i32
      %parallel_loop3A_328 = arith.constant 8448 : i32
      %parallel_loop3A_329 = arith.addi %parallel_loop3A_328, %parallel_loop3A_327 : i32
      %parallel_loop3A_330 = arith.index_cast %parallel_loop3A_329 : i32 to index
      %parallel_loop3A_331 = tpu.vector_load %arg6[%parallel_loop3A_330] {strides = array<i32>} : memref<32768xi32, #tpu.memory_space<vmem>>, vector<16xi32>,
      %parallel_loop3A_332 = tpu.vector_load_idx %arg5[%parallel_loop3A_331] : memref<65536xf32, #tpu.memory_space<vmem>>[vector<16xi32>], vector<16xf32>,
      %parallel_loop3A_333 = arith.addf %parallel_loop3A_317, %parallel_loop3A_332 : vector<16xf32>
      %parallel_loop3A_334 = arith.constant 16 : i32
      %parallel_loop3A_335 = arith.muli %parallel_loop3A_57, %parallel_loop3A_334 : i32
      %parallel_loop3A_336 = arith.constant 8704 : i32
      %parallel_loop3A_337 = arith.addi %parallel_loop3A_336, %parallel_loop3A_335 : i32
      %parallel_loop3A_338 = arith.index_cast %parallel_loop3A_337 : i32 to index
      %parallel_loop3A_339 = tpu.vector_load %arg6[%parallel_loop3A_338] {strides = array<i32>} : memref<32768xi32, #tpu.memory_space<vmem>>, vector<16xi32>,
      %parallel_loop3A_340 = tpu.vector_load_idx %arg5[%parallel_loop3A_339] : memref<65536xf32, #tpu.memory_space<vmem>>[vector<16xi32>], vector<16xf32>,
      %parallel_loop3A_341 = arith.addf %parallel_loop3A_325, %parallel_loop3A_340 : vector<16xf32>
      %parallel_loop3A_342 = arith.constant 16 : i32
      %parallel_loop3A_343 = arith.muli %parallel_loop3A_57, %parallel_loop3A_342 : i32
      %parallel_loop3A_344 = arith.constant 8960 : i32
      %parallel_loop3A_345 = arith.addi %parallel_loop3A_344, %parallel_loop3A_343 : i32
      %parallel_loop3A_346 = arith.index_cast %parallel_loop3A_345 : i32 to index
      %parallel_loop3A_347 = tpu.vector_load %arg6[%parallel_loop3A_346] {strides = array<i32>} : memref<32768xi32, #tpu.memory_space<vmem>>, vector<16xi32>,
      %parallel_loop3A_348 = tpu.vector_load_idx %arg5[%parallel_loop3A_347] : memref<65536xf32, #tpu.memory_space<vmem>>[vector<16xi32>], vector<16xf32>,
      %parallel_loop3A_349 = arith.addf %parallel_loop3A_333, %parallel_loop3A_348 : vector<16xf32>
      %parallel_loop3A_350 = arith.constant 16 : i32
      %parallel_loop3A_351 = arith.muli %parallel_loop3A_57, %parallel_loop3A_350 : i32
      %parallel_loop3A_352 = arith.constant 9216 : i32
      %parallel_loop3A_353 = arith.addi %parallel_loop3A_352, %parallel_loop3A_351 : i32
      %parallel_loop3A_354 = arith.index_cast %parallel_loop3A_353 : i32 to index
      %parallel_loop3A_355 = tpu.vector_load %arg6[%parallel_loop3A_354] {strides = array<i32>} : memref<32768xi32, #tpu.memory_space<vmem>>, vector<16xi32>,
      %parallel_loop3A_356 = tpu.vector_load_idx %arg5[%parallel_loop3A_355] : memref<65536xf32, #tpu.memory_space<vmem>>[vector<16xi32>], vector<16xf32>,
      %parallel_loop3A_357 = arith.addf %parallel_loop3A_341, %parallel_loop3A_356 : vector<16xf32>
      %parallel_loop3A_358 = arith.constant 16 : i32
      %parallel_loop3A_359 = arith.muli %parallel_loop3A_57, %parallel_loop3A_358 : i32
      %parallel_loop3A_360 = arith.constant 9472 : i32
      %parallel_loop3A_361 = arith.addi %parallel_loop3A_360, %parallel_loop3A_359 : i32
      %parallel_loop3A_362 = arith.index_cast %parallel_loop3A_361 : i32 to index
      %parallel_loop3A_363 = tpu.vector_load %arg6[%parallel_loop3A_362] {strides = array<i32>} : memref<32768xi32, #tpu.memory_space<vmem>>, vector<16xi32>,
      %parallel_loop3A_364 = tpu.vector_load_idx %arg5[%parallel_loop3A_363] : memref<65536xf32, #tpu.memory_space<vmem>>[vector<16xi32>], vector<16xf32>,
      %parallel_loop3A_365 = arith.addf %parallel_loop3A_349, %parallel_loop3A_364 : vector<16xf32>
      %parallel_loop3A_366 = arith.constant 16 : i32
      %parallel_loop3A_367 = arith.muli %parallel_loop3A_57, %parallel_loop3A_366 : i32
      %parallel_loop3A_368 = arith.constant 9728 : i32
      %parallel_loop3A_369 = arith.addi %parallel_loop3A_368, %parallel_loop3A_367 : i32
      %parallel_loop3A_370 = arith.index_cast %parallel_loop3A_369 : i32 to index
      %parallel_loop3A_371 = tpu.vector_load %arg6[%parallel_loop3A_370] {strides = array<i32>} : memref<32768xi32, #tpu.memory_space<vmem>>, vector<16xi32>,
      %parallel_loop3A_372 = tpu.vector_load_idx %arg5[%parallel_loop3A_371] : memref<65536xf32, #tpu.memory_space<vmem>>[vector<16xi32>], vector<16xf32>,
      %parallel_loop3A_373 = arith.addf %parallel_loop3A_357, %parallel_loop3A_372 : vector<16xf32>
      %parallel_loop3A_374 = arith.constant 16 : i32
      %parallel_loop3A_375 = arith.muli %parallel_loop3A_57, %parallel_loop3A_374 : i32
      %parallel_loop3A_376 = arith.constant 9984 : i32
      %parallel_loop3A_377 = arith.addi %parallel_loop3A_376, %parallel_loop3A_375 : i32
      %parallel_loop3A_378 = arith.index_cast %parallel_loop3A_377 : i32 to index
      %parallel_loop3A_379 = tpu.vector_load %arg6[%parallel_loop3A_378] {strides = array<i32>} : memref<32768xi32, #tpu.memory_space<vmem>>, vector<16xi32>,
      %parallel_loop3A_380 = tpu.vector_load_idx %arg5[%parallel_loop3A_379] : memref<65536xf32, #tpu.memory_space<vmem>>[vector<16xi32>], vector<16xf32>,
      %parallel_loop3A_381 = arith.addf %parallel_loop3A_365, %parallel_loop3A_380 : vector<16xf32>
      %parallel_loop3A_382 = arith.constant 16 : i32
      %parallel_loop3A_383 = arith.muli %parallel_loop3A_57, %parallel_loop3A_382 : i32
      %parallel_loop3A_384 = arith.constant 10240 : i32
      %parallel_loop3A_385 = arith.addi %parallel_loop3A_384, %parallel_loop3A_383 : i32
      %parallel_loop3A_386 = arith.index_cast %parallel_loop3A_385 : i32 to index
      %parallel_loop3A_387 = tpu.vector_load %arg6[%parallel_loop3A_386] {strides = array<i32>} : memref<32768xi32, #tpu.memory_space<vmem>>, vector<16xi32>,
      %parallel_loop3A_388 = tpu.vector_load_idx %arg5[%parallel_loop3A_387] : memref<65536xf32, #tpu.memory_space<vmem>>[vector<16xi32>], vector<16xf32>,
      %parallel_loop3A_389 = arith.addf %parallel_loop3A_373, %parallel_loop3A_388 : vector<16xf32>
      %parallel_loop3A_390 = arith.constant 16 : i32
      %parallel_loop3A_391 = arith.muli %parallel_loop3A_57, %parallel_loop3A_390 : i32
      %parallel_loop3A_392 = arith.constant 10496 : i32
      %parallel_loop3A_393 = arith.addi %parallel_loop3A_392, %parallel_loop3A_391 : i32
      %parallel_loop3A_394 = arith.index_cast %parallel_loop3A_393 : i32 to index
      %parallel_loop3A_395 = tpu.vector_load %arg6[%parallel_loop3A_394] {strides = array<i32>} : memref<32768xi32, #tpu.memory_space<vmem>>, vector<16xi32>,
      %parallel_loop3A_396 = tpu.vector_load_idx %arg5[%parallel_loop3A_395] : memref<65536xf32, #tpu.memory_space<vmem>>[vector<16xi32>], vector<16xf32>,
      %parallel_loop3A_397 = arith.addf %parallel_loop3A_381, %parallel_loop3A_396 : vector<16xf32>
      %parallel_loop3A_398 = arith.constant 16 : i32
      %parallel_loop3A_399 = arith.muli %parallel_loop3A_57, %parallel_loop3A_398 : i32
      %parallel_loop3A_400 = arith.constant 10752 : i32
      %parallel_loop3A_401 = arith.addi %parallel_loop3A_400, %parallel_loop3A_399 : i32
      %parallel_loop3A_402 = arith.index_cast %parallel_loop3A_401 : i32 to index
      %parallel_loop3A_403 = tpu.vector_load %arg6[%parallel_loop3A_402] {strides = array<i32>} : memref<32768xi32, #tpu.memory_space<vmem>>, vector<16xi32>,
      %parallel_loop3A_404 = tpu.vector_load_idx %arg5[%parallel_loop3A_403] : memref<65536xf32, #tpu.memory_space<vmem>>[vector<16xi32>], vector<16xf32>,
      %parallel_loop3A_405 = arith.addf %parallel_loop3A_389, %parallel_loop3A_404 : vector<16xf32>
      %parallel_loop3A_406 = arith.constant 16 : i32
      %parallel_loop3A_407 = arith.muli %parallel_loop3A_57, %parallel_loop3A_406 : i32
      %parallel_loop3A_408 = arith.constant 11008 : i32
      %parallel_loop3A_409 = arith.addi %parallel_loop3A_408, %parallel_loop3A_407 : i32
      %parallel_loop3A_410 = arith.index_cast %parallel_loop3A_409 : i32 to index
      %parallel_loop3A_411 = tpu.vector_load %arg6[%parallel_loop3A_410] {strides = array<i32>} : memref<32768xi32, #tpu.memory_space<vmem>>, vector<16xi32>,
      %parallel_loop3A_412 = tpu.vector_load_idx %arg5[%parallel_loop3A_411] : memref<65536xf32, #tpu.memory_space<vmem>>[vector<16xi32>], vector<16xf32>,
      %parallel_loop3A_413 = arith.addf %parallel_loop3A_397, %parallel_loop3A_412 : vector<16xf32>
      %parallel_loop3A_414 = arith.constant 16 : i32
      %parallel_loop3A_415 = arith.muli %parallel_loop3A_57, %parallel_loop3A_414 : i32
      %parallel_loop3A_416 = arith.constant 11264 : i32
      %parallel_loop3A_417 = arith.addi %parallel_loop3A_416, %parallel_loop3A_415 : i32
      %parallel_loop3A_418 = arith.index_cast %parallel_loop3A_417 : i32 to index
      %parallel_loop3A_419 = tpu.vector_load %arg6[%parallel_loop3A_418] {strides = array<i32>} : memref<32768xi32, #tpu.memory_space<vmem>>, vector<16xi32>,
      %parallel_loop3A_420 = tpu.vector_load_idx %arg5[%parallel_loop3A_419] : memref<65536xf32, #tpu.memory_space<vmem>>[vector<16xi32>], vector<16xf32>,
      %parallel_loop3A_421 = arith.addf %parallel_loop3A_405, %parallel_loop3A_420 : vector<16xf32>
      %parallel_loop3A_422 = arith.constant 16 : i32
      %parallel_loop3A_423 = arith.muli %parallel_loop3A_57, %parallel_loop3A_422 : i32
      %parallel_loop3A_424 = arith.constant 11520 : i32
      %parallel_loop3A_425 = arith.addi %parallel_loop3A_424, %parallel_loop3A_423 : i32
      %parallel_loop3A_426 = arith.index_cast %parallel_loop3A_425 : i32 to index
      %parallel_loop3A_427 = tpu.vector_load %arg6[%parallel_loop3A_426] {strides = array<i32>} : memref<32768xi32, #tpu.memory_space<vmem>>, vector<16xi32>,
      %parallel_loop3A_428 = tpu.vector_load_idx %arg5[%parallel_loop3A_427] : memref<65536xf32, #tpu.memory_space<vmem>>[vector<16xi32>], vector<16xf32>,
      %parallel_loop3A_429 = arith.addf %parallel_loop3A_413, %parallel_loop3A_428 : vector<16xf32>
      %parallel_loop3A_430 = arith.constant 16 : i32
      %parallel_loop3A_431 = arith.muli %parallel_loop3A_57, %parallel_loop3A_430 : i32
      %parallel_loop3A_432 = arith.constant 11776 : i32
      %parallel_loop3A_433 = arith.addi %parallel_loop3A_432, %parallel_loop3A_431 : i32
      %parallel_loop3A_434 = arith.index_cast %parallel_loop3A_433 : i32 to index
      %parallel_loop3A_435 = tpu.vector_load %arg6[%parallel_loop3A_434] {strides = array<i32>} : memref<32768xi32, #tpu.memory_space<vmem>>, vector<16xi32>,
      %parallel_loop3A_436 = tpu.vector_load_idx %arg5[%parallel_loop3A_435] : memref<65536xf32, #tpu.memory_space<vmem>>[vector<16xi32>], vector<16xf32>,
      %parallel_loop3A_437 = arith.addf %parallel_loop3A_421, %parallel_loop3A_436 : vector<16xf32>
      %parallel_loop3A_438 = arith.constant 16 : i32
      %parallel_loop3A_439 = arith.muli %parallel_loop3A_57, %parallel_loop3A_438 : i32
      %parallel_loop3A_440 = arith.constant 12032 : i32
      %parallel_loop3A_441 = arith.addi %parallel_loop3A_440, %parallel_loop3A_439 : i32
      %parallel_loop3A_442 = arith.index_cast %parallel_loop3A_441 : i32 to index
      %parallel_loop3A_443 = tpu.vector_load %arg6[%parallel_loop3A_442] {strides = array<i32>} : memref<32768xi32, #tpu.memory_space<vmem>>, vector<16xi32>,
      %parallel_loop3A_444 = tpu.vector_load_idx %arg5[%parallel_loop3A_443] : memref<65536xf32, #tpu.memory_space<vmem>>[vector<16xi32>], vector<16xf32>,
      %parallel_loop3A_445 = arith.addf %parallel_loop3A_429, %parallel_loop3A_444 : vector<16xf32>
      %parallel_loop3A_446 = arith.constant 16 : i32
      %parallel_loop3A_447 = arith.muli %parallel_loop3A_57, %parallel_loop3A_446 : i32
      %parallel_loop3A_448 = arith.constant 12288 : i32
      %parallel_loop3A_449 = arith.addi %parallel_loop3A_448, %parallel_loop3A_447 : i32
      %parallel_loop3A_450 = arith.index_cast %parallel_loop3A_449 : i32 to index
      %parallel_loop3A_451 = tpu.vector_load %arg6[%parallel_loop3A_450] {strides = array<i32>} : memref<32768xi32, #tpu.memory_space<vmem>>, vector<16xi32>,
      %parallel_loop3A_452 = tpu.vector_load_idx %arg5[%parallel_loop3A_451] : memref<65536xf32, #tpu.memory_space<vmem>>[vector<16xi32>], vector<16xf32>,
      %parallel_loop3A_453 = arith.addf %parallel_loop3A_437, %parallel_loop3A_452 : vector<16xf32>
      %parallel_loop3A_454 = arith.constant 16 : i32
      %parallel_loop3A_455 = arith.muli %parallel_loop3A_57, %parallel_loop3A_454 : i32
      %parallel_loop3A_456 = arith.constant 12544 : i32
      %parallel_loop3A_457 = arith.addi %parallel_loop3A_456, %parallel_loop3A_455 : i32
      %parallel_loop3A_458 = arith.index_cast %parallel_loop3A_457 : i32 to index
      %parallel_loop3A_459 = tpu.vector_load %arg6[%parallel_loop3A_458] {strides = array<i32>} : memref<32768xi32, #tpu.memory_space<vmem>>, vector<16xi32>,
      %parallel_loop3A_460 = tpu.vector_load_idx %arg5[%parallel_loop3A_459] : memref<65536xf32, #tpu.memory_space<vmem>>[vector<16xi32>], vector<16xf32>,
      %parallel_loop3A_461 = arith.addf %parallel_loop3A_445, %parallel_loop3A_460 : vector<16xf32>
      %parallel_loop3A_462 = arith.constant 16 : i32
      %parallel_loop3A_463 = arith.muli %parallel_loop3A_57, %parallel_loop3A_462 : i32
      %parallel_loop3A_464 = arith.constant 12800 : i32
      %parallel_loop3A_465 = arith.addi %parallel_loop3A_464, %parallel_loop3A_463 : i32
      %parallel_loop3A_466 = arith.index_cast %parallel_loop3A_465 : i32 to index
      %parallel_loop3A_467 = tpu.vector_load %arg6[%parallel_loop3A_466] {strides = array<i32>} : memref<32768xi32, #tpu.memory_space<vmem>>, vector<16xi32>,
      %parallel_loop3A_468 = tpu.vector_load_idx %arg5[%parallel_loop3A_467] : memref<65536xf32, #tpu.memory_space<vmem>>[vector<16xi32>], vector<16xf32>,
      %parallel_loop3A_469 = arith.addf %parallel_loop3A_453, %parallel_loop3A_468 : vector<16xf32>
      %parallel_loop3A_470 = arith.constant 16 : i32
      %parallel_loop3A_471 = arith.muli %parallel_loop3A_57, %parallel_loop3A_470 : i32
      %parallel_loop3A_472 = arith.constant 13056 : i32
      %parallel_loop3A_473 = arith.addi %parallel_loop3A_472, %parallel_loop3A_471 : i32
      %parallel_loop3A_474 = arith.index_cast %parallel_loop3A_473 : i32 to index
      %parallel_loop3A_475 = tpu.vector_load %arg6[%parallel_loop3A_474] {strides = array<i32>} : memref<32768xi32, #tpu.memory_space<vmem>>, vector<16xi32>,
      %parallel_loop3A_476 = tpu.vector_load_idx %arg5[%parallel_loop3A_475] : memref<65536xf32, #tpu.memory_space<vmem>>[vector<16xi32>], vector<16xf32>,
      %parallel_loop3A_477 = arith.addf %parallel_loop3A_461, %parallel_loop3A_476 : vector<16xf32>
      %parallel_loop3A_478 = arith.constant 16 : i32
      %parallel_loop3A_479 = arith.muli %parallel_loop3A_57, %parallel_loop3A_478 : i32
      %parallel_loop3A_480 = arith.constant 13312 : i32
      %parallel_loop3A_481 = arith.addi %parallel_loop3A_480, %parallel_loop3A_479 : i32
      %parallel_loop3A_482 = arith.index_cast %parallel_loop3A_481 : i32 to index
      %parallel_loop3A_483 = tpu.vector_load %arg6[%parallel_loop3A_482] {strides = array<i32>} : memref<32768xi32, #tpu.memory_space<vmem>>, vector<16xi32>,
      %parallel_loop3A_484 = tpu.vector_load_idx %arg5[%parallel_loop3A_483] : memref<65536xf32, #tpu.memory_space<vmem>>[vector<16xi32>], vector<16xf32>,
      %parallel_loop3A_485 = arith.addf %parallel_loop3A_469, %parallel_loop3A_484 : vector<16xf32>
      %parallel_loop3A_486 = arith.constant 16 : i32
      %parallel_loop3A_487 = arith.muli %parallel_loop3A_57, %parallel_loop3A_486 : i32
      %parallel_loop3A_488 = arith.constant 13568 : i32
      %parallel_loop3A_489 = arith.addi %parallel_loop3A_488, %parallel_loop3A_487 : i32
      %parallel_loop3A_490 = arith.index_cast %parallel_loop3A_489 : i32 to index
      %parallel_loop3A_491 = tpu.vector_load %arg6[%parallel_loop3A_490] {strides = array<i32>} : memref<32768xi32, #tpu.memory_space<vmem>>, vector<16xi32>,
      %parallel_loop3A_492 = tpu.vector_load_idx %arg5[%parallel_loop3A_491] : memref<65536xf32, #tpu.memory_space<vmem>>[vector<16xi32>], vector<16xf32>,
      %parallel_loop3A_493 = arith.addf %parallel_loop3A_477, %parallel_loop3A_492 : vector<16xf32>
      %parallel_loop3A_494 = arith.constant 16 : i32
      %parallel_loop3A_495 = arith.muli %parallel_loop3A_57, %parallel_loop3A_494 : i32
      %parallel_loop3A_496 = arith.constant 13824 : i32
      %parallel_loop3A_497 = arith.addi %parallel_loop3A_496, %parallel_loop3A_495 : i32
      %parallel_loop3A_498 = arith.index_cast %parallel_loop3A_497 : i32 to index
      %parallel_loop3A_499 = tpu.vector_load %arg6[%parallel_loop3A_498] {strides = array<i32>} : memref<32768xi32, #tpu.memory_space<vmem>>, vector<16xi32>,
      %parallel_loop3A_500 = tpu.vector_load_idx %arg5[%parallel_loop3A_499] : memref<65536xf32, #tpu.memory_space<vmem>>[vector<16xi32>], vector<16xf32>,
      %parallel_loop3A_501 = arith.addf %parallel_loop3A_485, %parallel_loop3A_500 : vector<16xf32>
      %parallel_loop3A_502 = arith.constant 16 : i32
      %parallel_loop3A_503 = arith.muli %parallel_loop3A_57, %parallel_loop3A_502 : i32
      %parallel_loop3A_504 = arith.constant 14080 : i32
      %parallel_loop3A_505 = arith.addi %parallel_loop3A_504, %parallel_loop3A_503 : i32
      %parallel_loop3A_506 = arith.index_cast %parallel_loop3A_505 : i32 to index
      %parallel_loop3A_507 = tpu.vector_load %arg6[%parallel_loop3A_506] {strides = array<i32>} : memref<32768xi32, #tpu.memory_space<vmem>>, vector<16xi32>,
      %parallel_loop3A_508 = tpu.vector_load_idx %arg5[%parallel_loop3A_507] : memref<65536xf32, #tpu.memory_space<vmem>>[vector<16xi32>], vector<16xf32>,
      %parallel_loop3A_509 = arith.addf %parallel_loop3A_493, %parallel_loop3A_508 : vector<16xf32>
      %parallel_loop3A_510 = arith.constant 16 : i32
      %parallel_loop3A_511 = arith.muli %parallel_loop3A_57, %parallel_loop3A_510 : i32
      %parallel_loop3A_512 = arith.constant 14336 : i32
      %parallel_loop3A_513 = arith.addi %parallel_loop3A_512, %parallel_loop3A_511 : i32
      %parallel_loop3A_514 = arith.index_cast %parallel_loop3A_513 : i32 to index
      %parallel_loop3A_515 = tpu.vector_load %arg6[%parallel_loop3A_514] {strides = array<i32>} : memref<32768xi32, #tpu.memory_space<vmem>>, vector<16xi32>,
      %parallel_loop3A_516 = tpu.vector_load_idx %arg5[%parallel_loop3A_515] : memref<65536xf32, #tpu.memory_space<vmem>>[vector<16xi32>], vector<16xf32>,
      %parallel_loop3A_517 = arith.addf %parallel_loop3A_501, %parallel_loop3A_516 : vector<16xf32>
      %parallel_loop3A_518 = arith.constant 16 : i32
      %parallel_loop3A_519 = arith.muli %parallel_loop3A_57, %parallel_loop3A_518 : i32
      %parallel_loop3A_520 = arith.constant 14592 : i32
      %parallel_loop3A_521 = arith.addi %parallel_loop3A_520, %parallel_loop3A_519 : i32
      %parallel_loop3A_522 = arith.index_cast %parallel_loop3A_521 : i32 to index
      %parallel_loop3A_523 = tpu.vector_load %arg6[%parallel_loop3A_522] {strides = array<i32>} : memref<32768xi32, #tpu.memory_space<vmem>>, vector<16xi32>,
      %parallel_loop3A_524 = tpu.vector_load_idx %arg5[%parallel_loop3A_523] : memref<65536xf32, #tpu.memory_space<vmem>>[vector<16xi32>], vector<16xf32>,
      %parallel_loop3A_525 = arith.addf %parallel_loop3A_509, %parallel_loop3A_524 : vector<16xf32>
      %parallel_loop3A_526 = arith.constant 16 : i32
      %parallel_loop3A_527 = arith.muli %parallel_loop3A_57, %parallel_loop3A_526 : i32
      %parallel_loop3A_528 = arith.constant 14848 : i32
      %parallel_loop3A_529 = arith.addi %parallel_loop3A_528, %parallel_loop3A_527 : i32
      %parallel_loop3A_530 = arith.index_cast %parallel_loop3A_529 : i32 to index
      %parallel_loop3A_531 = tpu.vector_load %arg6[%parallel_loop3A_530] {strides = array<i32>} : memref<32768xi32, #tpu.memory_space<vmem>>, vector<16xi32>,
      %parallel_loop3A_532 = tpu.vector_load_idx %arg5[%parallel_loop3A_531] : memref<65536xf32, #tpu.memory_space<vmem>>[vector<16xi32>], vector<16xf32>,
      %parallel_loop3A_533 = arith.addf %parallel_loop3A_517, %parallel_loop3A_532 : vector<16xf32>
      %parallel_loop3A_534 = arith.constant 16 : i32
      %parallel_loop3A_535 = arith.muli %parallel_loop3A_57, %parallel_loop3A_534 : i32
      %parallel_loop3A_536 = arith.constant 15104 : i32
      %parallel_loop3A_537 = arith.addi %parallel_loop3A_536, %parallel_loop3A_535 : i32
      %parallel_loop3A_538 = arith.index_cast %parallel_loop3A_537 : i32 to index
      %parallel_loop3A_539 = tpu.vector_load %arg6[%parallel_loop3A_538] {strides = array<i32>} : memref<32768xi32, #tpu.memory_space<vmem>>, vector<16xi32>,
      %parallel_loop3A_540 = tpu.vector_load_idx %arg5[%parallel_loop3A_539] : memref<65536xf32, #tpu.memory_space<vmem>>[vector<16xi32>], vector<16xf32>,
      %parallel_loop3A_541 = arith.addf %parallel_loop3A_525, %parallel_loop3A_540 : vector<16xf32>
      %parallel_loop3A_542 = arith.constant 16 : i32
      %parallel_loop3A_543 = arith.muli %parallel_loop3A_57, %parallel_loop3A_542 : i32
      %parallel_loop3A_544 = arith.constant 15360 : i32
      %parallel_loop3A_545 = arith.addi %parallel_loop3A_544, %parallel_loop3A_543 : i32
      %parallel_loop3A_546 = arith.index_cast %parallel_loop3A_545 : i32 to index
      %parallel_loop3A_547 = tpu.vector_load %arg6[%parallel_loop3A_546] {strides = array<i32>} : memref<32768xi32, #tpu.memory_space<vmem>>, vector<16xi32>,
      %parallel_loop3A_548 = tpu.vector_load_idx %arg5[%parallel_loop3A_547] : memref<65536xf32, #tpu.memory_space<vmem>>[vector<16xi32>], vector<16xf32>,
      %parallel_loop3A_549 = arith.addf %parallel_loop3A_533, %parallel_loop3A_548 : vector<16xf32>
      %parallel_loop3A_550 = arith.constant 16 : i32
      %parallel_loop3A_551 = arith.muli %parallel_loop3A_57, %parallel_loop3A_550 : i32
      %parallel_loop3A_552 = arith.constant 15616 : i32
      %parallel_loop3A_553 = arith.addi %parallel_loop3A_552, %parallel_loop3A_551 : i32
      %parallel_loop3A_554 = arith.index_cast %parallel_loop3A_553 : i32 to index
      %parallel_loop3A_555 = tpu.vector_load %arg6[%parallel_loop3A_554] {strides = array<i32>} : memref<32768xi32, #tpu.memory_space<vmem>>, vector<16xi32>,
      %parallel_loop3A_556 = tpu.vector_load_idx %arg5[%parallel_loop3A_555] : memref<65536xf32, #tpu.memory_space<vmem>>[vector<16xi32>], vector<16xf32>,
      %parallel_loop3A_557 = arith.addf %parallel_loop3A_541, %parallel_loop3A_556 : vector<16xf32>
      %parallel_loop3A_558 = arith.constant 16 : i32
      %parallel_loop3A_559 = arith.muli %parallel_loop3A_57, %parallel_loop3A_558 : i32
      %parallel_loop3A_560 = arith.constant 15872 : i32
      %parallel_loop3A_561 = arith.addi %parallel_loop3A_560, %parallel_loop3A_559 : i32
      %parallel_loop3A_562 = arith.index_cast %parallel_loop3A_561 : i32 to index
      %parallel_loop3A_563 = tpu.vector_load %arg6[%parallel_loop3A_562] {strides = array<i32>} : memref<32768xi32, #tpu.memory_space<vmem>>, vector<16xi32>,
      %parallel_loop3A_564 = tpu.vector_load_idx %arg5[%parallel_loop3A_563] : memref<65536xf32, #tpu.memory_space<vmem>>[vector<16xi32>], vector<16xf32>,
      %parallel_loop3A_565 = arith.addf %parallel_loop3A_549, %parallel_loop3A_564 : vector<16xf32>
      %parallel_loop3A_566 = arith.constant 16 : i32
      %parallel_loop3A_567 = arith.muli %parallel_loop3A_57, %parallel_loop3A_566 : i32
      %parallel_loop3A_568 = arith.constant 16128 : i32
      %parallel_loop3A_569 = arith.addi %parallel_loop3A_568, %parallel_loop3A_567 : i32
      %parallel_loop3A_570 = arith.index_cast %parallel_loop3A_569 : i32 to index
      %parallel_loop3A_571 = tpu.vector_load %arg6[%parallel_loop3A_570] {strides = array<i32>} : memref<32768xi32, #tpu.memory_space<vmem>>, vector<16xi32>,
      %parallel_loop3A_572 = tpu.vector_load_idx %arg5[%parallel_loop3A_571] : memref<65536xf32, #tpu.memory_space<vmem>>[vector<16xi32>], vector<16xf32>,
      %parallel_loop3A_573 = arith.addf %parallel_loop3A_557, %parallel_loop3A_572 : vector<16xf32>
      %parallel_loop3A_574 = arith.constant 16 : i32
      %parallel_loop3A_575 = arith.muli %parallel_loop3A_57, %parallel_loop3A_574 : i32
      %parallel_loop3A_576 = arith.constant 16384 : i32
      %parallel_loop3A_577 = arith.addi %parallel_loop3A_576, %parallel_loop3A_575 : i32
      %parallel_loop3A_578 = arith.index_cast %parallel_loop3A_577 : i32 to index
      %parallel_loop3A_579 = tpu.vector_load %arg6[%parallel_loop3A_578] {strides = array<i32>} : memref<32768xi32, #tpu.memory_space<vmem>>, vector<16xi32>,
      %parallel_loop3A_580 = tpu.vector_load_idx %arg5[%parallel_loop3A_579] : memref<65536xf32, #tpu.memory_space<vmem>>[vector<16xi32>], vector<16xf32>,
      %parallel_loop3A_581 = arith.addf %parallel_loop3A_565, %parallel_loop3A_580 : vector<16xf32>
      %parallel_loop3A_582 = arith.constant 16 : i32
      %parallel_loop3A_583 = arith.muli %parallel_loop3A_57, %parallel_loop3A_582 : i32
      %parallel_loop3A_584 = arith.constant 16640 : i32
      %parallel_loop3A_585 = arith.addi %parallel_loop3A_584, %parallel_loop3A_583 : i32
      %parallel_loop3A_586 = arith.index_cast %parallel_loop3A_585 : i32 to index
      %parallel_loop3A_587 = tpu.vector_load %arg6[%parallel_loop3A_586] {strides = array<i32>} : memref<32768xi32, #tpu.memory_space<vmem>>, vector<16xi32>,
      %parallel_loop3A_588 = tpu.vector_load_idx %arg5[%parallel_loop3A_587] : memref<65536xf32, #tpu.memory_space<vmem>>[vector<16xi32>], vector<16xf32>,
      %parallel_loop3A_589 = arith.addf %parallel_loop3A_573, %parallel_loop3A_588 : vector<16xf32>
      %parallel_loop3A_590 = arith.constant 16 : i32
      %parallel_loop3A_591 = arith.muli %parallel_loop3A_57, %parallel_loop3A_590 : i32
      %parallel_loop3A_592 = arith.constant 16896 : i32
      %parallel_loop3A_593 = arith.addi %parallel_loop3A_592, %parallel_loop3A_591 : i32
      %parallel_loop3A_594 = arith.index_cast %parallel_loop3A_593 : i32 to index
      %parallel_loop3A_595 = tpu.vector_load %arg6[%parallel_loop3A_594] {strides = array<i32>} : memref<32768xi32, #tpu.memory_space<vmem>>, vector<16xi32>,
      %parallel_loop3A_596 = tpu.vector_load_idx %arg5[%parallel_loop3A_595] : memref<65536xf32, #tpu.memory_space<vmem>>[vector<16xi32>], vector<16xf32>,
      %parallel_loop3A_597 = arith.addf %parallel_loop3A_581, %parallel_loop3A_596 : vector<16xf32>
      %parallel_loop3A_598 = arith.constant 16 : i32
      %parallel_loop3A_599 = arith.muli %parallel_loop3A_57, %parallel_loop3A_598 : i32
      %parallel_loop3A_600 = arith.constant 17152 : i32
      %parallel_loop3A_601 = arith.addi %parallel_loop3A_600, %parallel_loop3A_599 : i32
      %parallel_loop3A_602 = arith.index_cast %parallel_loop3A_601 : i32 to index
      %parallel_loop3A_603 = tpu.vector_load %arg6[%parallel_loop3A_602] {strides = array<i32>} : memref<32768xi32, #tpu.memory_space<vmem>>, vector<16xi32>,
      %parallel_loop3A_604 = tpu.vector_load_idx %arg5[%parallel_loop3A_603] : memref<65536xf32, #tpu.memory_space<vmem>>[vector<16xi32>], vector<16xf32>,
      %parallel_loop3A_605 = arith.addf %parallel_loop3A_589, %parallel_loop3A_604 : vector<16xf32>
      %parallel_loop3A_606 = arith.constant 16 : i32
      %parallel_loop3A_607 = arith.muli %parallel_loop3A_57, %parallel_loop3A_606 : i32
      %parallel_loop3A_608 = arith.constant 17408 : i32
      %parallel_loop3A_609 = arith.addi %parallel_loop3A_608, %parallel_loop3A_607 : i32
      %parallel_loop3A_610 = arith.index_cast %parallel_loop3A_609 : i32 to index
      %parallel_loop3A_611 = tpu.vector_load %arg6[%parallel_loop3A_610] {strides = array<i32>} : memref<32768xi32, #tpu.memory_space<vmem>>, vector<16xi32>,
      %parallel_loop3A_612 = tpu.vector_load_idx %arg5[%parallel_loop3A_611] : memref<65536xf32, #tpu.memory_space<vmem>>[vector<16xi32>], vector<16xf32>,
      %parallel_loop3A_613 = arith.addf %parallel_loop3A_597, %parallel_loop3A_612 : vector<16xf32>
      %parallel_loop3A_614 = arith.constant 16 : i32
      %parallel_loop3A_615 = arith.muli %parallel_loop3A_57, %parallel_loop3A_614 : i32
      %parallel_loop3A_616 = arith.constant 17664 : i32
      %parallel_loop3A_617 = arith.addi %parallel_loop3A_616, %parallel_loop3A_615 : i32
      %parallel_loop3A_618 = arith.index_cast %parallel_loop3A_617 : i32 to index
      %parallel_loop3A_619 = tpu.vector_load %arg6[%parallel_loop3A_618] {strides = array<i32>} : memref<32768xi32, #tpu.memory_space<vmem>>, vector<16xi32>,
      %parallel_loop3A_620 = tpu.vector_load_idx %arg5[%parallel_loop3A_619] : memref<65536xf32, #tpu.memory_space<vmem>>[vector<16xi32>], vector<16xf32>,
      %parallel_loop3A_621 = arith.addf %parallel_loop3A_605, %parallel_loop3A_620 : vector<16xf32>
      %parallel_loop3A_622 = arith.constant 16 : i32
      %parallel_loop3A_623 = arith.muli %parallel_loop3A_57, %parallel_loop3A_622 : i32
      %parallel_loop3A_624 = arith.constant 17920 : i32
      %parallel_loop3A_625 = arith.addi %parallel_loop3A_624, %parallel_loop3A_623 : i32
      %parallel_loop3A_626 = arith.index_cast %parallel_loop3A_625 : i32 to index
      %parallel_loop3A_627 = tpu.vector_load %arg6[%parallel_loop3A_626] {strides = array<i32>} : memref<32768xi32, #tpu.memory_space<vmem>>, vector<16xi32>,
      %parallel_loop3A_628 = tpu.vector_load_idx %arg5[%parallel_loop3A_627] : memref<65536xf32, #tpu.memory_space<vmem>>[vector<16xi32>], vector<16xf32>,
      %parallel_loop3A_629 = arith.addf %parallel_loop3A_613, %parallel_loop3A_628 : vector<16xf32>
      %parallel_loop3A_630 = arith.constant 16 : i32
      %parallel_loop3A_631 = arith.muli %parallel_loop3A_57, %parallel_loop3A_630 : i32
      %parallel_loop3A_632 = arith.constant 18176 : i32
      %parallel_loop3A_633 = arith.addi %parallel_loop3A_632, %parallel_loop3A_631 : i32
      %parallel_loop3A_634 = arith.index_cast %parallel_loop3A_633 : i32 to index
      %parallel_loop3A_635 = tpu.vector_load %arg6[%parallel_loop3A_634] {strides = array<i32>} : memref<32768xi32, #tpu.memory_space<vmem>>, vector<16xi32>,
      %parallel_loop3A_636 = tpu.vector_load_idx %arg5[%parallel_loop3A_635] : memref<65536xf32, #tpu.memory_space<vmem>>[vector<16xi32>], vector<16xf32>,
      %parallel_loop3A_637 = arith.addf %parallel_loop3A_621, %parallel_loop3A_636 : vector<16xf32>
      %parallel_loop3A_638 = arith.constant 16 : i32
      %parallel_loop3A_639 = arith.muli %parallel_loop3A_57, %parallel_loop3A_638 : i32
      %parallel_loop3A_640 = arith.constant 18432 : i32
      %parallel_loop3A_641 = arith.addi %parallel_loop3A_640, %parallel_loop3A_639 : i32
      %parallel_loop3A_642 = arith.index_cast %parallel_loop3A_641 : i32 to index
      %parallel_loop3A_643 = tpu.vector_load %arg6[%parallel_loop3A_642] {strides = array<i32>} : memref<32768xi32, #tpu.memory_space<vmem>>, vector<16xi32>,
      %parallel_loop3A_644 = tpu.vector_load_idx %arg5[%parallel_loop3A_643] : memref<65536xf32, #tpu.memory_space<vmem>>[vector<16xi32>], vector<16xf32>,
      %parallel_loop3A_645 = arith.addf %parallel_loop3A_629, %parallel_loop3A_644 : vector<16xf32>
      %parallel_loop3A_646 = arith.constant 16 : i32
      %parallel_loop3A_647 = arith.muli %parallel_loop3A_57, %parallel_loop3A_646 : i32
      %parallel_loop3A_648 = arith.constant 18688 : i32
      %parallel_loop3A_649 = arith.addi %parallel_loop3A_648, %parallel_loop3A_647 : i32
      %parallel_loop3A_650 = arith.index_cast %parallel_loop3A_649 : i32 to index
      %parallel_loop3A_651 = tpu.vector_load %arg6[%parallel_loop3A_650] {strides = array<i32>} : memref<32768xi32, #tpu.memory_space<vmem>>, vector<16xi32>,
      %parallel_loop3A_652 = tpu.vector_load_idx %arg5[%parallel_loop3A_651] : memref<65536xf32, #tpu.memory_space<vmem>>[vector<16xi32>], vector<16xf32>,
      %parallel_loop3A_653 = arith.addf %parallel_loop3A_637, %parallel_loop3A_652 : vector<16xf32>
      %parallel_loop3A_654 = arith.constant 16 : i32
      %parallel_loop3A_655 = arith.muli %parallel_loop3A_57, %parallel_loop3A_654 : i32
      %parallel_loop3A_656 = arith.constant 18944 : i32
      %parallel_loop3A_657 = arith.addi %parallel_loop3A_656, %parallel_loop3A_655 : i32
      %parallel_loop3A_658 = arith.index_cast %parallel_loop3A_657 : i32 to index
      %parallel_loop3A_659 = tpu.vector_load %arg6[%parallel_loop3A_658] {strides = array<i32>} : memref<32768xi32, #tpu.memory_space<vmem>>, vector<16xi32>,
      %parallel_loop3A_660 = tpu.vector_load_idx %arg5[%parallel_loop3A_659] : memref<65536xf32, #tpu.memory_space<vmem>>[vector<16xi32>], vector<16xf32>,
      %parallel_loop3A_661 = arith.addf %parallel_loop3A_645, %parallel_loop3A_660 : vector<16xf32>
      %parallel_loop3A_662 = arith.constant 16 : i32
      %parallel_loop3A_663 = arith.muli %parallel_loop3A_57, %parallel_loop3A_662 : i32
      %parallel_loop3A_664 = arith.constant 19200 : i32
      %parallel_loop3A_665 = arith.addi %parallel_loop3A_664, %parallel_loop3A_663 : i32
      %parallel_loop3A_666 = arith.index_cast %parallel_loop3A_665 : i32 to index
      %parallel_loop3A_667 = tpu.vector_load %arg6[%parallel_loop3A_666] {strides = array<i32>} : memref<32768xi32, #tpu.memory_space<vmem>>, vector<16xi32>,
      %parallel_loop3A_668 = tpu.vector_load_idx %arg5[%parallel_loop3A_667] : memref<65536xf32, #tpu.memory_space<vmem>>[vector<16xi32>], vector<16xf32>,
      %parallel_loop3A_669 = arith.addf %parallel_loop3A_653, %parallel_loop3A_668 : vector<16xf32>
      %parallel_loop3A_670 = arith.constant 16 : i32
      %parallel_loop3A_671 = arith.muli %parallel_loop3A_57, %parallel_loop3A_670 : i32
      %parallel_loop3A_672 = arith.constant 19456 : i32
      %parallel_loop3A_673 = arith.addi %parallel_loop3A_672, %parallel_loop3A_671 : i32
      %parallel_loop3A_674 = arith.index_cast %parallel_loop3A_673 : i32 to index
      %parallel_loop3A_675 = tpu.vector_load %arg6[%parallel_loop3A_674] {strides = array<i32>} : memref<32768xi32, #tpu.memory_space<vmem>>, vector<16xi32>,
      %parallel_loop3A_676 = tpu.vector_load_idx %arg5[%parallel_loop3A_675] : memref<65536xf32, #tpu.memory_space<vmem>>[vector<16xi32>], vector<16xf32>,
      %parallel_loop3A_677 = arith.addf %parallel_loop3A_661, %parallel_loop3A_676 : vector<16xf32>
      %parallel_loop3A_678 = arith.constant 16 : i32
      %parallel_loop3A_679 = arith.muli %parallel_loop3A_57, %parallel_loop3A_678 : i32
      %parallel_loop3A_680 = arith.constant 19712 : i32
      %parallel_loop3A_681 = arith.addi %parallel_loop3A_680, %parallel_loop3A_679 : i32
      %parallel_loop3A_682 = arith.index_cast %parallel_loop3A_681 : i32 to index
      %parallel_loop3A_683 = tpu.vector_load %arg6[%parallel_loop3A_682] {strides = array<i32>} : memref<32768xi32, #tpu.memory_space<vmem>>, vector<16xi32>,
      %parallel_loop3A_684 = tpu.vector_load_idx %arg5[%parallel_loop3A_683] : memref<65536xf32, #tpu.memory_space<vmem>>[vector<16xi32>], vector<16xf32>,
      %parallel_loop3A_685 = arith.addf %parallel_loop3A_669, %parallel_loop3A_684 : vector<16xf32>
      %parallel_loop3A_686 = arith.constant 16 : i32
      %parallel_loop3A_687 = arith.muli %parallel_loop3A_57, %parallel_loop3A_686 : i32
      %parallel_loop3A_688 = arith.constant 19968 : i32
      %parallel_loop3A_689 = arith.addi %parallel_loop3A_688, %parallel_loop3A_687 : i32
      %parallel_loop3A_690 = arith.index_cast %parallel_loop3A_689 : i32 to index
      %parallel_loop3A_691 = tpu.vector_load %arg6[%parallel_loop3A_690] {strides = array<i32>} : memref<32768xi32, #tpu.memory_space<vmem>>, vector<16xi32>,
      %parallel_loop3A_692 = tpu.vector_load_idx %arg5[%parallel_loop3A_691] : memref<65536xf32, #tpu.memory_space<vmem>>[vector<16xi32>], vector<16xf32>,
      %parallel_loop3A_693 = arith.addf %parallel_loop3A_677, %parallel_loop3A_692 : vector<16xf32>
      %parallel_loop3A_694 = arith.constant 16 : i32
      %parallel_loop3A_695 = arith.muli %parallel_loop3A_57, %parallel_loop3A_694 : i32
      %parallel_loop3A_696 = arith.constant 20224 : i32
      %parallel_loop3A_697 = arith.addi %parallel_loop3A_696, %parallel_loop3A_695 : i32
      %parallel_loop3A_698 = arith.index_cast %parallel_loop3A_697 : i32 to index
      %parallel_loop3A_699 = tpu.vector_load %arg6[%parallel_loop3A_698] {strides = array<i32>} : memref<32768xi32, #tpu.memory_space<vmem>>, vector<16xi32>,
      %parallel_loop3A_700 = tpu.vector_load_idx %arg5[%parallel_loop3A_699] : memref<65536xf32, #tpu.memory_space<vmem>>[vector<16xi32>], vector<16xf32>,
      %parallel_loop3A_701 = arith.addf %parallel_loop3A_685, %parallel_loop3A_700 : vector<16xf32>
      %parallel_loop3A_702 = arith.constant 16 : i32
      %parallel_loop3A_703 = arith.muli %parallel_loop3A_57, %parallel_loop3A_702 : i32
      %parallel_loop3A_704 = arith.constant 20480 : i32
      %parallel_loop3A_705 = arith.addi %parallel_loop3A_704, %parallel_loop3A_703 : i32
      %parallel_loop3A_706 = arith.index_cast %parallel_loop3A_705 : i32 to index
      %parallel_loop3A_707 = tpu.vector_load %arg6[%parallel_loop3A_706] {strides = array<i32>} : memref<32768xi32, #tpu.memory_space<vmem>>, vector<16xi32>,
      %parallel_loop3A_708 = tpu.vector_load_idx %arg5[%parallel_loop3A_707] : memref<65536xf32, #tpu.memory_space<vmem>>[vector<16xi32>], vector<16xf32>,
      %parallel_loop3A_709 = arith.addf %parallel_loop3A_693, %parallel_loop3A_708 : vector<16xf32>
      %parallel_loop3A_710 = arith.constant 16 : i32
      %parallel_loop3A_711 = arith.muli %parallel_loop3A_57, %parallel_loop3A_710 : i32
      %parallel_loop3A_712 = arith.constant 20736 : i32
      %parallel_loop3A_713 = arith.addi %parallel_loop3A_712, %parallel_loop3A_711 : i32
      %parallel_loop3A_714 = arith.index_cast %parallel_loop3A_713 : i32 to index
      %parallel_loop3A_715 = tpu.vector_load %arg6[%parallel_loop3A_714] {strides = array<i32>} : memref<32768xi32, #tpu.memory_space<vmem>>, vector<16xi32>,
      %parallel_loop3A_716 = tpu.vector_load_idx %arg5[%parallel_loop3A_715] : memref<65536xf32, #tpu.memory_space<vmem>>[vector<16xi32>], vector<16xf32>,
      %parallel_loop3A_717 = arith.addf %parallel_loop3A_701, %parallel_loop3A_716 : vector<16xf32>
      %parallel_loop3A_718 = arith.constant 16 : i32
      %parallel_loop3A_719 = arith.muli %parallel_loop3A_57, %parallel_loop3A_718 : i32
      %parallel_loop3A_720 = arith.constant 20992 : i32
      %parallel_loop3A_721 = arith.addi %parallel_loop3A_720, %parallel_loop3A_719 : i32
      %parallel_loop3A_722 = arith.index_cast %parallel_loop3A_721 : i32 to index
      %parallel_loop3A_723 = tpu.vector_load %arg6[%parallel_loop3A_722] {strides = array<i32>} : memref<32768xi32, #tpu.memory_space<vmem>>, vector<16xi32>,
      %parallel_loop3A_724 = tpu.vector_load_idx %arg5[%parallel_loop3A_723] : memref<65536xf32, #tpu.memory_space<vmem>>[vector<16xi32>], vector<16xf32>,
      %parallel_loop3A_725 = arith.addf %parallel_loop3A_709, %parallel_loop3A_724 : vector<16xf32>
      %parallel_loop3A_726 = arith.constant 16 : i32
      %parallel_loop3A_727 = arith.muli %parallel_loop3A_57, %parallel_loop3A_726 : i32
      %parallel_loop3A_728 = arith.constant 21248 : i32
      %parallel_loop3A_729 = arith.addi %parallel_loop3A_728, %parallel_loop3A_727 : i32
      %parallel_loop3A_730 = arith.index_cast %parallel_loop3A_729 : i32 to index
      %parallel_loop3A_731 = tpu.vector_load %arg6[%parallel_loop3A_730] {strides = array<i32>} : memref<32768xi32, #tpu.memory_space<vmem>>, vector<16xi32>,
      %parallel_loop3A_732 = tpu.vector_load_idx %arg5[%parallel_loop3A_731] : memref<65536xf32, #tpu.memory_space<vmem>>[vector<16xi32>], vector<16xf32>,
      %parallel_loop3A_733 = arith.addf %parallel_loop3A_717, %parallel_loop3A_732 : vector<16xf32>
      %parallel_loop3A_734 = arith.constant 16 : i32
      %parallel_loop3A_735 = arith.muli %parallel_loop3A_57, %parallel_loop3A_734 : i32
      %parallel_loop3A_736 = arith.constant 21504 : i32
      %parallel_loop3A_737 = arith.addi %parallel_loop3A_736, %parallel_loop3A_735 : i32
      %parallel_loop3A_738 = arith.index_cast %parallel_loop3A_737 : i32 to index
      %parallel_loop3A_739 = tpu.vector_load %arg6[%parallel_loop3A_738] {strides = array<i32>} : memref<32768xi32, #tpu.memory_space<vmem>>, vector<16xi32>,
      %parallel_loop3A_740 = tpu.vector_load_idx %arg5[%parallel_loop3A_739] : memref<65536xf32, #tpu.memory_space<vmem>>[vector<16xi32>], vector<16xf32>,
      %parallel_loop3A_741 = arith.addf %parallel_loop3A_725, %parallel_loop3A_740 : vector<16xf32>
      %parallel_loop3A_742 = arith.constant 16 : i32
      %parallel_loop3A_743 = arith.muli %parallel_loop3A_57, %parallel_loop3A_742 : i32
      %parallel_loop3A_744 = arith.constant 21760 : i32
      %parallel_loop3A_745 = arith.addi %parallel_loop3A_744, %parallel_loop3A_743 : i32
      %parallel_loop3A_746 = arith.index_cast %parallel_loop3A_745 : i32 to index
      %parallel_loop3A_747 = tpu.vector_load %arg6[%parallel_loop3A_746] {strides = array<i32>} : memref<32768xi32, #tpu.memory_space<vmem>>, vector<16xi32>,
      %parallel_loop3A_748 = tpu.vector_load_idx %arg5[%parallel_loop3A_747] : memref<65536xf32, #tpu.memory_space<vmem>>[vector<16xi32>], vector<16xf32>,
      %parallel_loop3A_749 = arith.addf %parallel_loop3A_733, %parallel_loop3A_748 : vector<16xf32>
      %parallel_loop3A_750 = arith.constant 16 : i32
      %parallel_loop3A_751 = arith.muli %parallel_loop3A_57, %parallel_loop3A_750 : i32
      %parallel_loop3A_752 = arith.constant 22016 : i32
      %parallel_loop3A_753 = arith.addi %parallel_loop3A_752, %parallel_loop3A_751 : i32
      %parallel_loop3A_754 = arith.index_cast %parallel_loop3A_753 : i32 to index
      %parallel_loop3A_755 = tpu.vector_load %arg6[%parallel_loop3A_754] {strides = array<i32>} : memref<32768xi32, #tpu.memory_space<vmem>>, vector<16xi32>,
      %parallel_loop3A_756 = tpu.vector_load_idx %arg5[%parallel_loop3A_755] : memref<65536xf32, #tpu.memory_space<vmem>>[vector<16xi32>], vector<16xf32>,
      %parallel_loop3A_757 = arith.addf %parallel_loop3A_741, %parallel_loop3A_756 : vector<16xf32>
      %parallel_loop3A_758 = arith.constant 16 : i32
      %parallel_loop3A_759 = arith.muli %parallel_loop3A_57, %parallel_loop3A_758 : i32
      %parallel_loop3A_760 = arith.constant 22272 : i32
      %parallel_loop3A_761 = arith.addi %parallel_loop3A_760, %parallel_loop3A_759 : i32
      %parallel_loop3A_762 = arith.index_cast %parallel_loop3A_761 : i32 to index
      %parallel_loop3A_763 = tpu.vector_load %arg6[%parallel_loop3A_762] {strides = array<i32>} : memref<32768xi32, #tpu.memory_space<vmem>>, vector<16xi32>,
      %parallel_loop3A_764 = tpu.vector_load_idx %arg5[%parallel_loop3A_763] : memref<65536xf32, #tpu.memory_space<vmem>>[vector<16xi32>], vector<16xf32>,
      %parallel_loop3A_765 = arith.addf %parallel_loop3A_749, %parallel_loop3A_764 : vector<16xf32>
      %parallel_loop3A_766 = arith.constant 16 : i32
      %parallel_loop3A_767 = arith.muli %parallel_loop3A_57, %parallel_loop3A_766 : i32
      %parallel_loop3A_768 = arith.constant 22528 : i32
      %parallel_loop3A_769 = arith.addi %parallel_loop3A_768, %parallel_loop3A_767 : i32
      %parallel_loop3A_770 = arith.index_cast %parallel_loop3A_769 : i32 to index
      %parallel_loop3A_771 = tpu.vector_load %arg6[%parallel_loop3A_770] {strides = array<i32>} : memref<32768xi32, #tpu.memory_space<vmem>>, vector<16xi32>,
      %parallel_loop3A_772 = tpu.vector_load_idx %arg5[%parallel_loop3A_771] : memref<65536xf32, #tpu.memory_space<vmem>>[vector<16xi32>], vector<16xf32>,
      %parallel_loop3A_773 = arith.addf %parallel_loop3A_757, %parallel_loop3A_772 : vector<16xf32>
      %parallel_loop3A_774 = arith.constant 16 : i32
      %parallel_loop3A_775 = arith.muli %parallel_loop3A_57, %parallel_loop3A_774 : i32
      %parallel_loop3A_776 = arith.constant 22784 : i32
      %parallel_loop3A_777 = arith.addi %parallel_loop3A_776, %parallel_loop3A_775 : i32
      %parallel_loop3A_778 = arith.index_cast %parallel_loop3A_777 : i32 to index
      %parallel_loop3A_779 = tpu.vector_load %arg6[%parallel_loop3A_778] {strides = array<i32>} : memref<32768xi32, #tpu.memory_space<vmem>>, vector<16xi32>,
      %parallel_loop3A_780 = tpu.vector_load_idx %arg5[%parallel_loop3A_779] : memref<65536xf32, #tpu.memory_space<vmem>>[vector<16xi32>], vector<16xf32>,
      %parallel_loop3A_781 = arith.addf %parallel_loop3A_765, %parallel_loop3A_780 : vector<16xf32>
      %parallel_loop3A_782 = arith.constant 16 : i32
      %parallel_loop3A_783 = arith.muli %parallel_loop3A_57, %parallel_loop3A_782 : i32
      %parallel_loop3A_784 = arith.constant 23040 : i32
      %parallel_loop3A_785 = arith.addi %parallel_loop3A_784, %parallel_loop3A_783 : i32
      %parallel_loop3A_786 = arith.index_cast %parallel_loop3A_785 : i32 to index
      %parallel_loop3A_787 = tpu.vector_load %arg6[%parallel_loop3A_786] {strides = array<i32>} : memref<32768xi32, #tpu.memory_space<vmem>>, vector<16xi32>,
      %parallel_loop3A_788 = tpu.vector_load_idx %arg5[%parallel_loop3A_787] : memref<65536xf32, #tpu.memory_space<vmem>>[vector<16xi32>], vector<16xf32>,
      %parallel_loop3A_789 = arith.addf %parallel_loop3A_773, %parallel_loop3A_788 : vector<16xf32>
      %parallel_loop3A_790 = arith.constant 16 : i32
      %parallel_loop3A_791 = arith.muli %parallel_loop3A_57, %parallel_loop3A_790 : i32
      %parallel_loop3A_792 = arith.constant 23296 : i32
      %parallel_loop3A_793 = arith.addi %parallel_loop3A_792, %parallel_loop3A_791 : i32
      %parallel_loop3A_794 = arith.index_cast %parallel_loop3A_793 : i32 to index
      %parallel_loop3A_795 = tpu.vector_load %arg6[%parallel_loop3A_794] {strides = array<i32>} : memref<32768xi32, #tpu.memory_space<vmem>>, vector<16xi32>,
      %parallel_loop3A_796 = tpu.vector_load_idx %arg5[%parallel_loop3A_795] : memref<65536xf32, #tpu.memory_space<vmem>>[vector<16xi32>], vector<16xf32>,
      %parallel_loop3A_797 = arith.addf %parallel_loop3A_781, %parallel_loop3A_796 : vector<16xf32>
      %parallel_loop3A_798 = arith.constant 16 : i32
      %parallel_loop3A_799 = arith.muli %parallel_loop3A_57, %parallel_loop3A_798 : i32
      %parallel_loop3A_800 = arith.constant 23552 : i32
      %parallel_loop3A_801 = arith.addi %parallel_loop3A_800, %parallel_loop3A_799 : i32
      %parallel_loop3A_802 = arith.index_cast %parallel_loop3A_801 : i32 to index
      %parallel_loop3A_803 = tpu.vector_load %arg6[%parallel_loop3A_802] {strides = array<i32>} : memref<32768xi32, #tpu.memory_space<vmem>>, vector<16xi32>,
      %parallel_loop3A_804 = tpu.vector_load_idx %arg5[%parallel_loop3A_803] : memref<65536xf32, #tpu.memory_space<vmem>>[vector<16xi32>], vector<16xf32>,
      %parallel_loop3A_805 = arith.addf %parallel_loop3A_789, %parallel_loop3A_804 : vector<16xf32>
      %parallel_loop3A_806 = arith.constant 16 : i32
      %parallel_loop3A_807 = arith.muli %parallel_loop3A_57, %parallel_loop3A_806 : i32
      %parallel_loop3A_808 = arith.constant 23808 : i32
      %parallel_loop3A_809 = arith.addi %parallel_loop3A_808, %parallel_loop3A_807 : i32
      %parallel_loop3A_810 = arith.index_cast %parallel_loop3A_809 : i32 to index
      %parallel_loop3A_811 = tpu.vector_load %arg6[%parallel_loop3A_810] {strides = array<i32>} : memref<32768xi32, #tpu.memory_space<vmem>>, vector<16xi32>,
      %parallel_loop3A_812 = tpu.vector_load_idx %arg5[%parallel_loop3A_811] : memref<65536xf32, #tpu.memory_space<vmem>>[vector<16xi32>], vector<16xf32>,
      %parallel_loop3A_813 = arith.addf %parallel_loop3A_797, %parallel_loop3A_812 : vector<16xf32>
      %parallel_loop3A_814 = arith.constant 16 : i32
      %parallel_loop3A_815 = arith.muli %parallel_loop3A_57, %parallel_loop3A_814 : i32
      %parallel_loop3A_816 = arith.constant 24064 : i32
      %parallel_loop3A_817 = arith.addi %parallel_loop3A_816, %parallel_loop3A_815 : i32
      %parallel_loop3A_818 = arith.index_cast %parallel_loop3A_817 : i32 to index
      %parallel_loop3A_819 = tpu.vector_load %arg6[%parallel_loop3A_818] {strides = array<i32>} : memref<32768xi32, #tpu.memory_space<vmem>>, vector<16xi32>,
      %parallel_loop3A_820 = tpu.vector_load_idx %arg5[%parallel_loop3A_819] : memref<65536xf32, #tpu.memory_space<vmem>>[vector<16xi32>], vector<16xf32>,
      %parallel_loop3A_821 = arith.addf %parallel_loop3A_805, %parallel_loop3A_820 : vector<16xf32>
      %parallel_loop3A_822 = arith.constant 16 : i32
      %parallel_loop3A_823 = arith.muli %parallel_loop3A_57, %parallel_loop3A_822 : i32
      %parallel_loop3A_824 = arith.constant 24320 : i32
      %parallel_loop3A_825 = arith.addi %parallel_loop3A_824, %parallel_loop3A_823 : i32
      %parallel_loop3A_826 = arith.index_cast %parallel_loop3A_825 : i32 to index
      %parallel_loop3A_827 = tpu.vector_load %arg6[%parallel_loop3A_826] {strides = array<i32>} : memref<32768xi32, #tpu.memory_space<vmem>>, vector<16xi32>,
      %parallel_loop3A_828 = tpu.vector_load_idx %arg5[%parallel_loop3A_827] : memref<65536xf32, #tpu.memory_space<vmem>>[vector<16xi32>], vector<16xf32>,
      %parallel_loop3A_829 = arith.addf %parallel_loop3A_813, %parallel_loop3A_828 : vector<16xf32>
      %parallel_loop3A_830 = arith.constant 16 : i32
      %parallel_loop3A_831 = arith.muli %parallel_loop3A_57, %parallel_loop3A_830 : i32
      %parallel_loop3A_832 = arith.constant 24576 : i32
      %parallel_loop3A_833 = arith.addi %parallel_loop3A_832, %parallel_loop3A_831 : i32
      %parallel_loop3A_834 = arith.index_cast %parallel_loop3A_833 : i32 to index
      %parallel_loop3A_835 = tpu.vector_load %arg6[%parallel_loop3A_834] {strides = array<i32>} : memref<32768xi32, #tpu.memory_space<vmem>>, vector<16xi32>,
      %parallel_loop3A_836 = tpu.vector_load_idx %arg5[%parallel_loop3A_835] : memref<65536xf32, #tpu.memory_space<vmem>>[vector<16xi32>], vector<16xf32>,
      %parallel_loop3A_837 = arith.addf %parallel_loop3A_821, %parallel_loop3A_836 : vector<16xf32>
      %parallel_loop3A_838 = arith.constant 16 : i32
      %parallel_loop3A_839 = arith.muli %parallel_loop3A_57, %parallel_loop3A_838 : i32
      %parallel_loop3A_840 = arith.constant 24832 : i32
      %parallel_loop3A_841 = arith.addi %parallel_loop3A_840, %parallel_loop3A_839 : i32
      %parallel_loop3A_842 = arith.index_cast %parallel_loop3A_841 : i32 to index
      %parallel_loop3A_843 = tpu.vector_load %arg6[%parallel_loop3A_842] {strides = array<i32>} : memref<32768xi32, #tpu.memory_space<vmem>>, vector<16xi32>,
      %parallel_loop3A_844 = tpu.vector_load_idx %arg5[%parallel_loop3A_843] : memref<65536xf32, #tpu.memory_space<vmem>>[vector<16xi32>], vector<16xf32>,
      %parallel_loop3A_845 = arith.addf %parallel_loop3A_829, %parallel_loop3A_844 : vector<16xf32>
      %parallel_loop3A_846 = arith.constant 16 : i32
      %parallel_loop3A_847 = arith.muli %parallel_loop3A_57, %parallel_loop3A_846 : i32
      %parallel_loop3A_848 = arith.constant 25088 : i32
      %parallel_loop3A_849 = arith.addi %parallel_loop3A_848, %parallel_loop3A_847 : i32
      %parallel_loop3A_850 = arith.index_cast %parallel_loop3A_849 : i32 to index
      %parallel_loop3A_851 = tpu.vector_load %arg6[%parallel_loop3A_850] {strides = array<i32>} : memref<32768xi32, #tpu.memory_space<vmem>>, vector<16xi32>,
      %parallel_loop3A_852 = tpu.vector_load_idx %arg5[%parallel_loop3A_851] : memref<65536xf32, #tpu.memory_space<vmem>>[vector<16xi32>], vector<16xf32>,
      %parallel_loop3A_853 = arith.addf %parallel_loop3A_837, %parallel_loop3A_852 : vector<16xf32>
      %parallel_loop3A_854 = arith.constant 16 : i32
      %parallel_loop3A_855 = arith.muli %parallel_loop3A_57, %parallel_loop3A_854 : i32
      %parallel_loop3A_856 = arith.constant 25344 : i32
      %parallel_loop3A_857 = arith.addi %parallel_loop3A_856, %parallel_loop3A_855 : i32
      %parallel_loop3A_858 = arith.index_cast %parallel_loop3A_857 : i32 to index
      %parallel_loop3A_859 = tpu.vector_load %arg6[%parallel_loop3A_858] {strides = array<i32>} : memref<32768xi32, #tpu.memory_space<vmem>>, vector<16xi32>,
      %parallel_loop3A_860 = tpu.vector_load_idx %arg5[%parallel_loop3A_859] : memref<65536xf32, #tpu.memory_space<vmem>>[vector<16xi32>], vector<16xf32>,
      %parallel_loop3A_861 = arith.addf %parallel_loop3A_845, %parallel_loop3A_860 : vector<16xf32>
      %parallel_loop3A_862 = arith.constant 16 : i32
      %parallel_loop3A_863 = arith.muli %parallel_loop3A_57, %parallel_loop3A_862 : i32
      %parallel_loop3A_864 = arith.constant 25600 : i32
      %parallel_loop3A_865 = arith.addi %parallel_loop3A_864, %parallel_loop3A_863 : i32
      %parallel_loop3A_866 = arith.index_cast %parallel_loop3A_865 : i32 to index
      %parallel_loop3A_867 = tpu.vector_load %arg6[%parallel_loop3A_866] {strides = array<i32>} : memref<32768xi32, #tpu.memory_space<vmem>>, vector<16xi32>,
      %parallel_loop3A_868 = tpu.vector_load_idx %arg5[%parallel_loop3A_867] : memref<65536xf32, #tpu.memory_space<vmem>>[vector<16xi32>], vector<16xf32>,
      %parallel_loop3A_869 = arith.addf %parallel_loop3A_853, %parallel_loop3A_868 : vector<16xf32>
      %parallel_loop3A_870 = arith.constant 16 : i32
      %parallel_loop3A_871 = arith.muli %parallel_loop3A_57, %parallel_loop3A_870 : i32
      %parallel_loop3A_872 = arith.constant 25856 : i32
      %parallel_loop3A_873 = arith.addi %parallel_loop3A_872, %parallel_loop3A_871 : i32
      %parallel_loop3A_874 = arith.index_cast %parallel_loop3A_873 : i32 to index
      %parallel_loop3A_875 = tpu.vector_load %arg6[%parallel_loop3A_874] {strides = array<i32>} : memref<32768xi32, #tpu.memory_space<vmem>>, vector<16xi32>,
      %parallel_loop3A_876 = tpu.vector_load_idx %arg5[%parallel_loop3A_875] : memref<65536xf32, #tpu.memory_space<vmem>>[vector<16xi32>], vector<16xf32>,
      %parallel_loop3A_877 = arith.addf %parallel_loop3A_861, %parallel_loop3A_876 : vector<16xf32>
      %parallel_loop3A_878 = arith.constant 16 : i32
      %parallel_loop3A_879 = arith.muli %parallel_loop3A_57, %parallel_loop3A_878 : i32
      %parallel_loop3A_880 = arith.constant 26112 : i32
      %parallel_loop3A_881 = arith.addi %parallel_loop3A_880, %parallel_loop3A_879 : i32
      %parallel_loop3A_882 = arith.index_cast %parallel_loop3A_881 : i32 to index
      %parallel_loop3A_883 = tpu.vector_load %arg6[%parallel_loop3A_882] {strides = array<i32>} : memref<32768xi32, #tpu.memory_space<vmem>>, vector<16xi32>,
      %parallel_loop3A_884 = tpu.vector_load_idx %arg5[%parallel_loop3A_883] : memref<65536xf32, #tpu.memory_space<vmem>>[vector<16xi32>], vector<16xf32>,
      %parallel_loop3A_885 = arith.addf %parallel_loop3A_869, %parallel_loop3A_884 : vector<16xf32>
      %parallel_loop3A_886 = arith.constant 16 : i32
      %parallel_loop3A_887 = arith.muli %parallel_loop3A_57, %parallel_loop3A_886 : i32
      %parallel_loop3A_888 = arith.constant 26368 : i32
      %parallel_loop3A_889 = arith.addi %parallel_loop3A_888, %parallel_loop3A_887 : i32
      %parallel_loop3A_890 = arith.index_cast %parallel_loop3A_889 : i32 to index
      %parallel_loop3A_891 = tpu.vector_load %arg6[%parallel_loop3A_890] {strides = array<i32>} : memref<32768xi32, #tpu.memory_space<vmem>>, vector<16xi32>,
      %parallel_loop3A_892 = tpu.vector_load_idx %arg5[%parallel_loop3A_891] : memref<65536xf32, #tpu.memory_space<vmem>>[vector<16xi32>], vector<16xf32>,
      %parallel_loop3A_893 = arith.addf %parallel_loop3A_877, %parallel_loop3A_892 : vector<16xf32>
      %parallel_loop3A_894 = arith.constant 16 : i32
      %parallel_loop3A_895 = arith.muli %parallel_loop3A_57, %parallel_loop3A_894 : i32
      %parallel_loop3A_896 = arith.constant 26624 : i32
      %parallel_loop3A_897 = arith.addi %parallel_loop3A_896, %parallel_loop3A_895 : i32
      %parallel_loop3A_898 = arith.index_cast %parallel_loop3A_897 : i32 to index
      %parallel_loop3A_899 = tpu.vector_load %arg6[%parallel_loop3A_898] {strides = array<i32>} : memref<32768xi32, #tpu.memory_space<vmem>>, vector<16xi32>,
      %parallel_loop3A_900 = tpu.vector_load_idx %arg5[%parallel_loop3A_899] : memref<65536xf32, #tpu.memory_space<vmem>>[vector<16xi32>], vector<16xf32>,
      %parallel_loop3A_901 = arith.addf %parallel_loop3A_885, %parallel_loop3A_900 : vector<16xf32>
      %parallel_loop3A_902 = arith.constant 16 : i32
      %parallel_loop3A_903 = arith.muli %parallel_loop3A_57, %parallel_loop3A_902 : i32
      %parallel_loop3A_904 = arith.constant 26880 : i32
      %parallel_loop3A_905 = arith.addi %parallel_loop3A_904, %parallel_loop3A_903 : i32
      %parallel_loop3A_906 = arith.index_cast %parallel_loop3A_905 : i32 to index
      %parallel_loop3A_907 = tpu.vector_load %arg6[%parallel_loop3A_906] {strides = array<i32>} : memref<32768xi32, #tpu.memory_space<vmem>>, vector<16xi32>,
      %parallel_loop3A_908 = tpu.vector_load_idx %arg5[%parallel_loop3A_907] : memref<65536xf32, #tpu.memory_space<vmem>>[vector<16xi32>], vector<16xf32>,
      %parallel_loop3A_909 = arith.addf %parallel_loop3A_893, %parallel_loop3A_908 : vector<16xf32>
      %parallel_loop3A_910 = arith.constant 16 : i32
      %parallel_loop3A_911 = arith.muli %parallel_loop3A_57, %parallel_loop3A_910 : i32
      %parallel_loop3A_912 = arith.constant 27136 : i32
      %parallel_loop3A_913 = arith.addi %parallel_loop3A_912, %parallel_loop3A_911 : i32
      %parallel_loop3A_914 = arith.index_cast %parallel_loop3A_913 : i32 to index
      %parallel_loop3A_915 = tpu.vector_load %arg6[%parallel_loop3A_914] {strides = array<i32>} : memref<32768xi32, #tpu.memory_space<vmem>>, vector<16xi32>,
      %parallel_loop3A_916 = tpu.vector_load_idx %arg5[%parallel_loop3A_915] : memref<65536xf32, #tpu.memory_space<vmem>>[vector<16xi32>], vector<16xf32>,
      %parallel_loop3A_917 = arith.addf %parallel_loop3A_901, %parallel_loop3A_916 : vector<16xf32>
      %parallel_loop3A_918 = arith.constant 16 : i32
      %parallel_loop3A_919 = arith.muli %parallel_loop3A_57, %parallel_loop3A_918 : i32
      %parallel_loop3A_920 = arith.constant 27392 : i32
      %parallel_loop3A_921 = arith.addi %parallel_loop3A_920, %parallel_loop3A_919 : i32
      %parallel_loop3A_922 = arith.index_cast %parallel_loop3A_921 : i32 to index
      %parallel_loop3A_923 = tpu.vector_load %arg6[%parallel_loop3A_922] {strides = array<i32>} : memref<32768xi32, #tpu.memory_space<vmem>>, vector<16xi32>,
      %parallel_loop3A_924 = tpu.vector_load_idx %arg5[%parallel_loop3A_923] : memref<65536xf32, #tpu.memory_space<vmem>>[vector<16xi32>], vector<16xf32>,
      %parallel_loop3A_925 = arith.addf %parallel_loop3A_909, %parallel_loop3A_924 : vector<16xf32>
      %parallel_loop3A_926 = arith.constant 16 : i32
      %parallel_loop3A_927 = arith.muli %parallel_loop3A_57, %parallel_loop3A_926 : i32
      %parallel_loop3A_928 = arith.constant 27648 : i32
      %parallel_loop3A_929 = arith.addi %parallel_loop3A_928, %parallel_loop3A_927 : i32
      %parallel_loop3A_930 = arith.index_cast %parallel_loop3A_929 : i32 to index
      %parallel_loop3A_931 = tpu.vector_load %arg6[%parallel_loop3A_930] {strides = array<i32>} : memref<32768xi32, #tpu.memory_space<vmem>>, vector<16xi32>,
      %parallel_loop3A_932 = tpu.vector_load_idx %arg5[%parallel_loop3A_931] : memref<65536xf32, #tpu.memory_space<vmem>>[vector<16xi32>], vector<16xf32>,
      %parallel_loop3A_933 = arith.addf %parallel_loop3A_917, %parallel_loop3A_932 : vector<16xf32>
      %parallel_loop3A_934 = arith.constant 16 : i32
      %parallel_loop3A_935 = arith.muli %parallel_loop3A_57, %parallel_loop3A_934 : i32
      %parallel_loop3A_936 = arith.constant 27904 : i32
      %parallel_loop3A_937 = arith.addi %parallel_loop3A_936, %parallel_loop3A_935 : i32
      %parallel_loop3A_938 = arith.index_cast %parallel_loop3A_937 : i32 to index
      %parallel_loop3A_939 = tpu.vector_load %arg6[%parallel_loop3A_938] {strides = array<i32>} : memref<32768xi32, #tpu.memory_space<vmem>>, vector<16xi32>,
      %parallel_loop3A_940 = tpu.vector_load_idx %arg5[%parallel_loop3A_939] : memref<65536xf32, #tpu.memory_space<vmem>>[vector<16xi32>], vector<16xf32>,
      %parallel_loop3A_941 = arith.addf %parallel_loop3A_925, %parallel_loop3A_940 : vector<16xf32>
      %parallel_loop3A_942 = arith.constant 16 : i32
      %parallel_loop3A_943 = arith.muli %parallel_loop3A_57, %parallel_loop3A_942 : i32
      %parallel_loop3A_944 = arith.constant 28160 : i32
      %parallel_loop3A_945 = arith.addi %parallel_loop3A_944, %parallel_loop3A_943 : i32
      %parallel_loop3A_946 = arith.index_cast %parallel_loop3A_945 : i32 to index
      %parallel_loop3A_947 = tpu.vector_load %arg6[%parallel_loop3A_946] {strides = array<i32>} : memref<32768xi32, #tpu.memory_space<vmem>>, vector<16xi32>,
      %parallel_loop3A_948 = tpu.vector_load_idx %arg5[%parallel_loop3A_947] : memref<65536xf32, #tpu.memory_space<vmem>>[vector<16xi32>], vector<16xf32>,
      %parallel_loop3A_949 = arith.addf %parallel_loop3A_933, %parallel_loop3A_948 : vector<16xf32>
      %parallel_loop3A_950 = arith.constant 16 : i32
      %parallel_loop3A_951 = arith.muli %parallel_loop3A_57, %parallel_loop3A_950 : i32
      %parallel_loop3A_952 = arith.constant 28416 : i32
      %parallel_loop3A_953 = arith.addi %parallel_loop3A_952, %parallel_loop3A_951 : i32
      %parallel_loop3A_954 = arith.index_cast %parallel_loop3A_953 : i32 to index
      %parallel_loop3A_955 = tpu.vector_load %arg6[%parallel_loop3A_954] {strides = array<i32>} : memref<32768xi32, #tpu.memory_space<vmem>>, vector<16xi32>,
      %parallel_loop3A_956 = tpu.vector_load_idx %arg5[%parallel_loop3A_955] : memref<65536xf32, #tpu.memory_space<vmem>>[vector<16xi32>], vector<16xf32>,
      %parallel_loop3A_957 = arith.addf %parallel_loop3A_941, %parallel_loop3A_956 : vector<16xf32>
      %parallel_loop3A_958 = arith.constant 16 : i32
      %parallel_loop3A_959 = arith.muli %parallel_loop3A_57, %parallel_loop3A_958 : i32
      %parallel_loop3A_960 = arith.constant 28672 : i32
      %parallel_loop3A_961 = arith.addi %parallel_loop3A_960, %parallel_loop3A_959 : i32
      %parallel_loop3A_962 = arith.index_cast %parallel_loop3A_961 : i32 to index
      %parallel_loop3A_963 = tpu.vector_load %arg6[%parallel_loop3A_962] {strides = array<i32>} : memref<32768xi32, #tpu.memory_space<vmem>>, vector<16xi32>,
      %parallel_loop3A_964 = tpu.vector_load_idx %arg5[%parallel_loop3A_963] : memref<65536xf32, #tpu.memory_space<vmem>>[vector<16xi32>], vector<16xf32>,
      %parallel_loop3A_965 = arith.addf %parallel_loop3A_949, %parallel_loop3A_964 : vector<16xf32>
      %parallel_loop3A_966 = arith.constant 16 : i32
      %parallel_loop3A_967 = arith.muli %parallel_loop3A_57, %parallel_loop3A_966 : i32
      %parallel_loop3A_968 = arith.constant 28928 : i32
      %parallel_loop3A_969 = arith.addi %parallel_loop3A_968, %parallel_loop3A_967 : i32
      %parallel_loop3A_970 = arith.index_cast %parallel_loop3A_969 : i32 to index
      %parallel_loop3A_971 = tpu.vector_load %arg6[%parallel_loop3A_970] {strides = array<i32>} : memref<32768xi32, #tpu.memory_space<vmem>>, vector<16xi32>,
      %parallel_loop3A_972 = tpu.vector_load_idx %arg5[%parallel_loop3A_971] : memref<65536xf32, #tpu.memory_space<vmem>>[vector<16xi32>], vector<16xf32>,
      %parallel_loop3A_973 = arith.addf %parallel_loop3A_957, %parallel_loop3A_972 : vector<16xf32>
      %parallel_loop3A_974 = arith.constant 16 : i32
      %parallel_loop3A_975 = arith.muli %parallel_loop3A_57, %parallel_loop3A_974 : i32
      %parallel_loop3A_976 = arith.constant 29184 : i32
      %parallel_loop3A_977 = arith.addi %parallel_loop3A_976, %parallel_loop3A_975 : i32
      %parallel_loop3A_978 = arith.index_cast %parallel_loop3A_977 : i32 to index
      %parallel_loop3A_979 = tpu.vector_load %arg6[%parallel_loop3A_978] {strides = array<i32>} : memref<32768xi32, #tpu.memory_space<vmem>>, vector<16xi32>,
      %parallel_loop3A_980 = tpu.vector_load_idx %arg5[%parallel_loop3A_979] : memref<65536xf32, #tpu.memory_space<vmem>>[vector<16xi32>], vector<16xf32>,
      %parallel_loop3A_981 = arith.addf %parallel_loop3A_965, %parallel_loop3A_980 : vector<16xf32>
      %parallel_loop3A_982 = arith.constant 16 : i32
      %parallel_loop3A_983 = arith.muli %parallel_loop3A_57, %parallel_loop3A_982 : i32
      %parallel_loop3A_984 = arith.constant 29440 : i32
      %parallel_loop3A_985 = arith.addi %parallel_loop3A_984, %parallel_loop3A_983 : i32
      %parallel_loop3A_986 = arith.index_cast %parallel_loop3A_985 : i32 to index
      %parallel_loop3A_987 = tpu.vector_load %arg6[%parallel_loop3A_986] {strides = array<i32>} : memref<32768xi32, #tpu.memory_space<vmem>>, vector<16xi32>,
      %parallel_loop3A_988 = tpu.vector_load_idx %arg5[%parallel_loop3A_987] : memref<65536xf32, #tpu.memory_space<vmem>>[vector<16xi32>], vector<16xf32>,
      %parallel_loop3A_989 = arith.addf %parallel_loop3A_973, %parallel_loop3A_988 : vector<16xf32>
      %parallel_loop3A_990 = arith.constant 16 : i32
      %parallel_loop3A_991 = arith.muli %parallel_loop3A_57, %parallel_loop3A_990 : i32
      %parallel_loop3A_992 = arith.constant 29696 : i32
      %parallel_loop3A_993 = arith.addi %parallel_loop3A_992, %parallel_loop3A_991 : i32
      %parallel_loop3A_994 = arith.index_cast %parallel_loop3A_993 : i32 to index
      %parallel_loop3A_995 = tpu.vector_load %arg6[%parallel_loop3A_994] {strides = array<i32>} : memref<32768xi32, #tpu.memory_space<vmem>>, vector<16xi32>,
      %parallel_loop3A_996 = tpu.vector_load_idx %arg5[%parallel_loop3A_995] : memref<65536xf32, #tpu.memory_space<vmem>>[vector<16xi32>], vector<16xf32>,
      %parallel_loop3A_997 = arith.addf %parallel_loop3A_981, %parallel_loop3A_996 : vector<16xf32>
      %parallel_loop3A_998 = arith.constant 16 : i32
      %parallel_loop3A_999 = arith.muli %parallel_loop3A_57, %parallel_loop3A_998 : i32
      %parallel_loop3A_1000 = arith.constant 29952 : i32
      %parallel_loop3A_1001 = arith.addi %parallel_loop3A_1000, %parallel_loop3A_999 : i32
      %parallel_loop3A_1002 = arith.index_cast %parallel_loop3A_1001 : i32 to index
      %parallel_loop3A_1003 = tpu.vector_load %arg6[%parallel_loop3A_1002] {strides = array<i32>} : memref<32768xi32, #tpu.memory_space<vmem>>, vector<16xi32>,
      %parallel_loop3A_1004 = tpu.vector_load_idx %arg5[%parallel_loop3A_1003] : memref<65536xf32, #tpu.memory_space<vmem>>[vector<16xi32>], vector<16xf32>,
      %parallel_loop3A_1005 = arith.addf %parallel_loop3A_989, %parallel_loop3A_1004 : vector<16xf32>
      %parallel_loop3A_1006 = arith.constant 16 : i32
      %parallel_loop3A_1007 = arith.muli %parallel_loop3A_57, %parallel_loop3A_1006 : i32
      %parallel_loop3A_1008 = arith.constant 30208 : i32
      %parallel_loop3A_1009 = arith.addi %parallel_loop3A_1008, %parallel_loop3A_1007 : i32
      %parallel_loop3A_1010 = arith.index_cast %parallel_loop3A_1009 : i32 to index
      %parallel_loop3A_1011 = tpu.vector_load %arg6[%parallel_loop3A_1010] {strides = array<i32>} : memref<32768xi32, #tpu.memory_space<vmem>>, vector<16xi32>,
      %parallel_loop3A_1012 = tpu.vector_load_idx %arg5[%parallel_loop3A_1011] : memref<65536xf32, #tpu.memory_space<vmem>>[vector<16xi32>], vector<16xf32>,
      %parallel_loop3A_1013 = arith.addf %parallel_loop3A_997, %parallel_loop3A_1012 : vector<16xf32>
      %parallel_loop3A_1014 = arith.constant 16 : i32
      %parallel_loop3A_1015 = arith.muli %parallel_loop3A_57, %parallel_loop3A_1014 : i32
      %parallel_loop3A_1016 = arith.constant 30464 : i32
      %parallel_loop3A_1017 = arith.addi %parallel_loop3A_1016, %parallel_loop3A_1015 : i32
      %parallel_loop3A_1018 = arith.index_cast %parallel_loop3A_1017 : i32 to index
      %parallel_loop3A_1019 = tpu.vector_load %arg6[%parallel_loop3A_1018] {strides = array<i32>} : memref<32768xi32, #tpu.memory_space<vmem>>, vector<16xi32>,
      %parallel_loop3A_1020 = tpu.vector_load_idx %arg5[%parallel_loop3A_1019] : memref<65536xf32, #tpu.memory_space<vmem>>[vector<16xi32>], vector<16xf32>,
      %parallel_loop3A_1021 = arith.addf %parallel_loop3A_1005, %parallel_loop3A_1020 : vector<16xf32>
      %parallel_loop3A_1022 = arith.constant 16 : i32
      %parallel_loop3A_1023 = arith.muli %parallel_loop3A_57, %parallel_loop3A_1022 : i32
      %parallel_loop3A_1024 = arith.constant 30720 : i32
      %parallel_loop3A_1025 = arith.addi %parallel_loop3A_1024, %parallel_loop3A_1023 : i32
      %parallel_loop3A_1026 = arith.index_cast %parallel_loop3A_1025 : i32 to index
      %parallel_loop3A_1027 = tpu.vector_load %arg6[%parallel_loop3A_1026] {strides = array<i32>} : memref<32768xi32, #tpu.memory_space<vmem>>, vector<16xi32>,
      %parallel_loop3A_1028 = tpu.vector_load_idx %arg5[%parallel_loop3A_1027] : memref<65536xf32, #tpu.memory_space<vmem>>[vector<16xi32>], vector<16xf32>,
      %parallel_loop3A_1029 = arith.addf %parallel_loop3A_1013, %parallel_loop3A_1028 : vector<16xf32>
      %parallel_loop3A_1030 = arith.constant 16 : i32
      %parallel_loop3A_1031 = arith.muli %parallel_loop3A_57, %parallel_loop3A_1030 : i32
      %parallel_loop3A_1032 = arith.constant 30976 : i32
      %parallel_loop3A_1033 = arith.addi %parallel_loop3A_1032, %parallel_loop3A_1031 : i32
      %parallel_loop3A_1034 = arith.index_cast %parallel_loop3A_1033 : i32 to index
      %parallel_loop3A_1035 = tpu.vector_load %arg6[%parallel_loop3A_1034] {strides = array<i32>} : memref<32768xi32, #tpu.memory_space<vmem>>, vector<16xi32>,
      %parallel_loop3A_1036 = tpu.vector_load_idx %arg5[%parallel_loop3A_1035] : memref<65536xf32, #tpu.memory_space<vmem>>[vector<16xi32>], vector<16xf32>,
      %parallel_loop3A_1037 = arith.addf %parallel_loop3A_1021, %parallel_loop3A_1036 : vector<16xf32>
      %parallel_loop3A_1038 = arith.constant 16 : i32
      %parallel_loop3A_1039 = arith.muli %parallel_loop3A_57, %parallel_loop3A_1038 : i32
      %parallel_loop3A_1040 = arith.constant 31232 : i32
      %parallel_loop3A_1041 = arith.addi %parallel_loop3A_1040, %parallel_loop3A_1039 : i32
      %parallel_loop3A_1042 = arith.index_cast %parallel_loop3A_1041 : i32 to index
      %parallel_loop3A_1043 = tpu.vector_load %arg6[%parallel_loop3A_1042] {strides = array<i32>} : memref<32768xi32, #tpu.memory_space<vmem>>, vector<16xi32>,
      %parallel_loop3A_1044 = tpu.vector_load_idx %arg5[%parallel_loop3A_1043] : memref<65536xf32, #tpu.memory_space<vmem>>[vector<16xi32>], vector<16xf32>,
      %parallel_loop3A_1045 = arith.addf %parallel_loop3A_1029, %parallel_loop3A_1044 : vector<16xf32>
      %parallel_loop3A_1046 = arith.constant 16 : i32
      %parallel_loop3A_1047 = arith.muli %parallel_loop3A_57, %parallel_loop3A_1046 : i32
      %parallel_loop3A_1048 = arith.constant 31488 : i32
      %parallel_loop3A_1049 = arith.addi %parallel_loop3A_1048, %parallel_loop3A_1047 : i32
      %parallel_loop3A_1050 = arith.index_cast %parallel_loop3A_1049 : i32 to index
      %parallel_loop3A_1051 = tpu.vector_load %arg6[%parallel_loop3A_1050] {strides = array<i32>} : memref<32768xi32, #tpu.memory_space<vmem>>, vector<16xi32>,
      %parallel_loop3A_1052 = tpu.vector_load_idx %arg5[%parallel_loop3A_1051] : memref<65536xf32, #tpu.memory_space<vmem>>[vector<16xi32>], vector<16xf32>,
      %parallel_loop3A_1053 = arith.addf %parallel_loop3A_1037, %parallel_loop3A_1052 : vector<16xf32>
      %parallel_loop3A_1054 = arith.constant 16 : i32
      %parallel_loop3A_1055 = arith.muli %parallel_loop3A_57, %parallel_loop3A_1054 : i32
      %parallel_loop3A_1056 = arith.constant 31744 : i32
      %parallel_loop3A_1057 = arith.addi %parallel_loop3A_1056, %parallel_loop3A_1055 : i32
      %parallel_loop3A_1058 = arith.index_cast %parallel_loop3A_1057 : i32 to index
      %parallel_loop3A_1059 = tpu.vector_load %arg6[%parallel_loop3A_1058] {strides = array<i32>} : memref<32768xi32, #tpu.memory_space<vmem>>, vector<16xi32>,
      %parallel_loop3A_1060 = tpu.vector_load_idx %arg5[%parallel_loop3A_1059] : memref<65536xf32, #tpu.memory_space<vmem>>[vector<16xi32>], vector<16xf32>,
      %parallel_loop3A_1061 = arith.addf %parallel_loop3A_1045, %parallel_loop3A_1060 : vector<16xf32>
      %parallel_loop3A_1062 = arith.constant 16 : i32
      %parallel_loop3A_1063 = arith.muli %parallel_loop3A_57, %parallel_loop3A_1062 : i32
      %parallel_loop3A_1064 = arith.constant 32000 : i32
      %parallel_loop3A_1065 = arith.addi %parallel_loop3A_1064, %parallel_loop3A_1063 : i32
      %parallel_loop3A_1066 = arith.index_cast %parallel_loop3A_1065 : i32 to index
      %parallel_loop3A_1067 = tpu.vector_load %arg6[%parallel_loop3A_1066] {strides = array<i32>} : memref<32768xi32, #tpu.memory_space<vmem>>, vector<16xi32>,
      %parallel_loop3A_1068 = tpu.vector_load_idx %arg5[%parallel_loop3A_1067] : memref<65536xf32, #tpu.memory_space<vmem>>[vector<16xi32>], vector<16xf32>,
      %parallel_loop3A_1069 = arith.addf %parallel_loop3A_1053, %parallel_loop3A_1068 : vector<16xf32>
      %parallel_loop3A_1070 = arith.constant 16 : i32
      %parallel_loop3A_1071 = arith.muli %parallel_loop3A_57, %parallel_loop3A_1070 : i32
      %parallel_loop3A_1072 = arith.constant 32256 : i32
      %parallel_loop3A_1073 = arith.addi %parallel_loop3A_1072, %parallel_loop3A_1071 : i32
      %parallel_loop3A_1074 = arith.index_cast %parallel_loop3A_1073 : i32 to index
      %parallel_loop3A_1075 = tpu.vector_load %arg6[%parallel_loop3A_1074] {strides = array<i32>} : memref<32768xi32, #tpu.memory_space<vmem>>, vector<16xi32>,
      %parallel_loop3A_1076 = tpu.vector_load_idx %arg5[%parallel_loop3A_1075] : memref<65536xf32, #tpu.memory_space<vmem>>[vector<16xi32>], vector<16xf32>,
      %parallel_loop3A_1077 = arith.addf %parallel_loop3A_1061, %parallel_loop3A_1076 : vector<16xf32>
      %parallel_loop3A_1078 = arith.constant 16 : i32
      %parallel_loop3A_1079 = arith.muli %parallel_loop3A_57, %parallel_loop3A_1078 : i32
      %parallel_loop3A_1080 = arith.constant 32512 : i32
      %parallel_loop3A_1081 = arith.addi %parallel_loop3A_1080, %parallel_loop3A_1079 : i32
      %parallel_loop3A_1082 = arith.index_cast %parallel_loop3A_1081 : i32 to index
      %parallel_loop3A_1083 = tpu.vector_load %arg6[%parallel_loop3A_1082] {strides = array<i32>} : memref<32768xi32, #tpu.memory_space<vmem>>, vector<16xi32>,
      %parallel_loop3A_1084 = tpu.vector_load_idx %arg5[%parallel_loop3A_1083] : memref<65536xf32, #tpu.memory_space<vmem>>[vector<16xi32>], vector<16xf32>,
      %parallel_loop3A_1085 = arith.addf %parallel_loop3A_1069, %parallel_loop3A_1084 : vector<16xf32>
      %parallel_loop3A_1086 = arith.addf %parallel_loop3A_1077, %parallel_loop3A_1085 : vector<16xf32>
      %parallel_loop3A_1087 = arith.constant 16 : i32
      %parallel_loop3A_1088 = arith.muli %parallel_loop3A_57, %parallel_loop3A_1087 : i32
      %parallel_loop3A_1089 = arith.index_cast %parallel_loop3A_1088 : i32 to index
      %parallel_loop3A_1090 = tpu.vector_load %arg7[%parallel_loop3A_1089] {strides = array<i32>} : memref<256xf32, #tpu.memory_space<vmem>>, vector<16xf32>,
      tpu.vector_store %arg7[%parallel_loop3A_1089], %parallel_loop3A_1086 {strides = array<i32>} : memref<256xf32, #tpu.memory_space<vmem>>, vector<16xf32>,
    } {sc.loop_unroll_factor = 2 : i64, sc.parallel_access}
    %mul3A_55 = arith.constant 256 : i32
    %mul3A_56 = arith.muli %select_n3A_30, %mul3A_55 : i32
    "tpu.region"() ({
      %run_scoped3A = tpu.sem_alloc : memref<!tpu.dma_semaphore, #tpu.memory_space<semaphore_mem>>
      %dma_start3A_57 = tpu.memref_slice %arg4[%select_n3A_9, %mul3A_56] : memref<16x512xf32, #tpu.memory_space<hbm>> -> memref<1x256xf32, #tpu.memory_space<hbm>>
      %dma_start3A_58 = tpu.memref_squeeze %dma_start3A_57 : memref<1x256xf32, #tpu.memory_space<hbm>> -> memref<256xf32, #tpu.memory_space<hbm>>
      %dma_start3A_59 = tpu.memref_slice %arg4[%select_n3A_9, %mul3A_56] : memref<16x512xf32, #tpu.memory_space<hbm>> -> memref<1x256xf32, #tpu.memory_space<hbm>>
      %dma_start3A_60 = tpu.memref_squeeze %dma_start3A_59 : memref<1x256xf32, #tpu.memory_space<hbm>> -> memref<256xf32, #tpu.memory_space<hbm>>
      tpu.enqueue_dma source(%arg7 : memref<256xf32, #tpu.memory_space<vmem>>) target(%dma_start3A_60 : memref<256xf32, #tpu.memory_space<hbm>>) target_semaphore(%run_scoped3A : memref<!tpu.dma_semaphore, #tpu.memory_space<semaphore_mem>>)
      %dma_wait3A_61 = tpu.memref_slice %arg4[%select_n3A_9, %mul3A_56] : memref<16x512xf32, #tpu.memory_space<hbm>> -> memref<1x256xf32, #tpu.memory_space<hbm>>
      %dma_wait3A_62 = tpu.memref_squeeze %dma_wait3A_61 : memref<1x256xf32, #tpu.memory_space<hbm>> -> memref<256xf32, #tpu.memory_space<hbm>>
      %dma_wait3A_63 = tpu.memref_slice %arg4[%select_n3A_9, %mul3A_56] : memref<16x512xf32, #tpu.memory_space<hbm>> -> memref<1x256xf32, #tpu.memory_space<hbm>>
      %dma_wait3A_64 = tpu.memref_squeeze %dma_wait3A_63 : memref<1x256xf32, #tpu.memory_space<hbm>> -> memref<256xf32, #tpu.memory_space<hbm>>
      tpu.wait_dma2 semaphore(%run_scoped3A : memref<!tpu.dma_semaphore, #tpu.memory_space<semaphore_mem>>) src(%arg7 : memref<256xf32, #tpu.memory_space<vmem>>) dst(%dma_wait3A_64 : memref<256xf32, #tpu.memory_space<hbm>>)
      tpu.yield
    }) : () -> ()
    return
  }
}

module attributes {stable_mosaic.version = 14 : i64} {
  func.func @_tc_head(%arg0: i32, %arg1: memref<1x512xi32, #tpu.memory_space<vmem>>, %arg2: memref<1x32xf32, #tpu.memory_space<vmem>>, %arg3: memref<1x32xf32, #tpu.memory_space<vmem>>, %arg4: memref<32x512xf32, #tpu.memory_space<vmem>>, %arg5: memref<32x128xf32, #tpu.memory_space<vmem>>, %arg6: memref<1x128xf32, #tpu.memory_space<vmem>>, %arg7: memref<128x32xf32, #tpu.memory_space<vmem>>, %arg8: memref<512x768xf32, #tpu.memory_space<vmem>>, %arg9: memref<1x768xf32, #tpu.memory_space<vmem>>, %arg10: memref<512x32xf32, #tpu.memory_space<vmem>>, %arg11: memref<32x768xf32, #tpu.memory_space<vmem>>, %arg12: memref<1x768xf32, #tpu.memory_space<vmem>>, %arg13: memref<32x4096xf32, #tpu.memory_space<vmem>>, %arg14: memref<1x4096xf32, #tpu.memory_space<vmem>>) attributes {dimension_semantics = [#tpu.dimension_semantics<arbitrary>], iteration_bounds = array<i64: 8>, scalar_prefetch = 0 : i64, scratch_operands = 2 : i64, tpu.core_type = #tpu.core_type<tc>, window_params = [{pipeline_mode = #tpu.pipeline_mode<synchronous>, transform_indices = @transform_0, window_bounds = array<i64: 1, 512>}, {pipeline_mode = #tpu.pipeline_mode<synchronous>, transform_indices = @transform_1, window_bounds = array<i64: 1, 32>}, {pipeline_mode = #tpu.pipeline_mode<synchronous>, transform_indices = @transform_2, window_bounds = array<i64: 1, 32>}, {pipeline_mode = #tpu.pipeline_mode<synchronous>, transform_indices = @transform_3, window_bounds = array<i64: 32, 512>}, {pipeline_mode = #tpu.pipeline_mode<synchronous>, transform_indices = @transform_4, window_bounds = array<i64: 32, 128>}, {pipeline_mode = #tpu.pipeline_mode<synchronous>, transform_indices = @transform_5, window_bounds = array<i64: 1, 128>}, {pipeline_mode = #tpu.pipeline_mode<synchronous>, transform_indices = @transform_6, window_bounds = array<i64: 128, 32>}, {transform_indices = @transform_7, window_bounds = array<i64: 512, 768>}, {pipeline_mode = #tpu.pipeline_mode<synchronous>, transform_indices = @transform_8, window_bounds = array<i64: 1, 768>}, {pipeline_mode = #tpu.pipeline_mode<synchronous>, transform_indices = @transform_9, window_bounds = array<i64: 512, 32>}, {pipeline_mode = #tpu.pipeline_mode<synchronous>, transform_indices = @transform_10, window_bounds = array<i64: 32, 768>}, {pipeline_mode = #tpu.pipeline_mode<synchronous>, transform_indices = @transform_11, window_bounds = array<i64: 1, 768>}]} {
    %eq3A = arith.constant 0 : i32
    %eq3A_0 = arith.cmpi eq, %arg0, %eq3A : i32
    %convert_element_type3A = arith.extui %eq3A_0 : i1 to i32
    %cond3A = arith.constant 0 : i32
    %cond3A_1 = arith.cmpi ne, %convert_element_type3A, %cond3A : i32
    scf.if %cond3A_1 {
      %get3A_28 = arith.constant 0 : index
      %get3A_29 = arith.constant 0 : index
      %get3A_30 = vector.load %arg1[%get3A_28, %get3A_29] : memref<1x512xi32, #tpu.memory_space<vmem>>, vector<1x512xi32>
      %iota3A = tpu.iota {dimensions = array<i32: 0>} : vector<512x512xi32>
      %eq3A_31 = vector.broadcast %get3A_30 : vector<1x512xi32> to vector<512x512xi32>
      %eq3A_32 = arith.cmpi eq, %iota3A, %eq3A_31 : vector<512x512xi32>
      %convert_element_type3A_33 = arith.extui %eq3A_32 : vector<512x512xi1> to vector<512x512xi32>
      %convert_element_type3A_34 = arith.sitofp %convert_element_type3A_33 : vector<512x512xi32> to vector<512x512xf32>
      %iota3A_35 = tpu.iota {dimensions = array<i32: 0>} : vector<512x32xi32>
      %jit3A = arith.constant 16 : i32
      %div3A = vector.broadcast %jit3A : i32 to vector<512x32xi32>
      %div3A_36 = arith.divsi %iota3A_35, %div3A : vector<512x32xi32>
      %sign3A = arith.constant 0 : i32
      %sign3A_37 = vector.broadcast %sign3A : i32 to vector<512x32xi32>
      %sign3A_38 = arith.cmpi sgt, %iota3A_35, %sign3A_37 : vector<512x32xi32>
      %sign3A_39 = arith.extui %sign3A_38 : vector<512x32xi1> to vector<512x32xi32>
      %sign3A_40 = arith.constant 0 : i32
      %sign3A_41 = vector.broadcast %sign3A_40 : i32 to vector<512x32xi32>
      %sign3A_42 = arith.cmpi slt, %iota3A_35, %sign3A_41 : vector<512x32xi32>
      %sign3A_43 = arith.extui %sign3A_42 : vector<512x32xi1> to vector<512x32xi32>
      %sign3A_44 = arith.subi %sign3A_39, %sign3A_43 : vector<512x32xi32>
      %sign3A_45 = arith.constant 0 : i32
      %sign3A_46 = arith.cmpi sgt, %jit3A, %sign3A_45 : i32
      %sign3A_47 = arith.extui %sign3A_46 : i1 to i32
      %sign3A_48 = arith.constant 0 : i32
      %sign3A_49 = arith.cmpi slt, %jit3A, %sign3A_48 : i32
      %sign3A_50 = arith.extui %sign3A_49 : i1 to i32
      %sign3A_51 = arith.subi %sign3A_47, %sign3A_50 : i32
      %ne3A = vector.broadcast %sign3A_51 : i32 to vector<512x32xi32>
      %ne3A_52 = arith.cmpi ne, %sign3A_44, %ne3A : vector<512x32xi32>
      %rem3A = vector.broadcast %jit3A : i32 to vector<512x32xi32>
      %rem3A_53 = arith.remsi %iota3A_35, %rem3A : vector<512x32xi32>
      %ne3A_54 = arith.constant 0 : i32
      %ne3A_55 = vector.broadcast %ne3A_54 : i32 to vector<512x32xi32>
      %ne3A_56 = arith.cmpi ne, %rem3A_53, %ne3A_55 : vector<512x32xi32>
      %and3A = arith.andi %ne3A_52, %ne3A_56 : vector<512x32xi1>
      %sub3A = arith.constant 1 : i32
      %sub3A_57 = vector.broadcast %sub3A : i32 to vector<512x32xi32>
      %sub3A_58 = arith.subi %div3A_36, %sub3A_57 : vector<512x32xi32>
      %select_n3A = arith.select %and3A, %sub3A_58, %div3A_36 : vector<512x32xi1>, vector<512x32xi32>
      %iota3A_59 = tpu.iota {dimensions = array<i32: 1>} : vector<512x32xi32>
      %eq3A_60 = arith.cmpi eq, %select_n3A, %iota3A_59 : vector<512x32xi32>
      %convert_element_type3A_61 = arith.extui %eq3A_60 : vector<512x32xi1> to vector<512x32xi32>
      %convert_element_type3A_62 = arith.sitofp %convert_element_type3A_61 : vector<512x32xi32> to vector<512x32xf32>
      %dot_general3A_63 = arith.constant dense<0.000000e+00> : vector<512x32xf32>
      %dot_general3A_64 = tpu.matmul %convert_element_type3A_34, %convert_element_type3A_62, %dot_general3A_63 {dimension_numbers = #tpu.dot_dimension_numbers<[1], [0], [0], [1], [0, 0, 1, 1], [], []>, transpose_lhs_hint = false} : vector<512x512xf32>, vector<512x32xf32>, vector<512x32xf32> -> vector<512x32xf32>
      %swap3A_65 = arith.constant 0 : index
      %swap3A_66 = arith.constant 0 : index
      %swap3A_67 = vector.load %arg10[%swap3A_65, %swap3A_66] : memref<512x32xf32, #tpu.memory_space<vmem>>, vector<512x32xf32>
      tpu.vector_store %arg10[%swap3A_65, %swap3A_66], %dot_general3A_64 {strides = array<i32>} : memref<512x32xf32, #tpu.memory_space<vmem>>, vector<512x32xf32>,
      %get3A_68 = arith.constant 0 : index
      %get3A_69 = arith.constant 0 : index
      %get3A_70 = vector.load %arg4[%get3A_68, %get3A_69] : memref<32x512xf32, #tpu.memory_space<vmem>>, vector<32x512xf32>
      %dot_general3A_71 = arith.constant dense<0.000000e+00> : vector<32x32xf32>
      %dot_general3A_72 = tpu.matmul %get3A_70, %dot_general3A_64, %dot_general3A_71 {dimension_numbers = #tpu.dot_dimension_numbers<[1], [0], [0], [1], [0, 0, 1, 1], [], []>, precision = #tpu.contract_precision<fp32>, transpose_lhs_hint = false} : vector<32x512xf32>, vector<512x32xf32>, vector<32x32xf32> -> vector<32x32xf32>
      %get3A_73 = arith.constant 0 : index
      %get3A_74 = arith.constant 0 : index
      %get3A_75 = vector.load %arg2[%get3A_73, %get3A_74] : memref<1x32xf32, #tpu.memory_space<vmem>>, vector<1x32xf32>
      %get3A_76 = arith.constant 0 : index
      %get3A_77 = arith.constant 0 : index
      %get3A_78 = vector.load %arg3[%get3A_76, %get3A_77] : memref<1x32xf32, #tpu.memory_space<vmem>>, vector<1x32xf32>
      %mul3A_79 = arith.mulf %get3A_78, %get3A_75 : vector<1x32xf32>
      %mul3A_80 = arith.mulf %get3A_75, %get3A_75 : vector<1x32xf32>
      %reduce_sum3A = arith.constant dense<0.000000e+00> : vector<32xf32>
      %reduce_sum3A_81 = vector.multi_reduction <add>, %mul3A_80, %reduce_sum3A [0] : vector<1x32xf32> to vector<32xf32>
      %broadcast_in_dim3A = vector.shape_cast %reduce_sum3A_81 : vector<32xf32> to vector<1x32xf32>
      %sqrt3A = math.sqrt %broadcast_in_dim3A : vector<1x32xf32>
      %add3A_82 = arith.constant 9.99999996E-13 : f32
      %add3A_83 = vector.broadcast %add3A_82 : f32 to vector<1x32xf32>
      %add3A_84 = arith.addf %sqrt3A, %add3A_83 : vector<1x32xf32>
      %div3A_85 = arith.divf %mul3A_79, %add3A_84 : vector<1x32xf32>
      %get3A_86 = arith.constant 0 : index
      %get3A_87 = arith.constant 0 : index
      %get3A_88 = vector.load %arg5[%get3A_86, %get3A_87] : memref<32x128xf32, #tpu.memory_space<vmem>>, vector<32x128xf32>
      %get3A_89 = arith.constant 0 : index
      %get3A_90 = arith.constant 0 : index
      %get3A_91 = vector.load %arg6[%get3A_89, %get3A_90] : memref<1x128xf32, #tpu.memory_space<vmem>>, vector<1x128xf32>
      %mul3A_92 = vector.broadcast %get3A_91 : vector<1x128xf32> to vector<32x128xf32>
      %mul3A_93 = arith.mulf %mul3A_92, %get3A_88 : vector<32x128xf32>
      %mul3A_94 = arith.mulf %get3A_88, %get3A_88 : vector<32x128xf32>
      %reduce_sum3A_95 = arith.constant dense<0.000000e+00> : vector<128xf32>
      %reduce_sum3A_96 = vector.multi_reduction <add>, %mul3A_94, %reduce_sum3A_95 [0] : vector<32x128xf32> to vector<128xf32>
      %broadcast_in_dim3A_97 = vector.shape_cast %reduce_sum3A_96 : vector<128xf32> to vector<1x128xf32>
      %sqrt3A_98 = math.sqrt %broadcast_in_dim3A_97 : vector<1x128xf32>
      %add3A_99 = arith.constant 9.99999996E-13 : f32
      %add3A_100 = vector.broadcast %add3A_99 : f32 to vector<1x128xf32>
      %add3A_101 = arith.addf %sqrt3A_98, %add3A_100 : vector<1x128xf32>
      %div3A_102 = vector.broadcast %add3A_101 : vector<1x128xf32> to vector<32x128xf32>
      %div3A_103 = arith.divf %mul3A_93, %div3A_102 : vector<32x128xf32>
      %dot_general3A_104 = arith.constant dense<0.000000e+00> : vector<1x128xf32>
      %dot_general3A_105 = tpu.matmul %div3A_85, %div3A_103, %dot_general3A_104 {dimension_numbers = #tpu.dot_dimension_numbers<[1], [0], [0], [1], [0, 0, 1, 1], [], []>, precision = #tpu.contract_precision<fp32>, transpose_lhs_hint = false} : vector<1x32xf32>, vector<32x128xf32>, vector<1x128xf32> -> vector<1x128xf32>
      %dot_general3A_106 = arith.constant dense<0.000000e+00> : vector<128x32xf32>
      %dot_general3A_107 = tpu.matmul %div3A_103, %dot_general3A_72, %dot_general3A_106 {dimension_numbers = #tpu.dot_dimension_numbers<[0], [0], [1], [1], [0, 1, 1, 1], [], []>, precision = #tpu.contract_precision<fp32>, transpose_lhs_hint = false} : vector<32x128xf32>, vector<32x32xf32>, vector<128x32xf32> -> vector<128x32xf32>
      %get3A_108 = arith.constant 0 : index
      %get3A_109 = arith.constant 0 : index
      %get3A_110 = vector.load %arg7[%get3A_108, %get3A_109] : memref<128x32xf32, #tpu.memory_space<vmem>>, vector<128x32xf32>
      %add3A_111 = arith.addf %dot_general3A_107, %get3A_110 : vector<128x32xf32>
      %iota3A_112 = tpu.iota {dimensions = array<i32: 0>} : vector<128x4096xi32>
      %iota3A_113 = tpu.iota {dimensions = array<i32: 1>} : vector<128x4096xi32>
      %jit3A_114 = arith.constant 32 : i32
      %div3A_115 = vector.broadcast %jit3A_114 : i32 to vector<128x4096xi32>
      %div3A_116 = arith.divsi %iota3A_113, %div3A_115 : vector<128x4096xi32>
      %sign3A_117 = arith.constant 0 : i32
      %sign3A_118 = vector.broadcast %sign3A_117 : i32 to vector<128x4096xi32>
      %sign3A_119 = arith.cmpi sgt, %iota3A_113, %sign3A_118 : vector<128x4096xi32>
      %sign3A_120 = arith.extui %sign3A_119 : vector<128x4096xi1> to vector<128x4096xi32>
      %sign3A_121 = arith.constant 0 : i32
      %sign3A_122 = vector.broadcast %sign3A_121 : i32 to vector<128x4096xi32>
      %sign3A_123 = arith.cmpi slt, %iota3A_113, %sign3A_122 : vector<128x4096xi32>
      %sign3A_124 = arith.extui %sign3A_123 : vector<128x4096xi1> to vector<128x4096xi32>
      %sign3A_125 = arith.subi %sign3A_120, %sign3A_124 : vector<128x4096xi32>
      %sign3A_126 = arith.constant 0 : i32
      %sign3A_127 = arith.cmpi sgt, %jit3A_114, %sign3A_126 : i32
      %sign3A_128 = arith.extui %sign3A_127 : i1 to i32
      %sign3A_129 = arith.constant 0 : i32
      %sign3A_130 = arith.cmpi slt, %jit3A_114, %sign3A_129 : i32
      %sign3A_131 = arith.extui %sign3A_130 : i1 to i32
      %sign3A_132 = arith.subi %sign3A_128, %sign3A_131 : i32
      %ne3A_133 = vector.broadcast %sign3A_132 : i32 to vector<128x4096xi32>
      %ne3A_134 = arith.cmpi ne, %sign3A_125, %ne3A_133 : vector<128x4096xi32>
      %rem3A_135 = vector.broadcast %jit3A_114 : i32 to vector<128x4096xi32>
      %rem3A_136 = arith.remsi %iota3A_113, %rem3A_135 : vector<128x4096xi32>
      %ne3A_137 = arith.constant 0 : i32
      %ne3A_138 = vector.broadcast %ne3A_137 : i32 to vector<128x4096xi32>
      %ne3A_139 = arith.cmpi ne, %rem3A_136, %ne3A_138 : vector<128x4096xi32>
      %and3A_140 = arith.andi %ne3A_134, %ne3A_139 : vector<128x4096xi1>
      %sub3A_141 = arith.constant 1 : i32
      %sub3A_142 = vector.broadcast %sub3A_141 : i32 to vector<128x4096xi32>
      %sub3A_143 = arith.subi %div3A_116, %sub3A_142 : vector<128x4096xi32>
      %select_n3A_144 = arith.select %and3A_140, %sub3A_143, %div3A_116 : vector<128x4096xi1>, vector<128x4096xi32>
      %eq3A_145 = arith.cmpi eq, %iota3A_112, %select_n3A_144 : vector<128x4096xi32>
      %convert_element_type3A_146 = arith.extui %eq3A_145 : vector<128x4096xi1> to vector<128x4096xi32>
      %convert_element_type3A_147 = arith.sitofp %convert_element_type3A_146 : vector<128x4096xi32> to vector<128x4096xf32>
      %iota3A_148 = tpu.iota {dimensions = array<i32: 0>} : vector<32x4096xi32>
      %iota3A_149 = tpu.iota {dimensions = array<i32: 1>} : vector<32x4096xi32>
      %jit3A_150 = arith.constant 32 : i32
      %eq3A_151 = arith.constant 0 : i32
      %eq3A_152 = arith.cmpi eq, %jit3A_150, %eq3A_151 : i32
      %jit3A_153 = arith.constant 1 : i32
      %select_n3A_154 = arith.select %eq3A_152, %jit3A_153, %jit3A_150 : i32
      %rem3A_155 = vector.broadcast %select_n3A_154 : i32 to vector<32x4096xi32>
      %rem3A_156 = arith.remsi %iota3A_149, %rem3A_155 : vector<32x4096xi32>
      %ne3A_157 = arith.constant 0 : i32
      %ne3A_158 = vector.broadcast %ne3A_157 : i32 to vector<32x4096xi32>
      %ne3A_159 = arith.cmpi ne, %rem3A_156, %ne3A_158 : vector<32x4096xi32>
      %lt3A = arith.constant 0 : i32
      %lt3A_160 = vector.broadcast %lt3A : i32 to vector<32x4096xi32>
      %lt3A_161 = arith.cmpi slt, %rem3A_156, %lt3A_160 : vector<32x4096xi32>
      %lt3A_162 = arith.constant 0 : i32
      %lt3A_163 = arith.cmpi slt, %select_n3A_154, %lt3A_162 : i32
      %ne3A_164 = vector.broadcast %lt3A_163 : i1 to vector<32x4096xi1>
      %ne3A_165 = vector.broadcast %ne3A_164 : vector<32x4096xi1> to vector<32x4096xi1>
      %ne3A_166 = arith.xori %lt3A_161, %ne3A_165 : vector<32x4096xi1>
      %and3A_167 = arith.andi %ne3A_166, %ne3A_159 : vector<32x4096xi1>
      %add3A_168 = vector.broadcast %select_n3A_154 : i32 to vector<32x4096xi32>
      %add3A_169 = arith.addi %rem3A_156, %add3A_168 : vector<32x4096xi32>
      %select_n3A_170 = arith.select %and3A_167, %add3A_169, %rem3A_156 : vector<32x4096xi1>, vector<32x4096xi32>
      %eq3A_171 = arith.cmpi eq, %iota3A_148, %select_n3A_170 : vector<32x4096xi32>
      %convert_element_type3A_172 = arith.extui %eq3A_171 : vector<32x4096xi1> to vector<32x4096xi32>
      %convert_element_type3A_173 = arith.sitofp %convert_element_type3A_172 : vector<32x4096xi32> to vector<32x4096xf32>
      %dot_general3A_174 = arith.constant dense<0.000000e+00> : vector<1x4096xf32>
      %dot_general3A_175 = tpu.matmul %dot_general3A_105, %convert_element_type3A_147, %dot_general3A_174 {dimension_numbers = #tpu.dot_dimension_numbers<[1], [0], [0], [1], [0, 0, 1, 1], [], []>, precision = #tpu.contract_precision<fp32>, transpose_lhs_hint = false} : vector<1x128xf32>, vector<128x4096xf32>, vector<1x4096xf32> -> vector<1x4096xf32>
      %dot_general3A_176 = arith.constant dense<0.000000e+00> : vector<32x4096xf32>
      %dot_general3A_177 = tpu.matmul %add3A_111, %convert_element_type3A_147, %dot_general3A_176 {dimension_numbers = #tpu.dot_dimension_numbers<[0], [0], [1], [1], [0, 1, 1, 1], [], []>, precision = #tpu.contract_precision<fp32>, transpose_lhs_hint = false} : vector<128x32xf32>, vector<128x4096xf32>, vector<32x4096xf32> -> vector<32x4096xf32>
      %mul3A_178 = vector.broadcast %dot_general3A_175 : vector<1x4096xf32> to vector<32x4096xf32>
      %mul3A_179 = arith.mulf %convert_element_type3A_173, %mul3A_178 : vector<32x4096xf32>
      %swap3A_180 = arith.constant 0 : index
      %swap3A_181 = arith.constant 0 : index
      %swap3A_182 = vector.load %arg13[%swap3A_180, %swap3A_181] : memref<32x4096xf32, #tpu.memory_space<vmem>>, vector<32x4096xf32>
      tpu.vector_store %arg13[%swap3A_180, %swap3A_181], %mul3A_179 {strides = array<i32>} : memref<32x4096xf32, #tpu.memory_space<vmem>>, vector<32x4096xf32>,
      %mul3A_183 = arith.mulf %dot_general3A_177, %convert_element_type3A_173 : vector<32x4096xf32>
      %reduce_sum3A_184 = arith.constant dense<0.000000e+00> : vector<4096xf32>
      %reduce_sum3A_185 = vector.multi_reduction <add>, %mul3A_183, %reduce_sum3A_184 [0] : vector<32x4096xf32> to vector<4096xf32>
      %broadcast_in_dim3A_186 = vector.shape_cast %reduce_sum3A_185 : vector<4096xf32> to vector<1x4096xf32>
      %swap3A_187 = arith.constant 0 : index
      %swap3A_188 = arith.constant 0 : index
      %swap3A_189 = vector.load %arg14[%swap3A_187, %swap3A_188] : memref<1x4096xf32, #tpu.memory_space<vmem>>, vector<1x4096xf32>
      tpu.vector_store %arg14[%swap3A_187, %swap3A_188], %broadcast_in_dim3A_186 {strides = array<i32>} : memref<1x4096xf32, #tpu.memory_space<vmem>>, vector<1x4096xf32>,
      %broadcast_in_dim3A_190 = arith.constant 0.000000e+00 : f32
      %broadcast_in_dim3A_191 = vector.broadcast %broadcast_in_dim3A_190 : f32 to vector<32x768xf32>
      %swap3A_192 = arith.constant 0 : index
      %swap3A_193 = arith.constant 0 : index
      %swap3A_194 = vector.load %arg11[%swap3A_192, %swap3A_193] : memref<32x768xf32, #tpu.memory_space<vmem>>, vector<32x768xf32>
      tpu.vector_store %arg11[%swap3A_192, %swap3A_193], %broadcast_in_dim3A_191 {strides = array<i32>} : memref<32x768xf32, #tpu.memory_space<vmem>>, vector<32x768xf32>,
      %get3A_195 = arith.constant 0 : index
      %get3A_196 = arith.constant 0 : index
      %get3A_197 = vector.load %arg9[%get3A_195, %get3A_196] : memref<1x768xf32, #tpu.memory_space<vmem>>, vector<1x768xf32>
      %swap3A_198 = arith.constant 0 : index
      %swap3A_199 = arith.constant 0 : index
      %swap3A_200 = vector.load %arg12[%swap3A_198, %swap3A_199] : memref<1x768xf32, #tpu.memory_space<vmem>>, vector<1x768xf32>
      tpu.vector_store %arg12[%swap3A_198, %swap3A_199], %get3A_197 {strides = array<i32>} : memref<1x768xf32, #tpu.memory_space<vmem>>, vector<1x768xf32>,
    } else {
    }
    %get3A = arith.constant 0 : index
    %get3A_2 = arith.constant 0 : index
    %get3A_3 = vector.load %arg8[%get3A, %get3A_2] : memref<512x768xf32, #tpu.memory_space<vmem>>, vector<512x768xf32>
    %get3A_4 = arith.constant 0 : index
    %get3A_5 = arith.constant 0 : index
    %get3A_6 = vector.load %arg11[%get3A_4, %get3A_5] : memref<32x768xf32, #tpu.memory_space<vmem>>, vector<32x768xf32>
    %mul3A = arith.constant 512 : i32
    %mul3A_7 = arith.muli %arg0, %mul3A : i32
    %get3A_8 = arith.constant 0 : index
    %get3A_9 = arith.index_cast %mul3A_7 : i32 to index
    %get3A_10 = vector.load %arg13[%get3A_8, %get3A_9] : memref<32x4096xf32, #tpu.memory_space<vmem>>, vector<32x512xf32>
    %dot_general3A = arith.constant dense<0.000000e+00> : vector<32x768xf32>
    %dot_general3A_11 = tpu.matmul %get3A_10, %get3A_3, %dot_general3A {dimension_numbers = #tpu.dot_dimension_numbers<[1], [0], [0], [1], [0, 0, 1, 1], [], []>, transpose_lhs_hint = false} : vector<32x512xf32>, vector<512x768xf32>, vector<32x768xf32> -> vector<32x768xf32>
    %add3A = arith.addf %get3A_6, %dot_general3A_11 : vector<32x768xf32>
    %swap3A = arith.constant 0 : index
    %swap3A_12 = arith.constant 0 : index
    %swap3A_13 = vector.load %arg11[%swap3A, %swap3A_12] : memref<32x768xf32, #tpu.memory_space<vmem>>, vector<32x768xf32>
    tpu.vector_store %arg11[%swap3A, %swap3A_12], %add3A {strides = array<i32>} : memref<32x768xf32, #tpu.memory_space<vmem>>, vector<32x768xf32>,
    %get3A_14 = arith.constant 0 : index
    %get3A_15 = arith.constant 0 : index
    %get3A_16 = vector.load %arg12[%get3A_14, %get3A_15] : memref<1x768xf32, #tpu.memory_space<vmem>>, vector<1x768xf32>
    %mul3A_17 = arith.constant 512 : i32
    %mul3A_18 = arith.muli %arg0, %mul3A_17 : i32
    %get3A_19 = arith.constant 0 : index
    %get3A_20 = arith.index_cast %mul3A_18 : i32 to index
    %get3A_21 = vector.load %arg14[%get3A_19, %get3A_20] : memref<1x4096xf32, #tpu.memory_space<vmem>>, vector<1x512xf32>
    %dot_general3A_22 = arith.constant dense<0.000000e+00> : vector<1x768xf32>
    %dot_general3A_23 = tpu.matmul %get3A_21, %get3A_3, %dot_general3A_22 {dimension_numbers = #tpu.dot_dimension_numbers<[1], [0], [0], [1], [0, 0, 1, 1], [], []>, transpose_lhs_hint = false} : vector<1x512xf32>, vector<512x768xf32>, vector<1x768xf32> -> vector<1x768xf32>
    %add3A_24 = arith.addf %get3A_16, %dot_general3A_23 : vector<1x768xf32>
    %swap3A_25 = arith.constant 0 : index
    %swap3A_26 = arith.constant 0 : index
    %swap3A_27 = vector.load %arg12[%swap3A_25, %swap3A_26] : memref<1x768xf32, #tpu.memory_space<vmem>>, vector<1x768xf32>
    tpu.vector_store %arg12[%swap3A_25, %swap3A_26], %add3A_24 {strides = array<i32>} : memref<1x768xf32, #tpu.memory_space<vmem>>, vector<1x768xf32>,
    return
  }
  func.func @transform_0(%arg0: i32) -> (i32, i32) {
    %c0_i32 = arith.constant 0 : i32
    %c0_i32_0 = arith.constant 0 : i32
    %c0_i32_1 = arith.constant 0 : i32
    return %c0_i32, %c0_i32_0 : i32, i32
  }
  func.func @transform_1(%arg0: i32) -> (i32, i32) {
    %c0_i32 = arith.constant 0 : i32
    %c0_i32_0 = arith.constant 0 : i32
    %c0_i32_1 = arith.constant 0 : i32
    return %c0_i32, %c0_i32_0 : i32, i32
  }
  func.func @transform_2(%arg0: i32) -> (i32, i32) {
    %c0_i32 = arith.constant 0 : i32
    %c0_i32_0 = arith.constant 0 : i32
    %c0_i32_1 = arith.constant 0 : i32
    return %c0_i32, %c0_i32_0 : i32, i32
  }
  func.func @transform_3(%arg0: i32) -> (i32, i32) {
    %c0_i32 = arith.constant 0 : i32
    %c0_i32_0 = arith.constant 0 : i32
    %c0_i32_1 = arith.constant 0 : i32
    return %c0_i32, %c0_i32_0 : i32, i32
  }
  func.func @transform_4(%arg0: i32) -> (i32, i32) {
    %c0_i32 = arith.constant 0 : i32
    %c0_i32_0 = arith.constant 0 : i32
    %c0_i32_1 = arith.constant 0 : i32
    return %c0_i32, %c0_i32_0 : i32, i32
  }
  func.func @transform_5(%arg0: i32) -> (i32, i32) {
    %c0_i32 = arith.constant 0 : i32
    %c0_i32_0 = arith.constant 0 : i32
    %c0_i32_1 = arith.constant 0 : i32
    return %c0_i32, %c0_i32_0 : i32, i32
  }
  func.func @transform_6(%arg0: i32) -> (i32, i32) {
    %c0_i32 = arith.constant 0 : i32
    %c0_i32_0 = arith.constant 0 : i32
    %c0_i32_1 = arith.constant 0 : i32
    return %c0_i32, %c0_i32_0 : i32, i32
  }
  func.func @transform_7(%arg0: i32) -> (i32, i32) {
    %c0_i32 = arith.constant 0 : i32
    %c0_i32_0 = arith.constant 0 : i32
    return %arg0, %c0_i32 : i32, i32
  }
  func.func @transform_8(%arg0: i32) -> (i32, i32) {
    %c0_i32 = arith.constant 0 : i32
    %c0_i32_0 = arith.constant 0 : i32
    %c0_i32_1 = arith.constant 0 : i32
    return %c0_i32, %c0_i32_0 : i32, i32
  }
  func.func @transform_9(%arg0: i32) -> (i32, i32) {
    %c0_i32 = arith.constant 0 : i32
    %c0_i32_0 = arith.constant 0 : i32
    %c0_i32_1 = arith.constant 0 : i32
    return %c0_i32, %c0_i32_0 : i32, i32
  }
  func.func @transform_10(%arg0: i32) -> (i32, i32) {
    %c0_i32 = arith.constant 0 : i32
    %c0_i32_0 = arith.constant 0 : i32
    %c0_i32_1 = arith.constant 0 : i32
    return %c0_i32, %c0_i32_0 : i32, i32
  }
  func.func @transform_11(%arg0: i32) -> (i32, i32) {
    %c0_i32 = arith.constant 0 : i32
    %c0_i32_0 = arith.constant 0 : i32
    %c0_i32_1 = arith.constant 0 : i32
    return %c0_i32, %c0_i32_0 : i32, i32
  }
}

module attributes {stable_mosaic.version = 14 : i64} {
  func.func @_tc_tail(%arg0: memref<16x512xf32, #tpu.memory_space<vmem>>, %arg1: memref<512x32xf32, #tpu.memory_space<vmem>>, %arg2: memref<32x768xf32, #tpu.memory_space<vmem>>, %arg3: memref<1x768xf32, #tpu.memory_space<vmem>>, %arg4: memref<16x768xf32, #tpu.memory_space<vmem>>) attributes {dimension_semantics = [], scalar_prefetch = 0 : i64, scratch_operands = 0 : i64, tpu.core_type = #tpu.core_type<tc>} {
    %get3A = arith.constant 0 : index
    %get3A_0 = arith.constant 0 : index
    %get3A_1 = vector.load %arg0[%get3A, %get3A_0] : memref<16x512xf32, #tpu.memory_space<vmem>>, vector<16x512xf32>
    %get3A_2 = arith.constant 0 : index
    %get3A_3 = arith.constant 0 : index
    %get3A_4 = vector.load %arg1[%get3A_2, %get3A_3] : memref<512x32xf32, #tpu.memory_space<vmem>>, vector<512x32xf32>
    %dot_general3A = arith.constant dense<0.000000e+00> : vector<16x32xf32>
    %dot_general3A_5 = tpu.matmul %get3A_1, %get3A_4, %dot_general3A {dimension_numbers = #tpu.dot_dimension_numbers<[1], [0], [0], [1], [0, 0, 1, 1], [], []>, precision = #tpu.contract_precision<fp32>, transpose_lhs_hint = false} : vector<16x512xf32>, vector<512x32xf32>, vector<16x32xf32> -> vector<16x32xf32>
    %get3A_6 = arith.constant 0 : index
    %get3A_7 = arith.constant 0 : index
    %get3A_8 = vector.load %arg2[%get3A_6, %get3A_7] : memref<32x768xf32, #tpu.memory_space<vmem>>, vector<32x768xf32>
    %dot_general3A_9 = arith.constant dense<0.000000e+00> : vector<16x768xf32>
    %dot_general3A_10 = tpu.matmul %dot_general3A_5, %get3A_8, %dot_general3A_9 {dimension_numbers = #tpu.dot_dimension_numbers<[1], [0], [0], [1], [0, 0, 1, 1], [], []>, precision = #tpu.contract_precision<fp32>, transpose_lhs_hint = false} : vector<16x32xf32>, vector<32x768xf32>, vector<16x768xf32> -> vector<16x768xf32>
    %get3A_11 = arith.constant 0 : index
    %get3A_12 = arith.constant 0 : index
    %get3A_13 = vector.load %arg3[%get3A_11, %get3A_12] : memref<1x768xf32, #tpu.memory_space<vmem>>, vector<1x768xf32>
    %add3A = vector.broadcast %get3A_13 : vector<1x768xf32> to vector<16x768xf32>
    %add3A_14 = arith.addf %dot_general3A_10, %add3A : vector<16x768xf32>
    %swap3A = arith.constant 0 : index
    %swap3A_15 = arith.constant 0 : index
    %swap3A_16 = vector.load %arg4[%swap3A, %swap3A_15] : memref<16x768xf32, #tpu.memory_space<vmem>>, vector<16x768xf32>
    tpu.vector_store %arg4[%swap3A, %swap3A_15], %add3A_14 {strides = array<i32>} : memref<16x768xf32, #tpu.memory_space<vmem>>, vector<16x768xf32>,
    return
  }
}

</mosaic_0001>

<sc_bundles>
// kernel: kernel.5.cloned.1.call-start
scs
__scs_entry_jumppad:
0x0: {  	(pc) =	sbr.rel $0x88, $3  }
0x1: {  	(tag) =	ssettag $0x0;
	lr =	simm.s32 $0x1  }
0x2: {  	[smem:$0x3F96] =	sst lr;
	_ =	strace $0xD0000000  }
0x3: {  	_ = 	snop  }
0x4: {  	_ = 	snop  }
0x5: {  	_ = 	snop  }
0x6: {  	_ = 	snop  }
0x7: {  	_ = 	snop  }
__scs_overlays_trampoline_lowered:
0x8: {  	[smem:$0x3FA5] =	sst s0  }
0x9: {  	[smem:$0x3FA6] =	sst s1  }
0xa: {  	[smem:$0x3FA7] =	sst s2  }
0xb: {  	[smem:$0x3FA8] =	sst s3  }
0xc: {  	[smem:$0x3FA9] =	sst s4  }
0xd: {  	[smem:$0x3FAA] =	sst s5  }
0xe: {  	[smem:$0x3FAB] =	sst s6  }
0xf: {  	[smem:$0x3FAC] =	sst s7  }
0x10: {  	[smem:$0x3FAD] =	sst s8  }
0x11: {  	[smem:$0x3FAE] =	sst s9;
	s0 =	simm.s32 @!p0 $0x0  }
0x12: {  	s1 =	sld [smem:$0x3F94];
	s0 =	simm.s32 @p0 $0x1  }
0x13: {  	[smem:$0x3FAF] =	sst s0;
	s0 =	simm.s32 @!p1 $0x0  }
0x14: {  	s2 =	sld [smem:$0x3F93];
	s0 =	simm.s32 @p1 $0x1  }
0x15: {  	[smem:$0x3FB0] =	sst s0;
	s0 =	simm.s32 @!p2 $0x0  }
0x16: {  	s3 =	sld [smem:$0x3FDB];
	s0 =	simm.s32 @p2 $0x1  }
0x17: {  	s4 =	simm.s32 $0x1BF5;
	[smem:$0x3FB2] =	sst s0  }
0x18: {  	s0 =	sld [smem:$0x3F95];
	_ =	swait.ge [sflag:s4], $0x0  }
0x19: {  	s7 =	sld [smem:$0x3F96]  }
0x1a: {  	s8 =	sadd.s32 $0xFFFFE003, lr  }
0x1b: {  	s9 =	sadd.s32 $0xFFFFFEF7, lr;
	s5 =	simm.s32 $0xFFFFFFFF;
	p2 =	slt.u32 s8, $0xFFFFF086  }
0x1c: {  	p1 =	slt.u32 s9, $0xF7A;
	s5 =	simm.s32 @!p2 $0x0  }
0x1d: {  	s5 =	simm.s32 @p1 $0x1;
	p0 =	seq.s32 s7, s2  }
0x1e: {  	s7 =	smul.u32 @!p0 $0xF7A, s2;
	p2 =	seq.s32 @!p0 s5, $0x0  }
0x1f: {  	s9 =	smul.u32 $0xF7A, s1;
	s8 =	simm.s32 @!p0 $0x1BF5;
	p2 =	por !p2, p0  }
0x20: {  	[sflag:s8] =	ssyncset.s32 @!p0 $0xFFFFF086;
	s6 =	sadd.s32 @!p0 s3, s7;
	s7 =	simm.s32 @!p0 $0x108  }
0x21: {  	s3 =	sadd.s32 s3, s9;
	s6 =	sadd.s32 @!p0 $0x88, s6;
	s7 =	simm.s32 @p2 $0x1082  }
0x22: {  	[simem:s7], [sflag:s8] =	dma.local @!p0 [hbm:s6], $0xF7A  }
0x23: {  	s9 =	sor.u32 $0xD0000000, s2;
	s6 =	simm.s32 $0x108;
	_ =	swait.ge @!p0 [sflag:s8], $0x0  }
0x24: {  	s3 =	sadd.s32 $0x88, s3;
	s6 =	simm.s32 @!p1 $0x1082;
	[sflag:s4] =	ssyncset.s32 $0xFFFFF086  }
0x25: {  	[simem:s6], [sflag:s4] =	dma.local [hbm:s3], $0xF7A  }
0x26: {  	[smem:$0x3F96] =	sst s1;
	(tag) =	ssettag s2;
	_ =	strace s9  }
0x27: {  	s1 =	sld [smem:$0x3FA6]  }
0x28: {  	s2 =	sld [smem:$0x3FA7]  }
0x29: {  	s4 =	sld [smem:$0x3FA9]  }
0x2a: {  	p0 =	seq.s32 s5, $0x0;
	s5 =	sld [smem:$0x3FAA]  }
0x2b: {  	s6 =	sld [smem:$0x3FAB]  }
0x2c: {  	s7 =	sld [smem:$0x3FAC]  }
0x2d: {  	s3 =	simm.s32 $0x108;
	s8 =	sld [smem:$0x3FAD]  }
0x2e: {  	s3 =	simm.s32 @!p0 $0x1082;
	s9 =	sld [smem:$0x3FAE]  }
0x2f: {  	lr =	sadd.s32 s0, s3;
	s0 =	sld [smem:$0x3FA5]  }
0x30: {  	s3 =	sld [smem:$0x3FA8]  }
0x31: {  	[smem:$0x3FB1] =	sst s10  }
0x32: {  	s10 =	sld [smem:$0x3FAF];
	_ =	sdelay $0x3  }
0x33: {  	p0 =	seq.s32 s10, $0x1;
	s10 =	sld [smem:$0x3FB1];
	_ =	sdelay $0x3  }
0x34: {  	[smem:$0x3FB1] =	sst s10  }
0x35: {  	s10 =	sld [smem:$0x3FB0];
	_ =	sdelay $0x3  }
0x36: {  	p1 =	seq.s32 s10, $0x1;
	s10 =	sld [smem:$0x3FB1];
	_ =	sdelay $0x3  }
0x37: {  	[smem:$0x3FB1] =	sst s10  }
0x38: {  	s10 =	sld [smem:$0x3FB2]  }
0x39: {  	_ = 	snop;
	(pc) =	sbr.ind lr, $3  }
0x3a: {  	_ = 	snop  }
0x3b: {  	_ = 	snop  }
0x3c: {  	p2 =	seq.s32 s10, $0x1;
	s10 =	sld [smem:$0x3FB1]  }
0x3d: {  	_ =	shalt  }
0x3e: {  	_ =	shalt  }
0x3f: {  	_ =	shalt  }
0x40: {  	_ =	shalt  }
0x41: {  	_ =	shalt  }
0x42: {  	_ =	shalt  }
0x43: {  	_ =	shalt  }
0x44: {  	_ =	shalt  }
0x45: {  	_ =	shalt  }
0x46: {  	_ =	shalt  }
0x47: {  	_ =	shalt  }
0x48: {  	_ =	shalt  }
0x49: {  	_ =	shalt  }
0x4a: {  	_ =	shalt  }
0x4b: {  	_ =	shalt  }
0x4c: {  	_ =	shalt  }
0x4d: {  	_ =	shalt  }
0x4e: {  	_ =	shalt  }
0x4f: {  	_ =	shalt  }
0x50: {  	_ =	shalt  }
0x51: {  	_ =	shalt  }
0x52: {  	_ =	shalt  }
0x53: {  	_ =	shalt  }
0x54: {  	_ =	shalt  }
0x55: {  	_ =	shalt  }
0x56: {  	_ =	shalt  }
0x57: {  	_ =	shalt  }
0x58: {  	_ =	shalt  }
0x59: {  	_ =	shalt  }
0x5a: {  	_ =	shalt  }
0x5b: {  	_ =	shalt  }
0x5c: {  	_ =	shalt  }
0x5d: {  	_ =	shalt  }
0x5e: {  	_ =	shalt  }
0x5f: {  	_ =	shalt  }
0x60: {  	_ =	shalt  }
0x61: {  	_ =	shalt  }
0x62: {  	_ =	shalt  }
0x63: {  	_ =	shalt  }
0x64: {  	_ =	shalt  }
0x65: {  	_ =	shalt  }
0x66: {  	_ =	shalt  }
0x67: {  	_ =	shalt  }
0x68: {  	_ =	shalt  }
0x69: {  	_ =	shalt  }
0x6a: {  	_ =	shalt  }
0x6b: {  	_ =	shalt  }
0x6c: {  	_ =	shalt  }
0x6d: {  	_ =	shalt  }
0x6e: {  	_ =	shalt  }
0x6f: {  	_ =	shalt  }
0x70: {  	_ =	shalt  }
0x71: {  	_ =	shalt  }
0x72: {  	_ =	shalt  }
0x73: {  	_ =	shalt  }
0x74: {  	_ =	shalt  }
0x75: {  	_ =	shalt  }
0x76: {  	_ =	shalt  }
0x77: {  	_ =	shalt  }
0x78: {  	_ =	shalt  }
0x79: {  	_ =	shalt  }
0x7a: {  	_ =	shalt  }
0x7b: {  	_ =	shalt  }
0x7c: {  	_ =	shalt  }
0x7d: {  	_ =	shalt  }
0x7e: {  	_ =	shalt  }
0x7f: {  	_ =	shalt  }
0x80: {  	_ =	shalt  }
0x81: {  	_ =	shalt  }
0x82: {  	_ =	shalt  }
0x83: {  	_ =	shalt  }
0x84: {  	_ =	shalt  }
0x85: {  	_ =	shalt  }
0x86: {  	_ =	shalt  }
0x87: {  	_ =	shalt  }
.Lfunc_end0:
.L_simem_size_0:
called_computation_lowered:
.L_overlay_start_0:
0x88: {  	s2 =	sld [smem:$0x3FD9]  }
0x89: {  	s3 =	sld [smem:$0x3FFE];
	_ =	sdelay $0x1  }
0x8a: {  	s1 =	srdreg.scid  }
0x8b: {  	s0 =	sand.u32 $0x1, s1  }
0x8c: {  	s17 =	sshll.u32 s0, $0xA;
	s2 =	sadd.s32 s3, s2  }
0x8d: {  	s2 =	sadd.s32 s2, s17  }
0x8e: {  	[smem:$0x3FBD] =	sst s2  }
0x8f: {  	_ = 	snop  }
0x90: {  	s2 =	sld [smem:$0x3FC9]  }
0x91: {  	s18 =	sld [smem:$0x3FD0];
	(tm) =	ssettm $0x1  }
0x92: {  	s4 =	sld [smem:$0x3FFB];
	_ =	sdelay $0x3  }
0x93: {  	_ =	strace s4  }
0x94: {  	s4 =	sld [smem:$0x3FFC];
	_ =	sdelay $0x3  }
0x95: {  	_ =	strace s4  }
0x96: {  	s4 =	sld [smem:$0x3FFD];
	_ =	sdelay $0x3  }
0x97: {  	_ =	strace s4  }
0x98: {  	_ =	strace $0x8FFFFFFF  }
0x99: {  	s19 =	sld [smem:$0x3FDB];
	_ =	sdelay $0x1  }
0x9a: {  	s5 =	simm.s32 $_scs_section_size  }
0x9b: {  	s6 =	simm.s32 $_size__tile_overlayer_lowered;
	s7 =	simm.s32 $_tile_overlayer_lowered  }
0x9c: {  	s22 =	simm.s32 $0x1BFF;
	s21 =	sshll.u32 s7, $0x1;
	s4 =	sadd.s32 s5, s19  }
0x9d: {  	s8 =	simm.s32 $0x0;
	s20 =	sshll.u32 s6, $0x1;
	s6 =	sadd.s32 s21, s4  }
0x9e: {  	[timem:s8], [sflag:s22] =	dma.local [hbm:s6], s20  }
0x9f: {  	_ =	swait.ge [sflag:s22], s20  }
0xa0: {  	s5 =	ssub.s32 $0x0, s20;
	[sflag:s22] =	ssyncset.done $0x0  }
0xa1: {  	[sflag:s22] =	ssyncadd.s32 s5;
	_ =	sdelay $0x1  }
0xa2: {  	s23 =	simm.s32 $0x1B8B  }
0xa3: {  	_ =	swait.ge [sflag:s23], $0x1  }
0xa4: {  	[sflag:s23] =	ssyncset.done $0x0  }
0xa5: {  	s25 =	simm.s32 $0x1B8E;
	s24 =	sld [smem:$0x3FFE];
	[sflag:s23] =	ssyncadd.s32 $0xFFFFFFFF  }
0xa6: {  	s26 =	simm.s32 $execute0_lowered;
	[smem:$0x3FD2] =	sst s25  }
0xa7: {  	s6 =	sshll.u32 s26, $0x1;
	_ =	strace $0x80000046;
	[dreg:$0x1] =	wrdreg $0xFFFFFFFF  }
0xa8: {  	s28 =	simm.s32 $_size_execute0_lowered;
	s4 =	sadd.s32 s4, s6;
	[dreg:$0x0] =	wrdreg $0x0  }
0xa9: {  	s6 =	sshll.u32 s28, $0x1;
	[dreg:$0x2] =	wrdreg s4  }
0xaa: {  	[dreg:$0x3] =	wrdreg s6  }
0xab: {  	[dreg:$0x4] =	wrdreg $0xC0  }
0xac: {  	_ =	task [dreg:s8], $0x5FFFF  }
0xad: {  	[dreg:$0x1] =	wrdreg $0xFFFFFFFF  }
0xae: {  	[dreg:$0x0] =	wrdreg $0x60  }
0xaf: {  	[dreg:$0x2] =	wrdreg s2  }
0xb0: {  	[dreg:$0x3] =	wrdreg s24  }
0xb1: {  	[dreg:$0x4] =	wrdreg s18  }
0xb2: {  	[dreg:$0x5] =	wrdreg $0x9  }
0xb3: {  	_ =	task.clear_ibuf [dreg:s8], $0x6FFFF;
	_ =	strace $0x90000046  }
0xb4: {  	s29 =	simm.s32 $0x9;
	_ =	strace $0x80000048  }
0xb5: {  	_ =	swait.ge [sflag:s29], $0x1  }
0xb6: {  	[sflag:s29] =	ssyncadd.s32 $0xFFFFFFFF  }
0xb7: {  	_ =	strace $0x90000048  }
0xb8: {  	_ =	sfence  }
0xb9: {  	s30 =	sld [smem:$0x0];
	_ =	sdelay $0x2  }
0xba: {  	s31 =	sshll.u32 s1, $0xD;
	s1 =	sshrl.u32 s1, $0x2  }
0xbb: {  	s3 =	sand.u32 $0x4000, s31;
	s1 =	sadd.s32 s1, s30  }
0xbc: {  	s0 =	sor.u32 s3, s0;
	s1 =	sshll.u32 s1, $0x11  }
0xbd: {  	s0 =	sor.u32 s1, s0  }
0xbe: {  	s0 =	sadd.s32 $0x8F2B, s0  }
0xbf: {  	[sflag:s0] =	ssyncadd.remote.s32 $0x1  }
0xc0: {  	_ =	sfence.sel $0xFFFF  }
0xc1: {  	[dreg:$0x0] =	wrdreg $0xFFFFFFFF;
	(pc) =	sbr.abs _section_cstart, $3  }
0xc2: {  	[dreg:$0x1] =	wrdreg $0xFFFFFFFF  }
0xc3: {  	_ =	task.clear_ibuf [dreg:s8], $0x2FFFF;
	_ =	strace $0x9FFFFFFF  }
0xc4: {  	(tm) =	ssettm $0x7FFFFFFF  }
0xc5: {  	_ =	shalt  }
tec
execute0_lowered:
.L_overlay_start_1:
0x0: {  	(tag) =	ssettag $0x1  }
0x1: {  	s3 =	rddreg [dreg:$0x0]  }
0x2: {  	s4 =	rddreg [dreg:$0x1]  }
0x3: {  	s5 =	rddreg [dreg:$0x2]  }
0x4: {  	s0 =	rddreg [dreg:$0x3]  }
0x5: {  	s2 =	simm.s32 $0x0;
	s1 =	stileid.u32;
	s7 =	srdreg.scid  }
0x6: {  	s12 =	simm.s32 $0x1;
	s13 =	simm.s32 $0x18000;
	s14 =	simm.s32 $0x3  }
0x7: {  	s15 =	simm.s32 $0x0;
	[smem:$0x7FF] =	sst s2;
	s6 =	sshrl.u32 s1, $0x3  }
0x8: {  	s7 =	sand.u32 $0x1, s7;
	s9 =	sshll.u32 s1, $0x8;
	s10 =	sshrl.u32 s1, $0x2  }
0x9: {  	_ =	strace $0x80000047;
	s8 =	sshll.u32 s6, $0x4;
	s11 =	sshll.u32 s7, $0x7  }
0xa: {  	s9 =	sand.u32 $0x300, s9;
	s30 =	sand.u32 $0x1, s10;
	s6 =	sshll.u32 s6, $0xB  }
0xb: {  	s7 =	ssub.s32 $0x2, s7;
	s4 =	sadd.s32 s8, s4;
	s9 =	sor.u32 s11, s9  }
0xc: {  	s10 =	sshll.u32 s30, $0x13;
	s8 =	sshll.u32 s30, $0xC;
	s31 =	sshrl.u32 s7, $0x1  }
0xd: {  	s11 =	simm.s32 $0x2;
	s10 =	sor.u32 s9, s10;
	s6 =	sor.u32 s6, s8  }
0xe: {  	s7 =	ssub.s32 s7, s31;
	s4 =	sadd.s32 $0x1A00, s4;
	s8 =	simm.s32 $0x400  }
0xf: {  	s10 =	sshrl.u32 s10, $0x3;
	s6 =	sor.u32 s9, s6;
	s9 =	simm.s32 $0x100  }
0x10: {  	s3 =	sadd.s32 s3, s10;
	s6 =	sshrl.u32 s6, $0x3;
	s10 =	simm.s32 $0x10000  }
0x11: {  	s5 =	sadd.s32 s5, s6;
	s6 =	smax.u32 s7, $0x1;
	s7 =	simm.s32 $0x80  }
.LBB2_1:
0x12: {  	[tilespmem:s2], [sflag:$0x1] =	stream.strided.gather [hbm4b:s3+s7], $0x10000, s8, s7, $0x38;
	[tilespmem:$0x18100] =	vst v63  }
0x13: {  	_ = 	snop  }
0x14: {  	[tilespmem:s10], [sflag:$0x2] =	stream.strided.gather [hbm4b:s4+s7], $0x8000, s9, s7, $0x38;
	[tilespmem:$0x18100] =	vst v63  }
0x15: {  	_ =	swait.ge [sflag:s11], $0x8000  }
0x16: {  	[sflag:s11] =	ssyncset.done $0x0  }
0x17: {  	[sflag:s11] =	ssyncadd.s32 $0xFFFF8000  }
0x18: {  	_ =	swait.ge [sflag:s12], $0x10000  }
0x19: {  	[sflag:s12] =	ssyncset.done $0x0  }
0x1a: {  	s16 =	simm.s32 $0x0;
	[sflag:s12] =	ssyncadd.s32 $0xFFFF0000  }
0x1b: {  	v0 =	vld [tilespmem:s16+$0x10000];
	_ =	sdelay $0x4  }
0x1c: {  	s20 =	sand.u32 $0xE0, s2  }
0x1d: {  	v1 =	vld [tilespmem:s20+$0x10100];
	_ =	sdelay $0x1  }
0x1e: {  	v0 =	vld.idx.msk [tilespmem:v0+s2+$0x0], $0xffff  }
0x1f: {  	v2 =	vld [tilespmem:s20+$0x10200]  }
0x20: {  	v3 =	vld [tilespmem:s20+$0x10300]  }
0x21: {  	v4 =	vld [tilespmem:s20+$0x10400]  }
0x22: {  	v5 =	vld [tilespmem:s20+$0x10500]  }
0x23: {  	v6 =	vld [tilespmem:s20+$0x10600];
	[tilespmem:$0x1F0F0] =	vst v0  }
0x24: {  	v0 =	vld.idx.msk [tilespmem:v1+s2+$0x0], $0xffff;
	_ =	sdelay $0x4  }
0x25: {  	[tilespmem:$0x1F100] =	vst v0  }
0x26: {  	v0 =	vld.idx.msk [tilespmem:v2+s2+$0x0], $0xffff;
	_ =	sdelay $0x4  }
0x27: {  	[tilespmem:$0x1F110] =	vst v0  }
0x28: {  	v0 =	vld.idx.msk [tilespmem:v3+s2+$0x0], $0xffff;
	_ =	sdelay $0x4  }
0x29: {  	[tilespmem:$0x1F120] =	vst v0  }
0x2a: {  	v0 =	vld.idx.msk [tilespmem:v4+s2+$0x0], $0xffff;
	_ =	sdelay $0x4  }
0x2b: {  	[tilespmem:$0x1F130] =	vst v0  }
0x2c: {  	v0 =	vld.idx.msk [tilespmem:v5+s2+$0x0], $0xffff;
	_ =	sdelay $0x4  }
0x2d: {  	[tilespmem:$0x1F140] =	vst v0  }
0x2e: {  	v0 =	vld.idx.msk [tilespmem:v6+s2+$0x0], $0xffff;
	_ =	sdelay $0x4  }
0x2f: {  	[tilespmem:$0x1F150] =	vst v0  }
0x30: {  	v60 =	vld [tilespmem:s20+$0x10700]  }
0x31: {  	v59 =	vld [tilespmem:s16+$0x17E10]  }
0x32: {  	v9 =	vld [tilespmem:s16+$0x17F10]  }
0x33: {  	v7 =	vld [tilespmem:s16+$0x17C10]  }
0x34: {  	v8 =	vld [tilespmem:s16+$0x17D10]  }
0x35: {  	v6 =	vld [tilespmem:s16+$0x17A10]  }
0x36: {  	v5 =	vld [tilespmem:s16+$0x17B10]  }
0x37: {  	v4 =	vld [tilespmem:s16+$0x17810]  }
0x38: {  	v3 =	vld [tilespmem:s16+$0x17910]  }
0x39: {  	v2 =	vld [tilespmem:s16+$0x17610]  }
0x3a: {  	v50 =	vld [tilespmem:s16+$0x12E10]  }
0x3b: {  	v51 =	vld [tilespmem:s16+$0x12C10]  }
0x3c: {  	v52 =	vld [tilespmem:s16+$0x12D10]  }
0x3d: {  	v53 =	vld [tilespmem:s16+$0x12A10]  }
0x3e: {  	v54 =	vld [tilespmem:s16+$0x12B10]  }
0x3f: {  	v55 =	vld [tilespmem:s16+$0x12810]  }
0x40: {  	v56 =	vld [tilespmem:s16+$0x12910]  }
0x41: {  	v48 =	vld [tilespmem:s16+$0x12610]  }
0x42: {  	v49 =	vld [tilespmem:s16+$0x12710]  }
0x43: {  	v46 =	vld [tilespmem:s16+$0x12410]  }
0x44: {  	v47 =	vld [tilespmem:s16+$0x12510]  }
0x45: {  	v44 =	vld [tilespmem:s16+$0x12210]  }
0x46: {  	v45 =	vld [tilespmem:s16+$0x12310]  }
0x47: {  	v42 =	vld [tilespmem:s16+$0x12010]  }
0x48: {  	v43 =	vld [tilespmem:s16+$0x12110]  }
0x49: {  	v40 =	vld [tilespmem:s16+$0x11E10]  }
0x4a: {  	v41 =	vld [tilespmem:s16+$0x11F10]  }
0x4b: {  	v38 =	vld [tilespmem:s16+$0x11C10]  }
0x4c: {  	v39 =	vld [tilespmem:s16+$0x11D10]  }
0x4d: {  	v36 =	vld [tilespmem:s16+$0x11A10]  }
0x4e: {  	v37 =	vld [tilespmem:s16+$0x11B10]  }
0x4f: {  	v34 =	vld [tilespmem:s16+$0x11810]  }
0x50: {  	v35 =	vld [tilespmem:s16+$0x11910]  }
0x51: {  	v32 =	vld [tilespmem:s16+$0x11610]  }
0x52: {  	v33 =	vld [tilespmem:s16+$0x11710]  }
0x53: {  	v30 =	vld [tilespmem:s16+$0x11410]  }
0x54: {  	v31 =	vld [tilespmem:s16+$0x11510]  }
0x55: {  	v28 =	vld [tilespmem:s16+$0x11210]  }
0x56: {  	v29 =	vld [tilespmem:s16+$0x11310]  }
0x57: {  	v26 =	vld [tilespmem:s16+$0x11010]  }
0x58: {  	v27 =	vld [tilespmem:s16+$0x11110]  }
0x59: {  	v24 =	vld [tilespmem:s16+$0x10E10]  }
0x5a: {  	v25 =	vld [tilespmem:s16+$0x10F10]  }
0x5b: {  	v22 =	vld [tilespmem:s16+$0x10C10]  }
0x5c: {  	v23 =	vld [tilespmem:s16+$0x10D10]  }
0x5d: {  	v20 =	vld [tilespmem:s16+$0x10A10]  }
0x5e: {  	v21 =	vld [tilespmem:s16+$0x10B10]  }
0x5f: {  	v18 =	vld [tilespmem:s16+$0x10810]  }
0x60: {  	v19 =	vld [tilespmem:s16+$0x10910]  }
0x61: {  	v10 =	vld [tilespmem:s16+$0x10010]  }
0x62: {  	v11 =	vld [tilespmem:s16+$0x10110]  }
0x63: {  	v12 =	vld [tilespmem:s16+$0x10210]  }
0x64: {  	v13 =	vld [tilespmem:s16+$0x10310]  }
0x65: {  	v14 =	vld [tilespmem:s16+$0x10410]  }
0x66: {  	v15 =	vld [tilespmem:s16+$0x10510]  }
0x67: {  	v16 =	vld [tilespmem:s16+$0x10610]  }
0x68: {  	v17 =	vld [tilespmem:s16+$0x10710]  }
0x69: {  	v10 =	vld.idx.msk [tilespmem:v10+s2+$0x0], $0xffff  }
0x6a: {  	v11 =	vld.idx.msk [tilespmem:v11+s2+$0x0], $0xffff  }
0x6b: {  	v12 =	vld.idx.msk [tilespmem:v12+s2+$0x0], $0xffff  }
0x6c: {  	v13 =	vld.idx.msk [tilespmem:v13+s2+$0x0], $0xffff  }
0x6d: {  	v14 =	vld.idx.msk [tilespmem:v14+s2+$0x0], $0xffff  }
0x6e: {  	v15 =	vld.idx.msk [tilespmem:v15+s2+$0x0], $0xffff  }
0x6f: {  	v16 =	vld.idx.msk [tilespmem:v16+s2+$0x0], $0xffff  }
0x70: {  	v17 =	vld.idx.msk [tilespmem:v17+s2+$0x0], $0xffff  }
0x71: {  	v18 =	vld.idx.msk [tilespmem:v18+s2+$0x0], $0xffff  }
0x72: {  	v19 =	vld.idx.msk [tilespmem:v19+s2+$0x0], $0xffff  }
0x73: {  	v20 =	vld.idx.msk [tilespmem:v20+s2+$0x0], $0xffff  }
0x74: {  	v21 =	vld.idx.msk [tilespmem:v21+s2+$0x0], $0xffff  }
0x75: {  	v22 =	vld.idx.msk [tilespmem:v22+s2+$0x0], $0xffff  }
0x76: {  	v23 =	vld.idx.msk [tilespmem:v23+s2+$0x0], $0xffff  }
0x77: {  	v24 =	vld.idx.msk [tilespmem:v24+s2+$0x0], $0xffff  }
0x78: {  	v25 =	vld.idx.msk [tilespmem:v25+s2+$0x0], $0xffff  }
0x79: {  	v26 =	vld.idx.msk [tilespmem:v26+s2+$0x0], $0xffff  }
0x7a: {  	v27 =	vld.idx.msk [tilespmem:v27+s2+$0x0], $0xffff  }
0x7b: {  	v28 =	vld.idx.msk [tilespmem:v28+s2+$0x0], $0xffff  }
0x7c: {  	v29 =	vld.idx.msk [tilespmem:v29+s2+$0x0], $0xffff  }
0x7d: {  	v30 =	vld.idx.msk [tilespmem:v30+s2+$0x0], $0xffff  }
0x7e: {  	v31 =	vld.idx.msk [tilespmem:v31+s2+$0x0], $0xffff  }
0x7f: {  	v32 =	vld.idx.msk [tilespmem:v32+s2+$0x0], $0xffff  }
0x80: {  	v33 =	vld.idx.msk [tilespmem:v33+s2+$0x0], $0xffff  }
0x81: {  	v34 =	vld.idx.msk [tilespmem:v34+s2+$0x0], $0xffff  }
0x82: {  	v35 =	vld.idx.msk [tilespmem:v35+s2+$0x0], $0xffff  }
0x83: {  	v36 =	vld.idx.msk [tilespmem:v36+s2+$0x0], $0xffff  }
0x84: {  	v37 =	vld.idx.msk [tilespmem:v37+s2+$0x0], $0xffff  }
0x85: {  	v38 =	vld.idx.msk [tilespmem:v38+s2+$0x0], $0xffff  }
0x86: {  	v39 =	vld.idx.msk [tilespmem:v39+s2+$0x0], $0xffff  }
0x87: {  	v40 =	vld.idx.msk [tilespmem:v40+s2+$0x0], $0xffff  }
0x88: {  	v41 =	vld.idx.msk [tilespmem:v41+s2+$0x0], $0xffff  }
0x89: {  	v42 =	vld.idx.msk [tilespmem:v42+s2+$0x0], $0xffff  }
0x8a: {  	v43 =	vld.idx.msk [tilespmem:v43+s2+$0x0], $0xffff  }
0x8b: {  	v44 =	vld.idx.msk [tilespmem:v44+s2+$0x0], $0xffff  }
0x8c: {  	v0 =	vld.idx.msk [tilespmem:v55+s2+$0x0], $0xffff  }
0x8d: {  	v45 =	vld.idx.msk [tilespmem:v45+s2+$0x0], $0xffff  }
0x8e: {  	v46 =	vld.idx.msk [tilespmem:v46+s2+$0x0], $0xffff  }
0x8f: {  	v47 =	vld.idx.msk [tilespmem:v47+s2+$0x0], $0xffff  }
0x90: {  	v48 =	vld.idx.msk [tilespmem:v48+s2+$0x0], $0xffff  }
0x91: {  	v49 =	vld.idx.msk [tilespmem:v49+s2+$0x0], $0xffff;
	[tilespmem:$0x1EC00] =	vst v0  }
0x92: {  	v0 =	vld.idx.msk [tilespmem:v56+s2+$0x0], $0xffff;
	_ =	sdelay $0x4  }
0x93: {  	[tilespmem:$0x1EC10] =	vst v0  }
0x94: {  	v0 =	vld.idx.msk [tilespmem:v53+s2+$0x0], $0xffff;
	_ =	sdelay $0x4  }
0x95: {  	[tilespmem:$0x1EC20] =	vst v0  }
0x96: {  	v0 =	vld.idx.msk [tilespmem:v54+s2+$0x0], $0xffff;
	_ =	sdelay $0x4  }
0x97: {  	[tilespmem:$0x1EC30] =	vst v0  }
0x98: {  	v0 =	vld.idx.msk [tilespmem:v51+s2+$0x0], $0xffff;
	_ =	sdelay $0x4  }
0x99: {  	[tilespmem:$0x1EC40] =	vst v0  }
0x9a: {  	v0 =	vld.idx.msk [tilespmem:v52+s2+$0x0], $0xffff;
	_ =	sdelay $0x4  }
0x9b: {  	[tilespmem:$0x1EC50] =	vst v0  }
0x9c: {  	v0 =	vld.idx.msk [tilespmem:v50+s2+$0x0], $0xffff;
	_ =	sdelay $0x4  }
0x9d: {  	v61 =	vld [tilespmem:s16+$0x12F10];
	[tilespmem:$0x1EC60] =	vst v0  }
0x9e: {  	v50 =	vld [tilespmem:s16+$0x13010];
	_ =	sdelay $0x5  }
0x9f: {  	v52 =	vld [tilespmem:s16+$0x13110]  }
0xa0: {  	v53 =	vld [tilespmem:s16+$0x13210]  }
0xa1: {  	v0 =	vld.idx.msk [tilespmem:v50+s2+$0x0], $0xffff  }
0xa2: {  	v62 =	vld [tilespmem:s16+$0x13310]  }
0xa3: {  	v63 =	vld [tilespmem:s16+$0x13410]  }
0xa4: {  	v57 =	vld [tilespmem:s16+$0x13510]  }
0xa5: {  	v54 =	vld.idx.msk [tilespmem:v61+s2+$0x0], $0xffff  }
0xa6: {  	v61 =	vld [tilespmem:s16+$0x13610];
	[tilespmem:$0x1EC70] =	vst v0  }
0xa7: {  	v0 =	vld.idx.msk [tilespmem:v52+s2+$0x0], $0xffff;
	_ =	sdelay $0x4  }
0xa8: {  	[tilespmem:$0x1EC80] =	vst v0  }
0xa9: {  	v0 =	vld.idx.msk [tilespmem:v53+s2+$0x0], $0xffff;
	_ =	sdelay $0x4  }
0xaa: {  	[tilespmem:$0x1EC90] =	vst v0  }
0xab: {  	v0 =	vld.idx.msk [tilespmem:v62+s2+$0x0], $0xffff;
	_ =	sdelay $0x4  }
0xac: {  	[tilespmem:$0x1ECA0] =	vst v0  }
0xad: {  	v0 =	vld.idx.msk [tilespmem:v63+s2+$0x0], $0xffff;
	_ =	sdelay $0x4  }
0xae: {  	[tilespmem:$0x1ECB0] =	vst v0  }
0xaf: {  	v0 =	vld.idx.msk [tilespmem:v57+s2+$0x0], $0xffff;
	_ =	sdelay $0x4  }
0xb0: {  	[tilespmem:$0x1ECC0] =	vst v0  }
0xb1: {  	v0 =	vld.idx.msk [tilespmem:v61+s2+$0x0], $0xffff;
	_ =	sdelay $0x4  }
0xb2: {  	v50 =	vld [tilespmem:s16+$0x13710];
	[tilespmem:$0x1ECD0] =	vst v0  }
0xb3: {  	v51 =	vld [tilespmem:s16+$0x13810];
	_ =	sdelay $0x1  }
0xb4: {  	v52 =	vld [tilespmem:s16+$0x13910]  }
0xb5: {  	v62 =	vld [tilespmem:s16+$0x13A10]  }
0xb6: {  	v63 =	vld [tilespmem:s16+$0x13B10]  }
0xb7: {  	v61 =	vld [tilespmem:s16+$0x13C10]  }
0xb8: {  	v58 =	vld [tilespmem:s16+$0x13D10]  }
0xb9: {  	v55 =	vld.idx.msk [tilespmem:v50+s2+$0x0], $0xffff  }
0xba: {  	v0 =	vld.idx.msk [tilespmem:v51+s2+$0x0], $0xffff;
	_ =	sdelay $0x4  }
0xbb: {  	v50 =	vld [tilespmem:s16+$0x13E10];
	[tilespmem:$0x1ECE0] =	vst v0  }
0xbc: {  	v0 =	vld.idx.msk [tilespmem:v52+s2+$0x0], $0xffff;
	_ =	sdelay $0x4  }
0xbd: {  	[tilespmem:$0x1ECF0] =	vst v0  }
0xbe: {  	v0 =	vld.idx.msk [tilespmem:v62+s2+$0x0], $0xffff;
	_ =	sdelay $0x4  }
0xbf: {  	[tilespmem:$0x1ED00] =	vst v0  }
0xc0: {  	v0 =	vld.idx.msk [tilespmem:v63+s2+$0x0], $0xffff;
	_ =	sdelay $0x4  }
0xc1: {  	[tilespmem:$0x1ED10] =	vst v0  }
0xc2: {  	v0 =	vld.idx.msk [tilespmem:v61+s2+$0x0], $0xffff;
	_ =	sdelay $0x4  }
0xc3: {  	[tilespmem:$0x1ED20] =	vst v0  }
0xc4: {  	v0 =	vld.idx.msk [tilespmem:v58+s2+$0x0], $0xffff;
	_ =	sdelay $0x4  }
0xc5: {  	[tilespmem:$0x1ED30] =	vst v0  }
0xc6: {  	v0 =	vld.idx.msk [tilespmem:v50+s2+$0x0], $0xffff;
	_ =	sdelay $0x4  }
0xc7: {  	v62 =	vld [tilespmem:s16+$0x13F10];
	[tilespmem:$0x1ED40] =	vst v0  }
0xc8: {  	v50 =	vld [tilespmem:s16+$0x14010];
	_ =	sdelay $0x5  }
0xc9: {  	v52 =	vld [tilespmem:s16+$0x14110]  }
0xca: {  	v53 =	vld [tilespmem:s16+$0x14210]  }
0xcb: {  	v1 =	vld.idx.msk [tilespmem:v50+s2+$0x0], $0xffff  }
0xcc: {  	v63 =	vld [tilespmem:s16+$0x14310]  }
0xcd: {  	v61 =	vld [tilespmem:s16+$0x14410]  }
0xce: {  	v0 =	vld [tilespmem:s16+$0x14510]  }
0xcf: {  	v56 =	vld.idx.msk [tilespmem:v62+s2+$0x0], $0xffff  }
0xd0: {  	v62 =	vld [tilespmem:s16+$0x14610];
	[tilespmem:$0x1ED50] =	vst v1  }
0xd1: {  	v1 =	vld.idx.msk [tilespmem:v52+s2+$0x0], $0xffff;
	_ =	sdelay $0x4  }
0xd2: {  	[tilespmem:$0x1ED60] =	vst v1  }
0xd3: {  	v1 =	vld.idx.msk [tilespmem:v53+s2+$0x0], $0xffff;
	_ =	sdelay $0x4  }
0xd4: {  	[tilespmem:$0x1ED70] =	vst v1  }
0xd5: {  	v1 =	vld.idx.msk [tilespmem:v63+s2+$0x0], $0xffff;
	_ =	sdelay $0x4  }
0xd6: {  	[tilespmem:$0x1ED80] =	vst v1  }
0xd7: {  	v1 =	vld.idx.msk [tilespmem:v61+s2+$0x0], $0xffff;
	_ =	sdelay $0x4  }
0xd8: {  	[tilespmem:$0x1ED90] =	vst v1  }
0xd9: {  	v0 =	vld.idx.msk [tilespmem:v0+s2+$0x0], $0xffff;
	_ =	sdelay $0x4  }
0xda: {  	[tilespmem:$0x1EDA0] =	vst v0  }
0xdb: {  	v1 =	vld.idx.msk [tilespmem:v62+s2+$0x0], $0xffff;
	_ =	sdelay $0x4  }
0xdc: {  	v0 =	vld [tilespmem:s16+$0x14710];
	[tilespmem:$0x1EDB0] =	vst v1  }
0xdd: {  	v50 =	vld [tilespmem:s16+$0x14810];
	_ =	sdelay $0x5  }
0xde: {  	v51 =	vld [tilespmem:s16+$0x14910]  }
0xdf: {  	v52 =	vld [tilespmem:s16+$0x14A10]  }
0xe0: {  	v1 =	vld.idx.msk [tilespmem:v50+s2+$0x0], $0xffff  }
0xe1: {  	v53 =	vld [tilespmem:s16+$0x14B10]  }
0xe2: {  	v58 =	vld [tilespmem:s16+$0x14C10]  }
0xe3: {  	v57 =	vld [tilespmem:s16+$0x14D10]  }
0xe4: {  	v61 =	vld.idx.msk [tilespmem:v0+s2+$0x0], $0xffff  }
0xe5: {  	v0 =	vld [tilespmem:s16+$0x14E10];
	[tilespmem:$0x1EDC0] =	vst v1  }
0xe6: {  	v1 =	vld.idx.msk [tilespmem:v51+s2+$0x0], $0xffff;
	_ =	sdelay $0x4  }
0xe7: {  	[tilespmem:$0x1EDD0] =	vst v1  }
0xe8: {  	v1 =	vld.idx.msk [tilespmem:v52+s2+$0x0], $0xffff;
	_ =	sdelay $0x4  }
0xe9: {  	[tilespmem:$0x1EDE0] =	vst v1  }
0xea: {  	v1 =	vld.idx.msk [tilespmem:v53+s2+$0x0], $0xffff;
	_ =	sdelay $0x4  }
0xeb: {  	[tilespmem:$0x1EDF0] =	vst v1  }
0xec: {  	v1 =	vld.idx.msk [tilespmem:v58+s2+$0x0], $0xffff;
	_ =	sdelay $0x4  }
0xed: {  	[tilespmem:$0x1EE00] =	vst v1  }
0xee: {  	v1 =	vld.idx.msk [tilespmem:v57+s2+$0x0], $0xffff;
	_ =	sdelay $0x4  }
0xef: {  	[tilespmem:$0x1EE10] =	vst v1  }
0xf0: {  	v0 =	vld.idx.msk [tilespmem:v0+s2+$0x0], $0xffff;
	_ =	sdelay $0x4  }
0xf1: {  	v63 =	vld [tilespmem:s16+$0x14F10];
	[tilespmem:$0x1EE20] =	vst v0  }
0xf2: {  	v0 =	vld [tilespmem:s16+$0x15010];
	_ =	sdelay $0x5  }
0xf3: {  	v51 =	vld [tilespmem:s16+$0x15110]  }
0xf4: {  	v52 =	vld [tilespmem:s16+$0x15210]  }
0xf5: {  	v0 =	vld.idx.msk [tilespmem:v0+s2+$0x0], $0xffff  }
0xf6: {  	v53 =	vld [tilespmem:s16+$0x15310]  }
0xf7: {  	v62 =	vld [tilespmem:s16+$0x15410]  }
0xf8: {  	v1 =	vld [tilespmem:s16+$0x15510]  }
0xf9: {  	v58 =	vld.idx.msk [tilespmem:v63+s2+$0x0], $0xffff  }
0xfa: {  	v63 =	vld [tilespmem:s16+$0x15610];
	[tilespmem:$0x1EE30] =	vst v0  }
0xfb: {  	v0 =	vld.idx.msk [tilespmem:v51+s2+$0x0], $0xffff;
	_ =	sdelay $0x4  }
0xfc: {  	[tilespmem:$0x1EE40] =	vst v0  }
0xfd: {  	v0 =	vld.idx.msk [tilespmem:v52+s2+$0x0], $0xffff;
	_ =	sdelay $0x4  }
0xfe: {  	[tilespmem:$0x1EE50] =	vst v0  }
0xff: {  	v0 =	vld.idx.msk [tilespmem:v53+s2+$0x0], $0xffff;
	_ =	sdelay $0x4  }
0x100: {  	[tilespmem:$0x1EE60] =	vst v0  }
0x101: {  	v0 =	vld.idx.msk [tilespmem:v62+s2+$0x0], $0xffff;
	_ =	sdelay $0x4  }
0x102: {  	[tilespmem:$0x1EE70] =	vst v0  }
0x103: {  	v0 =	vld.idx.msk [tilespmem:v1+s2+$0x0], $0xffff;
	_ =	sdelay $0x4  }
0x104: {  	[tilespmem:$0x1EE80] =	vst v0  }
0x105: {  	v1 =	vld.idx.msk [tilespmem:v63+s2+$0x0], $0xffff;
	_ =	sdelay $0x4  }
0x106: {  	v0 =	vld [tilespmem:s16+$0x15710];
	[tilespmem:$0x1EE90] =	vst v1  }
0x107: {  	v1 =	vld [tilespmem:s16+$0x15810];
	_ =	sdelay $0x5  }
0x108: {  	v51 =	vld [tilespmem:s16+$0x15910]  }
0x109: {  	v52 =	vld [tilespmem:s16+$0x15A10]  }
0x10a: {  	v1 =	vld.idx.msk [tilespmem:v1+s2+$0x0], $0xffff  }
0x10b: {  	v53 =	vld [tilespmem:s16+$0x15B10]  }
0x10c: {  	v57 =	vld [tilespmem:s16+$0x15C10]  }
0x10d: {  	v50 =	vld [tilespmem:s16+$0x15D10]  }
0x10e: {  	v62 =	vld.idx.msk [tilespmem:v0+s2+$0x0], $0xffff  }
0x10f: {  	v0 =	vld [tilespmem:s16+$0x15E10];
	[tilespmem:$0x1EEA0] =	vst v1  }
0x110: {  	v1 =	vld.idx.msk [tilespmem:v51+s2+$0x0], $0xffff;
	_ =	sdelay $0x4  }
0x111: {  	[tilespmem:$0x1EEB0] =	vst v1  }
0x112: {  	v1 =	vld.idx.msk [tilespmem:v52+s2+$0x0], $0xffff;
	_ =	sdelay $0x4  }
0x113: {  	[tilespmem:$0x1EEC0] =	vst v1  }
0x114: {  	v1 =	vld.idx.msk [tilespmem:v53+s2+$0x0], $0xffff;
	_ =	sdelay $0x4  }
0x115: {  	[tilespmem:$0x1EED0] =	vst v1  }
0x116: {  	v1 =	vld.idx.msk [tilespmem:v57+s2+$0x0], $0xffff;
	_ =	sdelay $0x4  }
0x117: {  	[tilespmem:$0x1EEE0] =	vst v1  }
0x118: {  	v1 =	vld.idx.msk [tilespmem:v50+s2+$0x0], $0xffff;
	_ =	sdelay $0x4  }
0x119: {  	[tilespmem:$0x1EEF0] =	vst v1  }
0x11a: {  	v0 =	vld.idx.msk [tilespmem:v0+s2+$0x0], $0xffff;
	_ =	sdelay $0x4  }
0x11b: {  	v1 =	vld [tilespmem:s16+$0x15F10];
	[tilespmem:$0x1EF00] =	vst v0  }
0x11c: {  	v0 =	vld [tilespmem:s16+$0x16010];
	_ =	sdelay $0x5  }
0x11d: {  	v50 =	vld [tilespmem:s16+$0x16110]  }
0x11e: {  	v52 =	vld [tilespmem:s16+$0x16210]  }
0x11f: {  	v0 =	vld.idx.msk [tilespmem:v0+s2+$0x0], $0xffff  }
0x120: {  	v53 =	vld [tilespmem:s16+$0x16310]  }
0x121: {  	v57 =	vld [tilespmem:s16+$0x16410]  }
0x122: {  	v51 =	vld [tilespmem:s16+$0x16510]  }
0x123: {  	v63 =	vld.idx.msk [tilespmem:v1+s2+$0x0], $0xffff  }
0x124: {  	v1 =	vld [tilespmem:s16+$0x16610];
	[tilespmem:$0x1EF10] =	vst v0  }
0x125: {  	v0 =	vld.idx.msk [tilespmem:v50+s2+$0x0], $0xffff;
	_ =	sdelay $0x4  }
0x126: {  	[tilespmem:$0x1EF20] =	vst v0  }
0x127: {  	v0 =	vld.idx.msk [tilespmem:v52+s2+$0x0], $0xffff;
	_ =	sdelay $0x4  }
0x128: {  	[tilespmem:$0x1EF30] =	vst v0  }
0x129: {  	v0 =	vld.idx.msk [tilespmem:v53+s2+$0x0], $0xffff;
	_ =	sdelay $0x4  }
0x12a: {  	[tilespmem:$0x1EF40] =	vst v0  }
0x12b: {  	v0 =	vld.idx.msk [tilespmem:v57+s2+$0x0], $0xffff;
	_ =	sdelay $0x4  }
0x12c: {  	[tilespmem:$0x1EF50] =	vst v0  }
0x12d: {  	v0 =	vld.idx.msk [tilespmem:v51+s2+$0x0], $0xffff;
	_ =	sdelay $0x4  }
0x12e: {  	[tilespmem:$0x1EF60] =	vst v0  }
0x12f: {  	v0 =	vld [tilespmem:s16+$0x16710]  }
0x130: {  	v1 =	vld.idx.msk [tilespmem:v1+s2+$0x0], $0xffff;
	_ =	sdelay $0x4  }
0x131: {  	[tilespmem:$0x1EF70] =	vst v1  }
0x132: {  	v1 =	vld [tilespmem:s16+$0x16810];
	_ =	sdelay $0x1  }
0x133: {  	v0 =	vld.idx.msk [tilespmem:v0+s2+$0x0], $0xffff  }
0x134: {  	v50 =	vld [tilespmem:s16+$0x16910]  }
0x135: {  	v51 =	vld [tilespmem:s16+$0x16A10]  }
0x136: {  	v53 =	vld [tilespmem:s16+$0x16B10]  }
0x137: {  	v57 =	vld [tilespmem:s16+$0x16C10]  }
0x138: {  	v52 =	vld [tilespmem:s16+$0x16D10];
	[tilespmem:$0x1EF80] =	vst v0  }
0x139: {  	v1 =	vld.idx.msk [tilespmem:v1+s2+$0x0], $0xffff;
	_ =	sdelay $0x4  }
0x13a: {  	v0 =	vld [tilespmem:s16+$0x16E10];
	[tilespmem:$0x1EF90] =	vst v1  }
0x13b: {  	v1 =	vld.idx.msk [tilespmem:v50+s2+$0x0], $0xffff;
	_ =	sdelay $0x4  }
0x13c: {  	[tilespmem:$0x1EFA0] =	vst v1  }
0x13d: {  	v1 =	vld.idx.msk [tilespmem:v51+s2+$0x0], $0xffff;
	_ =	sdelay $0x4  }
0x13e: {  	[tilespmem:$0x1EFB0] =	vst v1  }
0x13f: {  	v1 =	vld.idx.msk [tilespmem:v53+s2+$0x0], $0xffff;
	_ =	sdelay $0x4  }
0x140: {  	[tilespmem:$0x1EFC0] =	vst v1  }
0x141: {  	v1 =	vld.idx.msk [tilespmem:v57+s2+$0x0], $0xffff;
	_ =	sdelay $0x4  }
0x142: {  	[tilespmem:$0x1EFD0] =	vst v1  }
0x143: {  	v1 =	vld.idx.msk [tilespmem:v52+s2+$0x0], $0xffff;
	_ =	sdelay $0x4  }
0x144: {  	[tilespmem:$0x1EFE0] =	vst v1  }
0x145: {  	v1 =	vld [tilespmem:s16+$0x16F10]  }
0x146: {  	v0 =	vld.idx.msk [tilespmem:v0+s2+$0x0], $0xffff;
	_ =	sdelay $0x4  }
0x147: {  	[tilespmem:$0x1EFF0] =	vst v0  }
0x148: {  	v0 =	vld [tilespmem:s16+$0x17010];
	_ =	sdelay $0x1  }
0x149: {  	v1 =	vld.idx.msk [tilespmem:v1+s2+$0x0], $0xffff  }
0x14a: {  	v50 =	vld [tilespmem:s16+$0x17110]  }
0x14b: {  	v51 =	vld [tilespmem:s16+$0x17210]  }
0x14c: {  	v52 =	vld [tilespmem:s16+$0x17310]  }
0x14d: {  	v57 =	vld [tilespmem:s16+$0x17410]  }
0x14e: {  	v53 =	vld [tilespmem:s16+$0x17510];
	[tilespmem:$0x1F000] =	vst v1  }
0x14f: {  	v0 =	vld.idx.msk [tilespmem:v0+s2+$0x0], $0xffff;
	_ =	sdelay $0x4  }
0x150: {  	v1 =	vld [tilespmem:s16+$0x17710];
	[tilespmem:$0x1F010] =	vst v0  }
0x151: {  	v0 =	vld.idx.msk [tilespmem:v50+s2+$0x0], $0xffff;
	_ =	sdelay $0x4  }
0x152: {  	[tilespmem:$0x1F020] =	vst v0  }
0x153: {  	v0 =	vld.idx.msk [tilespmem:v51+s2+$0x0], $0xffff;
	_ =	sdelay $0x4  }
0x154: {  	[tilespmem:$0x1F030] =	vst v0  }
0x155: {  	v0 =	vld.idx.msk [tilespmem:v52+s2+$0x0], $0xffff;
	_ =	sdelay $0x4  }
0x156: {  	[tilespmem:$0x1F040] =	vst v0  }
0x157: {  	v0 =	vld.idx.msk [tilespmem:v57+s2+$0x0], $0xffff;
	_ =	sdelay $0x4  }
0x158: {  	[tilespmem:$0x1F050] =	vst v0  }
0x159: {  	v0 =	vld.idx.msk [tilespmem:v53+s2+$0x0], $0xffff;
	_ =	sdelay $0x4  }
0x15a: {  	[tilespmem:$0x1F060] =	vst v0  }
0x15b: {  	v0 =	vld.idx.msk [tilespmem:v2+s2+$0x0], $0xffff;
	_ =	sdelay $0x4  }
0x15c: {  	[tilespmem:$0x1F070] =	vst v0  }
0x15d: {  	v0 =	vld.idx.msk [tilespmem:v1+s2+$0x0], $0xffff;
	_ =	sdelay $0x4  }
0x15e: {  	[tilespmem:$0x1F080] =	vst v0  }
0x15f: {  	v0 =	vld.idx.msk [tilespmem:v4+s2+$0x0], $0xffff;
	_ =	sdelay $0x4  }
0x160: {  	[tilespmem:$0x1F090] =	vst v0  }
0x161: {  	v0 =	vld.idx.msk [tilespmem:v3+s2+$0x0], $0xffff;
	_ =	sdelay $0x4  }
0x162: {  	[tilespmem:$0x1F0A0] =	vst v0  }
0x163: {  	v0 =	vld.idx.msk [tilespmem:v6+s2+$0x0], $0xffff;
	_ =	sdelay $0x4  }
0x164: {  	[tilespmem:$0x1F0B0] =	vst v0  }
0x165: {  	v0 =	vld.idx.msk [tilespmem:v5+s2+$0x0], $0xffff;
	_ =	sdelay $0x4  }
0x166: {  	[tilespmem:$0x1F0C0] =	vst v0  }
0x167: {  	v3 =	vld.idx.msk [tilespmem:v8+s2+$0x0], $0xffff;
	_ =	sdelay $0x1  }
0x168: {  	v53 =	vld.idx.msk [tilespmem:v7+s2+$0x0], $0xffff  }
0x169: {  	v0 =	vld [tilespmem:s20+$0x10800]  }
0x16a: {  	v1 =	vld [tilespmem:s20+$0x10900]  }
0x16b: {  	v2 =	vld [tilespmem:s20+$0x10A00];
	[tilespmem:$0x1F0D0] =	vst v3  }
0x16c: {  	v4 =	vld.idx.msk [tilespmem:v60+s2+$0x0], $0xffff;
	_ =	sdelay $0x2  }
0x16d: {  	v57 =	vld.idx.msk [tilespmem:v59+s2+$0x0], $0xffff  }
0x16e: {  	v59 =	vld.idx.msk [tilespmem:v9+s2+$0x0], $0xffff  }
0x16f: {  	v3 =	vld [tilespmem:s20+$0x10B00];
	[tilespmem:$0x1F160] =	vst v4  }
0x170: {  	v50 =	vld.idx.msk [tilespmem:v0+s2+$0x0], $0xffff  }
0x171: {  	v0 =	vld.idx.msk [tilespmem:v1+s2+$0x0], $0xffff;
	_ =	sdelay $0x4  }
0x172: {  	[tilespmem:$0x1F170] =	vst v0  }
0x173: {  	v0 =	vld [tilespmem:s20+$0x10C00];
	_ =	sdelay $0x1  }
0x174: {  	v3 =	vld.idx.msk [tilespmem:v3+s2+$0x0], $0xffff;
	_ =	sdelay $0x2  }
0x175: {  	v9 =	vld.idx.msk [tilespmem:v2+s2+$0x0], $0xffff  }
0x176: {  	v1 =	vld [tilespmem:s20+$0x10D00]  }
0x177: {  	v2 =	vld [tilespmem:s20+$0x10E00];
	[tilespmem:$0x1F180] =	vst v3  }
0x178: {  	v0 =	vld.idx.msk [tilespmem:v0+s2+$0x0], $0xffff;
	_ =	sdelay $0x1  }
0x179: {  	v3 =	vld [tilespmem:s20+$0x10F00]  }
0x17a: {  	v4 =	vld [tilespmem:s20+$0x11000]  }
0x17b: {  	v5 =	vld [tilespmem:s20+$0x11100]  }
0x17c: {  	v6 =	vld [tilespmem:s20+$0x11200];
	[tilespmem:$0x1F190] =	vst v0  }
0x17d: {  	v0 =	vld.idx.msk [tilespmem:v1+s2+$0x0], $0xffff;
	_ =	sdelay $0x4  }
0x17e: {  	[tilespmem:$0x1F1A0] =	vst v0  }
0x17f: {  	v0 =	vld.idx.msk [tilespmem:v2+s2+$0x0], $0xffff;
	_ =	sdelay $0x4  }
0x180: {  	[tilespmem:$0x1F1B0] =	vst v0  }
0x181: {  	v1 =	vld.idx.msk [tilespmem:v3+s2+$0x0], $0xffff;
	_ =	sdelay $0x4  }
0x182: {  	v0 =	vld [tilespmem:s20+$0x11300];
	[tilespmem:$0x1F1C0] =	vst v1  }
0x183: {  	v1 =	vld.idx.msk [tilespmem:v4+s2+$0x0], $0xffff;
	_ =	sdelay $0x4  }
0x184: {  	[tilespmem:$0x1F1D0] =	vst v1  }
0x185: {  	v1 =	vld.idx.msk [tilespmem:v5+s2+$0x0], $0xffff;
	_ =	sdelay $0x4  }
0x186: {  	[tilespmem:$0x1F1E0] =	vst v1  }
0x187: {  	v1 =	vld [tilespmem:s20+$0x11400];
	_ =	sdelay $0x1  }
0x188: {  	v0 =	vld.idx.msk [tilespmem:v0+s2+$0x0], $0xffff;
	_ =	sdelay $0x2  }
0x189: {  	v51 =	vld.idx.msk [tilespmem:v6+s2+$0x0], $0xffff  }
0x18a: {  	v2 =	vld [tilespmem:s20+$0x11500]  }
0x18b: {  	v3 =	vld [tilespmem:s20+$0x11600];
	[tilespmem:$0x1F1F0] =	vst v0  }
0x18c: {  	v1 =	vld.idx.msk [tilespmem:v1+s2+$0x0], $0xffff;
	_ =	sdelay $0x1  }
0x18d: {  	v0 =	vld [tilespmem:s20+$0x11700]  }
0x18e: {  	v4 =	vld [tilespmem:s20+$0x11800]  }
0x18f: {  	v5 =	vld [tilespmem:s20+$0x11900]  }
0x190: {  	v6 =	vld [tilespmem:s20+$0x11A00];
	[tilespmem:$0x1F200] =	vst v1  }
0x191: {  	v1 =	vld.idx.msk [tilespmem:v2+s2+$0x0], $0xffff;
	_ =	sdelay $0x4  }
0x192: {  	[tilespmem:$0x1F210] =	vst v1  }
0x193: {  	v1 =	vld.idx.msk [tilespmem:v3+s2+$0x0], $0xffff;
	_ =	sdelay $0x4  }
0x194: {  	[tilespmem:$0x1F220] =	vst v1  }
0x195: {  	v0 =	vld.idx.msk [tilespmem:v0+s2+$0x0], $0xffff;
	_ =	sdelay $0x4  }
0x196: {  	v1 =	vld [tilespmem:s20+$0x11B00];
	[tilespmem:$0x1F230] =	vst v0  }
0x197: {  	v0 =	vld.idx.msk [tilespmem:v4+s2+$0x0], $0xffff;
	_ =	sdelay $0x4  }
0x198: {  	[tilespmem:$0x1F240] =	vst v0  }
0x199: {  	v0 =	vld.idx.msk [tilespmem:v5+s2+$0x0], $0xffff;
	_ =	sdelay $0x4  }
0x19a: {  	[tilespmem:$0x1F250] =	vst v0  }
0x19b: {  	v0 =	vld [tilespmem:s20+$0x11C00];
	_ =	sdelay $0x1  }
0x19c: {  	v1 =	vld.idx.msk [tilespmem:v1+s2+$0x0], $0xffff;
	_ =	sdelay $0x2  }
0x19d: {  	v52 =	vld.idx.msk [tilespmem:v6+s2+$0x0], $0xffff  }
0x19e: {  	v2 =	vld [tilespmem:s20+$0x11D00]  }
0x19f: {  	v3 =	vld [tilespmem:s20+$0x11E00];
	[tilespmem:$0x1F260] =	vst v1  }
0x1a0: {  	v0 =	vld.idx.msk [tilespmem:v0+s2+$0x0], $0xffff;
	_ =	sdelay $0x1  }
0x1a1: {  	v1 =	vld [tilespmem:s20+$0x11F00]  }
0x1a2: {  	v4 =	vld [tilespmem:s20+$0x12000]  }
0x1a3: {  	v5 =	vld [tilespmem:s20+$0x12100]  }
0x1a4: {  	v6 =	vld [tilespmem:s20+$0x12200];
	[tilespmem:$0x1F270] =	vst v0  }
0x1a5: {  	v0 =	vld.idx.msk [tilespmem:v2+s2+$0x0], $0xffff;
	_ =	sdelay $0x4  }
0x1a6: {  	[tilespmem:$0x1F280] =	vst v0  }
0x1a7: {  	v0 =	vld.idx.msk [tilespmem:v3+s2+$0x0], $0xffff;
	_ =	sdelay $0x4  }
0x1a8: {  	[tilespmem:$0x1F290] =	vst v0  }
0x1a9: {  	v1 =	vld.idx.msk [tilespmem:v1+s2+$0x0], $0xffff;
	_ =	sdelay $0x4  }
0x1aa: {  	v0 =	vld [tilespmem:s20+$0x12300];
	[tilespmem:$0x1F2A0] =	vst v1  }
0x1ab: {  	v1 =	vld.idx.msk [tilespmem:v4+s2+$0x0], $0xffff;
	_ =	sdelay $0x4  }
0x1ac: {  	[tilespmem:$0x1F2B0] =	vst v1  }
0x1ad: {  	v1 =	vld.idx.msk [tilespmem:v5+s2+$0x0], $0xffff;
	_ =	sdelay $0x4  }
0x1ae: {  	[tilespmem:$0x1F2C0] =	vst v1  }
0x1af: {  	v1 =	vld.idx.msk [tilespmem:v6+s2+$0x0], $0xffff;
	_ =	sdelay $0x4  }
0x1b0: {  	[tilespmem:$0x1F2D0] =	vst v1  }
0x1b1: {  	v1 =	vld [tilespmem:s20+$0x12400];
	_ =	sdelay $0x1  }
0x1b2: {  	v0 =	vld.idx.msk [tilespmem:v0+s2+$0x0], $0xffff;
	_ =	sdelay $0x3  }
0x1b3: {  	v2 =	vld [tilespmem:s20+$0x12500]  }
0x1b4: {  	v3 =	vld [tilespmem:s20+$0x12600];
	[tilespmem:$0x1F2E0] =	vst v0  }
0x1b5: {  	v1 =	vld.idx.msk [tilespmem:v1+s2+$0x0], $0xffff;
	_ =	sdelay $0x1  }
0x1b6: {  	v0 =	vld [tilespmem:s20+$0x12700]  }
0x1b7: {  	v4 =	vld [tilespmem:s20+$0x12800]  }
0x1b8: {  	v5 =	vld [tilespmem:s20+$0x12900]  }
0x1b9: {  	v6 =	vld [tilespmem:s20+$0x12A00];
	[tilespmem:$0x1F2F0] =	vst v1  }
0x1ba: {  	v1 =	vld.idx.msk [tilespmem:v2+s2+$0x0], $0xffff;
	_ =	sdelay $0x4  }
0x1bb: {  	[tilespmem:$0x1F300] =	vst v1  }
0x1bc: {  	v1 =	vld.idx.msk [tilespmem:v3+s2+$0x0], $0xffff;
	_ =	sdelay $0x4  }
0x1bd: {  	[tilespmem:$0x1F310] =	vst v1  }
0x1be: {  	v0 =	vld.idx.msk [tilespmem:v0+s2+$0x0], $0xffff;
	_ =	sdelay $0x4  }
0x1bf: {  	v1 =	vld [tilespmem:s20+$0x12B00];
	[tilespmem:$0x1F320] =	vst v0  }
0x1c0: {  	v0 =	vld.idx.msk [tilespmem:v4+s2+$0x0], $0xffff;
	_ =	sdelay $0x4  }
0x1c1: {  	[tilespmem:$0x1F330] =	vst v0  }
0x1c2: {  	v0 =	vld.idx.msk [tilespmem:v5+s2+$0x0], $0xffff;
	_ =	sdelay $0x4  }
0x1c3: {  	[tilespmem:$0x1F340] =	vst v0  }
0x1c4: {  	v0 =	vld.idx.msk [tilespmem:v6+s2+$0x0], $0xffff;
	_ =	sdelay $0x4  }
0x1c5: {  	[tilespmem:$0x1F350] =	vst v0  }
0x1c6: {  	v0 =	vld [tilespmem:s20+$0x12C00];
	_ =	sdelay $0x1  }
0x1c7: {  	v1 =	vld.idx.msk [tilespmem:v1+s2+$0x0], $0xffff;
	_ =	sdelay $0x3  }
0x1c8: {  	v2 =	vld [tilespmem:s20+$0x12D00]  }
0x1c9: {  	v3 =	vld [tilespmem:s20+$0x12E00];
	[tilespmem:$0x1F360] =	vst v1  }
0x1ca: {  	v0 =	vld.idx.msk [tilespmem:v0+s2+$0x0], $0xffff;
	_ =	sdelay $0x1  }
0x1cb: {  	v1 =	vld [tilespmem:s20+$0x12F00]  }
0x1cc: {  	v4 =	vld [tilespmem:s20+$0x13000]  }
0x1cd: {  	v5 =	vld [tilespmem:s20+$0x13100]  }
0x1ce: {  	v6 =	vld [tilespmem:s20+$0x13200];
	[tilespmem:$0x1F370] =	vst v0  }
0x1cf: {  	v0 =	vld.idx.msk [tilespmem:v2+s2+$0x0], $0xffff;
	_ =	sdelay $0x4  }
0x1d0: {  	[tilespmem:$0x1F380] =	vst v0  }
0x1d1: {  	v0 =	vld.idx.msk [tilespmem:v3+s2+$0x0], $0xffff;
	_ =	sdelay $0x4  }
0x1d2: {  	[tilespmem:$0x1F390] =	vst v0  }
0x1d3: {  	v1 =	vld.idx.msk [tilespmem:v1+s2+$0x0], $0xffff;
	_ =	sdelay $0x4  }
0x1d4: {  	v0 =	vld [tilespmem:s20+$0x13300];
	[tilespmem:$0x1F3A0] =	vst v1  }
0x1d5: {  	v1 =	vld.idx.msk [tilespmem:v4+s2+$0x0], $0xffff;
	_ =	sdelay $0x4  }
0x1d6: {  	[tilespmem:$0x1F3B0] =	vst v1  }
0x1d7: {  	v1 =	vld.idx.msk [tilespmem:v5+s2+$0x0], $0xffff;
	_ =	sdelay $0x4  }
0x1d8: {  	[tilespmem:$0x1F3C0] =	vst v1  }
0x1d9: {  	v1 =	vld.idx.msk [tilespmem:v6+s2+$0x0], $0xffff;
	_ =	sdelay $0x4  }
0x1da: {  	[tilespmem:$0x1F3D0] =	vst v1  }
0x1db: {  	v1 =	vld [tilespmem:s20+$0x13400];
	_ =	sdelay $0x1  }
0x1dc: {  	v0 =	vld.idx.msk [tilespmem:v0+s2+$0x0], $0xffff;
	_ =	sdelay $0x3  }
0x1dd: {  	v2 =	vld [tilespmem:s20+$0x13500]  }
0x1de: {  	v3 =	vld [tilespmem:s20+$0x13600];
	[tilespmem:$0x1F3E0] =	vst v0  }
0x1df: {  	v1 =	vld.idx.msk [tilespmem:v1+s2+$0x0], $0xffff;
	_ =	sdelay $0x1  }
0x1e0: {  	v0 =	vld [tilespmem:s20+$0x13700]  }
0x1e1: {  	v4 =	vld [tilespmem:s20+$0x13800]  }
0x1e2: {  	v5 =	vld [tilespmem:s20+$0x13900]  }
0x1e3: {  	v6 =	vld [tilespmem:s20+$0x13A00];
	[tilespmem:$0x1F3F0] =	vst v1  }
0x1e4: {  	v1 =	vld.idx.msk [tilespmem:v2+s2+$0x0], $0xffff;
	_ =	sdelay $0x4  }
0x1e5: {  	[tilespmem:$0x1F400] =	vst v1  }
0x1e6: {  	v1 =	vld.idx.msk [tilespmem:v3+s2+$0x0], $0xffff;
	_ =	sdelay $0x4  }
0x1e7: {  	[tilespmem:$0x1F410] =	vst v1  }
0x1e8: {  	v0 =	vld.idx.msk [tilespmem:v0+s2+$0x0], $0xffff;
	_ =	sdelay $0x4  }
0x1e9: {  	v1 =	vld [tilespmem:s20+$0x13B00];
	[tilespmem:$0x1F420] =	vst v0  }
0x1ea: {  	v0 =	vld.idx.msk [tilespmem:v4+s2+$0x0], $0xffff;
	_ =	sdelay $0x4  }
0x1eb: {  	[tilespmem:$0x1F430] =	vst v0  }
0x1ec: {  	v0 =	vld.idx.msk [tilespmem:v5+s2+$0x0], $0xffff;
	_ =	sdelay $0x4  }
0x1ed: {  	[tilespmem:$0x1F440] =	vst v0  }
0x1ee: {  	v0 =	vld.idx.msk [tilespmem:v6+s2+$0x0], $0xffff;
	_ =	sdelay $0x4  }
0x1ef: {  	[tilespmem:$0x1F450] =	vst v0  }
0x1f0: {  	v0 =	vld [tilespmem:s20+$0x13C00];
	_ =	sdelay $0x1  }
0x1f1: {  	v1 =	vld.idx.msk [tilespmem:v1+s2+$0x0], $0xffff;
	_ =	sdelay $0x3  }
0x1f2: {  	v2 =	vld [tilespmem:s20+$0x13D00]  }
0x1f3: {  	v3 =	vld [tilespmem:s20+$0x13E00];
	[tilespmem:$0x1F460] =	vst v1  }
0x1f4: {  	v0 =	vld.idx.msk [tilespmem:v0+s2+$0x0], $0xffff;
	_ =	sdelay $0x1  }
0x1f5: {  	v1 =	vld [tilespmem:s20+$0x13F00]  }
0x1f6: {  	v4 =	vld [tilespmem:s20+$0x14000]  }
0x1f7: {  	v5 =	vld [tilespmem:s20+$0x14100]  }
0x1f8: {  	v6 =	vld [tilespmem:s20+$0x14200];
	[tilespmem:$0x1F470] =	vst v0  }
0x1f9: {  	v0 =	vld.idx.msk [tilespmem:v2+s2+$0x0], $0xffff;
	_ =	sdelay $0x4  }
0x1fa: {  	[tilespmem:$0x1F480] =	vst v0  }
0x1fb: {  	v0 =	vld.idx.msk [tilespmem:v3+s2+$0x0], $0xffff;
	_ =	sdelay $0x4  }
0x1fc: {  	[tilespmem:$0x1F490] =	vst v0  }
0x1fd: {  	v1 =	vld.idx.msk [tilespmem:v1+s2+$0x0], $0xffff;
	_ =	sdelay $0x4  }
0x1fe: {  	v0 =	vld [tilespmem:s20+$0x14300];
	[tilespmem:$0x1F4A0] =	vst v1  }
0x1ff: {  	v1 =	vld.idx.msk [tilespmem:v4+s2+$0x0], $0xffff;
	_ =	sdelay $0x4  }
0x200: {  	[tilespmem:$0x1F4B0] =	vst v1  }
0x201: {  	v1 =	vld.idx.msk [tilespmem:v5+s2+$0x0], $0xffff;
	_ =	sdelay $0x4  }
0x202: {  	[tilespmem:$0x1F4C0] =	vst v1  }
0x203: {  	v1 =	vld.idx.msk [tilespmem:v6+s2+$0x0], $0xffff;
	_ =	sdelay $0x4  }
0x204: {  	[tilespmem:$0x1F4D0] =	vst v1  }
0x205: {  	v2 =	vadd.f32 $0.0e+00, v11;
	v1 =	vadd.f32 $0.0e+00, v10;
	v3 =	vld [tilespmem:s20+$0x14400]  }
0x206: {  	v4 =	vld [tilespmem:s20+$0x14500]  }
0x207: {  	v2 =	vadd.f32 v13, v2;
	v5 =	vld [tilespmem:s20+$0x14600];
	v1 =	vadd.f32 v12, v1  }
0x208: {  	v10 =	vld.idx.msk [tilespmem:v0+s2+$0x0], $0xffff  }
0x209: {  	v0 =	vadd.f32 v14, v1;
	v1 =	vadd.f32 v15, v2;
	v2 =	vld [tilespmem:s20+$0x14700]  }
0x20a: {  	v6 =	vld [tilespmem:s20+$0x14800]  }
0x20b: {  	v7 =	vld [tilespmem:s20+$0x14900]  }
0x20c: {  	v8 =	vld [tilespmem:s20+$0x14A00]  }
0x20d: {  	v11 =	vld.idx.msk [tilespmem:v3+s2+$0x0], $0xffff  }
0x20e: {  	v12 =	vld.idx.msk [tilespmem:v4+s2+$0x0], $0xffff  }
0x20f: {  	v3 =	vld [tilespmem:s20+$0x14B00]  }
0x210: {  	v13 =	vld.idx.msk [tilespmem:v5+s2+$0x0], $0xffff  }
0x211: {  	v0 =	vadd.f32 v16, v0;
	v16 =	vld.idx.msk [tilespmem:v2+s2+$0x0], $0xffff  }
0x212: {  	v2 =	vld [tilespmem:s20+$0x14C00]  }
0x213: {  	v14 =	vld.idx.msk [tilespmem:v6+s2+$0x0], $0xffff  }
0x214: {  	v1 =	vadd.f32 v17, v1;
	v17 =	vld.idx.msk [tilespmem:v7+s2+$0x0], $0xffff  }
0x215: {  	v15 =	vld.idx.msk [tilespmem:v8+s2+$0x0], $0xffff  }
0x216: {  	v1 =	vadd.f32 v19, v1;
	v4 =	vld [tilespmem:s20+$0x14D00]  }
0x217: {  	v0 =	vadd.f32 v18, v0;
	v19 =	vld.idx.msk [tilespmem:v3+s2+$0x0], $0xffff  }
0x218: {  	v1 =	vadd.f32 v21, v1;
	v3 =	vld [tilespmem:s20+$0x14F00]  }
0x219: {  	v5 =	vld [tilespmem:s20+$0x14E00];
	v0 =	vadd.f32 v20, v0  }
0x21a: {  	v1 =	vadd.f32 v23, v1;
	v20 =	vld.idx.msk [tilespmem:v2+s2+$0x0], $0xffff  }
0x21b: {  	v0 =	vadd.f32 v22, v0;
	v2 =	vld [tilespmem:s20+$0x15300]  }
0x21c: {  	v6 =	vld [tilespmem:s20+$0x15000];
	v1 =	vadd.f32 v25, v1  }
0x21d: {  	v7 =	vld [tilespmem:s20+$0x15100];
	v0 =	vadd.f32 v24, v0  }
0x21e: {  	v8 =	vld [tilespmem:s20+$0x15200];
	v1 =	vadd.f32 v27, v1  }
0x21f: {  	v0 =	vadd.f32 v26, v0;
	v22 =	vld.idx.msk [tilespmem:v4+s2+$0x0], $0xffff  }
0x220: {  	v1 =	vadd.f32 v29, v1;
	v29 =	vld.idx.msk [tilespmem:v3+s2+$0x0], $0xffff  }
0x221: {  	v0 =	vadd.f32 v28, v0;
	v3 =	vld [tilespmem:s20+$0x15400]  }
0x222: {  	v23 =	vld.idx.msk [tilespmem:v5+s2+$0x0], $0xffff  }
0x223: {  	v0 =	vadd.f32 v30, v0;
	v2 =	vld.idx.msk [tilespmem:v2+s2+$0x0], $0xffff  }
0x224: {  	v26 =	vld.idx.msk [tilespmem:v6+s2+$0x0], $0xffff;
	v1 =	vadd.f32 v31, v1  }
0x225: {  	v4 =	vld [tilespmem:s20+$0x15500];
	v0 =	vadd.f32 v32, v0  }
0x226: {  	v5 =	vld [tilespmem:s20+$0x15600];
	v1 =	vadd.f32 v33, v1  }
0x227: {  	v28 =	vld.idx.msk [tilespmem:v8+s2+$0x0], $0xffff;
	v0 =	vadd.f32 v34, v0  }
0x228: {  	v32 =	vld.idx.msk [tilespmem:v7+s2+$0x0], $0xffff;
	v1 =	vadd.f32 v35, v1;
	[tilespmem:$0x1F4E0] =	vst v2  }
0x229: {  	v0 =	vadd.f32 v36, v0;
	v3 =	vld.idx.msk [tilespmem:v3+s2+$0x0], $0xffff  }
0x22a: {  	v1 =	vadd.f32 v37, v1  }
0x22b: {  	v0 =	vadd.f32 v38, v0;
	v2 =	vld [tilespmem:s20+$0x15700]  }
0x22c: {  	v1 =	vadd.f32 v39, v1;
	v6 =	vld [tilespmem:s20+$0x15800]  }
0x22d: {  	v0 =	vadd.f32 v40, v0;
	v7 =	vld [tilespmem:s20+$0x15900]  }
0x22e: {  	v1 =	vadd.f32 v41, v1;
	v8 =	vld [tilespmem:s20+$0x15A00];
	[tilespmem:$0x1F4F0] =	vst v3  }
0x22f: {  	v0 =	vadd.f32 v42, v0;
	v3 =	vld.idx.msk [tilespmem:v4+s2+$0x0], $0xffff  }
0x230: {  	v1 =	vadd.f32 v43, v1  }
0x231: {  	v0 =	vadd.f32 v44, v0  }
0x232: {  	v1 =	vadd.f32 v45, v1;
	v45 =	vld [tilespmem:$0x1EC00]  }
0x233: {  	v0 =	vadd.f32 v46, v0  }
0x234: {  	[tilespmem:$0x1F500] =	vst v3;
	v3 =	vld [tilespmem:$0x1EC20]  }
0x235: {  	v0 =	vadd.f32 v48, v0;
	_ =	sdelay $0x1  }
0x236: {  	v46 =	vld [tilespmem:$0x1EC10];
	v0 =	vadd.f32 v45, v0  }
0x237: {  	v1 =	vadd.f32 v47, v1  }
0x238: {  	v0 =	vadd.f32 v3, v0;
	v3 =	vld [tilespmem:$0x1EC30]  }
0x239: {  	v1 =	vadd.f32 v49, v1;
	_ =	sdelay $0x1  }
0x23a: {  	v1 =	vadd.f32 v46, v1;
	_ =	sdelay $0x1  }
0x23b: {  	v1 =	vadd.f32 v3, v1;
	v3 =	vld.idx.msk [tilespmem:v5+s2+$0x0], $0xffff;
	_ =	sdelay $0x4  }
0x23c: {  	[tilespmem:$0x1F510] =	vst v3  }
0x23d: {  	v2 =	vld.idx.msk [tilespmem:v2+s2+$0x0], $0xffff;
	_ =	sdelay $0x4  }
0x23e: {  	v3 =	vld [tilespmem:s20+$0x15B00];
	[tilespmem:$0x1F520] =	vst v2  }
0x23f: {  	v2 =	vld.idx.msk [tilespmem:v6+s2+$0x0], $0xffff;
	_ =	sdelay $0x2  }
0x240: {  	v4 =	vld [tilespmem:$0x1EC40];
	_ =	sdelay $0x1  }
0x241: {  	[tilespmem:$0x1F530] =	vst v2;
	v2 =	vld [tilespmem:$0x1EC60];
	_ =	sdelay $0x2  }
0x242: {  	v0 =	vadd.f32 v4, v0;
	_ =	sdelay $0x1  }
0x243: {  	v0 =	vadd.f32 v2, v0;
	v2 =	vld.idx.msk [tilespmem:v7+s2+$0x0], $0xffff;
	_ =	sdelay $0x4  }
0x244: {  	[tilespmem:$0x1F540] =	vst v2  }
0x245: {  	v2 =	vld.idx.msk [tilespmem:v8+s2+$0x0], $0xffff;
	_ =	sdelay $0x4  }
0x246: {  	[tilespmem:$0x1F550] =	vst v2;
	v2 =	vld [tilespmem:$0x1EC70]  }
0x247: {  	v4 =	vld [tilespmem:$0x1EC50]  }
0x248: {  	v5 =	vld [tilespmem:$0x1EC90];
	_ =	sdelay $0x2  }
0x249: {  	v0 =	vadd.f32 v2, v0;
	v2 =	vld [tilespmem:$0x1EC80]  }
0x24a: {  	v1 =	vadd.f32 v4, v1  }
0x24b: {  	v0 =	vadd.f32 v5, v0;
	v5 =	vld [tilespmem:$0x1ECA0]  }
0x24c: {  	v1 =	vadd.f32 v54, v1;
	v3 =	vld.idx.msk [tilespmem:v3+s2+$0x0], $0xffff;
	_ =	sdelay $0x1  }
0x24d: {  	v4 =	vld [tilespmem:s20+$0x15D00];
	v1 =	vadd.f32 v2, v1  }
0x24e: {  	v2 =	vld [tilespmem:s20+$0x15C00]  }
0x24f: {  	v1 =	vadd.f32 v5, v1;
	v5 =	vld [tilespmem:s20+$0x15E00]  }
0x250: {  	[tilespmem:$0x1F560] =	vst v3;
	v3 =	vld [tilespmem:$0x1ECB0];
	_ =	sdelay $0x3  }
0x251: {  	v7 =	vld [tilespmem:$0x1ECD0]  }
0x252: {  	v0 =	vadd.f32 v3, v0;
	v3 =	vld [tilespmem:$0x1ECC0]  }
0x253: {  	v2 =	vld.idx.msk [tilespmem:v2+s2+$0x0], $0xffff;
	_ =	sdelay $0x1  }
0x254: {  	v6 =	vld [tilespmem:s20+$0x16000]  }
0x255: {  	v8 =	vld [tilespmem:s20+$0x16200]  }
0x256: {  	v0 =	vadd.f32 v7, v0;
	v7 =	vld [tilespmem:s20+$0x16100]  }
0x257: {  	v1 =	vadd.f32 v3, v1;
	v3 =	vld [tilespmem:s20+$0x15F00];
	[tilespmem:$0x1F570] =	vst v2  }
0x258: {  	v2 =	vld.idx.msk [tilespmem:v4+s2+$0x0], $0xffff;
	_ =	sdelay $0x2  }
0x259: {  	v47 =	vld [tilespmem:$0x1ECE0];
	_ =	sdelay $0x1  }
0x25a: {  	[tilespmem:$0x1F580] =	vst v2;
	v2 =	vld [tilespmem:$0x1ED00];
	_ =	sdelay $0x2  }
0x25b: {  	v48 =	vld [tilespmem:$0x1ECF0];
	v0 =	vadd.f32 v47, v0;
	_ =	sdelay $0x1  }
0x25c: {  	v0 =	vadd.f32 v2, v0;
	v2 =	vld [tilespmem:$0x1ED10]  }
0x25d: {  	v1 =	vadd.f32 v55, v1;
	_ =	sdelay $0x1  }
0x25e: {  	v1 =	vadd.f32 v48, v1;
	_ =	sdelay $0x1  }
0x25f: {  	v1 =	vadd.f32 v2, v1;
	v2 =	vld.idx.msk [tilespmem:v5+s2+$0x0], $0xffff;
	_ =	sdelay $0x4  }
0x260: {  	[tilespmem:$0x1F590] =	vst v2  }
0x261: {  	v3 =	vld.idx.msk [tilespmem:v3+s2+$0x0], $0xffff;
	_ =	sdelay $0x4  }
0x262: {  	v2 =	vld [tilespmem:s20+$0x16300];
	[tilespmem:$0x1F5A0] =	vst v3  }
0x263: {  	v3 =	vld.idx.msk [tilespmem:v6+s2+$0x0], $0xffff;
	_ =	sdelay $0x2  }
0x264: {  	v4 =	vld [tilespmem:$0x1ED20];
	_ =	sdelay $0x1  }
0x265: {  	[tilespmem:$0x1F5B0] =	vst v3;
	v3 =	vld [tilespmem:$0x1ED40];
	_ =	sdelay $0x2  }
0x266: {  	v0 =	vadd.f32 v4, v0;
	_ =	sdelay $0x1  }
0x267: {  	v0 =	vadd.f32 v3, v0;
	v3 =	vld.idx.msk [tilespmem:v7+s2+$0x0], $0xffff;
	_ =	sdelay $0x4  }
0x268: {  	[tilespmem:$0x1F5C0] =	vst v3  }
0x269: {  	v3 =	vld.idx.msk [tilespmem:v8+s2+$0x0], $0xffff;
	_ =	sdelay $0x4  }
0x26a: {  	[tilespmem:$0x1F5D0] =	vst v3;
	v3 =	vld [tilespmem:$0x1ED50]  }
0x26b: {  	v4 =	vld [tilespmem:$0x1ED30]  }
0x26c: {  	v5 =	vld [tilespmem:$0x1ED70];
	_ =	sdelay $0x2  }
0x26d: {  	v0 =	vadd.f32 v3, v0;
	v3 =	vld [tilespmem:$0x1ED60]  }
0x26e: {  	v1 =	vadd.f32 v4, v1  }
0x26f: {  	v0 =	vadd.f32 v5, v0;
	v5 =	vld [tilespmem:$0x1ED80]  }
0x270: {  	v1 =	vadd.f32 v56, v1;
	v2 =	vld.idx.msk [tilespmem:v2+s2+$0x0], $0xffff;
	_ =	sdelay $0x1  }
0x271: {  	v4 =	vld [tilespmem:s20+$0x16500];
	v1 =	vadd.f32 v3, v1  }
0x272: {  	v3 =	vld [tilespmem:s20+$0x16400]  }
0x273: {  	v1 =	vadd.f32 v5, v1;
	v5 =	vld [tilespmem:s20+$0x16600]  }
0x274: {  	[tilespmem:$0x1F5E0] =	vst v2;
	v2 =	vld [tilespmem:$0x1ED90];
	_ =	sdelay $0x3  }
0x275: {  	v7 =	vld [tilespmem:$0x1EDB0]  }
0x276: {  	v0 =	vadd.f32 v2, v0;
	v2 =	vld [tilespmem:$0x1EDA0]  }
0x277: {  	v3 =	vld.idx.msk [tilespmem:v3+s2+$0x0], $0xffff;
	_ =	sdelay $0x1  }
0x278: {  	v6 =	vld [tilespmem:s20+$0x16800]  }
0x279: {  	v8 =	vld [tilespmem:s20+$0x16A00]  }
0x27a: {  	v0 =	vadd.f32 v7, v0;
	v7 =	vld [tilespmem:s20+$0x16900]  }
0x27b: {  	v1 =	vadd.f32 v2, v1;
	v2 =	vld [tilespmem:s20+$0x16700];
	[tilespmem:$0x1F5F0] =	vst v3  }
0x27c: {  	v3 =	vld.idx.msk [tilespmem:v4+s2+$0x0], $0xffff;
	_ =	sdelay $0x2  }
0x27d: {  	v49 =	vld [tilespmem:$0x1EDC0];
	_ =	sdelay $0x1  }
0x27e: {  	[tilespmem:$0x1F600] =	vst v3;
	v3 =	vld [tilespmem:$0x1EDE0];
	_ =	sdelay $0x2  }
0x27f: {  	v54 =	vld [tilespmem:$0x1EDD0];
	v0 =	vadd.f32 v49, v0;
	_ =	sdelay $0x1  }
0x280: {  	v0 =	vadd.f32 v3, v0;
	v3 =	vld [tilespmem:$0x1EDF0]  }
0x281: {  	v1 =	vadd.f32 v61, v1;
	_ =	sdelay $0x1  }
0x282: {  	v1 =	vadd.f32 v54, v1  }
0x283: {  	v4 =	vld [tilespmem:$0x1EE00]  }
0x284: {  	v1 =	vadd.f32 v3, v1;
	v3 =	vld.idx.msk [tilespmem:v5+s2+$0x0], $0xffff;
	_ =	sdelay $0x4  }
0x285: {  	v0 =	vadd.f32 v4, v0;
	v4 =	vld [tilespmem:$0x1EE10];
	[tilespmem:$0x1F610] =	vst v3  }
0x286: {  	v3 =	vld [tilespmem:s20+$0x16B00]  }
0x287: {  	v2 =	vld.idx.msk [tilespmem:v2+s2+$0x0], $0xffff;
	_ =	sdelay $0x4  }
0x288: {  	[tilespmem:$0x1F620] =	vst v2  }
0x289: {  	v2 =	vld.idx.msk [tilespmem:v6+s2+$0x0], $0xffff;
	_ =	sdelay $0x4  }
0x28a: {  	[tilespmem:$0x1F630] =	vst v2;
	v2 =	vld [tilespmem:$0x1EE20];
	_ =	sdelay $0x4  }
0x28b: {  	v0 =	vadd.f32 v2, v0;
	v2 =	vld.idx.msk [tilespmem:v7+s2+$0x0], $0xffff;
	_ =	sdelay $0x4  }
0x28c: {  	[tilespmem:$0x1F640] =	vst v2  }
0x28d: {  	v2 =	vld.idx.msk [tilespmem:v8+s2+$0x0], $0xffff;
	_ =	sdelay $0x4  }
0x28e: {  	[tilespmem:$0x1F650] =	vst v2;
	v2 =	vld [tilespmem:$0x1EE30];
	_ =	sdelay $0x1  }
0x28f: {  	v5 =	vld [tilespmem:$0x1EE50];
	_ =	sdelay $0x2  }
0x290: {  	v0 =	vadd.f32 v2, v0;
	v2 =	vld [tilespmem:$0x1EE40]  }
0x291: {  	v1 =	vadd.f32 v4, v1  }
0x292: {  	v0 =	vadd.f32 v5, v0;
	v5 =	vld [tilespmem:$0x1EE60]  }
0x293: {  	v1 =	vadd.f32 v58, v1;
	v3 =	vld.idx.msk [tilespmem:v3+s2+$0x0], $0xffff;
	_ =	sdelay $0x1  }
0x294: {  	v4 =	vld [tilespmem:s20+$0x16D00];
	v1 =	vadd.f32 v2, v1  }
0x295: {  	v2 =	vld [tilespmem:s20+$0x16C00]  }
0x296: {  	v1 =	vadd.f32 v5, v1;
	v5 =	vld [tilespmem:s20+$0x16E00]  }
0x297: {  	[tilespmem:$0x1F660] =	vst v3;
	v3 =	vld [tilespmem:$0x1EE70];
	_ =	sdelay $0x3  }
0x298: {  	v7 =	vld [tilespmem:$0x1EE90]  }
0x299: {  	v0 =	vadd.f32 v3, v0;
	v3 =	vld [tilespmem:$0x1EE80]  }
0x29a: {  	v2 =	vld.idx.msk [tilespmem:v2+s2+$0x0], $0xffff;
	_ =	sdelay $0x1  }
0x29b: {  	v6 =	vld [tilespmem:s20+$0x17000]  }
0x29c: {  	v8 =	vld [tilespmem:s20+$0x17200]  }
0x29d: {  	v0 =	vadd.f32 v7, v0;
	v7 =	vld [tilespmem:s20+$0x17100]  }
0x29e: {  	v1 =	vadd.f32 v3, v1;
	v3 =	vld [tilespmem:s20+$0x16F00];
	[tilespmem:$0x1F670] =	vst v2  }
0x29f: {  	v2 =	vld.idx.msk [tilespmem:v4+s2+$0x0], $0xffff;
	_ =	sdelay $0x2  }
0x2a0: {  	v55 =	vld [tilespmem:$0x1EEA0];
	_ =	sdelay $0x1  }
0x2a1: {  	[tilespmem:$0x1F680] =	vst v2;
	v2 =	vld [tilespmem:$0x1EEC0];
	_ =	sdelay $0x2  }
0x2a2: {  	v56 =	vld [tilespmem:$0x1EEB0];
	v0 =	vadd.f32 v55, v0;
	_ =	sdelay $0x1  }
0x2a3: {  	v0 =	vadd.f32 v2, v0;
	v2 =	vld [tilespmem:$0x1EED0]  }
0x2a4: {  	v1 =	vadd.f32 v62, v1;
	_ =	sdelay $0x1  }
0x2a5: {  	v1 =	vadd.f32 v56, v1;
	_ =	sdelay $0x1  }
0x2a6: {  	v1 =	vadd.f32 v2, v1;
	v2 =	vld.idx.msk [tilespmem:v5+s2+$0x0], $0xffff;
	_ =	sdelay $0x4  }
0x2a7: {  	[tilespmem:$0x1F690] =	vst v2  }
0x2a8: {  	v3 =	vld.idx.msk [tilespmem:v3+s2+$0x0], $0xffff;
	_ =	sdelay $0x4  }
0x2a9: {  	v2 =	vld [tilespmem:s20+$0x17300];
	[tilespmem:$0x1F6A0] =	vst v3  }
0x2aa: {  	v3 =	vld.idx.msk [tilespmem:v6+s2+$0x0], $0xffff;
	_ =	sdelay $0x2  }
0x2ab: {  	v4 =	vld [tilespmem:$0x1EEE0];
	_ =	sdelay $0x1  }
0x2ac: {  	[tilespmem:$0x1F6B0] =	vst v3;
	v3 =	vld [tilespmem:$0x1EF00];
	_ =	sdelay $0x2  }
0x2ad: {  	v0 =	vadd.f32 v4, v0;
	_ =	sdelay $0x1  }
0x2ae: {  	v0 =	vadd.f32 v3, v0;
	v3 =	vld.idx.msk [tilespmem:v7+s2+$0x0], $0xffff;
	_ =	sdelay $0x4  }
0x2af: {  	[tilespmem:$0x1F6C0] =	vst v3  }
0x2b0: {  	v3 =	vld.idx.msk [tilespmem:v8+s2+$0x0], $0xffff;
	_ =	sdelay $0x4  }
0x2b1: {  	[tilespmem:$0x1F6D0] =	vst v3;
	v3 =	vld [tilespmem:$0x1EF10]  }
0x2b2: {  	v4 =	vld [tilespmem:$0x1EEF0]  }
0x2b3: {  	v5 =	vld [tilespmem:$0x1EF30];
	_ =	sdelay $0x2  }
0x2b4: {  	v0 =	vadd.f32 v3, v0;
	v3 =	vld [tilespmem:$0x1EF20]  }
0x2b5: {  	v1 =	vadd.f32 v4, v1  }
0x2b6: {  	v0 =	vadd.f32 v5, v0;
	v5 =	vld [tilespmem:$0x1EF40]  }
0x2b7: {  	v1 =	vadd.f32 v63, v1;
	v2 =	vld.idx.msk [tilespmem:v2+s2+$0x0], $0xffff;
	_ =	sdelay $0x1  }
0x2b8: {  	v4 =	vld [tilespmem:s20+$0x17500];
	v1 =	vadd.f32 v3, v1  }
0x2b9: {  	v3 =	vld [tilespmem:s20+$0x17400]  }
0x2ba: {  	v1 =	vadd.f32 v5, v1;
	v5 =	vld [tilespmem:s20+$0x17600]  }
0x2bb: {  	[tilespmem:$0x1F6E0] =	vst v2;
	v2 =	vld [tilespmem:$0x1EF50];
	_ =	sdelay $0x1  }
0x2bc: {  	v7 =	vld [tilespmem:$0x1EF70];
	_ =	sdelay $0x2  }
0x2bd: {  	v0 =	vadd.f32 v2, v0;
	v2 =	vld [tilespmem:$0x1EF60]  }
0x2be: {  	v3 =	vld.idx.msk [tilespmem:v3+s2+$0x0], $0xffff  }
0x2bf: {  	v0 =	vadd.f32 v7, v0;
	v7 =	vld [tilespmem:$0x1EF80];
	_ =	sdelay $0x1  }
0x2c0: {  	v6 =	vld [tilespmem:s20+$0x17800]  }
0x2c1: {  	v8 =	vld [tilespmem:s20+$0x17A00];
	v1 =	vadd.f32 v2, v1  }
0x2c2: {  	v2 =	vld [tilespmem:s20+$0x17700]  }
0x2c3: {  	v1 =	vadd.f32 v7, v1;
	v7 =	vld [tilespmem:s20+$0x17900];
	[tilespmem:$0x1F6F0] =	vst v3  }
0x2c4: {  	v3 =	vld.idx.msk [tilespmem:v4+s2+$0x0], $0xffff;
	_ =	sdelay $0x2  }
0x2c5: {  	v58 =	vld [tilespmem:$0x1EF90];
	_ =	sdelay $0x1  }
0x2c6: {  	[tilespmem:$0x1F700] =	vst v3;
	v3 =	vld [tilespmem:$0x1EFB0];
	_ =	sdelay $0x2  }
0x2c7: {  	v60 =	vld [tilespmem:$0x1EFA0];
	v0 =	vadd.f32 v58, v0;
	_ =	sdelay $0x1  }
0x2c8: {  	v0 =	vadd.f32 v3, v0;
	v3 =	vld [tilespmem:$0x1EFC0];
	_ =	sdelay $0x2  }
0x2c9: {  	v1 =	vadd.f32 v60, v1;
	_ =	sdelay $0x1  }
0x2ca: {  	v1 =	vadd.f32 v3, v1;
	v3 =	vld.idx.msk [tilespmem:v5+s2+$0x0], $0xffff;
	_ =	sdelay $0x4  }
0x2cb: {  	[tilespmem:$0x1F710] =	vst v3  }
0x2cc: {  	v2 =	vld.idx.msk [tilespmem:v2+s2+$0x0], $0xffff;
	_ =	sdelay $0x4  }
0x2cd: {  	v3 =	vld [tilespmem:s20+$0x17B00];
	[tilespmem:$0x1F720] =	vst v2  }
0x2ce: {  	v2 =	vld.idx.msk [tilespmem:v6+s2+$0x0], $0xffff;
	_ =	sdelay $0x2  }
0x2cf: {  	v4 =	vld [tilespmem:$0x1EFD0];
	_ =	sdelay $0x1  }
0x2d0: {  	[tilespmem:$0x1F730] =	vst v2;
	v2 =	vld [tilespmem:$0x1EFF0];
	_ =	sdelay $0x2  }
0x2d1: {  	v0 =	vadd.f32 v4, v0;
	v4 =	vld [tilespmem:$0x1EFE0];
	_ =	sdelay $0x1  }
0x2d2: {  	v0 =	vadd.f32 v2, v0;
	v2 =	vld [tilespmem:$0x1F000];
	_ =	sdelay $0x2  }
0x2d3: {  	v1 =	vadd.f32 v4, v1;
	_ =	sdelay $0x1  }
0x2d4: {  	v1 =	vadd.f32 v2, v1;
	v2 =	vld.idx.msk [tilespmem:v7+s2+$0x0], $0xffff;
	_ =	sdelay $0x4  }
0x2d5: {  	[tilespmem:$0x1F740] =	vst v2  }
0x2d6: {  	v2 =	vld.idx.msk [tilespmem:v8+s2+$0x0], $0xffff;
	_ =	sdelay $0x4  }
0x2d7: {  	[tilespmem:$0x1F770] =	vst v2;
	v2 =	vld [tilespmem:$0x1F010];
	_ =	sdelay $0x1  }
0x2d8: {  	v5 =	vld [tilespmem:$0x1F030];
	_ =	sdelay $0x2  }
0x2d9: {  	v0 =	vadd.f32 v2, v0;
	v2 =	vld [tilespmem:$0x1F020];
	_ =	sdelay $0x1  }
0x2da: {  	v0 =	vadd.f32 v5, v0;
	v5 =	vld [tilespmem:$0x1F040]  }
0x2db: {  	v3 =	vld.idx.msk [tilespmem:v3+s2+$0x0], $0xffff;
	_ =	sdelay $0x1  }
0x2dc: {  	v4 =	vld [tilespmem:s20+$0x17D00];
	v1 =	vadd.f32 v2, v1  }
0x2dd: {  	v2 =	vld [tilespmem:s20+$0x17C00]  }
0x2de: {  	v1 =	vadd.f32 v5, v1;
	v5 =	vld [tilespmem:s20+$0x17E00]  }
0x2df: {  	[tilespmem:$0x1F780] =	vst v3;
	v3 =	vld [tilespmem:$0x1F050];
	_ =	sdelay $0x1  }
0x2e0: {  	v7 =	vld [tilespmem:$0x1F070];
	_ =	sdelay $0x2  }
0x2e1: {  	v0 =	vadd.f32 v3, v0;
	v3 =	vld [tilespmem:$0x1F060]  }
0x2e2: {  	v2 =	vld.idx.msk [tilespmem:v2+s2+$0x0], $0xffff  }
0x2e3: {  	s18 =	simm.s32 $0x20;
	v0 =	vadd.f32 v7, v0;
	v7 =	vld [tilespmem:$0x1F080]  }
0x2e4: {  	s19 =	sand.u32 $0xE0, s18  }
0x2e5: {  	v6 =	vld [tilespmem:s19+$0x10100]  }
0x2e6: {  	s17 =	simm.s32 $0x20;
	v8 =	vld [tilespmem:s19+$0x10300];
	v1 =	vadd.f32 v3, v1  }
0x2e7: {  	v3 =	vld [tilespmem:s17+$0x10000]  }
0x2e8: {  	v1 =	vadd.f32 v7, v1;
	v7 =	vld [tilespmem:s19+$0x10200];
	[tilespmem:$0x1FFB0] =	vst v2  }
0x2e9: {  	v2 =	vld.idx.msk [tilespmem:v4+s2+$0x0], $0xffff;
	_ =	sdelay $0x2  }
0x2ea: {  	v61 =	vld [tilespmem:$0x1F090];
	_ =	sdelay $0x1  }
0x2eb: {  	[tilespmem:$0x1FFD0] =	vst v2;
	v2 =	vld [tilespmem:$0x1F0B0];
	_ =	sdelay $0x2  }
0x2ec: {  	v62 =	vld [tilespmem:$0x1F0A0];
	v0 =	vadd.f32 v61, v0;
	_ =	sdelay $0x1  }
0x2ed: {  	v0 =	vadd.f32 v2, v0;
	v2 =	vld [tilespmem:$0x1F0C0];
	_ =	sdelay $0x2  }
0x2ee: {  	v1 =	vadd.f32 v62, v1;
	_ =	sdelay $0x1  }
0x2ef: {  	v1 =	vadd.f32 v2, v1;
	v2 =	vld.idx.msk [tilespmem:v5+s2+$0x0], $0xffff;
	_ =	sdelay $0x4  }
0x2f0: {  	[tilespmem:$0x1FFF0] =	vst v2  }
0x2f1: {  	v3 =	vld.idx.msk [tilespmem:v3+s2+$0x0], $0xffff;
	_ =	sdelay $0x4  }
0x2f2: {  	v2 =	vld [tilespmem:s19+$0x10400];
	[tilespmem:$0x1F7B0] =	vst v3  }
0x2f3: {  	v3 =	vld.idx.msk [tilespmem:v6+s2+$0x0], $0xffff;
	_ =	sdelay $0x2  }
0x2f4: {  	v4 =	vld [tilespmem:$0x1F0D0];
	_ =	sdelay $0x1  }
0x2f5: {  	[tilespmem:$0x1F7C0] =	vst v3  }
0x2f6: {  	v3 =	vld.idx.msk [tilespmem:v7+s2+$0x0], $0xffff;
	_ =	sdelay $0x1  }
0x2f7: {  	v0 =	vadd.f32 v53, v0;
	v1 =	vadd.f32 v4, v1;
	_ =	sdelay $0x1  }
0x2f8: {  	v0 =	vadd.f32 v57, v0;
	v1 =	vadd.f32 v59, v1  }
0x2f9: {  	[tilespmem:$0x1F7F0] =	vst v3  }
0x2fa: {  	v0 =	vadd.f32 v1, v0;
	v1 =	vld [tilespmem:s20+$0x17F00];
	_ =	sdelay $0x4  }
0x2fb: {  	v8 =	vld.idx.msk [tilespmem:v8+s2+$0x0], $0xffff;
	[tilespmem:$0x1F0E0] =	vst v1  }
0x2fc: {  	v1 =	vld [tilespmem:s19+$0x10500];
	_ =	sdelay $0x1  }
0x2fd: {  	v2 =	vld.idx.msk [tilespmem:v2+s2+$0x0], $0xffff;
	_ =	sdelay $0x3  }
0x2fe: {  	[tilespmem:s16+$0x18010] =	vst v0  }
0x2ff: {  	v0 =	vld [tilespmem:s19+$0x10600];
	[tilespmem:$0x1F820] =	vst v2  }
0x300: {  	v1 =	vld.idx.msk [tilespmem:v1+s2+$0x0], $0xffff;
	_ =	sdelay $0x2  }
0x301: {  	v2 =	vld [tilespmem:s17+$0x10010]  }
0x302: {  	v3 =	vld [tilespmem:s17+$0x10110]  }
0x303: {  	v4 =	vld [tilespmem:s17+$0x10210];
	[tilespmem:$0x1F830] =	vst v1  }
0x304: {  	v1 =	vld [tilespmem:s17+$0x10310]  }
0x305: {  	v0 =	vld.idx.msk [tilespmem:v0+s2+$0x0], $0xffff;
	_ =	sdelay $0x4  }
0x306: {  	[tilespmem:$0x1F860] =	vst v0  }
0x307: {  	v0 =	vld [tilespmem:s17+$0x10410]  }
0x308: {  	v59 =	vld.idx.msk [tilespmem:v4+s2+$0x0], $0xffff  }
0x309: {  	v57 =	vld.idx.msk [tilespmem:v1+s2+$0x0], $0xffff  }
0x30a: {  	v1 =	vld [tilespmem:s17+$0x10710]  }
0x30b: {  	v4 =	vld [tilespmem:s17+$0x10810]  }
0x30c: {  	v55 =	vld.idx.msk [tilespmem:v2+s2+$0x0], $0xffff  }
0x30d: {  	v53 =	vld.idx.msk [tilespmem:v3+s2+$0x0], $0xffff  }
0x30e: {  	v2 =	vld [tilespmem:s17+$0x10510]  }
0x30f: {  	v3 =	vld [tilespmem:s17+$0x10610]  }
0x310: {  	v58 =	vld.idx.msk [tilespmem:v0+s2+$0x0], $0xffff  }
0x311: {  	v0 =	vld [tilespmem:s17+$0x10910]  }
0x312: {  	v60 =	vld.idx.msk [tilespmem:v1+s2+$0x0], $0xffff  }
0x313: {  	v1 =	vld.idx.msk [tilespmem:v4+s2+$0x0], $0xffff;
	_ =	sdelay $0x1  }
0x314: {  	v5 =	vld [tilespmem:s17+$0x10A10]  }
0x315: {  	v56 =	vld.idx.msk [tilespmem:v2+s2+$0x0], $0xffff  }
0x316: {  	v61 =	vld.idx.msk [tilespmem:v3+s2+$0x0], $0xffff  }
0x317: {  	v2 =	vld [tilespmem:s17+$0x10B10];
	[tilespmem:$0x1F750] =	vst v1  }
0x318: {  	v0 =	vld.idx.msk [tilespmem:v0+s2+$0x0], $0xffff;
	_ =	sdelay $0x4  }
0x319: {  	v1 =	vld [tilespmem:s17+$0x10C10];
	[tilespmem:$0x1F760] =	vst v0  }
0x31a: {  	v0 =	vld.idx.msk [tilespmem:v5+s2+$0x0], $0xffff;
	_ =	sdelay $0x4  }
0x31b: {  	[tilespmem:$0x1F790] =	vst v0  }
0x31c: {  	v2 =	vld.idx.msk [tilespmem:v2+s2+$0x0], $0xffff;
	_ =	sdelay $0x3  }
0x31d: {  	v0 =	vld [tilespmem:s17+$0x10D10]  }
0x31e: {  	v3 =	vld [tilespmem:s17+$0x10E10];
	[tilespmem:$0x1F7A0] =	vst v2  }
0x31f: {  	v1 =	vld.idx.msk [tilespmem:v1+s2+$0x0], $0xffff;
	_ =	sdelay $0x3  }
0x320: {  	v2 =	vld [tilespmem:s17+$0x10F10]  }
0x321: {  	v4 =	vld [tilespmem:s17+$0x11010];
	[tilespmem:$0x1F7D0] =	vst v1  }
0x322: {  	v0 =	vld.idx.msk [tilespmem:v0+s2+$0x0], $0xffff;
	_ =	sdelay $0x3  }
0x323: {  	v1 =	vld [tilespmem:s17+$0x11110]  }
0x324: {  	v5 =	vld [tilespmem:s17+$0x11210];
	[tilespmem:$0x1F7E0] =	vst v0  }
0x325: {  	v0 =	vld.idx.msk [tilespmem:v3+s2+$0x0], $0xffff;
	_ =	sdelay $0x4  }
0x326: {  	[tilespmem:$0x1F800] =	vst v0  }
0x327: {  	v2 =	vld.idx.msk [tilespmem:v2+s2+$0x0], $0xffff;
	_ =	sdelay $0x4  }
0x328: {  	v0 =	vld [tilespmem:s17+$0x11310];
	[tilespmem:$0x1F810] =	vst v2  }
0x329: {  	v2 =	vld.idx.msk [tilespmem:v4+s2+$0x0], $0xffff;
	_ =	sdelay $0x4  }
0x32a: {  	[tilespmem:$0x1F840] =	vst v2  }
0x32b: {  	v1 =	vld.idx.msk [tilespmem:v1+s2+$0x0], $0xffff;
	_ =	sdelay $0x4  }
0x32c: {  	v2 =	vld [tilespmem:s17+$0x11410];
	[tilespmem:$0x1F850] =	vst v1  }
0x32d: {  	v1 =	vld.idx.msk [tilespmem:v5+s2+$0x0], $0xffff;
	_ =	sdelay $0x4  }
0x32e: {  	[tilespmem:$0x1F870] =	vst v1  }
0x32f: {  	v0 =	vld.idx.msk [tilespmem:v0+s2+$0x0], $0xffff;
	_ =	sdelay $0x3  }
0x330: {  	v1 =	vld [tilespmem:s17+$0x11510]  }
0x331: {  	v3 =	vld [tilespmem:s17+$0x11610];
	[tilespmem:$0x1F880] =	vst v0  }
0x332: {  	v2 =	vld.idx.msk [tilespmem:v2+s2+$0x0], $0xffff;
	_ =	sdelay $0x3  }
0x333: {  	v0 =	vld [tilespmem:s17+$0x11710]  }
0x334: {  	v4 =	vld [tilespmem:s17+$0x11810];
	[tilespmem:$0x1F8A0] =	vst v2  }
0x335: {  	v1 =	vld.idx.msk [tilespmem:v1+s2+$0x0], $0xffff;
	_ =	sdelay $0x3  }
0x336: {  	v2 =	vld [tilespmem:s17+$0x11910]  }
0x337: {  	v5 =	vld [tilespmem:s17+$0x11A10];
	[tilespmem:$0x1F8B0] =	vst v1  }
0x338: {  	v1 =	vld.idx.msk [tilespmem:v3+s2+$0x0], $0xffff;
	_ =	sdelay $0x4  }
0x339: {  	[tilespmem:$0x1F8D0] =	vst v1  }
0x33a: {  	v0 =	vld.idx.msk [tilespmem:v0+s2+$0x0], $0xffff;
	_ =	sdelay $0x4  }
0x33b: {  	v1 =	vld [tilespmem:s17+$0x11B10];
	[tilespmem:$0x1F8E0] =	vst v0  }
0x33c: {  	v0 =	vld.idx.msk [tilespmem:v4+s2+$0x0], $0xffff;
	_ =	sdelay $0x4  }
0x33d: {  	[tilespmem:$0x1F8F0] =	vst v0  }
0x33e: {  	v2 =	vld.idx.msk [tilespmem:v2+s2+$0x0], $0xffff;
	_ =	sdelay $0x4  }
0x33f: {  	v0 =	vld [tilespmem:s17+$0x11C10];
	[tilespmem:$0x1F900] =	vst v2  }
0x340: {  	v2 =	vld.idx.msk [tilespmem:v5+s2+$0x0], $0xffff;
	_ =	sdelay $0x4  }
0x341: {  	[tilespmem:$0x1F920] =	vst v2  }
0x342: {  	v1 =	vld.idx.msk [tilespmem:v1+s2+$0x0], $0xffff;
	_ =	sdelay $0x3  }
0x343: {  	v2 =	vld [tilespmem:s17+$0x11D10]  }
0x344: {  	v3 =	vld [tilespmem:s17+$0x11E10];
	[tilespmem:$0x1F930] =	vst v1  }
0x345: {  	v0 =	vld.idx.msk [tilespmem:v0+s2+$0x0], $0xffff;
	_ =	sdelay $0x3  }
0x346: {  	v1 =	vld [tilespmem:s17+$0x11F10]  }
0x347: {  	v4 =	vld [tilespmem:s17+$0x12010];
	[tilespmem:$0x1F950] =	vst v0  }
0x348: {  	v2 =	vld.idx.msk [tilespmem:v2+s2+$0x0], $0xffff;
	_ =	sdelay $0x3  }
0x349: {  	v0 =	vld [tilespmem:s17+$0x12110]  }
0x34a: {  	v5 =	vld [tilespmem:s17+$0x12210];
	[tilespmem:$0x1F960] =	vst v2  }
0x34b: {  	v2 =	vld.idx.msk [tilespmem:v3+s2+$0x0], $0xffff;
	_ =	sdelay $0x4  }
0x34c: {  	[tilespmem:$0x1F980] =	vst v2  }
0x34d: {  	v1 =	vld.idx.msk [tilespmem:v1+s2+$0x0], $0xffff;
	_ =	sdelay $0x4  }
0x34e: {  	v2 =	vld [tilespmem:s17+$0x12310];
	[tilespmem:$0x1F990] =	vst v1  }
0x34f: {  	v1 =	vld.idx.msk [tilespmem:v4+s2+$0x0], $0xffff;
	_ =	sdelay $0x4  }
0x350: {  	[tilespmem:$0x1F9A0] =	vst v1  }
0x351: {  	v0 =	vld.idx.msk [tilespmem:v0+s2+$0x0], $0xffff;
	_ =	sdelay $0x4  }
0x352: {  	v1 =	vld [tilespmem:s17+$0x12410];
	[tilespmem:$0x1F9B0] =	vst v0  }
0x353: {  	v0 =	vld.idx.msk [tilespmem:v5+s2+$0x0], $0xffff;
	_ =	sdelay $0x4  }
0x354: {  	[tilespmem:$0x1F9C0] =	vst v0  }
0x355: {  	v2 =	vld.idx.msk [tilespmem:v2+s2+$0x0], $0xffff;
	_ =	sdelay $0x3  }
0x356: {  	v0 =	vld [tilespmem:s17+$0x12510]  }
0x357: {  	v3 =	vld [tilespmem:s17+$0x12610];
	[tilespmem:$0x1F9D0] =	vst v2  }
0x358: {  	v1 =	vld.idx.msk [tilespmem:v1+s2+$0x0], $0xffff;
	_ =	sdelay $0x3  }
0x359: {  	v2 =	vld [tilespmem:s17+$0x12710]  }
0x35a: {  	v4 =	vld [tilespmem:s17+$0x12810];
	[tilespmem:$0x1F9F0] =	vst v1  }
0x35b: {  	v0 =	vld.idx.msk [tilespmem:v0+s2+$0x0], $0xffff;
	_ =	sdelay $0x3  }
0x35c: {  	v1 =	vld [tilespmem:s17+$0x12910]  }
0x35d: {  	v5 =	vld [tilespmem:s17+$0x12A10];
	[tilespmem:$0x1FA00] =	vst v0  }
0x35e: {  	v0 =	vld.idx.msk [tilespmem:v3+s2+$0x0], $0xffff;
	_ =	sdelay $0x4  }
0x35f: {  	[tilespmem:$0x1FA10] =	vst v0  }
0x360: {  	v2 =	vld.idx.msk [tilespmem:v2+s2+$0x0], $0xffff;
	_ =	sdelay $0x4  }
0x361: {  	v0 =	vld [tilespmem:s17+$0x12B10];
	[tilespmem:$0x1FA20] =	vst v2  }
0x362: {  	v2 =	vld.idx.msk [tilespmem:v4+s2+$0x0], $0xffff;
	_ =	sdelay $0x4  }
0x363: {  	[tilespmem:$0x1FA30] =	vst v2  }
0x364: {  	v1 =	vld.idx.msk [tilespmem:v1+s2+$0x0], $0xffff;
	_ =	sdelay $0x4  }
0x365: {  	v2 =	vld [tilespmem:s17+$0x12C10];
	[tilespmem:$0x1FA40] =	vst v1  }
0x366: {  	v1 =	vld.idx.msk [tilespmem:v5+s2+$0x0], $0xffff;
	_ =	sdelay $0x4  }
0x367: {  	[tilespmem:$0x1FA50] =	vst v1  }
0x368: {  	v0 =	vld.idx.msk [tilespmem:v0+s2+$0x0], $0xffff;
	_ =	sdelay $0x3  }
0x369: {  	v1 =	vld [tilespmem:s17+$0x12D10]  }
0x36a: {  	v3 =	vld [tilespmem:s17+$0x12E10];
	[tilespmem:$0x1FA60] =	vst v0  }
0x36b: {  	v2 =	vld.idx.msk [tilespmem:v2+s2+$0x0], $0xffff;
	_ =	sdelay $0x3  }
0x36c: {  	v0 =	vld [tilespmem:s17+$0x12F10]  }
0x36d: {  	v4 =	vld [tilespmem:s17+$0x13010];
	[tilespmem:$0x1FA70] =	vst v2  }
0x36e: {  	v1 =	vld.idx.msk [tilespmem:v1+s2+$0x0], $0xffff;
	_ =	sdelay $0x3  }
0x36f: {  	v2 =	vld [tilespmem:s17+$0x13110]  }
0x370: {  	v5 =	vld [tilespmem:s17+$0x13210];
	[tilespmem:$0x1FA80] =	vst v1  }
0x371: {  	v1 =	vld.idx.msk [tilespmem:v3+s2+$0x0], $0xffff;
	_ =	sdelay $0x4  }
0x372: {  	[tilespmem:$0x1FA90] =	vst v1  }
0x373: {  	v0 =	vld.idx.msk [tilespmem:v0+s2+$0x0], $0xffff;
	_ =	sdelay $0x4  }
0x374: {  	v1 =	vld [tilespmem:s17+$0x13310];
	[tilespmem:$0x1FAA0] =	vst v0  }
0x375: {  	v0 =	vld.idx.msk [tilespmem:v4+s2+$0x0], $0xffff;
	_ =	sdelay $0x4  }
0x376: {  	[tilespmem:$0x1FAB0] =	vst v0  }
0x377: {  	v2 =	vld.idx.msk [tilespmem:v2+s2+$0x0], $0xffff;
	_ =	sdelay $0x4  }
0x378: {  	v0 =	vld [tilespmem:s17+$0x13410];
	[tilespmem:$0x1FAC0] =	vst v2  }
0x379: {  	v2 =	vld.idx.msk [tilespmem:v5+s2+$0x0], $0xffff;
	_ =	sdelay $0x4  }
0x37a: {  	[tilespmem:$0x1FAD0] =	vst v2  }
0x37b: {  	v1 =	vld.idx.msk [tilespmem:v1+s2+$0x0], $0xffff;
	_ =	sdelay $0x3  }
0x37c: {  	v2 =	vld [tilespmem:s17+$0x13510]  }
0x37d: {  	v3 =	vld [tilespmem:s17+$0x13610];
	[tilespmem:$0x1FAE0] =	vst v1  }
0x37e: {  	v0 =	vld.idx.msk [tilespmem:v0+s2+$0x0], $0xffff;
	_ =	sdelay $0x3  }
0x37f: {  	v1 =	vld [tilespmem:s17+$0x13710]  }
0x380: {  	v4 =	vld [tilespmem:s17+$0x13810];
	[tilespmem:$0x1FAF0] =	vst v0  }
0x381: {  	v2 =	vld.idx.msk [tilespmem:v2+s2+$0x0], $0xffff;
	_ =	sdelay $0x3  }
0x382: {  	v0 =	vld [tilespmem:s17+$0x13910]  }
0x383: {  	v5 =	vld [tilespmem:s17+$0x13A10];
	[tilespmem:$0x1FB00] =	vst v2  }
0x384: {  	v2 =	vld.idx.msk [tilespmem:v3+s2+$0x0], $0xffff;
	_ =	sdelay $0x4  }
0x385: {  	[tilespmem:$0x1FB10] =	vst v2  }
0x386: {  	v1 =	vld.idx.msk [tilespmem:v1+s2+$0x0], $0xffff;
	_ =	sdelay $0x4  }
0x387: {  	v2 =	vld [tilespmem:s17+$0x13B10];
	[tilespmem:$0x1FB20] =	vst v1  }
0x388: {  	v1 =	vld.idx.msk [tilespmem:v4+s2+$0x0], $0xffff;
	_ =	sdelay $0x4  }
0x389: {  	[tilespmem:$0x1FB30] =	vst v1  }
0x38a: {  	v0 =	vld.idx.msk [tilespmem:v0+s2+$0x0], $0xffff;
	_ =	sdelay $0x4  }
0x38b: {  	v1 =	vld [tilespmem:s17+$0x13C10];
	[tilespmem:$0x1FB40] =	vst v0  }
0x38c: {  	v0 =	vld.idx.msk [tilespmem:v5+s2+$0x0], $0xffff;
	_ =	sdelay $0x4  }
0x38d: {  	[tilespmem:$0x1FB50] =	vst v0  }
0x38e: {  	v2 =	vld.idx.msk [tilespmem:v2+s2+$0x0], $0xffff;
	_ =	sdelay $0x3  }
0x38f: {  	v0 =	vld [tilespmem:s17+$0x13D10]  }
0x390: {  	v3 =	vld [tilespmem:s17+$0x13E10];
	[tilespmem:$0x1FB60] =	vst v2  }
0x391: {  	v1 =	vld.idx.msk [tilespmem:v1+s2+$0x0], $0xffff;
	_ =	sdelay $0x3  }
0x392: {  	v2 =	vld [tilespmem:s17+$0x13F10]  }
0x393: {  	v4 =	vld [tilespmem:s17+$0x14010];
	[tilespmem:$0x1FB70] =	vst v1  }
0x394: {  	v0 =	vld.idx.msk [tilespmem:v0+s2+$0x0], $0xffff;
	_ =	sdelay $0x3  }
0x395: {  	v1 =	vld [tilespmem:s17+$0x14110]  }
0x396: {  	v5 =	vld [tilespmem:s17+$0x14210];
	[tilespmem:$0x1FB80] =	vst v0  }
0x397: {  	v0 =	vld.idx.msk [tilespmem:v3+s2+$0x0], $0xffff;
	_ =	sdelay $0x4  }
0x398: {  	[tilespmem:$0x1FB90] =	vst v0  }
0x399: {  	v2 =	vld.idx.msk [tilespmem:v2+s2+$0x0], $0xffff;
	_ =	sdelay $0x4  }
0x39a: {  	v0 =	vld [tilespmem:s17+$0x14310];
	[tilespmem:$0x1FBA0] =	vst v2  }
0x39b: {  	v2 =	vld.idx.msk [tilespmem:v4+s2+$0x0], $0xffff;
	_ =	sdelay $0x4  }
0x39c: {  	[tilespmem:$0x1FBB0] =	vst v2  }
0x39d: {  	v1 =	vld.idx.msk [tilespmem:v1+s2+$0x0], $0xffff;
	_ =	sdelay $0x4  }
0x39e: {  	v2 =	vld [tilespmem:s17+$0x14410];
	[tilespmem:$0x1FBC0] =	vst v1  }
0x39f: {  	v1 =	vld.idx.msk [tilespmem:v5+s2+$0x0], $0xffff;
	_ =	sdelay $0x4  }
0x3a0: {  	[tilespmem:$0x1FBD0] =	vst v1  }
0x3a1: {  	v0 =	vld.idx.msk [tilespmem:v0+s2+$0x0], $0xffff;
	_ =	sdelay $0x3  }
0x3a2: {  	v1 =	vld [tilespmem:s17+$0x14510]  }
0x3a3: {  	v3 =	vld [tilespmem:s17+$0x14610];
	[tilespmem:$0x1FBE0] =	vst v0  }
0x3a4: {  	v2 =	vld.idx.msk [tilespmem:v2+s2+$0x0], $0xffff;
	_ =	sdelay $0x3  }
0x3a5: {  	v0 =	vld [tilespmem:s17+$0x14710]  }
0x3a6: {  	v4 =	vld [tilespmem:s17+$0x14810];
	[tilespmem:$0x1FBF0] =	vst v2  }
0x3a7: {  	v1 =	vld.idx.msk [tilespmem:v1+s2+$0x0], $0xffff;
	_ =	sdelay $0x3  }
0x3a8: {  	v2 =	vld [tilespmem:s17+$0x14910]  }
0x3a9: {  	v5 =	vld [tilespmem:s17+$0x14A10];
	[tilespmem:$0x1FC00] =	vst v1  }
0x3aa: {  	v1 =	vld.idx.msk [tilespmem:v3+s2+$0x0], $0xffff;
	_ =	sdelay $0x4  }
0x3ab: {  	[tilespmem:$0x1FC10] =	vst v1  }
0x3ac: {  	v0 =	vld.idx.msk [tilespmem:v0+s2+$0x0], $0xffff;
	_ =	sdelay $0x4  }
0x3ad: {  	v1 =	vld [tilespmem:s17+$0x14B10];
	[tilespmem:$0x1FC20] =	vst v0  }
0x3ae: {  	v0 =	vld.idx.msk [tilespmem:v4+s2+$0x0], $0xffff;
	_ =	sdelay $0x4  }
0x3af: {  	[tilespmem:$0x1FC30] =	vst v0  }
0x3b0: {  	v2 =	vld.idx.msk [tilespmem:v2+s2+$0x0], $0xffff;
	_ =	sdelay $0x4  }
0x3b1: {  	v0 =	vld [tilespmem:s17+$0x14C10];
	[tilespmem:$0x1FC40] =	vst v2  }
0x3b2: {  	v2 =	vld.idx.msk [tilespmem:v5+s2+$0x0], $0xffff;
	_ =	sdelay $0x4  }
0x3b3: {  	[tilespmem:$0x1FC50] =	vst v2  }
0x3b4: {  	v1 =	vld.idx.msk [tilespmem:v1+s2+$0x0], $0xffff;
	_ =	sdelay $0x3  }
0x3b5: {  	v2 =	vld [tilespmem:s17+$0x14D10]  }
0x3b6: {  	v3 =	vld [tilespmem:s17+$0x14E10];
	[tilespmem:$0x1FC60] =	vst v1  }
0x3b7: {  	v0 =	vld.idx.msk [tilespmem:v0+s2+$0x0], $0xffff;
	_ =	sdelay $0x3  }
0x3b8: {  	v1 =	vld [tilespmem:s17+$0x14F10]  }
0x3b9: {  	v4 =	vld [tilespmem:s17+$0x15010];
	[tilespmem:$0x1FC70] =	vst v0  }
0x3ba: {  	v2 =	vld.idx.msk [tilespmem:v2+s2+$0x0], $0xffff;
	_ =	sdelay $0x3  }
0x3bb: {  	v0 =	vld [tilespmem:s17+$0x15110]  }
0x3bc: {  	v5 =	vld [tilespmem:s17+$0x15210];
	[tilespmem:$0x1FC80] =	vst v2  }
0x3bd: {  	v2 =	vld.idx.msk [tilespmem:v3+s2+$0x0], $0xffff;
	_ =	sdelay $0x4  }
0x3be: {  	[tilespmem:$0x1FC90] =	vst v2  }
0x3bf: {  	v1 =	vld.idx.msk [tilespmem:v1+s2+$0x0], $0xffff;
	_ =	sdelay $0x4  }
0x3c0: {  	v2 =	vld [tilespmem:s17+$0x15310];
	[tilespmem:$0x1FCA0] =	vst v1  }
0x3c1: {  	v1 =	vld.idx.msk [tilespmem:v4+s2+$0x0], $0xffff;
	_ =	sdelay $0x4  }
0x3c2: {  	[tilespmem:$0x1FCB0] =	vst v1  }
0x3c3: {  	v0 =	vld.idx.msk [tilespmem:v0+s2+$0x0], $0xffff;
	_ =	sdelay $0x4  }
0x3c4: {  	v1 =	vld [tilespmem:s17+$0x15410];
	[tilespmem:$0x1FCC0] =	vst v0  }
0x3c5: {  	v0 =	vld.idx.msk [tilespmem:v5+s2+$0x0], $0xffff;
	_ =	sdelay $0x4  }
0x3c6: {  	[tilespmem:$0x1FCD0] =	vst v0  }
0x3c7: {  	v2 =	vld.idx.msk [tilespmem:v2+s2+$0x0], $0xffff;
	_ =	sdelay $0x3  }
0x3c8: {  	v0 =	vld [tilespmem:s17+$0x15510]  }
0x3c9: {  	v3 =	vld [tilespmem:s17+$0x15610];
	[tilespmem:$0x1FCE0] =	vst v2  }
0x3ca: {  	v1 =	vld.idx.msk [tilespmem:v1+s2+$0x0], $0xffff;
	_ =	sdelay $0x3  }
0x3cb: {  	v2 =	vld [tilespmem:s17+$0x15710]  }
0x3cc: {  	v4 =	vld [tilespmem:s17+$0x15810];
	[tilespmem:$0x1FCF0] =	vst v1  }
0x3cd: {  	v0 =	vld.idx.msk [tilespmem:v0+s2+$0x0], $0xffff;
	_ =	sdelay $0x3  }
0x3ce: {  	v1 =	vld [tilespmem:s17+$0x15910]  }
0x3cf: {  	v5 =	vld [tilespmem:s17+$0x15A10];
	[tilespmem:$0x1FD00] =	vst v0  }
0x3d0: {  	v0 =	vld.idx.msk [tilespmem:v3+s2+$0x0], $0xffff;
	_ =	sdelay $0x4  }
0x3d1: {  	[tilespmem:$0x1FD10] =	vst v0  }
0x3d2: {  	v2 =	vld.idx.msk [tilespmem:v2+s2+$0x0], $0xffff;
	_ =	sdelay $0x4  }
0x3d3: {  	v0 =	vld [tilespmem:s17+$0x15B10];
	[tilespmem:$0x1FD20] =	vst v2  }
0x3d4: {  	v2 =	vld.idx.msk [tilespmem:v4+s2+$0x0], $0xffff;
	_ =	sdelay $0x4  }
0x3d5: {  	[tilespmem:$0x1FD30] =	vst v2  }
0x3d6: {  	v1 =	vld.idx.msk [tilespmem:v1+s2+$0x0], $0xffff;
	_ =	sdelay $0x4  }
0x3d7: {  	v2 =	vld [tilespmem:s17+$0x15C10];
	[tilespmem:$0x1FD40] =	vst v1  }
0x3d8: {  	v1 =	vld.idx.msk [tilespmem:v5+s2+$0x0], $0xffff;
	_ =	sdelay $0x4  }
0x3d9: {  	[tilespmem:$0x1FD50] =	vst v1  }
0x3da: {  	v0 =	vld.idx.msk [tilespmem:v0+s2+$0x0], $0xffff;
	_ =	sdelay $0x3  }
0x3db: {  	v1 =	vld [tilespmem:s17+$0x15D10]  }
0x3dc: {  	v3 =	vld [tilespmem:s17+$0x15E10];
	[tilespmem:$0x1FD60] =	vst v0  }
0x3dd: {  	v2 =	vld.idx.msk [tilespmem:v2+s2+$0x0], $0xffff;
	_ =	sdelay $0x3  }
0x3de: {  	v0 =	vld [tilespmem:s17+$0x15F10]  }
0x3df: {  	v4 =	vld [tilespmem:s17+$0x16010];
	[tilespmem:$0x1FD70] =	vst v2  }
0x3e0: {  	v1 =	vld.idx.msk [tilespmem:v1+s2+$0x0], $0xffff;
	_ =	sdelay $0x3  }
0x3e1: {  	v2 =	vld [tilespmem:s17+$0x16110]  }
0x3e2: {  	v5 =	vld [tilespmem:s17+$0x16210];
	[tilespmem:$0x1FD80] =	vst v1  }
0x3e3: {  	v1 =	vld.idx.msk [tilespmem:v3+s2+$0x0], $0xffff;
	_ =	sdelay $0x4  }
0x3e4: {  	[tilespmem:$0x1FD90] =	vst v1  }
0x3e5: {  	v0 =	vld.idx.msk [tilespmem:v0+s2+$0x0], $0xffff;
	_ =	sdelay $0x4  }
0x3e6: {  	v1 =	vld [tilespmem:s17+$0x16310];
	[tilespmem:$0x1FDA0] =	vst v0  }
0x3e7: {  	v0 =	vld.idx.msk [tilespmem:v4+s2+$0x0], $0xffff;
	_ =	sdelay $0x4  }
0x3e8: {  	[tilespmem:$0x1FDB0] =	vst v0  }
0x3e9: {  	v2 =	vld.idx.msk [tilespmem:v2+s2+$0x0], $0xffff;
	_ =	sdelay $0x4  }
0x3ea: {  	v0 =	vld [tilespmem:s17+$0x16410];
	[tilespmem:$0x1FDC0] =	vst v2  }
0x3eb: {  	v2 =	vld.idx.msk [tilespmem:v5+s2+$0x0], $0xffff;
	_ =	sdelay $0x4  }
0x3ec: {  	[tilespmem:$0x1FDD0] =	vst v2  }
0x3ed: {  	v1 =	vld.idx.msk [tilespmem:v1+s2+$0x0], $0xffff;
	_ =	sdelay $0x3  }
0x3ee: {  	v2 =	vld [tilespmem:s17+$0x16510]  }
0x3ef: {  	v3 =	vld [tilespmem:s17+$0x16610];
	[tilespmem:$0x1FDE0] =	vst v1  }
0x3f0: {  	v0 =	vld.idx.msk [tilespmem:v0+s2+$0x0], $0xffff;
	_ =	sdelay $0x3  }
0x3f1: {  	v1 =	vld [tilespmem:s17+$0x16710]  }
0x3f2: {  	v4 =	vld [tilespmem:s17+$0x16810];
	[tilespmem:$0x1FDF0] =	vst v0  }
0x3f3: {  	v2 =	vld.idx.msk [tilespmem:v2+s2+$0x0], $0xffff;
	_ =	sdelay $0x3  }
0x3f4: {  	v0 =	vld [tilespmem:s17+$0x16910]  }
0x3f5: {  	v5 =	vld [tilespmem:s17+$0x16A10];
	[tilespmem:$0x1FE00] =	vst v2  }
0x3f6: {  	v2 =	vld.idx.msk [tilespmem:v3+s2+$0x0], $0xffff;
	_ =	sdelay $0x4  }
0x3f7: {  	[tilespmem:$0x1FE10] =	vst v2  }
0x3f8: {  	v1 =	vld.idx.msk [tilespmem:v1+s2+$0x0], $0xffff;
	_ =	sdelay $0x4  }
0x3f9: {  	v2 =	vld [tilespmem:s17+$0x16B10];
	[tilespmem:$0x1FE20] =	vst v1  }
0x3fa: {  	v1 =	vld.idx.msk [tilespmem:v4+s2+$0x0], $0xffff;
	_ =	sdelay $0x4  }
0x3fb: {  	[tilespmem:$0x1FE30] =	vst v1  }
0x3fc: {  	v0 =	vld.idx.msk [tilespmem:v0+s2+$0x0], $0xffff;
	_ =	sdelay $0x4  }
0x3fd: {  	v1 =	vld [tilespmem:s17+$0x16C10];
	[tilespmem:$0x1FE40] =	vst v0  }
0x3fe: {  	v0 =	vld.idx.msk [tilespmem:v5+s2+$0x0], $0xffff;
	_ =	sdelay $0x4  }
0x3ff: {  	[tilespmem:$0x1FE50] =	vst v0  }
0x400: {  	v2 =	vld.idx.msk [tilespmem:v2+s2+$0x0], $0xffff;
	_ =	sdelay $0x3  }
0x401: {  	v0 =	vld [tilespmem:s17+$0x16D10]  }
0x402: {  	v3 =	vld [tilespmem:s17+$0x16E10];
	[tilespmem:$0x1FE60] =	vst v2  }
0x403: {  	v1 =	vld.idx.msk [tilespmem:v1+s2+$0x0], $0xffff;
	_ =	sdelay $0x3  }
0x404: {  	v2 =	vld [tilespmem:s17+$0x16F10]  }
0x405: {  	v4 =	vld [tilespmem:s17+$0x17010];
	[tilespmem:$0x1FE70] =	vst v1  }
0x406: {  	v0 =	vld.idx.msk [tilespmem:v0+s2+$0x0], $0xffff;
	_ =	sdelay $0x3  }
0x407: {  	v1 =	vld [tilespmem:s17+$0x17110]  }
0x408: {  	v5 =	vld [tilespmem:s17+$0x17210];
	[tilespmem:$0x1FE80] =	vst v0  }
0x409: {  	v0 =	vld.idx.msk [tilespmem:v3+s2+$0x0], $0xffff;
	_ =	sdelay $0x4  }
0x40a: {  	[tilespmem:$0x1FE90] =	vst v0  }
0x40b: {  	v2 =	vld.idx.msk [tilespmem:v2+s2+$0x0], $0xffff;
	_ =	sdelay $0x4  }
0x40c: {  	v0 =	vld [tilespmem:s17+$0x17310];
	[tilespmem:$0x1FEA0] =	vst v2  }
0x40d: {  	v2 =	vld.idx.msk [tilespmem:v4+s2+$0x0], $0xffff;
	_ =	sdelay $0x4  }
0x40e: {  	[tilespmem:$0x1FEB0] =	vst v2  }
0x40f: {  	v1 =	vld.idx.msk [tilespmem:v1+s2+$0x0], $0xffff;
	_ =	sdelay $0x4  }
0x410: {  	v2 =	vld [tilespmem:s17+$0x17410];
	[tilespmem:$0x1FEC0] =	vst v1  }
0x411: {  	v1 =	vld.idx.msk [tilespmem:v5+s2+$0x0], $0xffff;
	_ =	sdelay $0x4  }
0x412: {  	[tilespmem:$0x1FED0] =	vst v1  }
0x413: {  	v0 =	vld.idx.msk [tilespmem:v0+s2+$0x0], $0xffff;
	_ =	sdelay $0x3  }
0x414: {  	v1 =	vld [tilespmem:s17+$0x17510]  }
0x415: {  	v3 =	vld [tilespmem:s17+$0x17610];
	[tilespmem:$0x1FEE0] =	vst v0  }
0x416: {  	v2 =	vld.idx.msk [tilespmem:v2+s2+$0x0], $0xffff;
	_ =	sdelay $0x3  }
0x417: {  	v0 =	vld [tilespmem:s17+$0x17710]  }
0x418: {  	v4 =	vld [tilespmem:s17+$0x17810];
	[tilespmem:$0x1FEF0] =	vst v2  }
0x419: {  	v1 =	vld.idx.msk [tilespmem:v1+s2+$0x0], $0xffff;
	_ =	sdelay $0x3  }
0x41a: {  	v2 =	vld [tilespmem:s17+$0x17910]  }
0x41b: {  	v5 =	vld [tilespmem:s17+$0x17A10];
	[tilespmem:$0x1FF00] =	vst v1  }
0x41c: {  	v1 =	vld.idx.msk [tilespmem:v3+s2+$0x0], $0xffff;
	_ =	sdelay $0x4  }
0x41d: {  	[tilespmem:$0x1FF10] =	vst v1  }
0x41e: {  	v0 =	vld.idx.msk [tilespmem:v0+s2+$0x0], $0xffff;
	_ =	sdelay $0x4  }
0x41f: {  	v1 =	vld [tilespmem:s17+$0x17B10];
	[tilespmem:$0x1FF20] =	vst v0  }
0x420: {  	v0 =	vld.idx.msk [tilespmem:v4+s2+$0x0], $0xffff;
	_ =	sdelay $0x4  }
0x421: {  	[tilespmem:$0x1FF30] =	vst v0  }
0x422: {  	v2 =	vld.idx.msk [tilespmem:v2+s2+$0x0], $0xffff;
	_ =	sdelay $0x4  }
0x423: {  	v0 =	vld [tilespmem:s17+$0x17C10];
	[tilespmem:$0x1FF40] =	vst v2  }
0x424: {  	v2 =	vld.idx.msk [tilespmem:v5+s2+$0x0], $0xffff;
	_ =	sdelay $0x4  }
0x425: {  	[tilespmem:$0x1FF50] =	vst v2  }
0x426: {  	v1 =	vld.idx.msk [tilespmem:v1+s2+$0x0], $0xffff;
	_ =	sdelay $0x3  }
0x427: {  	v2 =	vld [tilespmem:s17+$0x17D10]  }
0x428: {  	v3 =	vld [tilespmem:s17+$0x17E10];
	[tilespmem:$0x1FF60] =	vst v1  }
0x429: {  	v1 =	vld [tilespmem:$0x1F0F0];
	_ =	sdelay $0x1  }
0x42a: {  	v7 =	vld [tilespmem:$0x1F110];
	_ =	sdelay $0x2  }
0x42b: {  	v4 =	vld [tilespmem:$0x1F100];
	v1 =	vadd.f32 $0.0e+00, v1;
	_ =	sdelay $0x1  }
0x42c: {  	v1 =	vadd.f32 v7, v1;
	v7 =	vld [tilespmem:$0x1F120];
	_ =	sdelay $0x2  }
0x42d: {  	v4 =	vadd.f32 $0.0e+00, v4  }
0x42e: {  	v0 =	vld.idx.msk [tilespmem:v0+s2+$0x0], $0xffff  }
0x42f: {  	v4 =	vadd.f32 v7, v4;
	v7 =	vld [tilespmem:$0x1F130];
	_ =	sdelay $0x2  }
0x430: {  	v5 =	vld [tilespmem:s17+$0x17F10]  }
0x431: {  	v6 =	vld [tilespmem:s19+$0x10700]  }
0x432: {  	[tilespmem:$0x1FF70] =	vst v0;
	v1 =	vadd.f32 v7, v1;
	v7 =	vld [tilespmem:$0x1F140]  }
0x433: {  	v2 =	vld.idx.msk [tilespmem:v2+s2+$0x0], $0xffff;
	_ =	sdelay $0x2  }
0x434: {  	v0 =	vld [tilespmem:s19+$0x10800]  }
0x435: {  	v4 =	vadd.f32 v7, v4;
	v7 =	vld [tilespmem:s19+$0x10900]  }
0x436: {  	[tilespmem:$0x1FF80] =	vst v2;
	v2 =	vld [tilespmem:$0x1F150];
	_ =	sdelay $0x4  }
0x437: {  	v1 =	vadd.f32 v2, v1;
	v2 =	vld [tilespmem:$0x1F160];
	_ =	sdelay $0x3  }
0x438: {  	v3 =	vld.idx.msk [tilespmem:v3+s2+$0x0], $0xffff  }
0x439: {  	v2 =	vadd.f32 v2, v4;
	v4 =	vld [tilespmem:$0x1F170];
	_ =	sdelay $0x3  }
0x43a: {  	[tilespmem:$0x1FF90] =	vst v3  }
0x43b: {  	v2 =	vadd.f32 v4, v2;
	v4 =	vld.idx.msk [tilespmem:v5+s2+$0x0], $0xffff;
	_ =	sdelay $0x3  }
0x43c: {  	v3 =	vld [tilespmem:s19+$0x10A00]  }
0x43d: {  	[tilespmem:$0x1FFA0] =	vst v4;
	v4 =	vld [tilespmem:$0x1F180]  }
0x43e: {  	v0 =	vld.idx.msk [tilespmem:v0+s2+$0x0], $0xffff;
	_ =	sdelay $0x2  }
0x43f: {  	v1 =	vadd.f32 v50, v1;
	v50 =	vld.idx.msk [tilespmem:v6+s2+$0x0], $0xffff  }
0x440: {  	v2 =	vadd.f32 v4, v2;
	v4 =	vld [tilespmem:s19+$0x10B00]  }
0x441: {  	[tilespmem:$0x1F890] =	vst v0;
	v0 =	vld [tilespmem:$0x1F190];
	_ =	sdelay $0x1  }
0x442: {  	v5 =	vld [tilespmem:$0x1F1B0]  }
0x443: {  	v1 =	vadd.f32 v9, v1;
	_ =	sdelay $0x1  }
0x444: {  	v0 =	vadd.f32 v0, v1;
	v1 =	vld [tilespmem:$0x1F1A0];
	_ =	sdelay $0x1  }
0x445: {  	v0 =	vadd.f32 v5, v0;
	v5 =	vld [tilespmem:$0x1F1C0]  }
0x446: {  	v3 =	vld.idx.msk [tilespmem:v3+s2+$0x0], $0xffff;
	_ =	sdelay $0x1  }
0x447: {  	v48 =	vld.idx.msk [tilespmem:v7+s2+$0x0], $0xffff;
	v1 =	vadd.f32 v1, v2  }
0x448: {  	v2 =	vld [tilespmem:s19+$0x10C00]  }
0x449: {  	v1 =	vadd.f32 v5, v1;
	v5 =	vld [tilespmem:s19+$0x10D00]  }
0x44a: {  	[tilespmem:$0x1F8C0] =	vst v3;
	v3 =	vld [tilespmem:$0x1F1D0];
	_ =	sdelay $0x4  }
0x44b: {  	v0 =	vadd.f32 v3, v0;
	v3 =	vld [tilespmem:$0x1F1E0];
	_ =	sdelay $0x1  }
0x44c: {  	v7 =	vld [tilespmem:$0x1F1F0];
	_ =	sdelay $0x2  }
0x44d: {  	v45 =	vld.idx.msk [tilespmem:v4+s2+$0x0], $0xffff;
	v1 =	vadd.f32 v3, v1  }
0x44e: {  	v3 =	vld [tilespmem:s19+$0x10E00]  }
0x44f: {  	v1 =	vadd.f32 v7, v1;
	v7 =	vld [tilespmem:$0x1F200]  }
0x450: {  	v46 =	vld.idx.msk [tilespmem:v2+s2+$0x0], $0xffff  }
0x451: {  	v2 =	vld [tilespmem:$0x1F220]  }
0x452: {  	v0 =	vadd.f32 v51, v0;
	v42 =	vld.idx.msk [tilespmem:v5+s2+$0x0], $0xffff  }
0x453: {  	v5 =	vld [tilespmem:$0x1F240]  }
0x454: {  	v0 =	vadd.f32 v7, v0;
	v7 =	vld [tilespmem:$0x1F210]  }
0x455: {  	v4 =	vld [tilespmem:s19+$0x11000]  }
0x456: {  	v0 =	vadd.f32 v2, v0;
	v2 =	vld [tilespmem:$0x1F230]  }
0x457: {  	v3 =	vld.idx.msk [tilespmem:v3+s2+$0x0], $0xffff  }
0x458: {  	v6 =	vld [tilespmem:s19+$0x10F00]  }
0x459: {  	v0 =	vadd.f32 v5, v0;
	v5 =	vld [tilespmem:$0x1F250];
	v1 =	vadd.f32 v7, v1  }
0x45a: {  	v7 =	vld [tilespmem:s19+$0x11100]  }
0x45b: {  	v1 =	vadd.f32 v2, v1;
	v2 =	vld [tilespmem:s19+$0x11200]  }
0x45c: {  	[tilespmem:$0x1F910] =	vst v3;
	v3 =	vld [tilespmem:$0x1F260]  }
0x45d: {  	v4 =	vld.idx.msk [tilespmem:v4+s2+$0x0], $0xffff;
	_ =	sdelay $0x1  }
0x45e: {  	v1 =	vadd.f32 v5, v1  }
0x45f: {  	v43 =	vld.idx.msk [tilespmem:v6+s2+$0x0], $0xffff  }
0x460: {  	v1 =	vadd.f32 v3, v1;
	v3 =	vld [tilespmem:s19+$0x11300]  }
0x461: {  	[tilespmem:$0x1F940] =	vst v4;
	v4 =	vld [tilespmem:$0x1F270];
	_ =	sdelay $0x1  }
0x462: {  	v5 =	vld [tilespmem:$0x1F290]  }
0x463: {  	v0 =	vadd.f32 v52, v0;
	_ =	sdelay $0x1  }
0x464: {  	v0 =	vadd.f32 v4, v0;
	v4 =	vld [tilespmem:$0x1F280];
	_ =	sdelay $0x1  }
0x465: {  	v0 =	vadd.f32 v5, v0;
	v5 =	vld [tilespmem:$0x1F2A0]  }
0x466: {  	v2 =	vld.idx.msk [tilespmem:v2+s2+$0x0], $0xffff;
	_ =	sdelay $0x1  }
0x467: {  	v40 =	vld.idx.msk [tilespmem:v7+s2+$0x0], $0xffff;
	v1 =	vadd.f32 v4, v1  }
0x468: {  	v4 =	vld [tilespmem:s19+$0x11400]  }
0x469: {  	v1 =	vadd.f32 v5, v1;
	v5 =	vld [tilespmem:s19+$0x11500]  }
0x46a: {  	[tilespmem:$0x1F970] =	vst v2;
	v2 =	vld [tilespmem:$0x1F2B0];
	_ =	sdelay $0x1  }
0x46b: {  	v7 =	vld [tilespmem:$0x1F2D0];
	_ =	sdelay $0x2  }
0x46c: {  	v0 =	vadd.f32 v2, v0;
	v2 =	vld [tilespmem:$0x1F2C0];
	_ =	sdelay $0x1  }
0x46d: {  	v0 =	vadd.f32 v7, v0;
	v7 =	vld [tilespmem:$0x1F2E0]  }
0x46e: {  	v6 =	vld [tilespmem:s19+$0x11700]  }
0x46f: {  	v39 =	vld.idx.msk [tilespmem:v3+s2+$0x0], $0xffff  }
0x470: {  	v1 =	vadd.f32 v2, v1;
	v2 =	vld [tilespmem:s19+$0x11600]  }
0x471: {  	v3 =	vld [tilespmem:s19+$0x11800]  }
0x472: {  	v1 =	vadd.f32 v7, v1;
	v7 =	vld [tilespmem:$0x1F2F0]  }
0x473: {  	v63 =	vld.idx.msk [tilespmem:v4+s2+$0x0], $0xffff  }
0x474: {  	v4 =	vld [tilespmem:$0x1F310]  }
0x475: {  	v33 =	vld.idx.msk [tilespmem:v5+s2+$0x0], $0xffff  }
0x476: {  	v5 =	vld [tilespmem:$0x1F330]  }
0x477: {  	v0 =	vadd.f32 v7, v0;
	v7 =	vld [tilespmem:$0x1F300]  }
0x478: {  	v62 =	vld.idx.msk [tilespmem:v2+s2+$0x0], $0xffff  }
0x479: {  	v2 =	vld [tilespmem:$0x1F350]  }
0x47a: {  	v0 =	vadd.f32 v4, v0;
	v4 =	vld [tilespmem:$0x1F320];
	_ =	sdelay $0x1  }
0x47b: {  	v0 =	vadd.f32 v5, v0;
	v5 =	vld [tilespmem:$0x1F340]  }
0x47c: {  	v3 =	vld.idx.msk [tilespmem:v3+s2+$0x0], $0xffff;
	v1 =	vadd.f32 v7, v1  }
0x47d: {  	v0 =	vadd.f32 v2, v0;
	v2 =	vld [tilespmem:$0x1F360]  }
0x47e: {  	v1 =	vadd.f32 v4, v1;
	v4 =	vld [tilespmem:s19+$0x11A00];
	_ =	sdelay $0x1  }
0x47f: {  	v54 =	vld.idx.msk [tilespmem:v6+s2+$0x0], $0xffff;
	v1 =	vadd.f32 v5, v1  }
0x480: {  	v7 =	vld [tilespmem:s19+$0x11900]  }
0x481: {  	v1 =	vadd.f32 v2, v1;
	v2 =	vld [tilespmem:s19+$0x11B00]  }
0x482: {  	[tilespmem:$0x1F9E0] =	vst v3;
	v3 =	vld [tilespmem:$0x1F370];
	_ =	sdelay $0x1  }
0x483: {  	v5 =	vld [tilespmem:$0x1F390]  }
0x484: {  	v52 =	vld.idx.msk [tilespmem:v4+s2+$0x0], $0xffff  }
0x485: {  	v4 =	vld [tilespmem:$0x1F3B0]  }
0x486: {  	v0 =	vadd.f32 v3, v0;
	v3 =	vld [tilespmem:$0x1F380]  }
0x487: {  	v34 =	vld.idx.msk [tilespmem:v7+s2+$0x0], $0xffff  }
0x488: {  	v7 =	vld [tilespmem:$0x1F3D0];
	v0 =	vadd.f32 v5, v0  }
0x489: {  	v5 =	vld [tilespmem:$0x1F3A0]  }
0x48a: {  	v0 =	vadd.f32 v4, v0;
	v4 =	vld [tilespmem:$0x1F3C0]  }
0x48b: {  	v1 =	vadd.f32 v3, v1;
	v3 =	vld [tilespmem:s19+$0x11C00];
	_ =	sdelay $0x1  }
0x48c: {  	v0 =	vadd.f32 v7, v0;
	v7 =	vld [tilespmem:$0x1F3E0]  }
0x48d: {  	v1 =	vadd.f32 v5, v1;
	_ =	sdelay $0x1  }
0x48e: {  	v1 =	vadd.f32 v4, v1  }
0x48f: {  	v5 =	vld [tilespmem:s19+$0x11D00]  }
0x490: {  	v1 =	vadd.f32 v7, v1;
	v7 =	vld [tilespmem:$0x1F3F0]  }
0x491: {  	v31 =	vld.idx.msk [tilespmem:v3+s2+$0x0], $0xffff  }
0x492: {  	v3 =	vld [tilespmem:$0x1F410]  }
0x493: {  	v4 =	vld [tilespmem:s19+$0x11E00]  }
0x494: {  	v30 =	vld.idx.msk [tilespmem:v2+s2+$0x0], $0xffff  }
0x495: {  	v0 =	vadd.f32 v7, v0;
	v7 =	vld [tilespmem:$0x1F400]  }
0x496: {  	v2 =	vld [tilespmem:s19+$0x12000]  }
0x497: {  	v0 =	vadd.f32 v3, v0;
	v3 =	vld [tilespmem:$0x1F420]  }
0x498: {  	v24 =	vld.idx.msk [tilespmem:v5+s2+$0x0], $0xffff  }
0x499: {  	v5 =	vld [tilespmem:$0x1F430]  }
0x49a: {  	v1 =	vadd.f32 v7, v1  }
0x49b: {  	v49 =	vld.idx.msk [tilespmem:v4+s2+$0x0], $0xffff  }
0x49c: {  	v1 =	vadd.f32 v3, v1;
	v3 =	vld [tilespmem:s19+$0x12200]  }
0x49d: {  	v4 =	vld [tilespmem:$0x1F450]  }
0x49e: {  	v0 =	vadd.f32 v5, v0;
	v5 =	vld [tilespmem:$0x1F440]  }
0x49f: {  	v51 =	vld.idx.msk [tilespmem:v2+s2+$0x0], $0xffff  }
0x4a0: {  	v2 =	vld [tilespmem:$0x1F470]  }
0x4a1: {  	v7 =	vld [tilespmem:s19+$0x12100]  }
0x4a2: {  	v0 =	vadd.f32 v4, v0;
	v4 =	vld [tilespmem:$0x1F460]  }
0x4a3: {  	v1 =	vadd.f32 v5, v1;
	v5 =	vld [tilespmem:$0x1F490]  }
0x4a4: {  	v47 =	vld.idx.msk [tilespmem:v3+s2+$0x0], $0xffff  }
0x4a5: {  	v3 =	vld [tilespmem:$0x1F4B0]  }
0x4a6: {  	v0 =	vadd.f32 v2, v0;
	v2 =	vld [tilespmem:$0x1F480]  }
0x4a7: {  	v1 =	vadd.f32 v4, v1;
	v4 =	vld [tilespmem:s19+$0x12300]  }
0x4a8: {  	v0 =	vadd.f32 v5, v0;
	v5 =	vld [tilespmem:$0x1F4A0];
	_ =	sdelay $0x1  }
0x4a9: {  	v0 =	vadd.f32 v3, v0;
	v3 =	vld [tilespmem:$0x1F4C0]  }
0x4aa: {  	v1 =	vadd.f32 v2, v1;
	v2 =	vld [tilespmem:s19+$0x12400]  }
0x4ab: {  	v25 =	vld.idx.msk [tilespmem:v7+s2+$0x0], $0xffff  }
0x4ac: {  	v7 =	vld [tilespmem:$0x1F4D0];
	v1 =	vadd.f32 v5, v1  }
0x4ad: {  	v5 =	vld [tilespmem:s19+$0x12500]  }
0x4ae: {  	v1 =	vadd.f32 v3, v1;
	v3 =	vld [tilespmem:s19+$0x12600]  }
0x4af: {  	v21 =	vld.idx.msk [tilespmem:v4+s2+$0x0], $0xffff  }
0x4b0: {  	v4 =	vld [tilespmem:s19+$0x12800]  }
0x4b1: {  	v1 =	vadd.f32 v10, v1  }
0x4b2: {  	v41 =	vld.idx.msk [tilespmem:v2+s2+$0x0], $0xffff  }
0x4b3: {  	v0 =	vadd.f32 v7, v0;
	v7 =	vld [tilespmem:s19+$0x12900];
	v1 =	vadd.f32 v12, v1  }
0x4b4: {  	v2 =	vld [tilespmem:s19+$0x12A00]  }
0x4b5: {  	v18 =	vld.idx.msk [tilespmem:v5+s2+$0x0], $0xffff;
	v1 =	vadd.f32 v16, v1  }
0x4b6: {  	v0 =	vadd.f32 v11, v0;
	v38 =	vld.idx.msk [tilespmem:v3+s2+$0x0], $0xffff  }
0x4b7: {  	v1 =	vadd.f32 v17, v1;
	v3 =	vld [tilespmem:s19+$0x12B00]  }
0x4b8: {  	v0 =	vadd.f32 v13, v0;
	v44 =	vld.idx.msk [tilespmem:v4+s2+$0x0], $0xffff  }
0x4b9: {  	v4 =	vld [tilespmem:s19+$0x12C00];
	v1 =	vadd.f32 v19, v1  }
0x4ba: {  	v5 =	vld [tilespmem:s19+$0x12D00];
	v0 =	vadd.f32 v14, v0  }
0x4bb: {  	v35 =	vld.idx.msk [tilespmem:v7+s2+$0x0], $0xffff;
	v1 =	vadd.f32 v22, v1  }
0x4bc: {  	v0 =	vadd.f32 v15, v0;
	v7 =	vld [tilespmem:$0x1F4E0]  }
0x4bd: {  	v36 =	vld.idx.msk [tilespmem:v2+s2+$0x0], $0xffff;
	v1 =	vadd.f32 v29, v1  }
0x4be: {  	v2 =	vld [tilespmem:s19+$0x12E00];
	v0 =	vadd.f32 v20, v0  }
0x4bf: {  	v1 =	vadd.f32 v32, v1;
	v29 =	vld.idx.msk [tilespmem:v3+s2+$0x0], $0xffff  }
0x4c0: {  	v0 =	vadd.f32 v23, v0;
	v3 =	vld [tilespmem:s19+$0x13000]  }
0x4c1: {  	v1 =	vadd.f32 v7, v1;
	v7 =	vld [tilespmem:$0x1F4F0]  }
0x4c2: {  	v0 =	vadd.f32 v26, v0;
	v32 =	vld.idx.msk [tilespmem:v4+s2+$0x0], $0xffff  }
0x4c3: {  	v4 =	vld [tilespmem:$0x1F510]  }
0x4c4: {  	v0 =	vadd.f32 v28, v0  }
0x4c5: {  	v19 =	vld.idx.msk [tilespmem:v5+s2+$0x0], $0xffff  }
0x4c6: {  	v0 =	vadd.f32 v7, v0;
	v7 =	vld [tilespmem:$0x1F500]  }
0x4c7: {  	v5 =	vld [tilespmem:$0x1F530]  }
0x4c8: {  	v0 =	vadd.f32 v4, v0;
	v4 =	vld [tilespmem:$0x1F520]  }
0x4c9: {  	v26 =	vld.idx.msk [tilespmem:v2+s2+$0x0], $0xffff  }
0x4ca: {  	v2 =	vld [tilespmem:$0x1F550]  }
0x4cb: {  	v28 =	vld.idx.msk [tilespmem:v3+s2+$0x0], $0xffff;
	v1 =	vadd.f32 v7, v1  }
0x4cc: {  	v3 =	vld [tilespmem:$0x1F570]  }
0x4cd: {  	v1 =	vadd.f32 v4, v1;
	v4 =	vld [tilespmem:s19+$0x13200]  }
0x4ce: {  	v0 =	vadd.f32 v5, v0;
	v5 =	vld [tilespmem:$0x1F540]  }
0x4cf: {  	v7 =	vld [tilespmem:s19+$0x13100];
	_ =	sdelay $0x1  }
0x4d0: {  	v6 =	vld [tilespmem:s19+$0x11F00];
	v0 =	vadd.f32 v2, v0  }
0x4d1: {  	v2 =	vld [tilespmem:$0x1F560]  }
0x4d2: {  	v0 =	vadd.f32 v3, v0;
	v3 =	vld [tilespmem:$0x1F580]  }
0x4d3: {  	v1 =	vadd.f32 v5, v1;
	v5 =	vld [tilespmem:$0x1F590]  }
0x4d4: {  	v22 =	vld.idx.msk [tilespmem:v4+s2+$0x0], $0xffff  }
0x4d5: {  	v4 =	vld [tilespmem:$0x1F5B0]  }
0x4d6: {  	v20 =	vld.idx.msk [tilespmem:v7+s2+$0x0], $0xffff  }
0x4d7: {  	v1 =	vadd.f32 v2, v1;
	v7 =	vld [tilespmem:$0x1F5D0]  }
0x4d8: {  	v0 =	vadd.f32 v5, v0;
	v5 =	vld [tilespmem:$0x1F5A0]  }
0x4d9: {  	v1 =	vadd.f32 v3, v1;
	v3 =	vld [tilespmem:s19+$0x13400]  }
0x4da: {  	v0 =	vadd.f32 v4, v0;
	v4 =	vld [tilespmem:$0x1F5C0];
	_ =	sdelay $0x1  }
0x4db: {  	v0 =	vadd.f32 v7, v0;
	v7 =	vld [tilespmem:$0x1F5E0]  }
0x4dc: {  	v1 =	vadd.f32 v5, v1;
	_ =	sdelay $0x1  }
0x4dd: {  	v1 =	vadd.f32 v4, v1  }
0x4de: {  	v27 =	vld.idx.msk [tilespmem:v6+s2+$0x0], $0xffff  }
0x4df: {  	v1 =	vadd.f32 v7, v1;
	v7 =	vld [tilespmem:$0x1F5F0]  }
0x4e0: {  	v15 =	vld.idx.msk [tilespmem:v3+s2+$0x0], $0xffff  }
0x4e1: {  	v3 =	vld [tilespmem:$0x1F610]  }
0x4e2: {  	v6 =	vld [tilespmem:s19+$0x12700];
	_ =	sdelay $0x1  }
0x4e3: {  	v0 =	vadd.f32 v7, v0;
	v7 =	vld [tilespmem:$0x1F600]  }
0x4e4: {  	v2 =	vld [tilespmem:s19+$0x13300]  }
0x4e5: {  	v3 =	vadd.f32 v3, v0;
	v0 =	vld [tilespmem:$0x1F620];
	_ =	sdelay $0x2  }
0x4e6: {  	v1 =	vadd.f32 v7, v1  }
0x4e7: {  	v37 =	vld.idx.msk [tilespmem:v6+s2+$0x0], $0xffff  }
0x4e8: {  	v1 =	vadd.f32 v0, v1;
	v0 =	vld [tilespmem:$0x1F630]  }
0x4e9: {  	v6 =	vld [tilespmem:s19+$0x12F00]  }
0x4ea: {  	v16 =	vld.idx.msk [tilespmem:v2+s2+$0x0], $0xffff  }
0x4eb: {  	v2 =	vld [tilespmem:s19+$0x13800];
	_ =	sdelay $0x1  }
0x4ec: {  	v0 =	vadd.f32 v0, v3;
	v3 =	vld [tilespmem:$0x1F640];
	_ =	sdelay $0x3  }
0x4ed: {  	v23 =	vld.idx.msk [tilespmem:v6+s2+$0x0], $0xffff  }
0x4ee: {  	v1 =	vadd.f32 v3, v1;
	v3 =	vld [tilespmem:$0x1F650]  }
0x4ef: {  	v17 =	vld.idx.msk [tilespmem:v2+s2+$0x0], $0xffff  }
0x4f0: {  	v2 =	vld [tilespmem:$0x1F670]  }
0x4f1: {  	v6 =	vld [tilespmem:s19+$0x13700]  }
0x4f2: {  	v4 =	vld [tilespmem:s19+$0x13600]  }
0x4f3: {  	v0 =	vadd.f32 v3, v0;
	v3 =	vld [tilespmem:$0x1F660];
	_ =	sdelay $0x1  }
0x4f4: {  	v0 =	vadd.f32 v2, v0;
	v2 =	vld [tilespmem:$0x1F680];
	_ =	sdelay $0x2  }
0x4f5: {  	v1 =	vadd.f32 v3, v1  }
0x4f6: {  	v14 =	vld.idx.msk [tilespmem:v6+s2+$0x0], $0xffff  }
0x4f7: {  	v2 =	vadd.f32 v2, v1;
	v1 =	vld [tilespmem:$0x1F690]  }
0x4f8: {  	v13 =	vld.idx.msk [tilespmem:v4+s2+$0x0], $0xffff  }
0x4f9: {  	v4 =	vld [tilespmem:$0x1F6B0]  }
0x4fa: {  	v3 =	vld [tilespmem:s19+$0x13B00]  }
0x4fb: {  	v6 =	vld [tilespmem:$0x1F6D0]  }
0x4fc: {  	v0 =	vadd.f32 v1, v0;
	v1 =	vld [tilespmem:$0x1F6A0];
	_ =	sdelay $0x1  }
0x4fd: {  	v0 =	vadd.f32 v4, v0;
	v4 =	vld [tilespmem:$0x1F6C0];
	_ =	sdelay $0x1  }
0x4fe: {  	v0 =	vadd.f32 v6, v0;
	v6 =	vld [tilespmem:$0x1F6E0]  }
0x4ff: {  	v1 =	vadd.f32 v1, v2  }
0x500: {  	v9 =	vld.idx.msk [tilespmem:v3+s2+$0x0], $0xffff  }
0x501: {  	v3 =	vld [tilespmem:$0x1F6F0];
	v1 =	vadd.f32 v4, v1;
	_ =	sdelay $0x1  }
0x502: {  	v1 =	vadd.f32 v6, v1;
	v6 =	vld [tilespmem:$0x1F710]  }
0x503: {  	v7 =	vld [tilespmem:s19+$0x13900];
	_ =	sdelay $0x1  }
0x504: {  	v0 =	vadd.f32 v3, v0;
	v3 =	vld [tilespmem:$0x1F700];
	_ =	sdelay $0x1  }
0x505: {  	v0 =	vadd.f32 v6, v0;
	v6 =	vld [tilespmem:$0x1F720];
	_ =	sdelay $0x2  }
0x506: {  	v1 =	vadd.f32 v3, v1  }
0x507: {  	v10 =	vld.idx.msk [tilespmem:v7+s2+$0x0], $0xffff  }
0x508: {  	v1 =	vadd.f32 v6, v1;
	v6 =	vld [tilespmem:$0x1F730]  }
0x509: {  	v7 =	vld [tilespmem:s19+$0x13C00];
	_ =	sdelay $0x2  }
0x50a: {  	v53 =	vadd.f32 $0.0e+00, v53;
	v2 =	vld [tilespmem:s19+$0x13D00]  }
0x50b: {  	v55 =	vadd.f32 $0.0e+00, v55;
	v0 =	vadd.f32 v6, v0;
	v6 =	vld [tilespmem:$0x1F740]  }
0x50c: {  	v53 =	vadd.f32 v57, v53  }
0x50d: {  	v55 =	vadd.f32 v59, v55  }
0x50e: {  	v53 =	vadd.f32 v56, v53;
	v5 =	vld [tilespmem:s19+$0x13500]  }
0x50f: {  	v57 =	vadd.f32 v58, v55;
	v55 =	vld.idx.msk [tilespmem:v7+s2+$0x0], $0xffff  }
0x510: {  	v7 =	vadd.f32 v60, v53;
	v60 =	vadd.f32 v6, v1;
	v1 =	vld [tilespmem:$0x1F750]  }
0x511: {  	v4 =	vld [tilespmem:s19+$0x13E00];
	_ =	sdelay $0x1  }
0x512: {  	v56 =	vld.idx.msk [tilespmem:v2+s2+$0x0], $0xffff;
	v2 =	vadd.f32 v61, v57;
	_ =	sdelay $0x1  }
0x513: {  	v2 =	vadd.f32 v1, v2;
	v1 =	vld [tilespmem:$0x1F760];
	_ =	sdelay $0x2  }
0x514: {  	v11 =	vld.idx.msk [tilespmem:v5+s2+$0x0], $0xffff  }
0x515: {  	v57 =	vld.idx.msk [tilespmem:v4+s2+$0x0], $0xffff  }
0x516: {  	v4 =	vadd.f32 v1, v7;
	v1 =	vld [tilespmem:$0x1F770]  }
0x517: {  	v5 =	vld [tilespmem:s19+$0x13A00];
	_ =	sdelay $0x3  }
0x518: {  	v0 =	vadd.f32 v1, v0;
	v1 =	vld [tilespmem:$0x1F790];
	_ =	sdelay $0x3  }
0x519: {  	v12 =	vld.idx.msk [tilespmem:v5+s2+$0x0], $0xffff  }
0x51a: {  	v2 =	vadd.f32 v1, v2;
	v1 =	vld [tilespmem:$0x1F7A0]  }
0x51b: {  	v5 =	vld [tilespmem:s19+$0x13F00];
	_ =	sdelay $0x3  }
0x51c: {  	v4 =	vadd.f32 v1, v4;
	v1 =	vld [tilespmem:$0x1F7B0];
	_ =	sdelay $0x3  }
0x51d: {  	v58 =	vld.idx.msk [tilespmem:v5+s2+$0x0], $0xffff  }
0x51e: {  	v5 =	vadd.f32 $0.0e+00, v1;
	v1 =	vld [tilespmem:$0x1F7C0];
	_ =	sdelay $0x1  }
0x51f: {  	v59 =	vld [tilespmem:s19+$0x14000]  }
0x520: {  	v53 =	vld [tilespmem:s19+$0x14200]  }
0x521: {  	v3 =	vld [tilespmem:s19+$0x14100]  }
0x522: {  	v61 =	vadd.f32 $0.0e+00, v1;
	v1 =	vld [tilespmem:$0x1F7D0]  }
0x523: {  	[tilespmem:$0x1FFC0] =	vst v0;
	v0 =	vld [tilespmem:$0x1F780]  }
0x524: {  	v6 =	vld [tilespmem:$0x1F800];
	_ =	sdelay $0x2  }
0x525: {  	v2 =	vadd.f32 v1, v2;
	v1 =	vld [tilespmem:$0x1F7E0]  }
0x526: {  	v0 =	vadd.f32 v0, v60  }
0x527: {  	v2 =	vadd.f32 v6, v2;
	v6 =	vld [tilespmem:$0x1F810]  }
0x528: {  	[tilespmem:$0x1FFE0] =	vst v0  }
0x529: {  	v60 =	vld.idx.msk [tilespmem:v3+s2+$0x0], $0xffff  }
0x52a: {  	v3 =	vadd.f32 v1, v4;
	v1 =	vld [tilespmem:$0x1F7F0];
	_ =	sdelay $0x1  }
0x52b: {  	v3 =	vadd.f32 v6, v3;
	v6 =	vld [tilespmem:$0x1F820];
	_ =	sdelay $0x2  }
0x52c: {  	v5 =	vadd.f32 v1, v5  }
0x52d: {  	v0 =	vld [tilespmem:s19+$0x14300]  }
0x52e: {  	v5 =	vadd.f32 v6, v5;
	v6 =	vld [tilespmem:$0x1F830];
	_ =	sdelay $0x2  }
0x52f: {  	v61 =	vadd.f32 v8, v61;
	_ =	sdelay $0x1  }
0x530: {  	v61 =	vadd.f32 v6, v61  }
0x531: {  	v7 =	vld [tilespmem:$0x1F840]  }
0x532: {  	v61 =	vadd.f32 v50, v61;
	v50 =	vld.idx.msk [tilespmem:v0+s2+$0x0], $0xffff  }
0x533: {  	v0 =	vld [tilespmem:$0x1F870]  }
0x534: {  	v8 =	vld [tilespmem:$0x1F860]  }
0x535: {  	v61 =	vadd.f32 v48, v61;
	v48 =	vld [tilespmem:$0x1F8A0]  }
0x536: {  	v2 =	vadd.f32 v7, v2;
	v7 =	vld [tilespmem:$0x1F850]  }
0x537: {  	v4 =	vld [tilespmem:s19+$0x14400]  }
0x538: {  	v0 =	vadd.f32 v0, v2;
	v2 =	vld [tilespmem:$0x1F880];
	_ =	sdelay $0x1  }
0x539: {  	v0 =	vadd.f32 v48, v0;
	v48 =	vld [tilespmem:$0x1F8B0]  }
0x53a: {  	v3 =	vadd.f32 v7, v3  }
0x53b: {  	v1 =	vld [tilespmem:s19+$0x14500]  }
0x53c: {  	v5 =	vadd.f32 v8, v5;
	v8 =	vld [tilespmem:$0x1F890];
	v2 =	vadd.f32 v2, v3  }
0x53d: {  	v6 =	vld [tilespmem:s19+$0x14600]  }
0x53e: {  	v2 =	vadd.f32 v48, v2;
	v48 =	vld.idx.msk [tilespmem:v4+s2+$0x0], $0xffff  }
0x53f: {  	v4 =	vld [tilespmem:$0x1F8C0];
	_ =	sdelay $0x1  }
0x540: {  	v7 =	vld [tilespmem:s19+$0x14700]  }
0x541: {  	v5 =	vadd.f32 v8, v5;
	_ =	sdelay $0x1  }
0x542: {  	v4 =	vadd.f32 v4, v5;
	v5 =	vadd.f32 v45, v61;
	v45 =	vld.idx.msk [tilespmem:v1+s2+$0x0], $0xffff  }
0x543: {  	v1 =	vld [tilespmem:$0x1F8D0]  }
0x544: {  	v5 =	vadd.f32 v42, v5;
	v42 =	vld.idx.msk [tilespmem:v6+s2+$0x0], $0xffff  }
0x545: {  	v6 =	vld [tilespmem:$0x1F8F0]  }
0x546: {  	v3 =	vld [tilespmem:s19+$0x14800]  }
0x547: {  	v4 =	vadd.f32 v46, v4;
	v46 =	vld.idx.msk [tilespmem:v7+s2+$0x0], $0xffff  }
0x548: {  	v0 =	vadd.f32 v1, v0;
	v1 =	vld [tilespmem:$0x1F8E0]  }
0x549: {  	v7 =	vld [tilespmem:$0x1F920]  }
0x54a: {  	v0 =	vadd.f32 v6, v0;
	v6 =	vld [tilespmem:$0x1F900]  }
0x54b: {  	v59 =	vld.idx.msk [tilespmem:v59+s2+$0x0], $0xffff  }
0x54c: {  	v53 =	vld.idx.msk [tilespmem:v53+s2+$0x0], $0xffff  }
0x54d: {  	v8 =	vld [tilespmem:s19+$0x14900];
	v1 =	vadd.f32 v1, v2  }
0x54e: {  	v0 =	vadd.f32 v7, v0;
	v7 =	vld [tilespmem:$0x1F930]  }
0x54f: {  	v1 =	vadd.f32 v6, v1;
	v6 =	vld [tilespmem:$0x1F910]  }
0x550: {  	v5 =	vadd.f32 v43, v5;
	v43 =	vld.idx.msk [tilespmem:v3+s2+$0x0], $0xffff  }
0x551: {  	v3 =	vld [tilespmem:$0x1F940]  }
0x552: {  	v2 =	vld [tilespmem:s19+$0x14A00]  }
0x553: {  	v61 =	vld [tilespmem:s19+$0x15100]  }
0x554: {  	v1 =	vadd.f32 v7, v1;
	v7 =	vld [tilespmem:$0x1F970];
	v4 =	vadd.f32 v6, v4  }
0x555: {  	v6 =	vld [tilespmem:s19+$0x14B00]  }
0x556: {  	v3 =	vadd.f32 v3, v4;
	v4 =	vadd.f32 v40, v5;
	v40 =	vld.idx.msk [tilespmem:v8+s2+$0x0], $0xffff  }
0x557: {  	v5 =	vld [tilespmem:$0x1F950]  }
0x558: {  	v8 =	vld [tilespmem:$0x1F980]  }
0x559: {  	v3 =	vadd.f32 v7, v3;
	v4 =	vadd.f32 v39, v4;
	v7 =	vld [tilespmem:s19+$0x14D00]  }
0x55a: {  	v39 =	vld.idx.msk [tilespmem:v2+s2+$0x0], $0xffff  }
0x55b: {  	v2 =	vadd.f32 v63, v3;
	v3 =	vadd.f32 v33, v4;
	v4 =	vld [tilespmem:s19+$0x14E00]  }
0x55c: {  	v63 =	vld [tilespmem:$0x1F9E0]  }
0x55d: {  	v0 =	vadd.f32 v5, v0;
	v5 =	vld [tilespmem:$0x1F960]  }
0x55e: {  	v33 =	vld.idx.msk [tilespmem:v6+s2+$0x0], $0xffff  }
0x55f: {  	v6 =	vld [tilespmem:$0x1F9C0]  }
0x560: {  	v2 =	vadd.f32 v62, v2;
	v62 =	vld [tilespmem:$0x1F9F0]  }
0x561: {  	v3 =	vadd.f32 v54, v3;
	v54 =	vld [tilespmem:s19+$0x15900]  }
0x562: {  	v0 =	vadd.f32 v8, v0;
	v8 =	vld [tilespmem:$0x1F990]  }
0x563: {  	v3 =	vadd.f32 v34, v3;
	v2 =	vadd.f32 v63, v2;
	v63 =	vld [tilespmem:$0x1FA00]  }
0x564: {  	v1 =	vadd.f32 v5, v1;
	v5 =	vld [tilespmem:s19+$0x14C00]  }
0x565: {  	v3 =	vadd.f32 v30, v3;
	v30 =	vld.idx.msk [tilespmem:v7+s2+$0x0], $0xffff  }
0x566: {  	v7 =	vld [tilespmem:$0x1FA50]  }
0x567: {  	v2 =	vadd.f32 v52, v2;
	v52 =	vld [tilespmem:$0x1FB80]  }
0x568: {  	v1 =	vadd.f32 v8, v1;
	v8 =	vld [tilespmem:$0x1F9A0];
	v3 =	vadd.f32 v24, v3  }
0x569: {  	v24 =	vld.idx.msk [tilespmem:v4+s2+$0x0], $0xffff;
	v2 =	vadd.f32 v31, v2  }
0x56a: {  	v4 =	vld [tilespmem:$0x1FA30];
	v3 =	vadd.f32 v27, v3  }
0x56b: {  	v2 =	vadd.f32 v49, v2;
	v49 =	vld [tilespmem:$0x1FB60]  }
0x56c: {  	v3 =	vadd.f32 v25, v3;
	v25 =	vld.idx.msk [tilespmem:v61+s2+$0x0], $0xffff  }
0x56d: {  	v61 =	vld [tilespmem:$0x1FAF0]  }
0x56e: {  	v0 =	vadd.f32 v8, v0;
	v8 =	vld [tilespmem:$0x1F9B0]  }
0x56f: {  	v2 =	vadd.f32 v51, v2;
	v51 =	vld [tilespmem:$0x1FB70]  }
0x570: {  	v34 =	vld.idx.msk [tilespmem:v5+s2+$0x0], $0xffff  }
0x571: {  	v5 =	vld [tilespmem:$0x1FA10]  }
0x572: {  	v0 =	vadd.f32 v6, v0;
	v6 =	vld [tilespmem:$0x1F9D0]  }
0x573: {  	v3 =	vadd.f32 v21, v3;
	v2 =	vadd.f32 v47, v2;
	v47 =	vld [tilespmem:$0x1FB50]  }
0x574: {  	v0 =	vadd.f32 v62, v0;
	v62 =	vld [tilespmem:$0x1FB00]  }
0x575: {  	v3 =	vadd.f32 v18, v3;
	v2 =	vadd.f32 v41, v2;
	v41 =	vld [tilespmem:$0x1FB40]  }
0x576: {  	v1 =	vadd.f32 v8, v1;
	v8 =	vld [tilespmem:s19+$0x14F00]  }
0x577: {  	v3 =	vadd.f32 v37, v3;
	v37 =	vld [tilespmem:s19+$0x15A00]  }
0x578: {  	v0 =	vadd.f32 v5, v0;
	v5 =	vld [tilespmem:$0x1FA20]  }
0x579: {  	v2 =	vadd.f32 v38, v2;
	v38 =	vld [tilespmem:$0x1FB30]  }
0x57a: {  	v1 =	vadd.f32 v6, v1;
	v6 =	vld [tilespmem:s19+$0x15000]  }
0x57b: {  	v3 =	vadd.f32 v35, v3;
	v35 =	vld [tilespmem:s19+$0x16300]  }
0x57c: {  	v0 =	vadd.f32 v4, v0;
	v4 =	vld [tilespmem:$0x1FA40]  }
0x57d: {  	v2 =	vadd.f32 v44, v2;
	v44 =	vld [tilespmem:s19+$0x15B00]  }
0x57e: {  	v1 =	vadd.f32 v63, v1;
	v63 =	vld [tilespmem:$0x1FB10]  }
0x57f: {  	v3 =	vadd.f32 v29, v3;
	v29 =	vld [tilespmem:$0x1FC30]  }
0x580: {  	v0 =	vadd.f32 v7, v0;
	v7 =	vld [tilespmem:$0x1FA60]  }
0x581: {  	v2 =	vadd.f32 v36, v2;
	v36 =	vld [tilespmem:$0x1FB20]  }
0x582: {  	v1 =	vadd.f32 v5, v1;
	v5 =	vld [tilespmem:s19+$0x15200]  }
0x583: {  	v2 =	vadd.f32 v32, v2;
	v32 =	vld [tilespmem:$0x1FC40]  }
0x584: {  	v31 =	vld.idx.msk [tilespmem:v8+s2+$0x0], $0xffff  }
0x585: {  	v1 =	vadd.f32 v4, v1;
	v4 =	vld [tilespmem:s19+$0x15300]  }
0x586: {  	v8 =	vld [tilespmem:$0x1FA90]  }
0x587: {  	v3 =	vadd.f32 v19, v3;
	v2 =	vadd.f32 v26, v2;
	v26 =	vld [tilespmem:$0x1FBF0]  }
0x588: {  	v27 =	vld.idx.msk [tilespmem:v6+s2+$0x0], $0xffff  }
0x589: {  	v3 =	vadd.f32 v23, v3;
	v6 =	vld [tilespmem:$0x1FA70]  }
0x58a: {  	v1 =	vadd.f32 v7, v1;
	v7 =	vld [tilespmem:s19+$0x15500]  }
0x58b: {  	v3 =	vadd.f32 v20, v3;
	v20 =	vld.idx.msk [tilespmem:v54+s2+$0x0], $0xffff  }
0x58c: {  	v54 =	vld [tilespmem:s19+$0x15C00]  }
0x58d: {  	v2 =	vadd.f32 v28, v2;
	v28 =	vld [tilespmem:$0x1FC00]  }
0x58e: {  	v3 =	vadd.f32 v16, v3;
	v16 =	vld.idx.msk [tilespmem:v35+s2+$0x0], $0xffff  }
0x58f: {  	v35 =	vld [tilespmem:$0x1FD30]  }
0x590: {  	v2 =	vadd.f32 v22, v2;
	v22 =	vld.idx.msk [tilespmem:v37+s2+$0x0], $0xffff  }
0x591: {  	v37 =	vld [tilespmem:$0x1FC60]  }
0x592: {  	v21 =	vld.idx.msk [tilespmem:v5+s2+$0x0], $0xffff  }
0x593: {  	v5 =	vld [tilespmem:s19+$0x15600]  }
0x594: {  	v3 =	vadd.f32 v11, v3;
	v11 =	vld [tilespmem:s19+$0x15E00]  }
0x595: {  	v0 =	vadd.f32 v6, v0;
	v6 =	vld [tilespmem:$0x1FA80]  }
0x596: {  	v2 =	vadd.f32 v15, v2;
	v15 =	vld [tilespmem:$0x1FBB0]  }
0x597: {  	v18 =	vld.idx.msk [tilespmem:v4+s2+$0x0], $0xffff  }
0x598: {  	v4 =	vld [tilespmem:$0x1FAD0]  }
0x599: {  	v3 =	vadd.f32 v14, v3;
	v14 =	vld [tilespmem:$0x1FBD0]  }
0x59a: {  	v0 =	vadd.f32 v8, v0;
	v8 =	vld [tilespmem:$0x1FAA0]  }
0x59b: {  	v2 =	vadd.f32 v13, v2;
	v13 =	vld.idx.msk [tilespmem:v44+s2+$0x0], $0xffff  }
0x59c: {  	v44 =	vld [tilespmem:s19+$0x16400]  }
0x59d: {  	v7 =	vld.idx.msk [tilespmem:v7+s2+$0x0], $0xffff  }
0x59e: {  	v3 =	vadd.f32 v10, v3;
	v10 =	vld [tilespmem:s19+$0x16100]  }
0x59f: {  	v2 =	vadd.f32 v17, v2;
	v17 =	vld.idx.msk [tilespmem:v54+s2+$0x0], $0xffff  }
0x5a0: {  	v54 =	vld [tilespmem:s19+$0x16700]  }
0x5a1: {  	v1 =	vadd.f32 v6, v1;
	v6 =	vld [tilespmem:s19+$0x15400]  }
0x5a2: {  	v2 =	vadd.f32 v12, v2;
	v12 =	vld [tilespmem:$0x1FC10]  }
0x5a3: {  	v1 =	vadd.f32 v8, v1;
	v8 =	vld [tilespmem:$0x1FAB0]  }
0x5a4: {  	v3 =	vadd.f32 v9, v3;
	v5 =	vld.idx.msk [tilespmem:v5+s2+$0x0], $0xffff  }
0x5a5: {  	v11 =	vld.idx.msk [tilespmem:v11+s2+$0x0], $0xffff  }
0x5a6: {  	v3 =	vadd.f32 v56, v3;
	v56 =	vld [tilespmem:$0x1FCE0]  }
0x5a7: {  	v2 =	vadd.f32 v55, v2;
	v55 =	vld [tilespmem:$0x1FCD0]  }
0x5a8: {  	v3 =	vadd.f32 v58, v3;
	v58 =	vld [tilespmem:s19+$0x16900]  }
0x5a9: {  	v2 =	vadd.f32 v57, v2;
	v57 =	vld [tilespmem:s19+$0x16800]  }
0x5aa: {  	v19 =	vld.idx.msk [tilespmem:v44+s2+$0x0], $0xffff  }
0x5ab: {  	v44 =	vld [tilespmem:s19+$0x16D00]  }
0x5ac: {  	v10 =	vld.idx.msk [tilespmem:v10+s2+$0x0], $0xffff  }
0x5ad: {  	v3 =	vadd.f32 v60, v3;
	v60 =	vld [tilespmem:$0x1FD00]  }
0x5ae: {  	v0 =	vadd.f32 v8, v0;
	v8 =	vld [tilespmem:$0x1FAC0]  }
0x5af: {  	v2 =	vadd.f32 v59, v2;
	v59 =	vld [tilespmem:$0x1FCF0]  }
0x5b0: {  	v6 =	vld.idx.msk [tilespmem:v6+s2+$0x0], $0xffff  }
0x5b1: {  	v3 =	vadd.f32 v50, v3;
	v50 =	vld [tilespmem:$0x1FCA0]  }
0x5b2: {  	v0 =	vadd.f32 v4, v0;
	v4 =	vld [tilespmem:$0x1FAE0]  }
0x5b3: {  	v2 =	vadd.f32 v53, v2;
	v53 =	vld [tilespmem:$0x1FCC0]  }
0x5b4: {  	v3 =	vadd.f32 v45, v3;
	v45 =	vld [tilespmem:$0x1FD90]  }
0x5b5: {  	v0 =	vadd.f32 v61, v0;
	v61 =	vld [tilespmem:s19+$0x15D00]  }
0x5b6: {  	v2 =	vadd.f32 v48, v2;
	v48 =	vld [tilespmem:$0x1FDF0]  }
0x5b7: {  	v1 =	vadd.f32 v8, v1;
	v8 =	vld [tilespmem:s19+$0x15700]  }
0x5b8: {  	v3 =	vadd.f32 v46, v3;
	v46 =	vld [tilespmem:$0x1FDA0]  }
0x5b9: {  	v0 =	vadd.f32 v63, v0;
	v63 =	vld [tilespmem:$0x1FBA0]  }
0x5ba: {  	v2 =	vadd.f32 v42, v2;
	v42 =	vld [tilespmem:$0x1FD80]  }
0x5bb: {  	v1 =	vadd.f32 v4, v1;
	v4 =	vld [tilespmem:s19+$0x15800]  }
0x5bc: {  	v3 =	vadd.f32 v40, v3;
	v40 =	vld.idx.msk [tilespmem:v58+s2+$0x0], $0xffff  }
0x5bd: {  	v58 =	vld [tilespmem:s19+$0x17800]  }
0x5be: {  	v0 =	vadd.f32 v38, v0;
	v38 =	vld [tilespmem:$0x1FC70]  }
0x5bf: {  	v2 =	vadd.f32 v43, v2;
	v43 =	vld [tilespmem:s19+$0x16C00]  }
0x5c0: {  	v1 =	vadd.f32 v62, v1;
	v62 =	vld [tilespmem:$0x1FB90]  }
0x5c1: {  	v0 =	vadd.f32 v47, v0;
	v47 =	vld [tilespmem:s19+$0x16500]  }
0x5c2: {  	v2 =	vadd.f32 v39, v2;
	v39 =	vld [tilespmem:$0x1FD60]  }
0x5c3: {  	v1 =	vadd.f32 v36, v1;
	v36 =	vld [tilespmem:$0x1FC50]  }
0x5c4: {  	v9 =	vld.idx.msk [tilespmem:v61+s2+$0x0], $0xffff  }
0x5c5: {  	v0 =	vadd.f32 v51, v0;
	v51 =	vld [tilespmem:s19+$0x16600]  }
0x5c6: {  	v61 =	vld [tilespmem:$0x1FD10]  }
0x5c7: {  	v3 =	vadd.f32 v33, v3;
	v8 =	vld.idx.msk [tilespmem:v8+s2+$0x0], $0xffff  }
0x5c8: {  	v1 =	vadd.f32 v41, v1;
	v41 =	vld [tilespmem:$0x1FC80]  }
0x5c9: {  	v3 =	vadd.f32 v30, v3;
	v0 =	vadd.f32 v62, v0;
	v62 =	vld [tilespmem:$0x1FD20]  }
0x5ca: {  	v2 =	vadd.f32 v34, v2;
	v4 =	vld.idx.msk [tilespmem:v4+s2+$0x0], $0xffff  }
0x5cb: {  	v3 =	vadd.f32 v31, v3;
	v1 =	vadd.f32 v49, v1;
	v49 =	vld [tilespmem:$0x1FC90]  }
0x5cc: {  	v2 =	vadd.f32 v24, v2;
	v0 =	vadd.f32 v15, v0;
	v15 =	vld [tilespmem:$0x1FBC0]  }
0x5cd: {  	v3 =	vadd.f32 v25, v3;
	v1 =	vadd.f32 v52, v1;
	v52 =	vld [tilespmem:$0x1FCB0]  }
0x5ce: {  	v0 =	vadd.f32 v14, v0;
	v14 =	vld [tilespmem:$0x1FBE0]  }
0x5cf: {  	v2 =	vadd.f32 v27, v2;
	v3 =	vadd.f32 v18, v3;
	v23 =	vld.idx.msk [tilespmem:v47+s2+$0x0], $0xffff  }
0x5d0: {  	v1 =	vadd.f32 v63, v1;
	v63 =	vld [tilespmem:s19+$0x16A00]  }
0x5d1: {  	v2 =	vadd.f32 v21, v2;
	v3 =	vadd.f32 v7, v3;
	v7 =	vld [tilespmem:$0x1FDB0]  }
0x5d2: {  	v0 =	vadd.f32 v26, v0;
	v26 =	vld.idx.msk [tilespmem:v51+s2+$0x0], $0xffff  }
0x5d3: {  	v2 =	vadd.f32 v6, v2;
	v6 =	vld [tilespmem:s19+$0x16E00]  }
0x5d4: {  	v51 =	vld [tilespmem:$0x1FE10];
	v1 =	vadd.f32 v15, v1  }
0x5d5: {  	v0 =	vadd.f32 v12, v0;
	v12 =	vld [tilespmem:$0x1FC20]  }
0x5d6: {  	v15 =	vld [tilespmem:s19+$0x15F00];
	v1 =	vadd.f32 v14, v1  }
0x5d7: {  	v3 =	vadd.f32 v8, v3;
	v8 =	vld [tilespmem:$0x1FDD0];
	v0 =	vadd.f32 v29, v0  }
0x5d8: {  	v2 =	vadd.f32 v5, v2;
	v14 =	vld [tilespmem:s19+$0x16000];
	v1 =	vadd.f32 v28, v1  }
0x5d9: {  	v29 =	vld.idx.msk [tilespmem:v57+s2+$0x0], $0xffff;
	v0 =	vadd.f32 v36, v0  }
0x5da: {  	v2 =	vadd.f32 v4, v2;
	v4 =	vld [tilespmem:s19+$0x17100];
	v1 =	vadd.f32 v12, v1  }
0x5db: {  	v3 =	vadd.f32 v20, v3;
	v57 =	vld [tilespmem:$0x1FEE0];
	v0 =	vadd.f32 v38, v0  }
0x5dc: {  	v28 =	vld.idx.msk [tilespmem:v54+s2+$0x0], $0xffff;
	v1 =	vadd.f32 v32, v1  }
0x5dd: {  	v3 =	vadd.f32 v13, v3;
	v13 =	vld.idx.msk [tilespmem:v44+s2+$0x0], $0xffff;
	v0 =	vadd.f32 v49, v0  }
0x5de: {  	v54 =	vld [tilespmem:$0x1FE30];
	v1 =	vadd.f32 v37, v1  }
0x5df: {  	v36 =	vld [tilespmem:$0x1FD40];
	v0 =	vadd.f32 v52, v0  }
0x5e0: {  	v12 =	vld [tilespmem:s19+$0x16200];
	v1 =	vadd.f32 v41, v1  }
0x5e1: {  	v47 =	vld.idx.msk [tilespmem:v63+s2+$0x0], $0xffff;
	v0 =	vadd.f32 v55, v0  }
0x5e2: {  	v3 =	vadd.f32 v9, v3;
	v9 =	vld [tilespmem:s19+$0x17300];
	v1 =	vadd.f32 v50, v1  }
0x5e3: {  	v63 =	vld [tilespmem:$0x1FF40];
	v0 =	vadd.f32 v59, v0  }
0x5e4: {  	v38 =	vld [tilespmem:$0x1FD50];
	v1 =	vadd.f32 v53, v1  }
0x5e5: {  	v2 =	vadd.f32 v22, v2;
	v6 =	vld.idx.msk [tilespmem:v6+s2+$0x0], $0xffff;
	v0 =	vadd.f32 v61, v0  }
0x5e6: {  	v41 =	vld [tilespmem:$0x1FD70];
	v1 =	vadd.f32 v56, v1  }
0x5e7: {  	v2 =	vadd.f32 v17, v2;
	v15 =	vld.idx.msk [tilespmem:v15+s2+$0x0], $0xffff;
	v0 =	vadd.f32 v35, v0  }
0x5e8: {  	v49 =	vld [tilespmem:$0x1FE00];
	v1 =	vadd.f32 v60, v1  }
0x5e9: {  	v2 =	vadd.f32 v11, v2;
	v11 =	vld [tilespmem:$0x1FE50];
	v0 =	vadd.f32 v38, v0  }
0x5ea: {  	v14 =	vld.idx.msk [tilespmem:v14+s2+$0x0], $0xffff;
	v1 =	vadd.f32 v62, v1  }
0x5eb: {  	v37 =	vld [tilespmem:s19+$0x16B00];
	v0 =	vadd.f32 v41, v0  }
0x5ec: {  	v52 =	vld [tilespmem:$0x1FE20];
	v1 =	vadd.f32 v36, v1  }
0x5ed: {  	v4 =	vld.idx.msk [tilespmem:v4+s2+$0x0], $0xffff;
	v0 =	vadd.f32 v45, v0  }
0x5ee: {  	v55 =	vld [tilespmem:$0x1FE40];
	v1 =	vadd.f32 v39, v1  }
0x5ef: {  	v0 =	vadd.f32 v7, v0;
	v7 =	vld [tilespmem:$0x1FDC0]  }
0x5f0: {  	v3 =	vadd.f32 v15, v3;
	v15 =	vld [tilespmem:$0x1FEB0];
	v1 =	vadd.f32 v42, v1  }
0x5f1: {  	v0 =	vadd.f32 v8, v0;
	v8 =	vld [tilespmem:$0x1FDE0]  }
0x5f2: {  	v12 =	vld.idx.msk [tilespmem:v12+s2+$0x0], $0xffff;
	v3 =	vadd.f32 v10, v3;
	v1 =	vadd.f32 v46, v1  }
0x5f3: {  	v2 =	vadd.f32 v14, v2;
	v10 =	vld [tilespmem:s19+$0x17500];
	v0 =	vadd.f32 v48, v0  }
0x5f4: {  	v14 =	vld [tilespmem:$0x1FE70];
	v3 =	vadd.f32 v16, v3;
	v1 =	vadd.f32 v7, v1  }
0x5f5: {  	v5 =	vld.idx.msk [tilespmem:v37+s2+$0x0], $0xffff;
	v0 =	vadd.f32 v51, v0  }
0x5f6: {  	v3 =	vadd.f32 v23, v3;
	v7 =	vld [tilespmem:s19+$0x16F00];
	v1 =	vadd.f32 v8, v1  }
0x5f7: {  	v56 =	vld [tilespmem:$0x1FED0];
	v2 =	vadd.f32 v12, v2;
	v0 =	vadd.f32 v54, v0  }
0x5f8: {  	v12 =	vld [tilespmem:$0x1FE90];
	v3 =	vadd.f32 v28, v3;
	v1 =	vadd.f32 v49, v1  }
0x5f9: {  	v0 =	vadd.f32 v11, v0;
	v11 =	vld [tilespmem:$0x1FE60]  }
0x5fa: {  	v60 =	vld [tilespmem:$0x1FEF0];
	v3 =	vadd.f32 v40, v3;
	v1 =	vadd.f32 v52, v1  }
0x5fb: {  	v0 =	vadd.f32 v14, v0;
	v14 =	vld [tilespmem:$0x1FE80]  }
0x5fc: {  	v3 =	vadd.f32 v5, v3;
	v5 =	vld.idx.msk [tilespmem:v10+s2+$0x0], $0xffff;
	v1 =	vadd.f32 v55, v1  }
0x5fd: {  	v0 =	vadd.f32 v12, v0;
	v12 =	vld [tilespmem:$0x1FEA0]  }
0x5fe: {  	v7 =	vld.idx.msk [tilespmem:v7+s2+$0x0], $0xffff;
	v1 =	vadd.f32 v11, v1  }
0x5ff: {  	v0 =	vadd.f32 v15, v0;
	v15 =	vld [tilespmem:$0x1FEC0]  }
0x600: {  	v10 =	vld [tilespmem:$0x1FF10];
	v1 =	vadd.f32 v14, v1  }
0x601: {  	v61 =	vld [tilespmem:$0x1FF00];
	v0 =	vadd.f32 v56, v0  }
0x602: {  	v62 =	vld [tilespmem:$0x1FF30];
	v3 =	vadd.f32 v13, v3;
	v1 =	vadd.f32 v12, v1  }
0x603: {  	v8 =	vld [tilespmem:s19+$0x17000];
	v0 =	vadd.f32 v60, v0  }
0x604: {  	v3 =	vadd.f32 v7, v3;
	v7 =	vld [tilespmem:$0x1FF50];
	v1 =	vadd.f32 v15, v1  }
0x605: {  	v0 =	vadd.f32 v10, v0;
	v10 =	vld [tilespmem:$0x1FF20]  }
0x606: {  	v3 =	vadd.f32 v4, v3;
	v4 =	vld [tilespmem:$0x1FF70];
	v1 =	vadd.f32 v57, v1  }
0x607: {  	v53 =	vld [tilespmem:s19+$0x17200];
	v2 =	vadd.f32 v19, v2;
	v0 =	vadd.f32 v62, v0  }
0x608: {  	v50 =	vld.idx.msk [tilespmem:v43+s2+$0x0], $0xffff;
	v1 =	vadd.f32 v61, v1  }
0x609: {  	v2 =	vadd.f32 v26, v2;
	v0 =	vadd.f32 v7, v0;
	v7 =	vld [tilespmem:$0x1FF60]  }
0x60a: {  	v11 =	vld [tilespmem:s19+$0x17400];
	v1 =	vadd.f32 v10, v1  }
0x60b: {  	v2 =	vadd.f32 v29, v2;
	v0 =	vadd.f32 v4, v0;
	v4 =	vld [tilespmem:$0x1FF80]  }
0x60c: {  	v14 =	vld [tilespmem:s19+$0x17700];
	v1 =	vadd.f32 v63, v1  }
0x60d: {  	v9 =	vld.idx.msk [tilespmem:v9+s2+$0x0], $0xffff;
	v2 =	vadd.f32 v47, v2  }
0x60e: {  	v8 =	vld.idx.msk [tilespmem:v8+s2+$0x0], $0xffff;
	v1 =	vadd.f32 v7, v1  }
0x60f: {  	v2 =	vadd.f32 v50, v2;
	v15 =	vld.idx.msk [tilespmem:v53+s2+$0x0], $0xffff  }
0x610: {  	v1 =	vadd.f32 v4, v1;
	v4 =	vld [tilespmem:$0x1FF90]  }
0x611: {  	v2 =	vadd.f32 v6, v2;
	v12 =	vld [tilespmem:s19+$0x17600]  }
0x612: {  	v11 =	vld.idx.msk [tilespmem:v11+s2+$0x0], $0xffff  }
0x613: {  	v59 =	vld [tilespmem:s19+$0x17900];
	v2 =	vadd.f32 v8, v2  }
0x614: {  	v6 =	vld.idx.msk [tilespmem:v14+s2+$0x0], $0xffff  }
0x615: {  	v2 =	vadd.f32 v15, v2;
	v4 =	vadd.f32 v4, v0;
	v0 =	vld [tilespmem:$0x1FFA0]  }
0x616: {  	v15 =	vld [tilespmem:$0x1FFC0]  }
0x617: {  	v3 =	vadd.f32 v9, v3;
	v2 =	vadd.f32 v11, v2;
	v11 =	vld [tilespmem:$0x1FFB0]  }
0x618: {  	v10 =	vld [tilespmem:s19+$0x17A00]  }
0x619: {  	v13 =	vld [tilespmem:s19+$0x17B00];
	v5 =	vadd.f32 v5, v3  }
0x61a: {  	v12 =	vld.idx.msk [tilespmem:v12+s2+$0x0], $0xffff;
	v1 =	vadd.f32 v0, v1  }
0x61b: {  	v5 =	vadd.f32 v6, v5;
	v6 =	vld [tilespmem:$0x1FFE0]  }
0x61c: {  	v11 =	vadd.f32 v11, v15;
	v15 =	vadd.f32 v1, v4;
	v4 =	vld [tilespmem:$0x1FFD0]  }
0x61d: {  	v8 =	vld [tilespmem:s19+$0x17D00]  }
0x61e: {  	v7 =	vld [tilespmem:s19+$0x17C00]  }
0x61f: {  	v9 =	vld.idx.msk [tilespmem:v59+s2+$0x0], $0xffff  }
0x620: {  	v1 =	vld.idx.msk [tilespmem:v10+s2+$0x0], $0xffff  }
0x621: {  	v10 =	vadd.f32 v12, v2;
	v12 =	vadd.f32 v4, v6;
	v4 =	vld [tilespmem:$0x1FFF0]  }
0x622: {  	v14 =	vld.idx.msk [tilespmem:v58+s2+$0x0], $0xffff  }
0x623: {  	v3 =	vld [tilespmem:s19+$0x17F00]  }
0x624: {  	v0 =	vld [tilespmem:s19+$0x17E00]  }
0x625: {  	v2 =	vld.idx.msk [tilespmem:v13+s2+$0x0], $0xffff  }
0x626: {  	v11 =	vadd.f32 v4, v11;
	v4 =	vld.idx.msk [tilespmem:v7+s2+$0x0], $0xffff  }
0x627: {  	s20 =	simm.s32 $0x100;
	s19 =	simm.s32 $0x2;
	[tilespmem:s17+$0x18010] =	vst v15;
	v6 =	vadd.f32 v14, v10;
	v7 =	vadd.f32 v9, v5;
	v5 =	vld.idx.msk [tilespmem:v8+s2+$0x0], $0xffff  }
.LBB2_2:
0x628: {  	v8 =	vld [tilespmem:$0x1F0E0];
	_ =	sdelay $0x5  }
0x629: {  	s22 =	sshra.s32 s20, $0x2  }
0x62a: {  	s18 =	sadd.s32 $0x20, s18;
	v9 =	vmov v3;
	v3 =	vld [tilespmem:s22+$0x10000]  }
0x62b: {  	s21 =	sand.u32 $0xE0, s18;
	v8 =	vld.idx.msk [tilespmem:v8+s2+$0x0], $0xffff  }
0x62c: {  	[tilespmem:$0x1F0E0] =	vst v9;
	v9 =	vld [tilespmem:s21+$0x10100]  }
0x62d: {  	v1 =	vadd.f32 v1, v6;
	v6 =	vld [tilespmem:s21+$0x10200]  }
0x62e: {  	v10 =	vld [tilespmem:s21+$0x10600];
	v2 =	vadd.f32 v2, v7  }
0x62f: {  	v1 =	vadd.f32 v4, v1;
	v4 =	vld [tilespmem:s21+$0x10400]  }
0x630: {  	v7 =	vld [tilespmem:s21+$0x10300];
	v2 =	vadd.f32 v5, v2;
	v8 =	vadd.f32 v8, v12  }
0x631: {  	v0 =	vld.idx.msk [tilespmem:v0+s2+$0x0], $0xffff  }
0x632: {  	v5 =	vld [tilespmem:s21+$0x10500];
	v12 =	vmov v2;
	v2 =	vadd.f32 v8, v11  }
0x633: {  	v3 =	vld.idx.msk [tilespmem:v3+s2+$0x0], $0xffff  }
0x634: {  	v8 =	vld.idx.msk [tilespmem:v9+s2+$0x0], $0xffff;
	[tilespmem:s16+$0x18000] =	vst v2  }
0x635: {  	v2 =	vld.idx.msk [tilespmem:v6+s2+$0x0], $0xffff  }
0x636: {  	v0 =	vadd.f32 v0, v1  }
0x637: {  	v4 =	vld.idx.msk [tilespmem:v4+s2+$0x0], $0xffff  }
0x638: {  	[tilespmem:$0x1EBF0] =	vst v0;
	v0 =	vadd.f32 $0.0e+00, v3  }
0x639: {  	v1 =	vld.idx.msk [tilespmem:v10+s2+$0x0], $0xffff  }
0x63a: {  	v0 =	vadd.f32 v2, v0;
	_ =	sdelay $0x1  }
0x63b: {  	v0 =	vadd.f32 v4, v0;
	_ =	sdelay $0x1  }
0x63c: {  	v0 =	vadd.f32 v1, v0  }
0x63d: {  	s16 =	smov.u32 s17;
	s17 =	smov.u32 s22  }
0x63e: {  	[tilespmem:$0x1EBE0] =	vst v0;
	v0 =	vld [tilespmem:s17+$0x17A10];
	_ =	sdelay $0x4  }
0x63f: {  	[tilespmem:$0x1EB60] =	vst v0;
	v0 =	vld [tilespmem:s17+$0x17B10];
	_ =	sdelay $0x4  }
0x640: {  	[tilespmem:$0x1EB70] =	vst v0;
	v0 =	vld [tilespmem:s17+$0x17810];
	_ =	sdelay $0x4  }
0x641: {  	[tilespmem:$0x1EB40] =	vst v0;
	v0 =	vld [tilespmem:s17+$0x17910];
	_ =	sdelay $0x4  }
0x642: {  	[tilespmem:$0x1EB50] =	vst v0;
	v0 =	vld [tilespmem:s17+$0x17610];
	_ =	sdelay $0x4  }
0x643: {  	[tilespmem:$0x1EB20] =	vst v0;
	v0 =	vld [tilespmem:s17+$0x17710];
	_ =	sdelay $0x4  }
0x644: {  	[tilespmem:$0x1EB30] =	vst v0;
	v0 =	vld [tilespmem:s17+$0x17410];
	_ =	sdelay $0x4  }
0x645: {  	[tilespmem:$0x1EB00] =	vst v0;
	v0 =	vld [tilespmem:s17+$0x17510];
	_ =	sdelay $0x4  }
0x646: {  	[tilespmem:$0x1EB10] =	vst v0;
	v0 =	vld [tilespmem:s17+$0x17210];
	_ =	sdelay $0x4  }
0x647: {  	[tilespmem:$0x1EAE0] =	vst v0;
	v0 =	vld [tilespmem:s17+$0x17310];
	_ =	sdelay $0x4  }
0x648: {  	[tilespmem:$0x1EAF0] =	vst v0;
	v0 =	vld [tilespmem:s17+$0x17010];
	_ =	sdelay $0x4  }
0x649: {  	[tilespmem:$0x1EAC0] =	vst v0;
	v0 =	vld [tilespmem:s17+$0x17110];
	_ =	sdelay $0x4  }
0x64a: {  	[tilespmem:$0x1EAD0] =	vst v0;
	v0 =	vld [tilespmem:s17+$0x16E10];
	_ =	sdelay $0x4  }
0x64b: {  	[tilespmem:$0x1EAA0] =	vst v0;
	v0 =	vld [tilespmem:s17+$0x16F10];
	_ =	sdelay $0x4  }
0x64c: {  	[tilespmem:$0x1EAB0] =	vst v0;
	v0 =	vld [tilespmem:s17+$0x16C10];
	_ =	sdelay $0x4  }
0x64d: {  	[tilespmem:$0x1EA80] =	vst v0;
	v0 =	vld [tilespmem:s17+$0x16D10];
	_ =	sdelay $0x4  }
0x64e: {  	[tilespmem:$0x1EA90] =	vst v0;
	v0 =	vld [tilespmem:s17+$0x16A10];
	_ =	sdelay $0x4  }
0x64f: {  	[tilespmem:$0x1EA60] =	vst v0;
	v0 =	vld [tilespmem:s17+$0x16B10];
	_ =	sdelay $0x4  }
0x650: {  	[tilespmem:$0x1EA70] =	vst v0;
	v0 =	vld [tilespmem:s17+$0x16810];
	_ =	sdelay $0x4  }
0x651: {  	[tilespmem:$0x1EA40] =	vst v0;
	v0 =	vld [tilespmem:s17+$0x16910];
	_ =	sdelay $0x4  }
0x652: {  	[tilespmem:$0x1EA50] =	vst v0;
	v0 =	vld [tilespmem:s17+$0x16610];
	_ =	sdelay $0x4  }
0x653: {  	[tilespmem:$0x1EA20] =	vst v0;
	v0 =	vld [tilespmem:s17+$0x16710];
	_ =	sdelay $0x4  }
0x654: {  	[tilespmem:$0x1EA30] =	vst v0;
	v0 =	vld [tilespmem:s17+$0x16410];
	_ =	sdelay $0x4  }
0x655: {  	[tilespmem:$0x1EA00] =	vst v0;
	v0 =	vld [tilespmem:s17+$0x16510];
	_ =	sdelay $0x4  }
0x656: {  	[tilespmem:$0x1EA10] =	vst v0;
	v0 =	vld [tilespmem:s17+$0x16210];
	_ =	sdelay $0x4  }
0x657: {  	[tilespmem:$0x1E9E0] =	vst v0;
	v0 =	vld [tilespmem:s17+$0x16310];
	_ =	sdelay $0x4  }
0x658: {  	[tilespmem:$0x1E9F0] =	vst v0;
	v0 =	vld [tilespmem:s17+$0x16010];
	_ =	sdelay $0x4  }
0x659: {  	[tilespmem:$0x1E9C0] =	vst v0;
	v0 =	vld [tilespmem:s17+$0x16110];
	_ =	sdelay $0x4  }
0x65a: {  	[tilespmem:$0x1E9D0] =	vst v0;
	v0 =	vld [tilespmem:s17+$0x15E10];
	_ =	sdelay $0x4  }
0x65b: {  	[tilespmem:$0x1E9A0] =	vst v0;
	v0 =	vld [tilespmem:s17+$0x15F10];
	_ =	sdelay $0x4  }
0x65c: {  	[tilespmem:$0x1E9B0] =	vst v0;
	v0 =	vld [tilespmem:s17+$0x15C10];
	_ =	sdelay $0x4  }
0x65d: {  	[tilespmem:$0x1E980] =	vst v0;
	v0 =	vld [tilespmem:s17+$0x15D10];
	_ =	sdelay $0x4  }
0x65e: {  	[tilespmem:$0x1E990] =	vst v0;
	v0 =	vld [tilespmem:s17+$0x15A10];
	_ =	sdelay $0x4  }
0x65f: {  	[tilespmem:$0x1E960] =	vst v0;
	v0 =	vld [tilespmem:s17+$0x15B10];
	_ =	sdelay $0x4  }
0x660: {  	[tilespmem:$0x1E970] =	vst v0;
	v0 =	vld [tilespmem:s17+$0x15810];
	_ =	sdelay $0x4  }
0x661: {  	[tilespmem:$0x1E940] =	vst v0;
	v0 =	vld [tilespmem:s17+$0x15910];
	_ =	sdelay $0x4  }
0x662: {  	[tilespmem:$0x1E950] =	vst v0;
	v0 =	vld [tilespmem:s17+$0x15610];
	_ =	sdelay $0x4  }
0x663: {  	[tilespmem:$0x1E920] =	vst v0;
	v0 =	vld [tilespmem:s17+$0x15710];
	_ =	sdelay $0x4  }
0x664: {  	[tilespmem:$0x1E930] =	vst v0;
	v0 =	vld [tilespmem:s17+$0x15410];
	_ =	sdelay $0x4  }
0x665: {  	[tilespmem:$0x1E900] =	vst v0;
	v0 =	vld [tilespmem:s17+$0x15510];
	_ =	sdelay $0x4  }
0x666: {  	[tilespmem:$0x1E910] =	vst v0;
	v0 =	vld [tilespmem:s17+$0x15210];
	_ =	sdelay $0x4  }
0x667: {  	[tilespmem:$0x1E8E0] =	vst v0;
	v0 =	vld [tilespmem:s17+$0x15310];
	_ =	sdelay $0x4  }
0x668: {  	[tilespmem:$0x1E8F0] =	vst v0;
	v0 =	vld [tilespmem:s17+$0x15010];
	_ =	sdelay $0x4  }
0x669: {  	[tilespmem:$0x1E8C0] =	vst v0;
	v0 =	vld [tilespmem:s17+$0x15110];
	_ =	sdelay $0x4  }
0x66a: {  	[tilespmem:$0x1E8D0] =	vst v0;
	v0 =	vld [tilespmem:s17+$0x14E10];
	_ =	sdelay $0x4  }
0x66b: {  	[tilespmem:$0x1E8A0] =	vst v0;
	v0 =	vld [tilespmem:s17+$0x14F10];
	_ =	sdelay $0x4  }
0x66c: {  	[tilespmem:$0x1E8B0] =	vst v0;
	v0 =	vld [tilespmem:s17+$0x14C10];
	_ =	sdelay $0x4  }
0x66d: {  	[tilespmem:$0x1E880] =	vst v0;
	v0 =	vld [tilespmem:s17+$0x14D10];
	_ =	sdelay $0x4  }
0x66e: {  	[tilespmem:$0x1E890] =	vst v0;
	v0 =	vld [tilespmem:s17+$0x14A10];
	_ =	sdelay $0x4  }
0x66f: {  	[tilespmem:$0x1E860] =	vst v0;
	v0 =	vld [tilespmem:s17+$0x14B10];
	_ =	sdelay $0x4  }
0x670: {  	[tilespmem:$0x1E870] =	vst v0;
	v0 =	vld [tilespmem:s17+$0x14810];
	_ =	sdelay $0x4  }
0x671: {  	[tilespmem:$0x1E840] =	vst v0;
	v0 =	vld [tilespmem:s17+$0x14910];
	_ =	sdelay $0x4  }
0x672: {  	[tilespmem:$0x1E850] =	vst v0;
	v0 =	vld [tilespmem:s17+$0x14610];
	_ =	sdelay $0x4  }
0x673: {  	[tilespmem:$0x1E820] =	vst v0;
	v0 =	vld [tilespmem:s17+$0x14710];
	_ =	sdelay $0x4  }
0x674: {  	[tilespmem:$0x1E830] =	vst v0;
	v0 =	vld [tilespmem:s17+$0x14410];
	_ =	sdelay $0x4  }
0x675: {  	[tilespmem:$0x1E800] =	vst v0;
	v0 =	vld [tilespmem:s17+$0x14510];
	_ =	sdelay $0x4  }
0x676: {  	[tilespmem:$0x1E810] =	vst v0;
	v0 =	vld [tilespmem:s17+$0x14210];
	_ =	sdelay $0x2  }
0x677: {  	v6 =	vld.idx.msk [tilespmem:v7+s2+$0x0], $0xffff  }
0x678: {  	v2 =	vld [tilespmem:s17+$0x17E10]  }
0x679: {  	[tilespmem:$0x1E7E0] =	vst v0;
	v0 =	vld [tilespmem:s17+$0x14310]  }
0x67a: {  	v5 =	vld.idx.msk [tilespmem:v5+s2+$0x0], $0xffff  }
0x67b: {  	v3 =	vadd.f32 $0.0e+00, v8;
	_ =	sdelay $0x1  }
0x67c: {  	[tilespmem:$0x1EBA0] =	vst v2;
	v2 =	vadd.f32 v6, v3;
	v3 =	vld [tilespmem:s17+$0x17F10]  }
0x67d: {  	[tilespmem:$0x1E7F0] =	vst v0;
	v0 =	vld [tilespmem:s17+$0x14010]  }
0x67e: {  	v2 =	vadd.f32 v5, v2  }
0x67f: {  	v7 =	vld [tilespmem:s21+$0x10700]  }
0x680: {  	[tilespmem:$0x1EBD0] =	vst v2;
	v2 =	vld [tilespmem:s17+$0x17D10]  }
0x681: {  	[tilespmem:$0x1EBB0] =	vst v3;
	v3 =	vld [tilespmem:s17+$0x17C10]  }
0x682: {  	[tilespmem:$0x1E7C0] =	vst v0;
	v0 =	vld [tilespmem:s17+$0x14110]  }
0x683: {  	[tilespmem:$0x1E7B0] =	vst v12  }
0x684: {  	[tilespmem:$0x1EBC0] =	vst v7  }
0x685: {  	[tilespmem:$0x1EB90] =	vst v2  }
0x686: {  	[tilespmem:$0x1EB80] =	vst v3  }
0x687: {  	v62 =	vld [tilespmem:s17+$0x13E10];
	[tilespmem:$0x1E7D0] =	vst v0  }
0x688: {  	v63 =	vld [tilespmem:s17+$0x13F10]  }
0x689: {  	v60 =	vld [tilespmem:s17+$0x13C10]  }
0x68a: {  	v61 =	vld [tilespmem:s17+$0x13D10]  }
0x68b: {  	v58 =	vld [tilespmem:s17+$0x13A10]  }
0x68c: {  	v59 =	vld [tilespmem:s17+$0x13B10]  }
0x68d: {  	v56 =	vld [tilespmem:s17+$0x13810]  }
0x68e: {  	v57 =	vld [tilespmem:s17+$0x13910]  }
0x68f: {  	v54 =	vld [tilespmem:s17+$0x13610]  }
0x690: {  	v55 =	vld [tilespmem:s17+$0x13710]  }
0x691: {  	v52 =	vld [tilespmem:s17+$0x13410]  }
0x692: {  	v53 =	vld [tilespmem:s17+$0x13510]  }
0x693: {  	v50 =	vld [tilespmem:s17+$0x13210]  }
0x694: {  	v51 =	vld [tilespmem:s17+$0x13310]  }
0x695: {  	v48 =	vld [tilespmem:s17+$0x13010]  }
0x696: {  	v49 =	vld [tilespmem:s17+$0x13110]  }
0x697: {  	v46 =	vld [tilespmem:s17+$0x12E10]  }
0x698: {  	v47 =	vld [tilespmem:s17+$0x12F10]  }
0x699: {  	v44 =	vld [tilespmem:s17+$0x12C10]  }
0x69a: {  	v45 =	vld [tilespmem:s17+$0x12D10]  }
0x69b: {  	v42 =	vld [tilespmem:s17+$0x12A10]  }
0x69c: {  	v43 =	vld [tilespmem:s17+$0x12B10]  }
0x69d: {  	v40 =	vld [tilespmem:s17+$0x12810]  }
0x69e: {  	v41 =	vld [tilespmem:s17+$0x12910]  }
0x69f: {  	v38 =	vld [tilespmem:s17+$0x12610]  }
0x6a0: {  	v39 =	vld [tilespmem:s17+$0x12710]  }
0x6a1: {  	v36 =	vld [tilespmem:s17+$0x12410]  }
0x6a2: {  	v37 =	vld [tilespmem:s17+$0x12510]  }
0x6a3: {  	v34 =	vld [tilespmem:s17+$0x12210]  }
0x6a4: {  	v35 =	vld [tilespmem:s17+$0x12310]  }
0x6a5: {  	v32 =	vld [tilespmem:s17+$0x12010]  }
0x6a6: {  	v33 =	vld [tilespmem:s17+$0x12110]  }
0x6a7: {  	v30 =	vld [tilespmem:s17+$0x11E10]  }
0x6a8: {  	v31 =	vld [tilespmem:s17+$0x11F10]  }
0x6a9: {  	v28 =	vld [tilespmem:s17+$0x11C10]  }
0x6aa: {  	v29 =	vld [tilespmem:s17+$0x11D10]  }
0x6ab: {  	v26 =	vld [tilespmem:s17+$0x11A10]  }
0x6ac: {  	v27 =	vld [tilespmem:s17+$0x11B10]  }
0x6ad: {  	v24 =	vld [tilespmem:s17+$0x11810]  }
0x6ae: {  	v25 =	vld [tilespmem:s17+$0x11910]  }
0x6af: {  	v22 =	vld [tilespmem:s17+$0x11610]  }
0x6b0: {  	v23 =	vld [tilespmem:s17+$0x11710]  }
0x6b1: {  	v20 =	vld [tilespmem:s17+$0x11410]  }
0x6b2: {  	v21 =	vld [tilespmem:s17+$0x11510]  }
0x6b3: {  	v18 =	vld [tilespmem:s17+$0x11210]  }
0x6b4: {  	v19 =	vld [tilespmem:s17+$0x11310]  }
0x6b5: {  	v16 =	vld [tilespmem:s17+$0x11010]  }
0x6b6: {  	v17 =	vld [tilespmem:s17+$0x11110]  }
0x6b7: {  	v14 =	vld [tilespmem:s17+$0x10E10]  }
0x6b8: {  	v15 =	vld [tilespmem:s17+$0x10F10]  }
0x6b9: {  	v12 =	vld [tilespmem:s17+$0x10C10]  }
0x6ba: {  	v13 =	vld [tilespmem:s17+$0x10D10]  }
0x6bb: {  	v10 =	vld [tilespmem:s17+$0x10A10]  }
0x6bc: {  	v11 =	vld [tilespmem:s17+$0x10B10]  }
0x6bd: {  	v8 =	vld [tilespmem:s17+$0x10810]  }
0x6be: {  	v9 =	vld [tilespmem:s17+$0x10910]  }
0x6bf: {  	v1 =	vld [tilespmem:s17+$0x10110]  }
0x6c0: {  	v0 =	vld [tilespmem:s17+$0x10010]  }
0x6c1: {  	v3 =	vld [tilespmem:s17+$0x10310]  }
0x6c2: {  	v2 =	vld [tilespmem:s17+$0x10210]  }
0x6c3: {  	v5 =	vld [tilespmem:s17+$0x10510]  }
0x6c4: {  	v4 =	vld [tilespmem:s17+$0x10410]  }
0x6c5: {  	v7 =	vld [tilespmem:s17+$0x10710]  }
0x6c6: {  	v6 =	vld [tilespmem:s17+$0x10610]  }
0x6c7: {  	v1 =	vld.idx.msk [tilespmem:v1+s2+$0x0], $0xffff  }
0x6c8: {  	v0 =	vld.idx.msk [tilespmem:v0+s2+$0x0], $0xffff  }
0x6c9: {  	v3 =	vld.idx.msk [tilespmem:v3+s2+$0x0], $0xffff  }
0x6ca: {  	v2 =	vld.idx.msk [tilespmem:v2+s2+$0x0], $0xffff  }
0x6cb: {  	v5 =	vld.idx.msk [tilespmem:v5+s2+$0x0], $0xffff  }
0x6cc: {  	v4 =	vld.idx.msk [tilespmem:v4+s2+$0x0], $0xffff;
	v1 =	vadd.f32 $0.0e+00, v1  }
0x6cd: {  	v7 =	vld.idx.msk [tilespmem:v7+s2+$0x0], $0xffff;
	v0 =	vadd.f32 $0.0e+00, v0  }
0x6ce: {  	v6 =	vld.idx.msk [tilespmem:v6+s2+$0x0], $0xffff;
	v1 =	vadd.f32 v3, v1  }
0x6cf: {  	v0 =	vadd.f32 v2, v0;
	v2 =	vld.idx.msk [tilespmem:v9+s2+$0x0], $0xffff  }
0x6d0: {  	v8 =	vld.idx.msk [tilespmem:v8+s2+$0x0], $0xffff;
	v1 =	vadd.f32 v5, v1  }
0x6d1: {  	v0 =	vadd.f32 v4, v0;
	v4 =	vld.idx.msk [tilespmem:v11+s2+$0x0], $0xffff  }
0x6d2: {  	v3 =	vld.idx.msk [tilespmem:v10+s2+$0x0], $0xffff;
	v1 =	vadd.f32 v7, v1  }
0x6d3: {  	v0 =	vadd.f32 v6, v0;
	v6 =	vld.idx.msk [tilespmem:v13+s2+$0x0], $0xffff  }
0x6d4: {  	v5 =	vld.idx.msk [tilespmem:v12+s2+$0x0], $0xffff;
	v1 =	vadd.f32 v2, v1  }
0x6d5: {  	v0 =	vadd.f32 v8, v0;
	v2 =	vld.idx.msk [tilespmem:v15+s2+$0x0], $0xffff  }
0x6d6: {  	v7 =	vld.idx.msk [tilespmem:v14+s2+$0x0], $0xffff;
	v1 =	vadd.f32 v4, v1  }
0x6d7: {  	v0 =	vadd.f32 v3, v0;
	v3 =	vld.idx.msk [tilespmem:v17+s2+$0x0], $0xffff  }
0x6d8: {  	v8 =	vld.idx.msk [tilespmem:v16+s2+$0x0], $0xffff;
	v1 =	vadd.f32 v6, v1  }
0x6d9: {  	v0 =	vadd.f32 v5, v0;
	v5 =	vld.idx.msk [tilespmem:v19+s2+$0x0], $0xffff  }
0x6da: {  	v4 =	vld.idx.msk [tilespmem:v18+s2+$0x0], $0xffff;
	v1 =	vadd.f32 v2, v1  }
0x6db: {  	v0 =	vadd.f32 v7, v0;
	v2 =	vld.idx.msk [tilespmem:v21+s2+$0x0], $0xffff  }
0x6dc: {  	v6 =	vld.idx.msk [tilespmem:v20+s2+$0x0], $0xffff;
	v1 =	vadd.f32 v3, v1  }
0x6dd: {  	v0 =	vadd.f32 v8, v0;
	v3 =	vld.idx.msk [tilespmem:v23+s2+$0x0], $0xffff  }
0x6de: {  	v7 =	vld.idx.msk [tilespmem:v22+s2+$0x0], $0xffff;
	v1 =	vadd.f32 v5, v1  }
0x6df: {  	v0 =	vadd.f32 v4, v0;
	v4 =	vld.idx.msk [tilespmem:v25+s2+$0x0], $0xffff  }
0x6e0: {  	v8 =	vld.idx.msk [tilespmem:v24+s2+$0x0], $0xffff;
	v1 =	vadd.f32 v2, v1  }
0x6e1: {  	v2 =	vld.idx.msk [tilespmem:v27+s2+$0x0], $0xffff  }
0x6e2: {  	v5 =	vld.idx.msk [tilespmem:v26+s2+$0x0], $0xffff;
	v1 =	vadd.f32 v3, v1  }
0x6e3: {  	v0 =	vadd.f32 v6, v0;
	v3 =	vld.idx.msk [tilespmem:v29+s2+$0x0], $0xffff  }
0x6e4: {  	v6 =	vld.idx.msk [tilespmem:v28+s2+$0x0], $0xffff;
	v1 =	vadd.f32 v4, v1  }
0x6e5: {  	v0 =	vadd.f32 v7, v0;
	v4 =	vld.idx.msk [tilespmem:v31+s2+$0x0], $0xffff  }
0x6e6: {  	v7 =	vld.idx.msk [tilespmem:v30+s2+$0x0], $0xffff;
	v1 =	vadd.f32 v2, v1  }
0x6e7: {  	v0 =	vadd.f32 v8, v0;
	v2 =	vld.idx.msk [tilespmem:v33+s2+$0x0], $0xffff  }
0x6e8: {  	v8 =	vld.idx.msk [tilespmem:v32+s2+$0x0], $0xffff;
	v1 =	vadd.f32 v3, v1  }
0x6e9: {  	v0 =	vadd.f32 v5, v0;
	v3 =	vld.idx.msk [tilespmem:v35+s2+$0x0], $0xffff  }
0x6ea: {  	v5 =	vld.idx.msk [tilespmem:v34+s2+$0x0], $0xffff;
	v1 =	vadd.f32 v4, v1  }
0x6eb: {  	v0 =	vadd.f32 v6, v0;
	v4 =	vld.idx.msk [tilespmem:v37+s2+$0x0], $0xffff  }
0x6ec: {  	v6 =	vld.idx.msk [tilespmem:v36+s2+$0x0], $0xffff;
	v1 =	vadd.f32 v2, v1  }
0x6ed: {  	v0 =	vadd.f32 v7, v0;
	v2 =	vld.idx.msk [tilespmem:v39+s2+$0x0], $0xffff  }
0x6ee: {  	v7 =	vld.idx.msk [tilespmem:v38+s2+$0x0], $0xffff;
	v1 =	vadd.f32 v3, v1  }
0x6ef: {  	v0 =	vadd.f32 v8, v0;
	v3 =	vld.idx.msk [tilespmem:v41+s2+$0x0], $0xffff  }
0x6f0: {  	v8 =	vld.idx.msk [tilespmem:v40+s2+$0x0], $0xffff;
	v1 =	vadd.f32 v4, v1  }
0x6f1: {  	v0 =	vadd.f32 v5, v0;
	v4 =	vld.idx.msk [tilespmem:v43+s2+$0x0], $0xffff  }
0x6f2: {  	v5 =	vld.idx.msk [tilespmem:v42+s2+$0x0], $0xffff;
	v1 =	vadd.f32 v2, v1  }
0x6f3: {  	v0 =	vadd.f32 v6, v0;
	v2 =	vld.idx.msk [tilespmem:v45+s2+$0x0], $0xffff  }
0x6f4: {  	v6 =	vld.idx.msk [tilespmem:v44+s2+$0x0], $0xffff;
	v1 =	vadd.f32 v3, v1  }
0x6f5: {  	v0 =	vadd.f32 v7, v0;
	v3 =	vld.idx.msk [tilespmem:v47+s2+$0x0], $0xffff  }
0x6f6: {  	v7 =	vld.idx.msk [tilespmem:v46+s2+$0x0], $0xffff;
	v1 =	vadd.f32 v4, v1  }
0x6f7: {  	v0 =	vadd.f32 v8, v0;
	v4 =	vld.idx.msk [tilespmem:v49+s2+$0x0], $0xffff  }
0x6f8: {  	v8 =	vld.idx.msk [tilespmem:v48+s2+$0x0], $0xffff;
	v1 =	vadd.f32 v2, v1  }
0x6f9: {  	v0 =	vadd.f32 v5, v0;
	v2 =	vld.idx.msk [tilespmem:v51+s2+$0x0], $0xffff  }
0x6fa: {  	v5 =	vld.idx.msk [tilespmem:v50+s2+$0x0], $0xffff;
	v1 =	vadd.f32 v3, v1  }
0x6fb: {  	v0 =	vadd.f32 v6, v0;
	v3 =	vld.idx.msk [tilespmem:v53+s2+$0x0], $0xffff  }
0x6fc: {  	v6 =	vld.idx.msk [tilespmem:v52+s2+$0x0], $0xffff;
	v1 =	vadd.f32 v4, v1  }
0x6fd: {  	v0 =	vadd.f32 v7, v0;
	v4 =	vld.idx.msk [tilespmem:v55+s2+$0x0], $0xffff  }
0x6fe: {  	v7 =	vld.idx.msk [tilespmem:v54+s2+$0x0], $0xffff;
	v1 =	vadd.f32 v2, v1  }
0x6ff: {  	v0 =	vadd.f32 v8, v0;
	v2 =	vld.idx.msk [tilespmem:v57+s2+$0x0], $0xffff  }
0x700: {  	v8 =	vld.idx.msk [tilespmem:v56+s2+$0x0], $0xffff;
	v1 =	vadd.f32 v3, v1  }
0x701: {  	v0 =	vadd.f32 v5, v0;
	v3 =	vld.idx.msk [tilespmem:v59+s2+$0x0], $0xffff  }
0x702: {  	v5 =	vld.idx.msk [tilespmem:v58+s2+$0x0], $0xffff;
	v1 =	vadd.f32 v4, v1  }
0x703: {  	v0 =	vadd.f32 v6, v0;
	v4 =	vld.idx.msk [tilespmem:v61+s2+$0x0], $0xffff  }
0x704: {  	v6 =	vld.idx.msk [tilespmem:v60+s2+$0x0], $0xffff;
	v1 =	vadd.f32 v2, v1  }
0x705: {  	v0 =	vadd.f32 v7, v0;
	v7 =	vld.idx.msk [tilespmem:v62+s2+$0x0], $0xffff  }
0x706: {  	v1 =	vadd.f32 v3, v1;
	v3 =	vld [tilespmem:$0x1E7D0]  }
0x707: {  	v2 =	vld.idx.msk [tilespmem:v63+s2+$0x0], $0xffff  }
0x708: {  	v0 =	vadd.f32 v8, v0;
	v1 =	vadd.f32 v4, v1;
	v4 =	vld [tilespmem:$0x1E7F0]  }
0x709: {  	v8 =	vld [tilespmem:$0x1E7C0]  }
0x70a: {  	v0 =	vadd.f32 v5, v0;
	v5 =	vld [tilespmem:$0x1E7E0];
	_ =	sdelay $0x1  }
0x70b: {  	v1 =	vadd.f32 v2, v1;
	v2 =	vld [tilespmem:$0x1E810]  }
0x70c: {  	v0 =	vadd.f32 v6, v0;
	v6 =	vld [tilespmem:$0x1E800]  }
0x70d: {  	v3 =	vld.idx.msk [tilespmem:v3+s2+$0x0], $0xffff  }
0x70e: {  	v0 =	vadd.f32 v7, v0;
	v7 =	vld [tilespmem:$0x1E820]  }
0x70f: {  	v4 =	vld.idx.msk [tilespmem:v4+s2+$0x0], $0xffff  }
0x710: {  	v8 =	vld.idx.msk [tilespmem:v8+s2+$0x0], $0xffff  }
0x711: {  	v5 =	vld.idx.msk [tilespmem:v5+s2+$0x0], $0xffff  }
0x712: {  	v1 =	vadd.f32 v3, v1;
	v3 =	vld [tilespmem:$0x1E830]  }
0x713: {  	v2 =	vld.idx.msk [tilespmem:v2+s2+$0x0], $0xffff  }
0x714: {  	v1 =	vadd.f32 v4, v1;
	v4 =	vld [tilespmem:$0x1E850]  }
0x715: {  	v6 =	vld.idx.msk [tilespmem:v6+s2+$0x0], $0xffff  }
0x716: {  	v0 =	vadd.f32 v8, v0;
	v8 =	vld [tilespmem:$0x1E840];
	_ =	sdelay $0x1  }
0x717: {  	v1 =	vadd.f32 v2, v1;
	v2 =	vld [tilespmem:$0x1E870]  }
0x718: {  	v0 =	vadd.f32 v5, v0;
	v5 =	vld [tilespmem:$0x1E860]  }
0x719: {  	v3 =	vld.idx.msk [tilespmem:v3+s2+$0x0], $0xffff  }
0x71a: {  	v0 =	vadd.f32 v6, v0;
	v6 =	vld [tilespmem:$0x1E880]  }
0x71b: {  	v4 =	vld.idx.msk [tilespmem:v4+s2+$0x0], $0xffff  }
0x71c: {  	v7 =	vld.idx.msk [tilespmem:v7+s2+$0x0], $0xffff  }
0x71d: {  	v8 =	vld.idx.msk [tilespmem:v8+s2+$0x0], $0xffff  }
0x71e: {  	v1 =	vadd.f32 v3, v1;
	v3 =	vld [tilespmem:$0x1E890]  }
0x71f: {  	v2 =	vld.idx.msk [tilespmem:v2+s2+$0x0], $0xffff  }
0x720: {  	v1 =	vadd.f32 v4, v1;
	v4 =	vld [tilespmem:$0x1E8B0]  }
0x721: {  	v0 =	vadd.f32 v7, v0;
	v7 =	vld [tilespmem:$0x1E8A0]  }
0x722: {  	v5 =	vld.idx.msk [tilespmem:v5+s2+$0x0], $0xffff  }
0x723: {  	v6 =	vld.idx.msk [tilespmem:v6+s2+$0x0], $0xffff  }
0x724: {  	v1 =	vadd.f32 v2, v1;
	v2 =	vld [tilespmem:$0x1E8D0]  }
0x725: {  	v0 =	vadd.f32 v8, v0;
	v8 =	vld [tilespmem:$0x1E8C0]  }
0x726: {  	v3 =	vld.idx.msk [tilespmem:v3+s2+$0x0], $0xffff  }
0x727: {  	v0 =	vadd.f32 v5, v0;
	v5 =	vld [tilespmem:$0x1E8E0]  }
0x728: {  	v4 =	vld.idx.msk [tilespmem:v4+s2+$0x0], $0xffff  }
0x729: {  	v7 =	vld.idx.msk [tilespmem:v7+s2+$0x0], $0xffff  }
0x72a: {  	v0 =	vadd.f32 v6, v0;
	v6 =	vld [tilespmem:$0x1E900]  }
0x72b: {  	v1 =	vadd.f32 v3, v1;
	v3 =	vld [tilespmem:$0x1E8F0]  }
0x72c: {  	v2 =	vld.idx.msk [tilespmem:v2+s2+$0x0], $0xffff  }
0x72d: {  	v1 =	vadd.f32 v4, v1;
	v4 =	vld [tilespmem:$0x1E910]  }
0x72e: {  	v0 =	vadd.f32 v7, v0;
	v7 =	vld [tilespmem:$0x1E920]  }
0x72f: {  	v8 =	vld.idx.msk [tilespmem:v8+s2+$0x0], $0xffff  }
0x730: {  	v5 =	vld.idx.msk [tilespmem:v5+s2+$0x0], $0xffff  }
0x731: {  	v1 =	vadd.f32 v2, v1;
	v2 =	vld [tilespmem:$0x1E930]  }
0x732: {  	v6 =	vld.idx.msk [tilespmem:v6+s2+$0x0], $0xffff  }
0x733: {  	v3 =	vld.idx.msk [tilespmem:v3+s2+$0x0], $0xffff  }
0x734: {  	v0 =	vadd.f32 v8, v0;
	v8 =	vld [tilespmem:$0x1E940]  }
0x735: {  	v4 =	vld.idx.msk [tilespmem:v4+s2+$0x0], $0xffff  }
0x736: {  	v7 =	vld.idx.msk [tilespmem:v7+s2+$0x0], $0xffff  }
0x737: {  	v0 =	vadd.f32 v5, v0;
	v5 =	vld [tilespmem:$0x1E960]  }
0x738: {  	v1 =	vadd.f32 v3, v1;
	v3 =	vld [tilespmem:$0x1E950]  }
0x739: {  	v2 =	vld.idx.msk [tilespmem:v2+s2+$0x0], $0xffff  }
0x73a: {  	v1 =	vadd.f32 v4, v1;
	v4 =	vld [tilespmem:$0x1E970]  }
0x73b: {  	v0 =	vadd.f32 v6, v0;
	v6 =	vld [tilespmem:$0x1E980];
	_ =	sdelay $0x1  }
0x73c: {  	v0 =	vadd.f32 v7, v0;
	v7 =	vld [tilespmem:$0x1E9A0]  }
0x73d: {  	v1 =	vadd.f32 v2, v1;
	v2 =	vld [tilespmem:$0x1E990]  }
0x73e: {  	v8 =	vld.idx.msk [tilespmem:v8+s2+$0x0], $0xffff  }
0x73f: {  	v3 =	vld.idx.msk [tilespmem:v3+s2+$0x0], $0xffff  }
0x740: {  	v5 =	vld.idx.msk [tilespmem:v5+s2+$0x0], $0xffff  }
0x741: {  	v4 =	vld.idx.msk [tilespmem:v4+s2+$0x0], $0xffff  }
0x742: {  	v6 =	vld.idx.msk [tilespmem:v6+s2+$0x0], $0xffff  }
0x743: {  	v0 =	vadd.f32 v8, v0;
	v8 =	vld [tilespmem:$0x1E9C0]  }
0x744: {  	v1 =	vadd.f32 v3, v1;
	v3 =	vld [tilespmem:$0x1E9B0]  }
0x745: {  	v2 =	vld.idx.msk [tilespmem:v2+s2+$0x0], $0xffff  }
0x746: {  	v1 =	vadd.f32 v4, v1;
	v4 =	vld [tilespmem:$0x1E9D0]  }
0x747: {  	v7 =	vld.idx.msk [tilespmem:v7+s2+$0x0], $0xffff  }
0x748: {  	v0 =	vadd.f32 v5, v0;
	v5 =	vld [tilespmem:$0x1E9E0];
	_ =	sdelay $0x1  }
0x749: {  	v1 =	vadd.f32 v2, v1;
	v2 =	vld [tilespmem:$0x1E9F0]  }
0x74a: {  	v0 =	vadd.f32 v6, v0;
	v6 =	vld [tilespmem:$0x1EA00]  }
0x74b: {  	v3 =	vld.idx.msk [tilespmem:v3+s2+$0x0], $0xffff  }
0x74c: {  	v0 =	vadd.f32 v7, v0;
	v7 =	vld [tilespmem:$0x1EA20]  }
0x74d: {  	v4 =	vld.idx.msk [tilespmem:v4+s2+$0x0], $0xffff  }
0x74e: {  	v8 =	vld.idx.msk [tilespmem:v8+s2+$0x0], $0xffff  }
0x74f: {  	v5 =	vld.idx.msk [tilespmem:v5+s2+$0x0], $0xffff  }
0x750: {  	v1 =	vadd.f32 v3, v1;
	v3 =	vld [tilespmem:$0x1EA10]  }
0x751: {  	v2 =	vld.idx.msk [tilespmem:v2+s2+$0x0], $0xffff  }
0x752: {  	v1 =	vadd.f32 v4, v1;
	v4 =	vld [tilespmem:$0x1EA30]  }
0x753: {  	v6 =	vld.idx.msk [tilespmem:v6+s2+$0x0], $0xffff  }
0x754: {  	v0 =	vadd.f32 v8, v0;
	v8 =	vld [tilespmem:$0x1EA40]  }
0x755: {  	v7 =	vld.idx.msk [tilespmem:v7+s2+$0x0], $0xffff  }
0x756: {  	v1 =	vadd.f32 v2, v1;
	v2 =	vld [tilespmem:$0x1EA50]  }
0x757: {  	v0 =	vadd.f32 v5, v0;
	v5 =	vld [tilespmem:$0x1EA60]  }
0x758: {  	v3 =	vld.idx.msk [tilespmem:v3+s2+$0x0], $0xffff  }
0x759: {  	v0 =	vadd.f32 v6, v0;
	v6 =	vld [tilespmem:$0x1EA80]  }
0x75a: {  	v4 =	vld.idx.msk [tilespmem:v4+s2+$0x0], $0xffff  }
0x75b: {  	v0 =	vadd.f32 v7, v0;
	v7 =	vld [tilespmem:$0x1EAA0]  }
0x75c: {  	v8 =	vld.idx.msk [tilespmem:v8+s2+$0x0], $0xffff  }
0x75d: {  	v1 =	vadd.f32 v3, v1;
	v3 =	vld [tilespmem:$0x1EA70]  }
0x75e: {  	v2 =	vld.idx.msk [tilespmem:v2+s2+$0x0], $0xffff  }
0x75f: {  	v1 =	vadd.f32 v4, v1;
	v4 =	vld [tilespmem:$0x1EA90]  }
0x760: {  	v9 =	vld [tilespmem:s21+$0x10900]  }
0x761: {  	v5 =	vld.idx.msk [tilespmem:v5+s2+$0x0], $0xffff  }
0x762: {  	v6 =	vld.idx.msk [tilespmem:v6+s2+$0x0], $0xffff  }
0x763: {  	v1 =	vadd.f32 v2, v1;
	v2 =	vld [tilespmem:$0x1EAB0]  }
0x764: {  	v0 =	vadd.f32 v8, v0;
	v8 =	vld [tilespmem:$0x1EAC0]  }
0x765: {  	v3 =	vld.idx.msk [tilespmem:v3+s2+$0x0], $0xffff  }
0x766: {  	v7 =	vld.idx.msk [tilespmem:v7+s2+$0x0], $0xffff  }
0x767: {  	v0 =	vadd.f32 v5, v0;
	v4 =	vld.idx.msk [tilespmem:v4+s2+$0x0], $0xffff  }
0x768: {  	v5 =	vld [tilespmem:$0x1EAE0]  }
0x769: {  	v0 =	vadd.f32 v6, v0;
	v6 =	vld [tilespmem:$0x1EB00]  }
0x76a: {  	v1 =	vadd.f32 v3, v1;
	v3 =	vld [tilespmem:$0x1EAD0]  }
0x76b: {  	v2 =	vld.idx.msk [tilespmem:v2+s2+$0x0], $0xffff  }
0x76c: {  	v1 =	vadd.f32 v4, v1;
	v4 =	vld [tilespmem:$0x1EAF0]  }
0x76d: {  	v10 =	vld [tilespmem:$0x1EBE0]  }
0x76e: {  	v0 =	vadd.f32 v7, v0;
	v7 =	vld [tilespmem:$0x1EB20]  }
0x76f: {  	v8 =	vld.idx.msk [tilespmem:v8+s2+$0x0], $0xffff  }
0x770: {  	v1 =	vadd.f32 v2, v1;
	v2 =	vld [tilespmem:$0x1EB10]  }
0x771: {  	v5 =	vld.idx.msk [tilespmem:v5+s2+$0x0], $0xffff  }
0x772: {  	v3 =	vld.idx.msk [tilespmem:v3+s2+$0x0], $0xffff  }
0x773: {  	v6 =	vld.idx.msk [tilespmem:v6+s2+$0x0], $0xffff  }
0x774: {  	v4 =	vld.idx.msk [tilespmem:v4+s2+$0x0], $0xffff  }
0x775: {  	v0 =	vadd.f32 v8, v0;
	v8 =	vld [tilespmem:$0x1EB40]  }
0x776: {  	v7 =	vld.idx.msk [tilespmem:v7+s2+$0x0], $0xffff  }
0x777: {  	v1 =	vadd.f32 v3, v1;
	v3 =	vld [tilespmem:$0x1EB30]  }
0x778: {  	v2 =	vld.idx.msk [tilespmem:v2+s2+$0x0], $0xffff  }
0x779: {  	v0 =	vadd.f32 v5, v0;
	v1 =	vadd.f32 v4, v1;
	v4 =	vld [tilespmem:$0x1EB50]  }
0x77a: {  	v5 =	vld [tilespmem:$0x1EB60]  }
0x77b: {  	v0 =	vadd.f32 v6, v0;
	v6 =	vld [tilespmem:$0x1EB80]  }
0x77c: {  	v12 =	vld [tilespmem:$0x1E7B0]  }
0x77d: {  	v1 =	vadd.f32 v2, v1;
	v2 =	vld [tilespmem:$0x1EB70]  }
0x77e: {  	v0 =	vadd.f32 v7, v0;
	v7 =	vld [tilespmem:$0x1EBA0]  }
0x77f: {  	v3 =	vld.idx.msk [tilespmem:v3+s2+$0x0], $0xffff  }
0x780: {  	v8 =	vld.idx.msk [tilespmem:v8+s2+$0x0], $0xffff  }
0x781: {  	v4 =	vld.idx.msk [tilespmem:v4+s2+$0x0], $0xffff  }
0x782: {  	v5 =	vld.idx.msk [tilespmem:v5+s2+$0x0], $0xffff  }
0x783: {  	v6 =	vld.idx.msk [tilespmem:v6+s2+$0x0], $0xffff  }
0x784: {  	v1 =	vadd.f32 v3, v1;
	v3 =	vld [tilespmem:$0x1EB90]  }
0x785: {  	v2 =	vld.idx.msk [tilespmem:v2+s2+$0x0], $0xffff  }
0x786: {  	v0 =	vadd.f32 v8, v0;
	v1 =	vadd.f32 v4, v1;
	v4 =	vld [tilespmem:$0x1EBB0]  }
0x787: {  	v11 =	vld [tilespmem:s21+$0x17D00]  }
0x788: {  	v0 =	vadd.f32 v5, v0;
	v5 =	vld [tilespmem:s21+$0x10B00]  }
0x789: {  	v7 =	vld.idx.msk [tilespmem:v7+s2+$0x0], $0xffff  }
0x78a: {  	v0 =	vadd.f32 v6, v0;
	v6 =	vld [tilespmem:s21+$0x10C00]  }
0x78b: {  	v1 =	vadd.f32 v2, v1;
	v2 =	vld [tilespmem:s21+$0x10A00]  }
0x78c: {  	v3 =	vld.idx.msk [tilespmem:v3+s2+$0x0], $0xffff  }
0x78d: {  	v8 =	vld [tilespmem:s21+$0x10800]  }
0x78e: {  	v4 =	vld.idx.msk [tilespmem:v4+s2+$0x0], $0xffff  }
0x78f: {  	v0 =	vadd.f32 v7, v0;
	v7 =	vld [tilespmem:s21+$0x10E00]  }
0x790: {  	v5 =	vld.idx.msk [tilespmem:v5+s2+$0x0], $0xffff  }
0x791: {  	v1 =	vadd.f32 v3, v1;
	v3 =	vld [tilespmem:$0x1EBC0]  }
0x792: {  	v6 =	vld.idx.msk [tilespmem:v6+s2+$0x0], $0xffff  }
0x793: {  	v2 =	vld.idx.msk [tilespmem:v2+s2+$0x0], $0xffff;
	v1 =	vadd.f32 v4, v1  }
0x794: {  	v4 =	vld [tilespmem:s21+$0x10D00]  }
0x795: {  	v0 =	vadd.f32 v1, v0;
	v1 =	vld.idx.msk [tilespmem:v8+s2+$0x0], $0xffff  }
0x796: {  	v8 =	vld.idx.msk [tilespmem:v9+s2+$0x0], $0xffff  }
0x797: {  	v9 =	vld [tilespmem:s21+$0x11000]  }
0x798: {  	[tilespmem:s17+$0x18010] =	vst v0;
	v0 =	vld [tilespmem:$0x1EBD0]  }
0x799: {  	v3 =	vld.idx.msk [tilespmem:v3+s2+$0x0], $0xffff  }
0x79a: {  	v7 =	vld.idx.msk [tilespmem:v7+s2+$0x0], $0xffff  }
0x79b: {  	v1 =	vadd.f32 v1, v10;
	v10 =	vld [tilespmem:s21+$0x11100]  }
0x79c: {  	v4 =	vld.idx.msk [tilespmem:v4+s2+$0x0], $0xffff  }
0x79d: {  	v1 =	vadd.f32 v2, v1;
	v2 =	vld [tilespmem:s21+$0x11200]  }
0x79e: {  	v0 =	vadd.f32 v3, v0;
	v3 =	vld [tilespmem:s21+$0x10F00]  }
0x79f: {  	v1 =	vadd.f32 v6, v1;
	v6 =	vld [tilespmem:s21+$0x11400]  }
0x7a0: {  	v0 =	vadd.f32 v8, v0;
	v8 =	vld.idx.msk [tilespmem:v9+s2+$0x0], $0xffff  }
0x7a1: {  	v1 =	vadd.f32 v7, v1;
	v7 =	vld [tilespmem:s21+$0x11600]  }
0x7a2: {  	v0 =	vadd.f32 v5, v0;
	v5 =	vld [tilespmem:s21+$0x11300]  }
0x7a3: {  	v9 =	vld.idx.msk [tilespmem:v10+s2+$0x0], $0xffff  }
0x7a4: {  	v0 =	vadd.f32 v4, v0;
	v4 =	vld [tilespmem:s21+$0x11500]  }
0x7a5: {  	v2 =	vld.idx.msk [tilespmem:v2+s2+$0x0], $0xffff  }
0x7a6: {  	v1 =	vadd.f32 v8, v1;
	v8 =	vld [tilespmem:s21+$0x11800]  }
0x7a7: {  	v3 =	vld.idx.msk [tilespmem:v3+s2+$0x0], $0xffff  }
0x7a8: {  	v6 =	vld.idx.msk [tilespmem:v6+s2+$0x0], $0xffff  }
0x7a9: {  	v7 =	vld.idx.msk [tilespmem:v7+s2+$0x0], $0xffff  }
0x7aa: {  	v1 =	vadd.f32 v2, v1;
	v2 =	vld [tilespmem:s21+$0x11A00]  }
0x7ab: {  	v5 =	vld.idx.msk [tilespmem:v5+s2+$0x0], $0xffff  }
0x7ac: {  	v0 =	vadd.f32 v3, v0;
	v3 =	vld [tilespmem:s21+$0x11700]  }
0x7ad: {  	v1 =	vadd.f32 v6, v1;
	v6 =	vld [tilespmem:s21+$0x11C00]  }
0x7ae: {  	v4 =	vld.idx.msk [tilespmem:v4+s2+$0x0], $0xffff  }
0x7af: {  	v0 =	vadd.f32 v9, v0;
	v9 =	vld [tilespmem:s21+$0x11900]  }
0x7b0: {  	v8 =	vld.idx.msk [tilespmem:v8+s2+$0x0], $0xffff  }
0x7b1: {  	v1 =	vadd.f32 v7, v1;
	v7 =	vld [tilespmem:s21+$0x11E00];
	v0 =	vadd.f32 v5, v0  }
0x7b2: {  	v5 =	vld [tilespmem:s21+$0x11B00]  }
0x7b3: {  	v0 =	vadd.f32 v4, v0;
	v4 =	vld [tilespmem:s21+$0x11D00]  }
0x7b4: {  	v2 =	vld.idx.msk [tilespmem:v2+s2+$0x0], $0xffff  }
0x7b5: {  	v1 =	vadd.f32 v8, v1;
	v8 =	vld [tilespmem:s21+$0x12000]  }
0x7b6: {  	v3 =	vld.idx.msk [tilespmem:v3+s2+$0x0], $0xffff  }
0x7b7: {  	v6 =	vld.idx.msk [tilespmem:v6+s2+$0x0], $0xffff  }
0x7b8: {  	v9 =	vld.idx.msk [tilespmem:v9+s2+$0x0], $0xffff  }
0x7b9: {  	v7 =	vld.idx.msk [tilespmem:v7+s2+$0x0], $0xffff  }
0x7ba: {  	v1 =	vadd.f32 v2, v1;
	v2 =	vld [tilespmem:s21+$0x12200]  }
0x7bb: {  	v5 =	vld.idx.msk [tilespmem:v5+s2+$0x0], $0xffff  }
0x7bc: {  	v0 =	vadd.f32 v3, v0;
	v3 =	vld [tilespmem:s21+$0x11F00]  }
0x7bd: {  	v1 =	vadd.f32 v6, v1;
	v6 =	vld [tilespmem:s21+$0x12400]  }
0x7be: {  	v4 =	vld.idx.msk [tilespmem:v4+s2+$0x0], $0xffff  }
0x7bf: {  	v0 =	vadd.f32 v9, v0;
	v9 =	vld [tilespmem:s21+$0x12100]  }
0x7c0: {  	v8 =	vld.idx.msk [tilespmem:v8+s2+$0x0], $0xffff  }
0x7c1: {  	v1 =	vadd.f32 v7, v1;
	v7 =	vld [tilespmem:s21+$0x12600];
	v0 =	vadd.f32 v5, v0  }
0x7c2: {  	v5 =	vld [tilespmem:s21+$0x12300]  }
0x7c3: {  	v0 =	vadd.f32 v4, v0;
	v4 =	vld [tilespmem:s21+$0x12500]  }
0x7c4: {  	v2 =	vld.idx.msk [tilespmem:v2+s2+$0x0], $0xffff  }
0x7c5: {  	v1 =	vadd.f32 v8, v1;
	v8 =	vld [tilespmem:s21+$0x12800]  }
0x7c6: {  	v3 =	vld.idx.msk [tilespmem:v3+s2+$0x0], $0xffff  }
0x7c7: {  	v6 =	vld.idx.msk [tilespmem:v6+s2+$0x0], $0xffff  }
0x7c8: {  	v9 =	vld.idx.msk [tilespmem:v9+s2+$0x0], $0xffff  }
0x7c9: {  	v7 =	vld.idx.msk [tilespmem:v7+s2+$0x0], $0xffff  }
0x7ca: {  	v1 =	vadd.f32 v2, v1;
	v2 =	vld [tilespmem:s21+$0x12A00]  }
0x7cb: {  	v5 =	vld.idx.msk [tilespmem:v5+s2+$0x0], $0xffff  }
0x7cc: {  	v0 =	vadd.f32 v3, v0;
	v3 =	vld [tilespmem:s21+$0x12700]  }
0x7cd: {  	v1 =	vadd.f32 v6, v1;
	v6 =	vld [tilespmem:s21+$0x12C00]  }
0x7ce: {  	v4 =	vld.idx.msk [tilespmem:v4+s2+$0x0], $0xffff  }
0x7cf: {  	v0 =	vadd.f32 v9, v0;
	v9 =	vld [tilespmem:s21+$0x12900]  }
0x7d0: {  	v8 =	vld.idx.msk [tilespmem:v8+s2+$0x0], $0xffff  }
0x7d1: {  	v1 =	vadd.f32 v7, v1;
	v7 =	vld [tilespmem:s21+$0x12E00];
	v0 =	vadd.f32 v5, v0  }
0x7d2: {  	v5 =	vld [tilespmem:s21+$0x12B00]  }
0x7d3: {  	v0 =	vadd.f32 v4, v0;
	v4 =	vld [tilespmem:s21+$0x12D00]  }
0x7d4: {  	v2 =	vld.idx.msk [tilespmem:v2+s2+$0x0], $0xffff  }
0x7d5: {  	v1 =	vadd.f32 v8, v1;
	v8 =	vld [tilespmem:s21+$0x13000]  }
0x7d6: {  	v3 =	vld.idx.msk [tilespmem:v3+s2+$0x0], $0xffff  }
0x7d7: {  	v6 =	vld.idx.msk [tilespmem:v6+s2+$0x0], $0xffff  }
0x7d8: {  	v9 =	vld.idx.msk [tilespmem:v9+s2+$0x0], $0xffff  }
0x7d9: {  	v7 =	vld.idx.msk [tilespmem:v7+s2+$0x0], $0xffff  }
0x7da: {  	v1 =	vadd.f32 v2, v1;
	v2 =	vld [tilespmem:s21+$0x13200]  }
0x7db: {  	v5 =	vld.idx.msk [tilespmem:v5+s2+$0x0], $0xffff  }
0x7dc: {  	v0 =	vadd.f32 v3, v0;
	v3 =	vld [tilespmem:s21+$0x12F00]  }
0x7dd: {  	v1 =	vadd.f32 v6, v1;
	v6 =	vld [tilespmem:s21+$0x13400]  }
0x7de: {  	v4 =	vld.idx.msk [tilespmem:v4+s2+$0x0], $0xffff  }
0x7df: {  	v0 =	vadd.f32 v9, v0;
	v9 =	vld [tilespmem:s21+$0x13100]  }
0x7e0: {  	v8 =	vld.idx.msk [tilespmem:v8+s2+$0x0], $0xffff  }
0x7e1: {  	v1 =	vadd.f32 v7, v1;
	v7 =	vld [tilespmem:s21+$0x13600];
	v0 =	vadd.f32 v5, v0  }
0x7e2: {  	v5 =	vld [tilespmem:s21+$0x13300]  }
0x7e3: {  	v0 =	vadd.f32 v4, v0;
	v4 =	vld [tilespmem:s21+$0x13500]  }
0x7e4: {  	v2 =	vld.idx.msk [tilespmem:v2+s2+$0x0], $0xffff  }
0x7e5: {  	v1 =	vadd.f32 v8, v1;
	v8 =	vld [tilespmem:s21+$0x13800]  }
0x7e6: {  	v3 =	vld.idx.msk [tilespmem:v3+s2+$0x0], $0xffff  }
0x7e7: {  	v6 =	vld.idx.msk [tilespmem:v6+s2+$0x0], $0xffff  }
0x7e8: {  	v9 =	vld.idx.msk [tilespmem:v9+s2+$0x0], $0xffff  }
0x7e9: {  	v7 =	vld.idx.msk [tilespmem:v7+s2+$0x0], $0xffff  }
0x7ea: {  	v1 =	vadd.f32 v2, v1;
	v2 =	vld [tilespmem:s21+$0x13A00]  }
0x7eb: {  	v5 =	vld.idx.msk [tilespmem:v5+s2+$0x0], $0xffff  }
0x7ec: {  	v0 =	vadd.f32 v3, v0;
	v3 =	vld [tilespmem:s21+$0x13700]  }
0x7ed: {  	v1 =	vadd.f32 v6, v1;
	v6 =	vld [tilespmem:s21+$0x13C00]  }
0x7ee: {  	v4 =	vld.idx.msk [tilespmem:v4+s2+$0x0], $0xffff  }
0x7ef: {  	v0 =	vadd.f32 v9, v0;
	v9 =	vld [tilespmem:s21+$0x13900]  }
0x7f0: {  	v8 =	vld.idx.msk [tilespmem:v8+s2+$0x0], $0xffff  }
0x7f1: {  	v1 =	vadd.f32 v7, v1;
	v7 =	vld [tilespmem:s21+$0x13E00];
	v0 =	vadd.f32 v5, v0  }
0x7f2: {  	v5 =	vld [tilespmem:s21+$0x13B00]  }
0x7f3: {  	v0 =	vadd.f32 v4, v0;
	v4 =	vld [tilespmem:s21+$0x13D00]  }
0x7f4: {  	v2 =	vld.idx.msk [tilespmem:v2+s2+$0x0], $0xffff  }
0x7f5: {  	v1 =	vadd.f32 v8, v1;
	v8 =	vld [tilespmem:s21+$0x14000]  }
0x7f6: {  	v3 =	vld.idx.msk [tilespmem:v3+s2+$0x0], $0xffff  }
0x7f7: {  	v6 =	vld.idx.msk [tilespmem:v6+s2+$0x0], $0xffff  }
0x7f8: {  	v9 =	vld.idx.msk [tilespmem:v9+s2+$0x0], $0xffff  }
0x7f9: {  	v7 =	vld.idx.msk [tilespmem:v7+s2+$0x0], $0xffff  }
0x7fa: {  	v1 =	vadd.f32 v2, v1;
	v2 =	vld [tilespmem:s21+$0x14200]  }
0x7fb: {  	v5 =	vld.idx.msk [tilespmem:v5+s2+$0x0], $0xffff  }
0x7fc: {  	v0 =	vadd.f32 v3, v0;
	v3 =	vld [tilespmem:s21+$0x13F00]  }
0x7fd: {  	v1 =	vadd.f32 v6, v1;
	v6 =	vld [tilespmem:s21+$0x14400]  }
0x7fe: {  	v4 =	vld.idx.msk [tilespmem:v4+s2+$0x0], $0xffff  }
0x7ff: {  	v0 =	vadd.f32 v9, v0;
	v9 =	vld [tilespmem:s21+$0x14100]  }
0x800: {  	v8 =	vld.idx.msk [tilespmem:v8+s2+$0x0], $0xffff  }
0x801: {  	v1 =	vadd.f32 v7, v1;
	v7 =	vld [tilespmem:s21+$0x14600];
	v0 =	vadd.f32 v5, v0  }
0x802: {  	v5 =	vld [tilespmem:s21+$0x14300]  }
0x803: {  	v0 =	vadd.f32 v4, v0;
	v4 =	vld [tilespmem:s21+$0x14500]  }
0x804: {  	v2 =	vld.idx.msk [tilespmem:v2+s2+$0x0], $0xffff  }
0x805: {  	v1 =	vadd.f32 v8, v1;
	v8 =	vld [tilespmem:s21+$0x14800]  }
0x806: {  	v3 =	vld.idx.msk [tilespmem:v3+s2+$0x0], $0xffff  }
0x807: {  	v6 =	vld.idx.msk [tilespmem:v6+s2+$0x0], $0xffff  }
0x808: {  	v9 =	vld.idx.msk [tilespmem:v9+s2+$0x0], $0xffff  }
0x809: {  	v7 =	vld.idx.msk [tilespmem:v7+s2+$0x0], $0xffff  }
0x80a: {  	v1 =	vadd.f32 v2, v1;
	v2 =	vld [tilespmem:s21+$0x14A00]  }
0x80b: {  	v5 =	vld.idx.msk [tilespmem:v5+s2+$0x0], $0xffff  }
0x80c: {  	v0 =	vadd.f32 v3, v0;
	v3 =	vld [tilespmem:s21+$0x14700]  }
0x80d: {  	v1 =	vadd.f32 v6, v1;
	v6 =	vld [tilespmem:s21+$0x14C00]  }
0x80e: {  	v4 =	vld.idx.msk [tilespmem:v4+s2+$0x0], $0xffff  }
0x80f: {  	v0 =	vadd.f32 v9, v0;
	v9 =	vld [tilespmem:s21+$0x14900]  }
0x810: {  	v8 =	vld.idx.msk [tilespmem:v8+s2+$0x0], $0xffff  }
0x811: {  	v1 =	vadd.f32 v7, v1;
	v7 =	vld [tilespmem:s21+$0x14E00];
	v0 =	vadd.f32 v5, v0  }
0x812: {  	v5 =	vld [tilespmem:s21+$0x14B00]  }
0x813: {  	v0 =	vadd.f32 v4, v0;
	v4 =	vld [tilespmem:s21+$0x14D00]  }
0x814: {  	v2 =	vld.idx.msk [tilespmem:v2+s2+$0x0], $0xffff  }
0x815: {  	v1 =	vadd.f32 v8, v1;
	v8 =	vld [tilespmem:s21+$0x15000]  }
0x816: {  	v3 =	vld.idx.msk [tilespmem:v3+s2+$0x0], $0xffff  }
0x817: {  	v6 =	vld.idx.msk [tilespmem:v6+s2+$0x0], $0xffff  }
0x818: {  	v9 =	vld.idx.msk [tilespmem:v9+s2+$0x0], $0xffff  }
0x819: {  	v7 =	vld.idx.msk [tilespmem:v7+s2+$0x0], $0xffff  }
0x81a: {  	v1 =	vadd.f32 v2, v1;
	v2 =	vld [tilespmem:s21+$0x15200]  }
0x81b: {  	v5 =	vld.idx.msk [tilespmem:v5+s2+$0x0], $0xffff  }
0x81c: {  	v0 =	vadd.f32 v3, v0;
	v3 =	vld [tilespmem:s21+$0x14F00]  }
0x81d: {  	v1 =	vadd.f32 v6, v1;
	v6 =	vld [tilespmem:s21+$0x15400]  }
0x81e: {  	v4 =	vld.idx.msk [tilespmem:v4+s2+$0x0], $0xffff  }
0x81f: {  	v0 =	vadd.f32 v9, v0;
	v9 =	vld [tilespmem:s21+$0x15100]  }
0x820: {  	v8 =	vld.idx.msk [tilespmem:v8+s2+$0x0], $0xffff  }
0x821: {  	v1 =	vadd.f32 v7, v1;
	v7 =	vld [tilespmem:s21+$0x15600];
	v0 =	vadd.f32 v5, v0  }
0x822: {  	v5 =	vld [tilespmem:s21+$0x15300]  }
0x823: {  	v0 =	vadd.f32 v4, v0;
	v4 =	vld [tilespmem:s21+$0x15500]  }
0x824: {  	v2 =	vld.idx.msk [tilespmem:v2+s2+$0x0], $0xffff  }
0x825: {  	v1 =	vadd.f32 v8, v1;
	v8 =	vld [tilespmem:s21+$0x15800]  }
0x826: {  	v3 =	vld.idx.msk [tilespmem:v3+s2+$0x0], $0xffff  }
0x827: {  	v6 =	vld.idx.msk [tilespmem:v6+s2+$0x0], $0xffff  }
0x828: {  	v9 =	vld.idx.msk [tilespmem:v9+s2+$0x0], $0xffff  }
0x829: {  	v7 =	vld.idx.msk [tilespmem:v7+s2+$0x0], $0xffff  }
0x82a: {  	v1 =	vadd.f32 v2, v1;
	v2 =	vld [tilespmem:s21+$0x15A00]  }
0x82b: {  	v5 =	vld.idx.msk [tilespmem:v5+s2+$0x0], $0xffff  }
0x82c: {  	v0 =	vadd.f32 v3, v0;
	v3 =	vld [tilespmem:s21+$0x15700]  }
0x82d: {  	v1 =	vadd.f32 v6, v1;
	v6 =	vld [tilespmem:s21+$0x15C00]  }
0x82e: {  	v4 =	vld.idx.msk [tilespmem:v4+s2+$0x0], $0xffff  }
0x82f: {  	v0 =	vadd.f32 v9, v0;
	v9 =	vld [tilespmem:s21+$0x15900]  }
0x830: {  	v8 =	vld.idx.msk [tilespmem:v8+s2+$0x0], $0xffff  }
0x831: {  	v1 =	vadd.f32 v7, v1;
	v7 =	vld [tilespmem:s21+$0x15E00];
	v0 =	vadd.f32 v5, v0  }
0x832: {  	v5 =	vld [tilespmem:s21+$0x15B00]  }
0x833: {  	v0 =	vadd.f32 v4, v0;
	v4 =	vld [tilespmem:s21+$0x15D00]  }
0x834: {  	v2 =	vld.idx.msk [tilespmem:v2+s2+$0x0], $0xffff  }
0x835: {  	v1 =	vadd.f32 v8, v1;
	v8 =	vld [tilespmem:s21+$0x16000]  }
0x836: {  	v3 =	vld.idx.msk [tilespmem:v3+s2+$0x0], $0xffff  }
0x837: {  	v6 =	vld.idx.msk [tilespmem:v6+s2+$0x0], $0xffff  }
0x838: {  	v9 =	vld.idx.msk [tilespmem:v9+s2+$0x0], $0xffff  }
0x839: {  	v7 =	vld.idx.msk [tilespmem:v7+s2+$0x0], $0xffff  }
0x83a: {  	v1 =	vadd.f32 v2, v1;
	v2 =	vld [tilespmem:s21+$0x16200]  }
0x83b: {  	v5 =	vld.idx.msk [tilespmem:v5+s2+$0x0], $0xffff  }
0x83c: {  	v0 =	vadd.f32 v3, v0;
	v3 =	vld [tilespmem:s21+$0x15F00]  }
0x83d: {  	v1 =	vadd.f32 v6, v1;
	v6 =	vld [tilespmem:s21+$0x16400]  }
0x83e: {  	v4 =	vld.idx.msk [tilespmem:v4+s2+$0x0], $0xffff  }
0x83f: {  	v0 =	vadd.f32 v9, v0;
	v9 =	vld [tilespmem:s21+$0x16100]  }
0x840: {  	v8 =	vld.idx.msk [tilespmem:v8+s2+$0x0], $0xffff  }
0x841: {  	v1 =	vadd.f32 v7, v1;
	v7 =	vld [tilespmem:s21+$0x16600];
	v0 =	vadd.f32 v5, v0  }
0x842: {  	v5 =	vld [tilespmem:s21+$0x16300]  }
0x843: {  	v0 =	vadd.f32 v4, v0;
	v4 =	vld [tilespmem:s21+$0x16500]  }
0x844: {  	v2 =	vld.idx.msk [tilespmem:v2+s2+$0x0], $0xffff  }
0x845: {  	v1 =	vadd.f32 v8, v1;
	v8 =	vld [tilespmem:s21+$0x16800]  }
0x846: {  	v3 =	vld.idx.msk [tilespmem:v3+s2+$0x0], $0xffff  }
0x847: {  	v6 =	vld.idx.msk [tilespmem:v6+s2+$0x0], $0xffff  }
0x848: {  	v9 =	vld.idx.msk [tilespmem:v9+s2+$0x0], $0xffff  }
0x849: {  	v7 =	vld.idx.msk [tilespmem:v7+s2+$0x0], $0xffff  }
0x84a: {  	v1 =	vadd.f32 v2, v1;
	v2 =	vld [tilespmem:s21+$0x16A00]  }
0x84b: {  	v5 =	vld.idx.msk [tilespmem:v5+s2+$0x0], $0xffff  }
0x84c: {  	v0 =	vadd.f32 v3, v0;
	v3 =	vld [tilespmem:s21+$0x16700]  }
0x84d: {  	v1 =	vadd.f32 v6, v1;
	v6 =	vld [tilespmem:s21+$0x16C00]  }
0x84e: {  	v4 =	vld.idx.msk [tilespmem:v4+s2+$0x0], $0xffff  }
0x84f: {  	v0 =	vadd.f32 v9, v0;
	v9 =	vld [tilespmem:s21+$0x16900]  }
0x850: {  	v8 =	vld.idx.msk [tilespmem:v8+s2+$0x0], $0xffff  }
0x851: {  	v1 =	vadd.f32 v7, v1;
	v7 =	vld [tilespmem:s21+$0x16E00];
	v0 =	vadd.f32 v5, v0  }
0x852: {  	v5 =	vld [tilespmem:s21+$0x16B00]  }
0x853: {  	v0 =	vadd.f32 v4, v0;
	v4 =	vld [tilespmem:s21+$0x16D00]  }
0x854: {  	v2 =	vld.idx.msk [tilespmem:v2+s2+$0x0], $0xffff  }
0x855: {  	v1 =	vadd.f32 v8, v1;
	v8 =	vld [tilespmem:s21+$0x17000]  }
0x856: {  	v3 =	vld.idx.msk [tilespmem:v3+s2+$0x0], $0xffff  }
0x857: {  	v6 =	vld.idx.msk [tilespmem:v6+s2+$0x0], $0xffff  }
0x858: {  	v9 =	vld.idx.msk [tilespmem:v9+s2+$0x0], $0xffff  }
0x859: {  	v7 =	vld.idx.msk [tilespmem:v7+s2+$0x0], $0xffff  }
0x85a: {  	v1 =	vadd.f32 v2, v1;
	v2 =	vld [tilespmem:s21+$0x17200]  }
0x85b: {  	v5 =	vld.idx.msk [tilespmem:v5+s2+$0x0], $0xffff  }
0x85c: {  	v0 =	vadd.f32 v3, v0;
	v3 =	vld [tilespmem:s21+$0x16F00]  }
0x85d: {  	v1 =	vadd.f32 v6, v1;
	v6 =	vld [tilespmem:s21+$0x17400]  }
0x85e: {  	v4 =	vld.idx.msk [tilespmem:v4+s2+$0x0], $0xffff  }
0x85f: {  	v0 =	vadd.f32 v9, v0;
	v9 =	vld [tilespmem:s21+$0x17100]  }
0x860: {  	v8 =	vld.idx.msk [tilespmem:v8+s2+$0x0], $0xffff  }
0x861: {  	v0 =	vadd.f32 v5, v0;
	v5 =	vld [tilespmem:s21+$0x17300]  }
0x862: {  	v1 =	vadd.f32 v7, v1;
	v7 =	vld [tilespmem:s21+$0x17600]  }
0x863: {  	v0 =	vadd.f32 v4, v0;
	v4 =	vld [tilespmem:s21+$0x17500]  }
0x864: {  	v2 =	vld.idx.msk [tilespmem:v2+s2+$0x0], $0xffff  }
0x865: {  	v3 =	vld.idx.msk [tilespmem:v3+s2+$0x0], $0xffff  }
0x866: {  	v1 =	vadd.f32 v8, v1;
	v8 =	vld [tilespmem:s21+$0x17800]  }
0x867: {  	v9 =	vld.idx.msk [tilespmem:v9+s2+$0x0], $0xffff  }
0x868: {  	v6 =	vld.idx.msk [tilespmem:v6+s2+$0x0], $0xffff  }
0x869: {  	v5 =	vld.idx.msk [tilespmem:v5+s2+$0x0], $0xffff  }
0x86a: {  	v1 =	vadd.f32 v2, v1;
	v2 =	vld [tilespmem:s21+$0x17A00];
	v0 =	vadd.f32 v3, v0  }
0x86b: {  	v3 =	vld [tilespmem:s21+$0x17700]  }
0x86c: {  	v4 =	vld.idx.msk [tilespmem:v4+s2+$0x0], $0xffff;
	v0 =	vadd.f32 v9, v0  }
0x86d: {  	v9 =	vld [tilespmem:s21+$0x17900]  }
0x86e: {  	v0 =	vadd.f32 v5, v0;
	v5 =	vld [tilespmem:s21+$0x17B00]  }
0x86f: {  	v7 =	vld.idx.msk [tilespmem:v7+s2+$0x0], $0xffff  }
0x870: {  	v10 =	vld [tilespmem:s21+$0x17C00]  }
0x871: {  	v1 =	vadd.f32 v6, v1;
	v6 =	vld.idx.msk [tilespmem:v8+s2+$0x0], $0xffff  }
0x872: {  	v4 =	vadd.f32 v4, v0;
	v0 =	vld [tilespmem:s21+$0x17E00]  }
0x873: {  	v3 =	vld.idx.msk [tilespmem:v3+s2+$0x0], $0xffff  }
0x874: {  	s19 =	sadd.s32 $0x2, s19;
	v7 =	vadd.f32 v7, v1;
	v1 =	vld.idx.msk [tilespmem:v2+s2+$0x0], $0xffff  }
0x875: {  	p0 =	slt.u32 s19, $0xE;
	v8 =	vld.idx.msk [tilespmem:v9+s2+$0x0], $0xffff  }
.Ltmp0:
0x876: {  	v2 =	vld.idx.msk [tilespmem:v5+s2+$0x0], $0xffff;
	(pc) =	sbr.rel @p0 .LBB2_2-.Ltmp0, $4  }
0x877: {  	v5 =	vld.idx.msk [tilespmem:v11+s2+$0x0], $0xffff  }
0x878: {  	v11 =	vld [tilespmem:$0x1EBF0];
	v9 =	vadd.f32 v3, v4  }
0x879: {  	v3 =	vld [tilespmem:s21+$0x17F00]  }
0x87a: {  	s20 =	sadd.s32 $0x80, s20;
	v6 =	vadd.f32 v6, v7;
	v4 =	vld.idx.msk [tilespmem:v10+s2+$0x0], $0xffff;
	v7 =	vadd.f32 v8, v9  }
0x87b: {  	v8 =	vld [tilespmem:$0x1F0E0];
	_ =	sdelay $0x5  }
0x87c: {  	v0 =	vld.idx.msk [tilespmem:v0+s2+$0x0], $0xffff  }
0x87d: {  	v3 =	vld.idx.msk [tilespmem:v3+s2+$0x0], $0xffff  }
0x87e: {  	v1 =	vadd.f32 v1, v6;
	v2 =	vadd.f32 v2, v7;
	v8 =	vld.idx.msk [tilespmem:v8+s2+$0x0], $0xffff;
	_ =	sdelay $0x1  }
0x87f: {  	v2 =	vadd.f32 v5, v2;
	v1 =	vadd.f32 v4, v1;
	_ =	sdelay $0x1  }
0x880: {  	v0 =	vadd.f32 v0, v1;
	v62 =	vadd.f32 v3, v2  }
0x881: {  	v61 =	vadd.f32 v8, v12  }
0x882: {  	v0 =	vadd.f32 v62, v0  }
0x883: {  	s15 =	sadd.s32 $0x1, s15;
	v63 =	vadd.f32 v61, v11  }
0x884: {  	p0 =	sne.s32 s15, s6;
	[tilespmem:s17+$0x18000] =	vst v0  }
.Ltmp1:
0x885: {  	[tilespmem:s16+$0x18000] =	vst v63;
	(pc) =	sbr.rel @p0 .LBB2_1-.Ltmp1, $4  }
0x886: {  	[hbm4b:s5+s7] =	stream.strided.scatter [tilespmem:s13], [sflag:$0x3], $0x100, s8, s7, $0x38;
	[tilespmem:$0x18100] =	vst v63  }
0x887: {  	_ =	swait.ge [sflag:s14], $0x100  }
0x888: {  	[sflag:s14] =	ssyncset.done $0x0  }
0x889: {  	[sflag:s14] =	ssyncadd.s32 $0xFFFFFF00  }
0x88a: {  	_ =	sfence.sel $0x180000  }
0x88b: {  	[bflag:$0x0] =	sbarrier.arrive $0xFFFF  }
0x88c: {  	p0 =	sne.s32 s1, $0x0;
	_ =	strace $0x90000047  }
0x88d: {  	s0 =	sadd.s32 @!p0 $0x100000, s0;
	[bflag:$0x2] =	sbarrier.arrive $0xFFFF  }
0x88e: {  	[sflag:s0] =	ssyncadd.tile.s32 @!p0 $0x1;
	_ =	shalt  }
.Lfunc_end2:
_tile_overlayer_lowered:
.L_overlay_start_2:
0x88f: {  	(tag) =	ssettag $0x2  }
0x890: {  	s0 =	rddreg [dreg:$0x0];
	s2 =	stileid.u32  }
0x891: {  	s1 =	rddreg [dreg:$0x1];
	p0 =	sne.s32 s2, $0x0  }
0x892: {  	s3 =	rddreg [dreg:$0x2];
	[bflag:$0x3] =	sbarrier.arrive $0xFFFF;
	s2 =	simm.s32 @!p0 $0x1C03  }
0x893: {  	[timem:s3], [sflag:s2] =	dma.local @!p0 [hbm:s0], s1  }
0x894: {  	s0 =	simm.s32 @!p0 $0x3  }
0x895: {  	_ =	swait.ge @!p0 [sflag:s0], s1  }
0x896: {  	s1 =	ssub.s32 @!p0 $0x0, s1;
	[sflag:s0] =	ssyncset.done @!p0 $0x0  }
0x897: {  	[sflag:s0] =	ssyncadd.s32 @!p0 s1  }
0x898: {  	[bflag:$0x3] =	sbarrier.arrive $0xFFFF  }
0x899: {  	_ =	shalt  }

</sc_bundles>
